<compile_context>
chip_gen: v7x
topology: tpu7x:2x2x1
jax: 0.10.2.dev20260603
libtpu: 0.0.44.dev20260713+nightly
codegen_flags: <defaults>
</compile_context>

<pallas_src>
import dataclasses
import functools

import jax
import jax.numpy as jnp
from jax import lax
from jax.experimental import pallas as pl
from jax.experimental.pallas import tpu as pltpu
from jax.experimental.pallas import tpu_sc as plsc

_N = 10000
_E = 320000
_F = 128
_H = 128
_C = 16

_D1 = 64
_D2 = 32

_NCORES = 2
_NSUB = 16
_B = 80
_NCH = _N // _B
_DT = 2000


def _dense1(features, w1, att_s, att_d):

  def body(x_ref, w_ref, s_ref, d_ref, tab_ref, as_ref, ad_ref, m_ref):
    xw = jnp.dot(x_ref[...], w_ref[...], preferred_element_type=jnp.float32)
    hh = _H // 2
    tab_ref[0, :, :] = xw[:, :hh]
    tab_ref[1, :, :] = xw[:, hh:]
    a_s = jnp.sum(xw * s_ref[...], axis=1)
    a_d = jnp.sum(xw * d_ref[...], axis=1)
    as_ref[...] = a_s[None, :]
    ad_ref[...] = a_d[None, :]
    m_ref[...] = jnp.concatenate(
        [jnp.max(a_s)[None, None], jnp.max(a_d)[None, None]], axis=1)

  return pl.pallas_call(
      body,
      out_shape=[
          jax.ShapeDtypeStruct((_NCORES, _N, _D1), jnp.float32),
          jax.ShapeDtypeStruct((1, _N), jnp.float32),
          jax.ShapeDtypeStruct((1, _N), jnp.float32),
          jax.ShapeDtypeStruct((1, 2), jnp.float32),
      ],
  )(features, w1, att_s, att_d)


def _mid(partial1, partial1_d, b1, w2, att_s, att_d):

  def body(p_ref, pd_ref, b_ref, w_ref, s_ref, d_ref,
           tab_ref, as_ref, ad_ref, m_ref):
    num = jnp.concatenate([p_ref[0], p_ref[1]], axis=1)
    den = pd_ref[0, :, 0:1] + 1e-16
    h = jax.nn.relu(num / den + b_ref[...])
    xw = jnp.dot(h, w_ref[...], preferred_element_type=jnp.float32)
    ones_col = (lax.broadcasted_iota(jnp.int32, (_N, _D2 - _C), 1) == 0)
    ones_col = ones_col.astype(jnp.float32)
    tab_ref[:, :_C] = xw
    tab_ref[:, _C:] = ones_col
    a_s = jnp.sum(xw * s_ref[...], axis=1)
    a_d = jnp.sum(xw * d_ref[...], axis=1)
    as_ref[...] = a_s[None, :]
    ad_ref[...] = a_d[None, :]
    m_ref[...] = jnp.concatenate(
        [jnp.max(a_s)[None, None], jnp.max(a_d)[None, None]], axis=1)

  return pl.pallas_call(
      body,
      out_shape=[
          jax.ShapeDtypeStruct((_N, _D2), jnp.float32),
          jax.ShapeDtypeStruct((1, _N), jnp.float32),
          jax.ShapeDtypeStruct((1, _N), jnp.float32),
          jax.ShapeDtypeStruct((1, 2), jnp.float32),
      ],
  )(partial1, partial1_d, b1, w2, att_s, att_d)


def _final(partial2, b2):

  def body(p_ref, b_ref, o_ref):
    p = p_ref[0] + p_ref[1]
    num = p[:, :_C]
    den = p[:, _C:_C + 1] + 1e-16
    o = num / den + b_ref[...]
    mx = jnp.max(o, axis=1, keepdims=True)
    shifted = o - mx
    lse = jnp.log(jnp.sum(jnp.exp(shifted), axis=1, keepdims=True))
    o_ref[...] = shifted - lse

  return pl.pallas_call(
      body,
      out_shape=jax.ShapeDtypeStruct((_N, _C), jnp.float32),
  )(partial2, b2)


def _sc_layer(tabs, src, dst, a_s, a_d, m16, d, nbuf, edge_split=False,
              denom=False):
  nd = d // 16
  ch_e = _E // (_NCORES * _NSUB) if edge_split else _E // _NSUB
  nb = ch_e // _B
  seg = ch_e // _DT
  assert nb % nbuf == 0 and ch_e % _DT == 0 and _DT % _B == 0
  mesh = plsc.VectorSubcoreMesh(core_axis_name="c", subcore_axis_name="s")
  cp = pltpu.CompilerParams()
  if "needs_layout_passes" in pltpu.CompilerParams.__dataclass_fields__:
    cp = dataclasses.replace(cp, needs_layout_passes=False)
  if "use_tc_tiling_on_sc" in pltpu.CompilerParams.__dataclass_fields__:
    cp = dataclasses.replace(cp, use_tc_tiling_on_sc=False)

  ndb = nbuf if denom else 0
  if denom:
    outs = [jax.ShapeDtypeStruct((_NCORES, _N, d), jnp.float32),
            jax.ShapeDtypeStruct((_NCORES, _N, 16), jnp.float32)]
  else:
    outs = jax.ShapeDtypeStruct((_NCORES, _N, d), jnp.float32)

  @functools.partial(
      pl.kernel,
      mesh=mesh,
      compiler_params=cp,
      out_type=outs,
      scratch_types=[
          pltpu.VMEM((_N,), jnp.float32),
          pltpu.VMEM((_N,), jnp.float32),
          pltpu.VMEM((16,), jnp.float32),
          pltpu.VMEM((ch_e,), jnp.int32),
          pltpu.VMEM((nb, _B), jnp.int32),
          pltpu.VMEM((_DT,), jnp.int32),
          pltpu.VMEM((_B,), jnp.float32),
      ] + [pltpu.VMEM((_B, d), jnp.float32) for _ in range(nbuf)]
      + [pltpu.VMEM((_B, 16), jnp.float32) for _ in range(ndb)]
      + [pltpu.VMEM_SHARED((_N, d), jnp.float32)]
      + ([pltpu.VMEM_SHARED((_N, 16), jnp.float32)] if denom else [])
      + [pltpu.SemaphoreType.DMA for _ in range(2 * nbuf + ndb)],
  )
  def k(tab_hbm, src_hbm, dst_hbm, as_hbm, ad_hbm, m_hbm, *rest):
    pos = 2 if denom else 1
    out_hbm = rest[0]
    outd_hbm = rest[1] if denom else None
    as_v, ad_v, m_v, si_v, dr_v, dt_v, w_v = rest[pos:pos + 7]
    pos += 7
    bufs = rest[pos:pos + nbuf]
    pos += nbuf
    dbufs = rest[pos:pos + ndb]
    pos += ndb
    acc_sh = rest[pos]
    pos += 1
    if denom:
      accd_sh = rest[pos]
      pos += 1
    gsems = rest[pos:pos + nbuf]
    ssems = rest[pos + nbuf:pos + 2 * nbuf]
    dsems = rest[pos + 2 * nbuf:]
    rows_a = bufs[0]
    c = lax.axis_index("c")
    s = lax.axis_index("s")

    if edge_split:
      ebase = c * (_E // _NCORES) + s * ch_e
    else:
      ebase = s * ch_e
    setup_cps = [
        pltpu.async_copy(as_hbm, as_v, gsems[0]),
        pltpu.async_copy(ad_hbm, ad_v, gsems[1]),
        pltpu.async_copy(m_hbm, m_v, ssems[0]),
        pltpu.async_copy(src_hbm.at[pl.ds(ebase, ch_e)], si_v, ssems[1]),
    ]

    for sg in range(seg):
      pltpu.sync_copy(dst_hbm.at[pl.ds(ebase + sg * _DT, _DT)], dt_v)

      @pl.loop(0, _DT // _B)
      def _(b):
        for jj in range(_B // 16):
          dr_v[sg * (_DT // _B) + b, pl.ds(jj * 16, 16)] = (
              dt_v[pl.ds(b * _B + jj * 16, 16)])

    @pl.loop(0, _B)
    def _(r):
      for ch in range(nd):
        rows_a[r, pl.ds(ch * 16, 16)] = jnp.zeros((16,), jnp.float32)
      if denom:
        dbufs[0][r, pl.ds(0, 16)] = jnp.zeros((16,), jnp.float32)

    nz = (_NCH + _NSUB - 1) // _NSUB

    @pl.loop(0, nz)
    def _(t):
      idx = t * _NSUB + s

      @pl.when(idx < _NCH)
      def _():
        pltpu.async_copy(rows_a, acc_sh.at[pl.ds(idx * _B, _B)], gsems[0])
        if denom:
          pltpu.async_copy(dbufs[0], accd_sh.at[pl.ds(idx * _B, _B)],
                           gsems[1])

    for cp in setup_cps:
      cp.wait()

    @pl.loop(0, nz)
    def _(t):
      idx = t * _NSUB + s

      @pl.when(idx < _NCH)
      def _():
        pltpu.make_async_copy(rows_a, acc_sh.at[pl.ds(0, _B)],
                              gsems[0]).wait()
        if denom:
          pltpu.make_async_copy(dbufs[0], accd_sh.at[pl.ds(0, _B)],
                                gsems[1]).wait()

    plsc.subcore_barrier()

    mvec = m_v[...]

    def compute_w(blk):
      @plsc.parallel_loop(0, _B, 16, unroll=_B // 16)
      def _(j):
        sidx = si_v[pl.ds(blk * _B + j, 16)]
        didx = dr_v[blk, pl.ds(j, 16)]
        e = plsc.load_gather(as_v, [sidx]) + plsc.load_gather(ad_v, [didx])
        e = jnp.maximum(e, 0.2 * e)
        w_v[pl.ds(j, 16)] = jnp.exp(e - mvec)

    zc = jnp.zeros((16,), jnp.int32)
    if denom:
      lane = lax.iota(jnp.int32, 16)
      e0 = jnp.where(lane == 0, jnp.float32(1), jnp.float32(0))

    def scale(rows_v, db_v):
      @plsc.parallel_loop(0, _B, unroll=8)
      def _(i):
        ws = plsc.load_gather(w_v, [zc + i])
        for ch in range(nd):
          sl = pl.ds(ch * 16, 16)
          rows_v[i, sl] = rows_v[i, sl] * ws
        if denom:
          db_v[i, pl.ds(0, 16)] = ws * e0

    @pl.loop(0, nb, step=nbuf)
    def _(blk):
      @pl.when(blk > 0)
      def _():
        for q in range(nbuf):
          pltpu.make_async_copy(bufs[q], acc_sh.at[dr_v.at[0]],
                                ssems[q]).wait()
          if denom:
            pltpu.make_async_copy(dbufs[q], accd_sh.at[dr_v.at[0]],
                                  dsems[q]).wait()

      my_tab = tab_hbm if edge_split else tab_hbm.at[c]
      gs = []
      for q in range(nbuf):
        gs.append(pltpu.async_copy(
            my_tab.at[si_v.at[pl.ds((blk + q) * _B, _B)]],
            bufs[q], gsems[q]))

      for q in range(nbuf):
        compute_w(blk + q)
        gs[q].wait()
        scale(bufs[q], dbufs[q] if denom else None)
        pltpu.async_copy(bufs[q], acc_sh.at[dr_v.at[blk + q]],
                         ssems[q], add=True)
        if denom:
          pltpu.async_copy(dbufs[q], accd_sh.at[dr_v.at[blk + q]],
                           dsems[q], add=True)

    for q in range(nbuf):
      pltpu.make_async_copy(bufs[q], acc_sh.at[dr_v.at[0]], ssems[q]).wait()
      if denom:
        pltpu.make_async_copy(dbufs[q], accd_sh.at[dr_v.at[0]],
                              dsems[q]).wait()

    plsc.subcore_barrier()

    @pl.loop(0, nz)
    def _(t):
      idx = t * _NSUB + s

      @pl.when(idx < _NCH)
      def _():
        r0 = idx * _B
        pltpu.async_copy(acc_sh.at[pl.ds(r0, _B)], out_hbm.at[c, pl.ds(r0, _B)],
                         gsems[0])
        if denom:
          pltpu.async_copy(accd_sh.at[pl.ds(r0, _B)],
                           outd_hbm.at[c, pl.ds(r0, _B)], gsems[1])

    @pl.loop(0, nz)
    def _(t):
      idx = t * _NSUB + s

      @pl.when(idx < _NCH)
      def _():
        pltpu.make_async_copy(acc_sh.at[pl.ds(0, _B)],
                              out_hbm.at[c, pl.ds(0, _B)], gsems[0]).wait()
        if denom:
          pltpu.make_async_copy(accd_sh.at[pl.ds(0, _B)],
                                outd_hbm.at[c, pl.ds(0, _B)], gsems[1]).wait()

  return k(tabs, src, dst, a_s, a_d, m16)


def kernel(features, edges, W1, att_src1, att_dst1, b1,
           W2, att_src2, att_dst2, b2):
  src = edges[0]
  dst = edges[1]
  tabs1, a1s, a1d, m1 = _dense1(features, W1, att_src1, att_dst1)
  big_m1 = jnp.maximum(m1[0, 0] + m1[0, 1], 0.0)
  m16_1 = jnp.full((16,), big_m1, jnp.float32)
  part1, part1_d = _sc_layer(tabs1, src, dst, a1s.reshape(-1),
                             a1d.reshape(-1), m16_1, _D1, 2, denom=True)

  tabs2, a2s, a2d, m2 = _mid(part1, part1_d, b1.reshape(1, _H), W2,
                             att_src2, att_dst2)
  big_m2 = jnp.maximum(m2[0, 0] + m2[0, 1], 0.0)
  m16_2 = jnp.full((16,), big_m2, jnp.float32)
  part2 = _sc_layer(tabs2, src, dst, a2s.reshape(-1), a2d.reshape(-1),
                    m16_2, _D2, 5, edge_split=True)

  return _final(part2, b2.reshape(1, _C))

# --- scband reference (transcript-rebuilt; emitter-appended) ---
"""Pipeline reference for scband-gat-16088947491241 (READ-ONLY COPY).

The authoritative reference and input builder live on the scoring server;
editing this copy changes nothing except your own understanding.
"""

import jax, jax.numpy as jnp
import numpy as np

N = 10000
E = 320000
F_IN = 128
HIDDEN = 128
CLASSES = 16
HEADS = 1


def gat_conv(x, edge_index, W, att_src, att_dst, bias, heads, out_ch):
    n = x.shape[0]
    src = edge_index[0]
    dst = edge_index[1]
    xw = (x @ W).reshape(n, heads, out_ch)
    a_src = (xw * att_src[None, :, :]).sum(-1)  # [N, H]
    a_dst = (xw * att_dst[None, :, :]).sum(-1)  # [N, H]
    e = a_src[src] + a_dst[dst]                 # [E, H]
    e = jnp.where(e > 0, e, 0.2 * e)            # LeakyReLU(0.2)
    # softmax over incoming edges per dst node
    e_max = jax.ops.segment_max(e, dst, num_segments=n)
    e_exp = jnp.exp(e - e_max[dst])
    denom = jax.ops.segment_sum(e_exp, dst, num_segments=n)
    alpha = e_exp / (denom[dst] + 1e-16)        # [E, H]
    msg = xw[src] * alpha[:, :, None]           # [E, H, C]
    out = jax.ops.segment_sum(msg, dst, num_segments=n)
    return out.reshape(n, heads * out_ch) + bias


def setup_inputs(seed: int = 0) -> dict:
    key = jax.random.key(seed)
    ks = jax.random.split(key, 10)
    features = jax.random.normal(ks[0], (N, F_IN), dtype=jnp.float32)
    edges = jax.random.randint(ks[1], (2, E), 0, N, dtype=jnp.int32)
    s1 = 1.0 / np.sqrt(F_IN)
    s2 = 1.0 / np.sqrt(HEADS * HIDDEN)
    W1 = jax.random.normal(ks[2], (F_IN, HEADS * HIDDEN), dtype=jnp.float32) * s1
    att_src1 = jax.random.normal(ks[3], (HEADS, HIDDEN), dtype=jnp.float32) * s2
    att_dst1 = jax.random.normal(ks[4], (HEADS, HIDDEN), dtype=jnp.float32) * s2
    b1 = jnp.zeros((HEADS * HIDDEN,), dtype=jnp.float32)
    W2 = jax.random.normal(ks[5], (HEADS * HIDDEN, CLASSES), dtype=jnp.float32) * s2
    att_src2 = jax.random.normal(ks[6], (1, CLASSES), dtype=jnp.float32) * (1.0 / np.sqrt(CLASSES))
    att_dst2 = jax.random.normal(ks[7], (1, CLASSES), dtype=jnp.float32) * (1.0 / np.sqrt(CLASSES))
    b2 = jnp.zeros((CLASSES,), dtype=jnp.float32)
    return {
        "features": features,
        "edges": edges,
        "W1": W1, "att_src1": att_src1, "att_dst1": att_dst1, "b1": b1,
        "W2": W2, "att_src2": att_src2, "att_dst2": att_dst2, "b2": b2,
    }


def reference(features, edges, W1, att_src1, att_dst1, b1, W2, att_src2, att_dst2, b2):
    h = gat_conv(features, edges, W1, att_src1, att_dst1, b1, HEADS, HIDDEN)
    h = jax.nn.relu(h)
    # F.dropout(training=self.training): eval mode -> identity
    h = gat_conv(h, edges, W2, att_src2, att_dst2, b2, 1, CLASSES)
    return jax.nn.log_softmax(h, axis=1)

if __name__ == "__main__":
    import jax
    _d = setup_inputs()
    print(jax.jit(kernel)(*tuple(_d.values())))

</pallas_src>

<mosaic_0001>
#map = affine_map<(d0, d1) -> (0, 0, 0)>
#map1 = affine_map<(d0, d1) -> (0)>
module attributes {stable_mosaic.version = 14 : i64} {
  func.func @k(%arg0: i32, %arg1: i32, %arg2: memref<2x10000x64xf32, #tpu.memory_space<hbm>>, %arg3: memref<320000xi32, #tpu.memory_space<hbm>>, %arg4: memref<320000xi32, #tpu.memory_space<hbm>>, %arg5: memref<10000xf32, #tpu.memory_space<hbm>>, %arg6: memref<10000xf32, #tpu.memory_space<hbm>>, %arg7: memref<16xf32, #tpu.memory_space<hbm>>, %arg8: memref<2x10000x64xf32, #tpu.memory_space<hbm>>, %arg9: memref<2x10000x16xf32, #tpu.memory_space<hbm>>, %arg10: memref<10000xf32, #tpu.memory_space<vmem>>, %arg11: memref<10000xf32, #tpu.memory_space<vmem>>, %arg12: memref<16xf32, #tpu.memory_space<vmem>>, %arg13: memref<20000xi32, #tpu.memory_space<vmem>>, %arg14: memref<250x80xi32, #tpu.memory_space<vmem>>, %arg15: memref<2000xi32, #tpu.memory_space<vmem>>, %arg16: memref<80xf32, #tpu.memory_space<vmem>>, %arg17: memref<80x64xf32, #tpu.memory_space<vmem>>, %arg18: memref<80x64xf32, #tpu.memory_space<vmem>>, %arg19: memref<80x16xf32, #tpu.memory_space<vmem>>, %arg20: memref<80x16xf32, #tpu.memory_space<vmem>>, %arg21: memref<10000x64xf32, #tpu.memory_space<vmem_shared>>, %arg22: memref<10000x16xf32, #tpu.memory_space<vmem_shared>>, %arg23: memref<!tpu.dma_semaphore, #tpu.memory_space<semaphore_mem>>, %arg24: memref<!tpu.dma_semaphore, #tpu.memory_space<semaphore_mem>>, %arg25: memref<!tpu.dma_semaphore, #tpu.memory_space<semaphore_mem>>, %arg26: memref<!tpu.dma_semaphore, #tpu.memory_space<semaphore_mem>>, %arg27: memref<!tpu.dma_semaphore, #tpu.memory_space<semaphore_mem>>, %arg28: memref<!tpu.dma_semaphore, #tpu.memory_space<semaphore_mem>>) attributes {dimension_semantics = [#tpu.dimension_semantics<core_parallel>, #tpu.dimension_semantics<subcore_parallel>], iteration_bounds = array<i64: 2, 16>, scalar_prefetch = 0 : i64, scratch_operands = 19 : i64, tpu.core_type = #tpu.core_type<sc_vector_subcore>, window_params = [{transform_indices = #map}, {transform_indices = #map1}, {transform_indices = #map1}, {transform_indices = #map1}, {transform_indices = #map1}, {transform_indices = #map1}, {transform_indices = #map}, {transform_indices = #map}]} {
    %mul3A = arith.constant 20000 : i32
    %mul3A_0 = arith.muli %arg1, %mul3A : i32
    tpu.enqueue_dma source(%arg5 : memref<10000xf32, #tpu.memory_space<hbm>>) target(%arg10 : memref<10000xf32, #tpu.memory_space<vmem>>) target_semaphore(%arg23 : memref<!tpu.dma_semaphore, #tpu.memory_space<semaphore_mem>>)
    tpu.enqueue_dma source(%arg6 : memref<10000xf32, #tpu.memory_space<hbm>>) target(%arg11 : memref<10000xf32, #tpu.memory_space<vmem>>) target_semaphore(%arg24 : memref<!tpu.dma_semaphore, #tpu.memory_space<semaphore_mem>>)
    tpu.enqueue_dma source(%arg7 : memref<16xf32, #tpu.memory_space<hbm>>) target(%arg12 : memref<16xf32, #tpu.memory_space<vmem>>) target_semaphore(%arg25 : memref<!tpu.dma_semaphore, #tpu.memory_space<semaphore_mem>>)
    %dma_start3A = tpu.memref_slice %arg3[%mul3A_0] : memref<320000xi32, #tpu.memory_space<hbm>> -> memref<20000xi32, #tpu.memory_space<hbm>>
    %dma_start3A_1 = tpu.memref_slice %arg3[%mul3A_0] : memref<320000xi32, #tpu.memory_space<hbm>> -> memref<20000xi32, #tpu.memory_space<hbm>>
    tpu.enqueue_dma source(%dma_start3A_1 : memref<20000xi32, #tpu.memory_space<hbm>>) target(%arg13 : memref<20000xi32, #tpu.memory_space<vmem>>) target_semaphore(%arg26 : memref<!tpu.dma_semaphore, #tpu.memory_space<semaphore_mem>>)
    %add3A = arith.constant 0 : i32
    %add3A_2 = arith.addi %mul3A_0, %add3A : i32
    "tpu.region"() ({
      %run_scoped3A = tpu.sem_alloc : memref<!tpu.dma_semaphore, #tpu.memory_space<semaphore_mem>>
      %dma_start3A_137 = tpu.memref_slice %arg4[%add3A_2] : memref<320000xi32, #tpu.memory_space<hbm>> -> memref<2000xi32, #tpu.memory_space<hbm>>
      %dma_start3A_138 = tpu.memref_slice %arg4[%add3A_2] : memref<320000xi32, #tpu.memory_space<hbm>> -> memref<2000xi32, #tpu.memory_space<hbm>>
      tpu.enqueue_dma source(%dma_start3A_138 : memref<2000xi32, #tpu.memory_space<hbm>>) target(%arg15 : memref<2000xi32, #tpu.memory_space<vmem>>) target_semaphore(%run_scoped3A : memref<!tpu.dma_semaphore, #tpu.memory_space<semaphore_mem>>)
      %dma_wait3A_139 = tpu.memref_slice %arg4[%add3A_2] : memref<320000xi32, #tpu.memory_space<hbm>> -> memref<2000xi32, #tpu.memory_space<hbm>>
      %dma_wait3A_140 = tpu.memref_slice %arg4[%add3A_2] : memref<320000xi32, #tpu.memory_space<hbm>> -> memref<2000xi32, #tpu.memory_space<hbm>>
      tpu.wait_dma2 semaphore(%run_scoped3A : memref<!tpu.dma_semaphore, #tpu.memory_space<semaphore_mem>>) src(%dma_wait3A_140 : memref<2000xi32, #tpu.memory_space<hbm>>) dst(%arg15 : memref<2000xi32, #tpu.memory_space<vmem>>)
      tpu.yield
    }) : () -> ()
    %scan3A = arith.constant 0 : i32
    %scan3A_3 = arith.constant 25 : i32
    %scan3A_4 = arith.addi %scan3A, %scan3A_3 : i32
    %scan3A_5 = arith.constant 1 : i32
    scf.for %scan3A_137 = %scan3A to %scan3A_4 step %scan3A_5  : i32 {
      %mul3A_138 = arith.constant 1 : i32
      %mul3A_139 = arith.muli %scan3A_137, %mul3A_138 : i32
      %add3A_140 = arith.constant 0 : i32
      %add3A_141 = arith.addi %add3A_140, %mul3A_139 : i32
      %mul3A_142 = arith.constant 80 : i32
      %mul3A_143 = arith.muli %add3A_141, %mul3A_142 : i32
      %add3A_144 = arith.constant 0 : i32
      %add3A_145 = arith.addi %mul3A_143, %add3A_144 : i32
      %get3A_146 = arith.index_cast %add3A_145 : i32 to index
      %get3A_147 = tpu.vector_load %arg15[%get3A_146] {strides = array<i32>} : memref<2000xi32, #tpu.memory_space<vmem>>, vector<16xi32>,
      %add3A_148 = arith.constant 0 : i32
      %add3A_149 = arith.addi %add3A_148, %add3A_141 : i32
      %swap3A = arith.index_cast %add3A_149 : i32 to index
      %swap3A_150 = arith.constant 0 : index
      %swap3A_151 = tpu.vector_load %arg14[%swap3A, %swap3A_150] {strides = array<i32>} : memref<250x80xi32, #tpu.memory_space<vmem>>, vector<16xi32>,
      tpu.vector_store %arg14[%swap3A, %swap3A_150], %get3A_147 {strides = array<i32>} : memref<250x80xi32, #tpu.memory_space<vmem>>, vector<16xi32>,
      %mul3A_152 = arith.constant 80 : i32
      %mul3A_153 = arith.muli %add3A_141, %mul3A_152 : i32
      %add3A_154 = arith.constant 16 : i32
      %add3A_155 = arith.addi %mul3A_153, %add3A_154 : i32
      %get3A_156 = arith.index_cast %add3A_155 : i32 to index
      %get3A_157 = tpu.vector_load %arg15[%get3A_156] {strides = array<i32>} : memref<2000xi32, #tpu.memory_space<vmem>>, vector<16xi32>,
      %add3A_158 = arith.constant 0 : i32
      %add3A_159 = arith.addi %add3A_158, %add3A_141 : i32
      %swap3A_160 = arith.index_cast %add3A_159 : i32 to index
      %swap3A_161 = arith.constant 16 : index
      %swap3A_162 = tpu.vector_load %arg14[%swap3A_160, %swap3A_161] {strides = array<i32>} : memref<250x80xi32, #tpu.memory_space<vmem>>, vector<16xi32>,
      tpu.vector_store %arg14[%swap3A_160, %swap3A_161], %get3A_157 {strides = array<i32>} : memref<250x80xi32, #tpu.memory_space<vmem>>, vector<16xi32>,
      %mul3A_163 = arith.constant 80 : i32
      %mul3A_164 = arith.muli %add3A_141, %mul3A_163 : i32
      %add3A_165 = arith.constant 32 : i32
      %add3A_166 = arith.addi %mul3A_164, %add3A_165 : i32
      %get3A_167 = arith.index_cast %add3A_166 : i32 to index
      %get3A_168 = tpu.vector_load %arg15[%get3A_167] {strides = array<i32>} : memref<2000xi32, #tpu.memory_space<vmem>>, vector<16xi32>,
      %add3A_169 = arith.constant 0 : i32
      %add3A_170 = arith.addi %add3A_169, %add3A_141 : i32
      %swap3A_171 = arith.index_cast %add3A_170 : i32 to index
      %swap3A_172 = arith.constant 32 : index
      %swap3A_173 = tpu.vector_load %arg14[%swap3A_171, %swap3A_172] {strides = array<i32>} : memref<250x80xi32, #tpu.memory_space<vmem>>, vector<16xi32>,
      tpu.vector_store %arg14[%swap3A_171, %swap3A_172], %get3A_168 {strides = array<i32>} : memref<250x80xi32, #tpu.memory_space<vmem>>, vector<16xi32>,
      %mul3A_174 = arith.constant 80 : i32
      %mul3A_175 = arith.muli %add3A_141, %mul3A_174 : i32
      %add3A_176 = arith.constant 48 : i32
      %add3A_177 = arith.addi %mul3A_175, %add3A_176 : i32
      %get3A_178 = arith.index_cast %add3A_177 : i32 to index
      %get3A_179 = tpu.vector_load %arg15[%get3A_178] {strides = array<i32>} : memref<2000xi32, #tpu.memory_space<vmem>>, vector<16xi32>,
      %add3A_180 = arith.constant 0 : i32
      %add3A_181 = arith.addi %add3A_180, %add3A_141 : i32
      %swap3A_182 = arith.index_cast %add3A_181 : i32 to index
      %swap3A_183 = arith.constant 48 : index
      %swap3A_184 = tpu.vector_load %arg14[%swap3A_182, %swap3A_183] {strides = array<i32>} : memref<250x80xi32, #tpu.memory_space<vmem>>, vector<16xi32>,
      tpu.vector_store %arg14[%swap3A_182, %swap3A_183], %get3A_179 {strides = array<i32>} : memref<250x80xi32, #tpu.memory_space<vmem>>, vector<16xi32>,
      %mul3A_185 = arith.constant 80 : i32
      %mul3A_186 = arith.muli %add3A_141, %mul3A_185 : i32
      %add3A_187 = arith.constant 64 : i32
      %add3A_188 = arith.addi %mul3A_186, %add3A_187 : i32
      %get3A_189 = arith.index_cast %add3A_188 : i32 to index
      %get3A_190 = tpu.vector_load %arg15[%get3A_189] {strides = array<i32>} : memref<2000xi32, #tpu.memory_space<vmem>>, vector<16xi32>,
      %add3A_191 = arith.constant 0 : i32
      %add3A_192 = arith.addi %add3A_191, %add3A_141 : i32
      %swap3A_193 = arith.index_cast %add3A_192 : i32 to index
      %swap3A_194 = arith.constant 64 : index
      %swap3A_195 = tpu.vector_load %arg14[%swap3A_193, %swap3A_194] {strides = array<i32>} : memref<250x80xi32, #tpu.memory_space<vmem>>, vector<16xi32>,
      tpu.vector_store %arg14[%swap3A_193, %swap3A_194], %get3A_190 {strides = array<i32>} : memref<250x80xi32, #tpu.memory_space<vmem>>, vector<16xi32>,
    }
    %scan3A_6 = arith.constant 25 : i32
    %add3A_7 = arith.constant 2000 : i32
    %add3A_8 = arith.addi %mul3A_0, %add3A_7 : i32
    "tpu.region"() ({
      %run_scoped3A = tpu.sem_alloc : memref<!tpu.dma_semaphore, #tpu.memory_space<semaphore_mem>>
      %dma_start3A_137 = tpu.memref_slice %arg4[%add3A_8] : memref<320000xi32, #tpu.memory_space<hbm>> -> memref<2000xi32, #tpu.memory_space<hbm>>
      %dma_start3A_138 = tpu.memref_slice %arg4[%add3A_8] : memref<320000xi32, #tpu.memory_space<hbm>> -> memref<2000xi32, #tpu.memory_space<hbm>>
      tpu.enqueue_dma source(%dma_start3A_138 : memref<2000xi32, #tpu.memory_space<hbm>>) target(%arg15 : memref<2000xi32, #tpu.memory_space<vmem>>) target_semaphore(%run_scoped3A : memref<!tpu.dma_semaphore, #tpu.memory_space<semaphore_mem>>)
      %dma_wait3A_139 = tpu.memref_slice %arg4[%add3A_8] : memref<320000xi32, #tpu.memory_space<hbm>> -> memref<2000xi32, #tpu.memory_space<hbm>>
      %dma_wait3A_140 = tpu.memref_slice %arg4[%add3A_8] : memref<320000xi32, #tpu.memory_space<hbm>> -> memref<2000xi32, #tpu.memory_space<hbm>>
      tpu.wait_dma2 semaphore(%run_scoped3A : memref<!tpu.dma_semaphore, #tpu.memory_space<semaphore_mem>>) src(%dma_wait3A_140 : memref<2000xi32, #tpu.memory_space<hbm>>) dst(%arg15 : memref<2000xi32, #tpu.memory_space<vmem>>)
      tpu.yield
    }) : () -> ()
    %scan3A_9 = arith.constant 0 : i32
    %scan3A_10 = arith.constant 25 : i32
    %scan3A_11 = arith.addi %scan3A_9, %scan3A_10 : i32
    %scan3A_12 = arith.constant 1 : i32
    scf.for %scan3A_137 = %scan3A_9 to %scan3A_11 step %scan3A_12  : i32 {
      %mul3A_138 = arith.constant 1 : i32
      %mul3A_139 = arith.muli %scan3A_137, %mul3A_138 : i32
      %add3A_140 = arith.constant 0 : i32
      %add3A_141 = arith.addi %add3A_140, %mul3A_139 : i32
      %mul3A_142 = arith.constant 80 : i32
      %mul3A_143 = arith.muli %add3A_141, %mul3A_142 : i32
      %add3A_144 = arith.constant 0 : i32
      %add3A_145 = arith.addi %mul3A_143, %add3A_144 : i32
      %get3A_146 = arith.index_cast %add3A_145 : i32 to index
      %get3A_147 = tpu.vector_load %arg15[%get3A_146] {strides = array<i32>} : memref<2000xi32, #tpu.memory_space<vmem>>, vector<16xi32>,
      %add3A_148 = arith.constant 25 : i32
      %add3A_149 = arith.addi %add3A_148, %add3A_141 : i32
      %swap3A = arith.index_cast %add3A_149 : i32 to index
      %swap3A_150 = arith.constant 0 : index
      %swap3A_151 = tpu.vector_load %arg14[%swap3A, %swap3A_150] {strides = array<i32>} : memref<250x80xi32, #tpu.memory_space<vmem>>, vector<16xi32>,
      tpu.vector_store %arg14[%swap3A, %swap3A_150], %get3A_147 {strides = array<i32>} : memref<250x80xi32, #tpu.memory_space<vmem>>, vector<16xi32>,
      %mul3A_152 = arith.constant 80 : i32
      %mul3A_153 = arith.muli %add3A_141, %mul3A_152 : i32
      %add3A_154 = arith.constant 16 : i32
      %add3A_155 = arith.addi %mul3A_153, %add3A_154 : i32
      %get3A_156 = arith.index_cast %add3A_155 : i32 to index
      %get3A_157 = tpu.vector_load %arg15[%get3A_156] {strides = array<i32>} : memref<2000xi32, #tpu.memory_space<vmem>>, vector<16xi32>,
      %add3A_158 = arith.constant 25 : i32
      %add3A_159 = arith.addi %add3A_158, %add3A_141 : i32
      %swap3A_160 = arith.index_cast %add3A_159 : i32 to index
      %swap3A_161 = arith.constant 16 : index
      %swap3A_162 = tpu.vector_load %arg14[%swap3A_160, %swap3A_161] {strides = array<i32>} : memref<250x80xi32, #tpu.memory_space<vmem>>, vector<16xi32>,
      tpu.vector_store %arg14[%swap3A_160, %swap3A_161], %get3A_157 {strides = array<i32>} : memref<250x80xi32, #tpu.memory_space<vmem>>, vector<16xi32>,
      %mul3A_163 = arith.constant 80 : i32
      %mul3A_164 = arith.muli %add3A_141, %mul3A_163 : i32
      %add3A_165 = arith.constant 32 : i32
      %add3A_166 = arith.addi %mul3A_164, %add3A_165 : i32
      %get3A_167 = arith.index_cast %add3A_166 : i32 to index
      %get3A_168 = tpu.vector_load %arg15[%get3A_167] {strides = array<i32>} : memref<2000xi32, #tpu.memory_space<vmem>>, vector<16xi32>,
      %add3A_169 = arith.constant 25 : i32
      %add3A_170 = arith.addi %add3A_169, %add3A_141 : i32
      %swap3A_171 = arith.index_cast %add3A_170 : i32 to index
      %swap3A_172 = arith.constant 32 : index
      %swap3A_173 = tpu.vector_load %arg14[%swap3A_171, %swap3A_172] {strides = array<i32>} : memref<250x80xi32, #tpu.memory_space<vmem>>, vector<16xi32>,
      tpu.vector_store %arg14[%swap3A_171, %swap3A_172], %get3A_168 {strides = array<i32>} : memref<250x80xi32, #tpu.memory_space<vmem>>, vector<16xi32>,
      %mul3A_174 = arith.constant 80 : i32
      %mul3A_175 = arith.muli %add3A_141, %mul3A_174 : i32
      %add3A_176 = arith.constant 48 : i32
      %add3A_177 = arith.addi %mul3A_175, %add3A_176 : i32
      %get3A_178 = arith.index_cast %add3A_177 : i32 to index
      %get3A_179 = tpu.vector_load %arg15[%get3A_178] {strides = array<i32>} : memref<2000xi32, #tpu.memory_space<vmem>>, vector<16xi32>,
      %add3A_180 = arith.constant 25 : i32
      %add3A_181 = arith.addi %add3A_180, %add3A_141 : i32
      %swap3A_182 = arith.index_cast %add3A_181 : i32 to index
      %swap3A_183 = arith.constant 48 : index
      %swap3A_184 = tpu.vector_load %arg14[%swap3A_182, %swap3A_183] {strides = array<i32>} : memref<250x80xi32, #tpu.memory_space<vmem>>, vector<16xi32>,
      tpu.vector_store %arg14[%swap3A_182, %swap3A_183], %get3A_179 {strides = array<i32>} : memref<250x80xi32, #tpu.memory_space<vmem>>, vector<16xi32>,
      %mul3A_185 = arith.constant 80 : i32
      %mul3A_186 = arith.muli %add3A_141, %mul3A_185 : i32
      %add3A_187 = arith.constant 64 : i32
      %add3A_188 = arith.addi %mul3A_186, %add3A_187 : i32
      %get3A_189 = arith.index_cast %add3A_188 : i32 to index
      %get3A_190 = tpu.vector_load %arg15[%get3A_189] {strides = array<i32>} : memref<2000xi32, #tpu.memory_space<vmem>>, vector<16xi32>,
      %add3A_191 = arith.constant 25 : i32
      %add3A_192 = arith.addi %add3A_191, %add3A_141 : i32
      %swap3A_193 = arith.index_cast %add3A_192 : i32 to index
      %swap3A_194 = arith.constant 64 : index
      %swap3A_195 = tpu.vector_load %arg14[%swap3A_193, %swap3A_194] {strides = array<i32>} : memref<250x80xi32, #tpu.memory_space<vmem>>, vector<16xi32>,
      tpu.vector_store %arg14[%swap3A_193, %swap3A_194], %get3A_190 {strides = array<i32>} : memref<250x80xi32, #tpu.memory_space<vmem>>, vector<16xi32>,
    }
    %scan3A_13 = arith.constant 25 : i32
    %add3A_14 = arith.constant 4000 : i32
    %add3A_15 = arith.addi %mul3A_0, %add3A_14 : i32
    "tpu.region"() ({
      %run_scoped3A = tpu.sem_alloc : memref<!tpu.dma_semaphore, #tpu.memory_space<semaphore_mem>>
      %dma_start3A_137 = tpu.memref_slice %arg4[%add3A_15] : memref<320000xi32, #tpu.memory_space<hbm>> -> memref<2000xi32, #tpu.memory_space<hbm>>
      %dma_start3A_138 = tpu.memref_slice %arg4[%add3A_15] : memref<320000xi32, #tpu.memory_space<hbm>> -> memref<2000xi32, #tpu.memory_space<hbm>>
      tpu.enqueue_dma source(%dma_start3A_138 : memref<2000xi32, #tpu.memory_space<hbm>>) target(%arg15 : memref<2000xi32, #tpu.memory_space<vmem>>) target_semaphore(%run_scoped3A : memref<!tpu.dma_semaphore, #tpu.memory_space<semaphore_mem>>)
      %dma_wait3A_139 = tpu.memref_slice %arg4[%add3A_15] : memref<320000xi32, #tpu.memory_space<hbm>> -> memref<2000xi32, #tpu.memory_space<hbm>>
      %dma_wait3A_140 = tpu.memref_slice %arg4[%add3A_15] : memref<320000xi32, #tpu.memory_space<hbm>> -> memref<2000xi32, #tpu.memory_space<hbm>>
      tpu.wait_dma2 semaphore(%run_scoped3A : memref<!tpu.dma_semaphore, #tpu.memory_space<semaphore_mem>>) src(%dma_wait3A_140 : memref<2000xi32, #tpu.memory_space<hbm>>) dst(%arg15 : memref<2000xi32, #tpu.memory_space<vmem>>)
      tpu.yield
    }) : () -> ()
    %scan3A_16 = arith.constant 0 : i32
    %scan3A_17 = arith.constant 25 : i32
    %scan3A_18 = arith.addi %scan3A_16, %scan3A_17 : i32
    %scan3A_19 = arith.constant 1 : i32
    scf.for %scan3A_137 = %scan3A_16 to %scan3A_18 step %scan3A_19  : i32 {
      %mul3A_138 = arith.constant 1 : i32
      %mul3A_139 = arith.muli %scan3A_137, %mul3A_138 : i32
      %add3A_140 = arith.constant 0 : i32
      %add3A_141 = arith.addi %add3A_140, %mul3A_139 : i32
      %mul3A_142 = arith.constant 80 : i32
      %mul3A_143 = arith.muli %add3A_141, %mul3A_142 : i32
      %add3A_144 = arith.constant 0 : i32
      %add3A_145 = arith.addi %mul3A_143, %add3A_144 : i32
      %get3A_146 = arith.index_cast %add3A_145 : i32 to index
      %get3A_147 = tpu.vector_load %arg15[%get3A_146] {strides = array<i32>} : memref<2000xi32, #tpu.memory_space<vmem>>, vector<16xi32>,
      %add3A_148 = arith.constant 50 : i32
      %add3A_149 = arith.addi %add3A_148, %add3A_141 : i32
      %swap3A = arith.index_cast %add3A_149 : i32 to index
      %swap3A_150 = arith.constant 0 : index
      %swap3A_151 = tpu.vector_load %arg14[%swap3A, %swap3A_150] {strides = array<i32>} : memref<250x80xi32, #tpu.memory_space<vmem>>, vector<16xi32>,
      tpu.vector_store %arg14[%swap3A, %swap3A_150], %get3A_147 {strides = array<i32>} : memref<250x80xi32, #tpu.memory_space<vmem>>, vector<16xi32>,
      %mul3A_152 = arith.constant 80 : i32
      %mul3A_153 = arith.muli %add3A_141, %mul3A_152 : i32
      %add3A_154 = arith.constant 16 : i32
      %add3A_155 = arith.addi %mul3A_153, %add3A_154 : i32
      %get3A_156 = arith.index_cast %add3A_155 : i32 to index
      %get3A_157 = tpu.vector_load %arg15[%get3A_156] {strides = array<i32>} : memref<2000xi32, #tpu.memory_space<vmem>>, vector<16xi32>,
      %add3A_158 = arith.constant 50 : i32
      %add3A_159 = arith.addi %add3A_158, %add3A_141 : i32
      %swap3A_160 = arith.index_cast %add3A_159 : i32 to index
      %swap3A_161 = arith.constant 16 : index
      %swap3A_162 = tpu.vector_load %arg14[%swap3A_160, %swap3A_161] {strides = array<i32>} : memref<250x80xi32, #tpu.memory_space<vmem>>, vector<16xi32>,
      tpu.vector_store %arg14[%swap3A_160, %swap3A_161], %get3A_157 {strides = array<i32>} : memref<250x80xi32, #tpu.memory_space<vmem>>, vector<16xi32>,
      %mul3A_163 = arith.constant 80 : i32
      %mul3A_164 = arith.muli %add3A_141, %mul3A_163 : i32
      %add3A_165 = arith.constant 32 : i32
      %add3A_166 = arith.addi %mul3A_164, %add3A_165 : i32
      %get3A_167 = arith.index_cast %add3A_166 : i32 to index
      %get3A_168 = tpu.vector_load %arg15[%get3A_167] {strides = array<i32>} : memref<2000xi32, #tpu.memory_space<vmem>>, vector<16xi32>,
      %add3A_169 = arith.constant 50 : i32
      %add3A_170 = arith.addi %add3A_169, %add3A_141 : i32
      %swap3A_171 = arith.index_cast %add3A_170 : i32 to index
      %swap3A_172 = arith.constant 32 : index
      %swap3A_173 = tpu.vector_load %arg14[%swap3A_171, %swap3A_172] {strides = array<i32>} : memref<250x80xi32, #tpu.memory_space<vmem>>, vector<16xi32>,
      tpu.vector_store %arg14[%swap3A_171, %swap3A_172], %get3A_168 {strides = array<i32>} : memref<250x80xi32, #tpu.memory_space<vmem>>, vector<16xi32>,
      %mul3A_174 = arith.constant 80 : i32
      %mul3A_175 = arith.muli %add3A_141, %mul3A_174 : i32
      %add3A_176 = arith.constant 48 : i32
      %add3A_177 = arith.addi %mul3A_175, %add3A_176 : i32
      %get3A_178 = arith.index_cast %add3A_177 : i32 to index
      %get3A_179 = tpu.vector_load %arg15[%get3A_178] {strides = array<i32>} : memref<2000xi32, #tpu.memory_space<vmem>>, vector<16xi32>,
      %add3A_180 = arith.constant 50 : i32
      %add3A_181 = arith.addi %add3A_180, %add3A_141 : i32
      %swap3A_182 = arith.index_cast %add3A_181 : i32 to index
      %swap3A_183 = arith.constant 48 : index
      %swap3A_184 = tpu.vector_load %arg14[%swap3A_182, %swap3A_183] {strides = array<i32>} : memref<250x80xi32, #tpu.memory_space<vmem>>, vector<16xi32>,
      tpu.vector_store %arg14[%swap3A_182, %swap3A_183], %get3A_179 {strides = array<i32>} : memref<250x80xi32, #tpu.memory_space<vmem>>, vector<16xi32>,
      %mul3A_185 = arith.constant 80 : i32
      %mul3A_186 = arith.muli %add3A_141, %mul3A_185 : i32
      %add3A_187 = arith.constant 64 : i32
      %add3A_188 = arith.addi %mul3A_186, %add3A_187 : i32
      %get3A_189 = arith.index_cast %add3A_188 : i32 to index
      %get3A_190 = tpu.vector_load %arg15[%get3A_189] {strides = array<i32>} : memref<2000xi32, #tpu.memory_space<vmem>>, vector<16xi32>,
      %add3A_191 = arith.constant 50 : i32
      %add3A_192 = arith.addi %add3A_191, %add3A_141 : i32
      %swap3A_193 = arith.index_cast %add3A_192 : i32 to index
      %swap3A_194 = arith.constant 64 : index
      %swap3A_195 = tpu.vector_load %arg14[%swap3A_193, %swap3A_194] {strides = array<i32>} : memref<250x80xi32, #tpu.memory_space<vmem>>, vector<16xi32>,
      tpu.vector_store %arg14[%swap3A_193, %swap3A_194], %get3A_190 {strides = array<i32>} : memref<250x80xi32, #tpu.memory_space<vmem>>, vector<16xi32>,
    }
    %scan3A_20 = arith.constant 25 : i32
    %add3A_21 = arith.constant 6000 : i32
    %add3A_22 = arith.addi %mul3A_0, %add3A_21 : i32
    "tpu.region"() ({
      %run_scoped3A = tpu.sem_alloc : memref<!tpu.dma_semaphore, #tpu.memory_space<semaphore_mem>>
      %dma_start3A_137 = tpu.memref_slice %arg4[%add3A_22] : memref<320000xi32, #tpu.memory_space<hbm>> -> memref<2000xi32, #tpu.memory_space<hbm>>
      %dma_start3A_138 = tpu.memref_slice %arg4[%add3A_22] : memref<320000xi32, #tpu.memory_space<hbm>> -> memref<2000xi32, #tpu.memory_space<hbm>>
      tpu.enqueue_dma source(%dma_start3A_138 : memref<2000xi32, #tpu.memory_space<hbm>>) target(%arg15 : memref<2000xi32, #tpu.memory_space<vmem>>) target_semaphore(%run_scoped3A : memref<!tpu.dma_semaphore, #tpu.memory_space<semaphore_mem>>)
      %dma_wait3A_139 = tpu.memref_slice %arg4[%add3A_22] : memref<320000xi32, #tpu.memory_space<hbm>> -> memref<2000xi32, #tpu.memory_space<hbm>>
      %dma_wait3A_140 = tpu.memref_slice %arg4[%add3A_22] : memref<320000xi32, #tpu.memory_space<hbm>> -> memref<2000xi32, #tpu.memory_space<hbm>>
      tpu.wait_dma2 semaphore(%run_scoped3A : memref<!tpu.dma_semaphore, #tpu.memory_space<semaphore_mem>>) src(%dma_wait3A_140 : memref<2000xi32, #tpu.memory_space<hbm>>) dst(%arg15 : memref<2000xi32, #tpu.memory_space<vmem>>)
      tpu.yield
    }) : () -> ()
    %scan3A_23 = arith.constant 0 : i32
    %scan3A_24 = arith.constant 25 : i32
    %scan3A_25 = arith.addi %scan3A_23, %scan3A_24 : i32
    %scan3A_26 = arith.constant 1 : i32
    scf.for %scan3A_137 = %scan3A_23 to %scan3A_25 step %scan3A_26  : i32 {
      %mul3A_138 = arith.constant 1 : i32
      %mul3A_139 = arith.muli %scan3A_137, %mul3A_138 : i32
      %add3A_140 = arith.constant 0 : i32
      %add3A_141 = arith.addi %add3A_140, %mul3A_139 : i32
      %mul3A_142 = arith.constant 80 : i32
      %mul3A_143 = arith.muli %add3A_141, %mul3A_142 : i32
      %add3A_144 = arith.constant 0 : i32
      %add3A_145 = arith.addi %mul3A_143, %add3A_144 : i32
      %get3A_146 = arith.index_cast %add3A_145 : i32 to index
      %get3A_147 = tpu.vector_load %arg15[%get3A_146] {strides = array<i32>} : memref<2000xi32, #tpu.memory_space<vmem>>, vector<16xi32>,
      %add3A_148 = arith.constant 75 : i32
      %add3A_149 = arith.addi %add3A_148, %add3A_141 : i32
      %swap3A = arith.index_cast %add3A_149 : i32 to index
      %swap3A_150 = arith.constant 0 : index
      %swap3A_151 = tpu.vector_load %arg14[%swap3A, %swap3A_150] {strides = array<i32>} : memref<250x80xi32, #tpu.memory_space<vmem>>, vector<16xi32>,
      tpu.vector_store %arg14[%swap3A, %swap3A_150], %get3A_147 {strides = array<i32>} : memref<250x80xi32, #tpu.memory_space<vmem>>, vector<16xi32>,
      %mul3A_152 = arith.constant 80 : i32
      %mul3A_153 = arith.muli %add3A_141, %mul3A_152 : i32
      %add3A_154 = arith.constant 16 : i32
      %add3A_155 = arith.addi %mul3A_153, %add3A_154 : i32
      %get3A_156 = arith.index_cast %add3A_155 : i32 to index
      %get3A_157 = tpu.vector_load %arg15[%get3A_156] {strides = array<i32>} : memref<2000xi32, #tpu.memory_space<vmem>>, vector<16xi32>,
      %add3A_158 = arith.constant 75 : i32
      %add3A_159 = arith.addi %add3A_158, %add3A_141 : i32
      %swap3A_160 = arith.index_cast %add3A_159 : i32 to index
      %swap3A_161 = arith.constant 16 : index
      %swap3A_162 = tpu.vector_load %arg14[%swap3A_160, %swap3A_161] {strides = array<i32>} : memref<250x80xi32, #tpu.memory_space<vmem>>, vector<16xi32>,
      tpu.vector_store %arg14[%swap3A_160, %swap3A_161], %get3A_157 {strides = array<i32>} : memref<250x80xi32, #tpu.memory_space<vmem>>, vector<16xi32>,
      %mul3A_163 = arith.constant 80 : i32
      %mul3A_164 = arith.muli %add3A_141, %mul3A_163 : i32
      %add3A_165 = arith.constant 32 : i32
      %add3A_166 = arith.addi %mul3A_164, %add3A_165 : i32
      %get3A_167 = arith.index_cast %add3A_166 : i32 to index
      %get3A_168 = tpu.vector_load %arg15[%get3A_167] {strides = array<i32>} : memref<2000xi32, #tpu.memory_space<vmem>>, vector<16xi32>,
      %add3A_169 = arith.constant 75 : i32
      %add3A_170 = arith.addi %add3A_169, %add3A_141 : i32
      %swap3A_171 = arith.index_cast %add3A_170 : i32 to index
      %swap3A_172 = arith.constant 32 : index
      %swap3A_173 = tpu.vector_load %arg14[%swap3A_171, %swap3A_172] {strides = array<i32>} : memref<250x80xi32, #tpu.memory_space<vmem>>, vector<16xi32>,
      tpu.vector_store %arg14[%swap3A_171, %swap3A_172], %get3A_168 {strides = array<i32>} : memref<250x80xi32, #tpu.memory_space<vmem>>, vector<16xi32>,
      %mul3A_174 = arith.constant 80 : i32
      %mul3A_175 = arith.muli %add3A_141, %mul3A_174 : i32
      %add3A_176 = arith.constant 48 : i32
      %add3A_177 = arith.addi %mul3A_175, %add3A_176 : i32
      %get3A_178 = arith.index_cast %add3A_177 : i32 to index
      %get3A_179 = tpu.vector_load %arg15[%get3A_178] {strides = array<i32>} : memref<2000xi32, #tpu.memory_space<vmem>>, vector<16xi32>,
      %add3A_180 = arith.constant 75 : i32
      %add3A_181 = arith.addi %add3A_180, %add3A_141 : i32
      %swap3A_182 = arith.index_cast %add3A_181 : i32 to index
      %swap3A_183 = arith.constant 48 : index
      %swap3A_184 = tpu.vector_load %arg14[%swap3A_182, %swap3A_183] {strides = array<i32>} : memref<250x80xi32, #tpu.memory_space<vmem>>, vector<16xi32>,
      tpu.vector_store %arg14[%swap3A_182, %swap3A_183], %get3A_179 {strides = array<i32>} : memref<250x80xi32, #tpu.memory_space<vmem>>, vector<16xi32>,
      %mul3A_185 = arith.constant 80 : i32
      %mul3A_186 = arith.muli %add3A_141, %mul3A_185 : i32
      %add3A_187 = arith.constant 64 : i32
      %add3A_188 = arith.addi %mul3A_186, %add3A_187 : i32
      %get3A_189 = arith.index_cast %add3A_188 : i32 to index
      %get3A_190 = tpu.vector_load %arg15[%get3A_189] {strides = array<i32>} : memref<2000xi32, #tpu.memory_space<vmem>>, vector<16xi32>,
      %add3A_191 = arith.constant 75 : i32
      %add3A_192 = arith.addi %add3A_191, %add3A_141 : i32
      %swap3A_193 = arith.index_cast %add3A_192 : i32 to index
      %swap3A_194 = arith.constant 64 : index
      %swap3A_195 = tpu.vector_load %arg14[%swap3A_193, %swap3A_194] {strides = array<i32>} : memref<250x80xi32, #tpu.memory_space<vmem>>, vector<16xi32>,
      tpu.vector_store %arg14[%swap3A_193, %swap3A_194], %get3A_190 {strides = array<i32>} : memref<250x80xi32, #tpu.memory_space<vmem>>, vector<16xi32>,
    }
    %scan3A_27 = arith.constant 25 : i32
    %add3A_28 = arith.constant 8000 : i32
    %add3A_29 = arith.addi %mul3A_0, %add3A_28 : i32
    "tpu.region"() ({
      %run_scoped3A = tpu.sem_alloc : memref<!tpu.dma_semaphore, #tpu.memory_space<semaphore_mem>>
      %dma_start3A_137 = tpu.memref_slice %arg4[%add3A_29] : memref<320000xi32, #tpu.memory_space<hbm>> -> memref<2000xi32, #tpu.memory_space<hbm>>
      %dma_start3A_138 = tpu.memref_slice %arg4[%add3A_29] : memref<320000xi32, #tpu.memory_space<hbm>> -> memref<2000xi32, #tpu.memory_space<hbm>>
      tpu.enqueue_dma source(%dma_start3A_138 : memref<2000xi32, #tpu.memory_space<hbm>>) target(%arg15 : memref<2000xi32, #tpu.memory_space<vmem>>) target_semaphore(%run_scoped3A : memref<!tpu.dma_semaphore, #tpu.memory_space<semaphore_mem>>)
      %dma_wait3A_139 = tpu.memref_slice %arg4[%add3A_29] : memref<320000xi32, #tpu.memory_space<hbm>> -> memref<2000xi32, #tpu.memory_space<hbm>>
      %dma_wait3A_140 = tpu.memref_slice %arg4[%add3A_29] : memref<320000xi32, #tpu.memory_space<hbm>> -> memref<2000xi32, #tpu.memory_space<hbm>>
      tpu.wait_dma2 semaphore(%run_scoped3A : memref<!tpu.dma_semaphore, #tpu.memory_space<semaphore_mem>>) src(%dma_wait3A_140 : memref<2000xi32, #tpu.memory_space<hbm>>) dst(%arg15 : memref<2000xi32, #tpu.memory_space<vmem>>)
      tpu.yield
    }) : () -> ()
    %scan3A_30 = arith.constant 0 : i32
    %scan3A_31 = arith.constant 25 : i32
    %scan3A_32 = arith.addi %scan3A_30, %scan3A_31 : i32
    %scan3A_33 = arith.constant 1 : i32
    scf.for %scan3A_137 = %scan3A_30 to %scan3A_32 step %scan3A_33  : i32 {
      %mul3A_138 = arith.constant 1 : i32
      %mul3A_139 = arith.muli %scan3A_137, %mul3A_138 : i32
      %add3A_140 = arith.constant 0 : i32
      %add3A_141 = arith.addi %add3A_140, %mul3A_139 : i32
      %mul3A_142 = arith.constant 80 : i32
      %mul3A_143 = arith.muli %add3A_141, %mul3A_142 : i32
      %add3A_144 = arith.constant 0 : i32
      %add3A_145 = arith.addi %mul3A_143, %add3A_144 : i32
      %get3A_146 = arith.index_cast %add3A_145 : i32 to index
      %get3A_147 = tpu.vector_load %arg15[%get3A_146] {strides = array<i32>} : memref<2000xi32, #tpu.memory_space<vmem>>, vector<16xi32>,
      %add3A_148 = arith.constant 100 : i32
      %add3A_149 = arith.addi %add3A_148, %add3A_141 : i32
      %swap3A = arith.index_cast %add3A_149 : i32 to index
      %swap3A_150 = arith.constant 0 : index
      %swap3A_151 = tpu.vector_load %arg14[%swap3A, %swap3A_150] {strides = array<i32>} : memref<250x80xi32, #tpu.memory_space<vmem>>, vector<16xi32>,
      tpu.vector_store %arg14[%swap3A, %swap3A_150], %get3A_147 {strides = array<i32>} : memref<250x80xi32, #tpu.memory_space<vmem>>, vector<16xi32>,
      %mul3A_152 = arith.constant 80 : i32
      %mul3A_153 = arith.muli %add3A_141, %mul3A_152 : i32
      %add3A_154 = arith.constant 16 : i32
      %add3A_155 = arith.addi %mul3A_153, %add3A_154 : i32
      %get3A_156 = arith.index_cast %add3A_155 : i32 to index
      %get3A_157 = tpu.vector_load %arg15[%get3A_156] {strides = array<i32>} : memref<2000xi32, #tpu.memory_space<vmem>>, vector<16xi32>,
      %add3A_158 = arith.constant 100 : i32
      %add3A_159 = arith.addi %add3A_158, %add3A_141 : i32
      %swap3A_160 = arith.index_cast %add3A_159 : i32 to index
      %swap3A_161 = arith.constant 16 : index
      %swap3A_162 = tpu.vector_load %arg14[%swap3A_160, %swap3A_161] {strides = array<i32>} : memref<250x80xi32, #tpu.memory_space<vmem>>, vector<16xi32>,
      tpu.vector_store %arg14[%swap3A_160, %swap3A_161], %get3A_157 {strides = array<i32>} : memref<250x80xi32, #tpu.memory_space<vmem>>, vector<16xi32>,
      %mul3A_163 = arith.constant 80 : i32
      %mul3A_164 = arith.muli %add3A_141, %mul3A_163 : i32
      %add3A_165 = arith.constant 32 : i32
      %add3A_166 = arith.addi %mul3A_164, %add3A_165 : i32
      %get3A_167 = arith.index_cast %add3A_166 : i32 to index
      %get3A_168 = tpu.vector_load %arg15[%get3A_167] {strides = array<i32>} : memref<2000xi32, #tpu.memory_space<vmem>>, vector<16xi32>,
      %add3A_169 = arith.constant 100 : i32
      %add3A_170 = arith.addi %add3A_169, %add3A_141 : i32
      %swap3A_171 = arith.index_cast %add3A_170 : i32 to index
      %swap3A_172 = arith.constant 32 : index
      %swap3A_173 = tpu.vector_load %arg14[%swap3A_171, %swap3A_172] {strides = array<i32>} : memref<250x80xi32, #tpu.memory_space<vmem>>, vector<16xi32>,
      tpu.vector_store %arg14[%swap3A_171, %swap3A_172], %get3A_168 {strides = array<i32>} : memref<250x80xi32, #tpu.memory_space<vmem>>, vector<16xi32>,
      %mul3A_174 = arith.constant 80 : i32
      %mul3A_175 = arith.muli %add3A_141, %mul3A_174 : i32
      %add3A_176 = arith.constant 48 : i32
      %add3A_177 = arith.addi %mul3A_175, %add3A_176 : i32
      %get3A_178 = arith.index_cast %add3A_177 : i32 to index
      %get3A_179 = tpu.vector_load %arg15[%get3A_178] {strides = array<i32>} : memref<2000xi32, #tpu.memory_space<vmem>>, vector<16xi32>,
      %add3A_180 = arith.constant 100 : i32
      %add3A_181 = arith.addi %add3A_180, %add3A_141 : i32
      %swap3A_182 = arith.index_cast %add3A_181 : i32 to index
      %swap3A_183 = arith.constant 48 : index
      %swap3A_184 = tpu.vector_load %arg14[%swap3A_182, %swap3A_183] {strides = array<i32>} : memref<250x80xi32, #tpu.memory_space<vmem>>, vector<16xi32>,
      tpu.vector_store %arg14[%swap3A_182, %swap3A_183], %get3A_179 {strides = array<i32>} : memref<250x80xi32, #tpu.memory_space<vmem>>, vector<16xi32>,
      %mul3A_185 = arith.constant 80 : i32
      %mul3A_186 = arith.muli %add3A_141, %mul3A_185 : i32
      %add3A_187 = arith.constant 64 : i32
      %add3A_188 = arith.addi %mul3A_186, %add3A_187 : i32
      %get3A_189 = arith.index_cast %add3A_188 : i32 to index
      %get3A_190 = tpu.vector_load %arg15[%get3A_189] {strides = array<i32>} : memref<2000xi32, #tpu.memory_space<vmem>>, vector<16xi32>,
      %add3A_191 = arith.constant 100 : i32
      %add3A_192 = arith.addi %add3A_191, %add3A_141 : i32
      %swap3A_193 = arith.index_cast %add3A_192 : i32 to index
      %swap3A_194 = arith.constant 64 : index
      %swap3A_195 = tpu.vector_load %arg14[%swap3A_193, %swap3A_194] {strides = array<i32>} : memref<250x80xi32, #tpu.memory_space<vmem>>, vector<16xi32>,
      tpu.vector_store %arg14[%swap3A_193, %swap3A_194], %get3A_190 {strides = array<i32>} : memref<250x80xi32, #tpu.memory_space<vmem>>, vector<16xi32>,
    }
    %scan3A_34 = arith.constant 25 : i32
    %add3A_35 = arith.constant 10000 : i32
    %add3A_36 = arith.addi %mul3A_0, %add3A_35 : i32
    "tpu.region"() ({
      %run_scoped3A = tpu.sem_alloc : memref<!tpu.dma_semaphore, #tpu.memory_space<semaphore_mem>>
      %dma_start3A_137 = tpu.memref_slice %arg4[%add3A_36] : memref<320000xi32, #tpu.memory_space<hbm>> -> memref<2000xi32, #tpu.memory_space<hbm>>
      %dma_start3A_138 = tpu.memref_slice %arg4[%add3A_36] : memref<320000xi32, #tpu.memory_space<hbm>> -> memref<2000xi32, #tpu.memory_space<hbm>>
      tpu.enqueue_dma source(%dma_start3A_138 : memref<2000xi32, #tpu.memory_space<hbm>>) target(%arg15 : memref<2000xi32, #tpu.memory_space<vmem>>) target_semaphore(%run_scoped3A : memref<!tpu.dma_semaphore, #tpu.memory_space<semaphore_mem>>)
      %dma_wait3A_139 = tpu.memref_slice %arg4[%add3A_36] : memref<320000xi32, #tpu.memory_space<hbm>> -> memref<2000xi32, #tpu.memory_space<hbm>>
      %dma_wait3A_140 = tpu.memref_slice %arg4[%add3A_36] : memref<320000xi32, #tpu.memory_space<hbm>> -> memref<2000xi32, #tpu.memory_space<hbm>>
      tpu.wait_dma2 semaphore(%run_scoped3A : memref<!tpu.dma_semaphore, #tpu.memory_space<semaphore_mem>>) src(%dma_wait3A_140 : memref<2000xi32, #tpu.memory_space<hbm>>) dst(%arg15 : memref<2000xi32, #tpu.memory_space<vmem>>)
      tpu.yield
    }) : () -> ()
    %scan3A_37 = arith.constant 0 : i32
    %scan3A_38 = arith.constant 25 : i32
    %scan3A_39 = arith.addi %scan3A_37, %scan3A_38 : i32
    %scan3A_40 = arith.constant 1 : i32
    scf.for %scan3A_137 = %scan3A_37 to %scan3A_39 step %scan3A_40  : i32 {
      %mul3A_138 = arith.constant 1 : i32
      %mul3A_139 = arith.muli %scan3A_137, %mul3A_138 : i32
      %add3A_140 = arith.constant 0 : i32
      %add3A_141 = arith.addi %add3A_140, %mul3A_139 : i32
      %mul3A_142 = arith.constant 80 : i32
      %mul3A_143 = arith.muli %add3A_141, %mul3A_142 : i32
      %add3A_144 = arith.constant 0 : i32
      %add3A_145 = arith.addi %mul3A_143, %add3A_144 : i32
      %get3A_146 = arith.index_cast %add3A_145 : i32 to index
      %get3A_147 = tpu.vector_load %arg15[%get3A_146] {strides = array<i32>} : memref<2000xi32, #tpu.memory_space<vmem>>, vector<16xi32>,
      %add3A_148 = arith.constant 125 : i32
      %add3A_149 = arith.addi %add3A_148, %add3A_141 : i32
      %swap3A = arith.index_cast %add3A_149 : i32 to index
      %swap3A_150 = arith.constant 0 : index
      %swap3A_151 = tpu.vector_load %arg14[%swap3A, %swap3A_150] {strides = array<i32>} : memref<250x80xi32, #tpu.memory_space<vmem>>, vector<16xi32>,
      tpu.vector_store %arg14[%swap3A, %swap3A_150], %get3A_147 {strides = array<i32>} : memref<250x80xi32, #tpu.memory_space<vmem>>, vector<16xi32>,
      %mul3A_152 = arith.constant 80 : i32
      %mul3A_153 = arith.muli %add3A_141, %mul3A_152 : i32
      %add3A_154 = arith.constant 16 : i32
      %add3A_155 = arith.addi %mul3A_153, %add3A_154 : i32
      %get3A_156 = arith.index_cast %add3A_155 : i32 to index
      %get3A_157 = tpu.vector_load %arg15[%get3A_156] {strides = array<i32>} : memref<2000xi32, #tpu.memory_space<vmem>>, vector<16xi32>,
      %add3A_158 = arith.constant 125 : i32
      %add3A_159 = arith.addi %add3A_158, %add3A_141 : i32
      %swap3A_160 = arith.index_cast %add3A_159 : i32 to index
      %swap3A_161 = arith.constant 16 : index
      %swap3A_162 = tpu.vector_load %arg14[%swap3A_160, %swap3A_161] {strides = array<i32>} : memref<250x80xi32, #tpu.memory_space<vmem>>, vector<16xi32>,
      tpu.vector_store %arg14[%swap3A_160, %swap3A_161], %get3A_157 {strides = array<i32>} : memref<250x80xi32, #tpu.memory_space<vmem>>, vector<16xi32>,
      %mul3A_163 = arith.constant 80 : i32
      %mul3A_164 = arith.muli %add3A_141, %mul3A_163 : i32
      %add3A_165 = arith.constant 32 : i32
      %add3A_166 = arith.addi %mul3A_164, %add3A_165 : i32
      %get3A_167 = arith.index_cast %add3A_166 : i32 to index
      %get3A_168 = tpu.vector_load %arg15[%get3A_167] {strides = array<i32>} : memref<2000xi32, #tpu.memory_space<vmem>>, vector<16xi32>,
      %add3A_169 = arith.constant 125 : i32
      %add3A_170 = arith.addi %add3A_169, %add3A_141 : i32
      %swap3A_171 = arith.index_cast %add3A_170 : i32 to index
      %swap3A_172 = arith.constant 32 : index
      %swap3A_173 = tpu.vector_load %arg14[%swap3A_171, %swap3A_172] {strides = array<i32>} : memref<250x80xi32, #tpu.memory_space<vmem>>, vector<16xi32>,
      tpu.vector_store %arg14[%swap3A_171, %swap3A_172], %get3A_168 {strides = array<i32>} : memref<250x80xi32, #tpu.memory_space<vmem>>, vector<16xi32>,
      %mul3A_174 = arith.constant 80 : i32
      %mul3A_175 = arith.muli %add3A_141, %mul3A_174 : i32
      %add3A_176 = arith.constant 48 : i32
      %add3A_177 = arith.addi %mul3A_175, %add3A_176 : i32
      %get3A_178 = arith.index_cast %add3A_177 : i32 to index
      %get3A_179 = tpu.vector_load %arg15[%get3A_178] {strides = array<i32>} : memref<2000xi32, #tpu.memory_space<vmem>>, vector<16xi32>,
      %add3A_180 = arith.constant 125 : i32
      %add3A_181 = arith.addi %add3A_180, %add3A_141 : i32
      %swap3A_182 = arith.index_cast %add3A_181 : i32 to index
      %swap3A_183 = arith.constant 48 : index
      %swap3A_184 = tpu.vector_load %arg14[%swap3A_182, %swap3A_183] {strides = array<i32>} : memref<250x80xi32, #tpu.memory_space<vmem>>, vector<16xi32>,
      tpu.vector_store %arg14[%swap3A_182, %swap3A_183], %get3A_179 {strides = array<i32>} : memref<250x80xi32, #tpu.memory_space<vmem>>, vector<16xi32>,
      %mul3A_185 = arith.constant 80 : i32
      %mul3A_186 = arith.muli %add3A_141, %mul3A_185 : i32
      %add3A_187 = arith.constant 64 : i32
      %add3A_188 = arith.addi %mul3A_186, %add3A_187 : i32
      %get3A_189 = arith.index_cast %add3A_188 : i32 to index
      %get3A_190 = tpu.vector_load %arg15[%get3A_189] {strides = array<i32>} : memref<2000xi32, #tpu.memory_space<vmem>>, vector<16xi32>,
      %add3A_191 = arith.constant 125 : i32
      %add3A_192 = arith.addi %add3A_191, %add3A_141 : i32
      %swap3A_193 = arith.index_cast %add3A_192 : i32 to index
      %swap3A_194 = arith.constant 64 : index
      %swap3A_195 = tpu.vector_load %arg14[%swap3A_193, %swap3A_194] {strides = array<i32>} : memref<250x80xi32, #tpu.memory_space<vmem>>, vector<16xi32>,
      tpu.vector_store %arg14[%swap3A_193, %swap3A_194], %get3A_190 {strides = array<i32>} : memref<250x80xi32, #tpu.memory_space<vmem>>, vector<16xi32>,
    }
    %scan3A_41 = arith.constant 25 : i32
    %add3A_42 = arith.constant 12000 : i32
    %add3A_43 = arith.addi %mul3A_0, %add3A_42 : i32
    "tpu.region"() ({
      %run_scoped3A = tpu.sem_alloc : memref<!tpu.dma_semaphore, #tpu.memory_space<semaphore_mem>>
      %dma_start3A_137 = tpu.memref_slice %arg4[%add3A_43] : memref<320000xi32, #tpu.memory_space<hbm>> -> memref<2000xi32, #tpu.memory_space<hbm>>
      %dma_start3A_138 = tpu.memref_slice %arg4[%add3A_43] : memref<320000xi32, #tpu.memory_space<hbm>> -> memref<2000xi32, #tpu.memory_space<hbm>>
      tpu.enqueue_dma source(%dma_start3A_138 : memref<2000xi32, #tpu.memory_space<hbm>>) target(%arg15 : memref<2000xi32, #tpu.memory_space<vmem>>) target_semaphore(%run_scoped3A : memref<!tpu.dma_semaphore, #tpu.memory_space<semaphore_mem>>)
      %dma_wait3A_139 = tpu.memref_slice %arg4[%add3A_43] : memref<320000xi32, #tpu.memory_space<hbm>> -> memref<2000xi32, #tpu.memory_space<hbm>>
      %dma_wait3A_140 = tpu.memref_slice %arg4[%add3A_43] : memref<320000xi32, #tpu.memory_space<hbm>> -> memref<2000xi32, #tpu.memory_space<hbm>>
      tpu.wait_dma2 semaphore(%run_scoped3A : memref<!tpu.dma_semaphore, #tpu.memory_space<semaphore_mem>>) src(%dma_wait3A_140 : memref<2000xi32, #tpu.memory_space<hbm>>) dst(%arg15 : memref<2000xi32, #tpu.memory_space<vmem>>)
      tpu.yield
    }) : () -> ()
    %scan3A_44 = arith.constant 0 : i32
    %scan3A_45 = arith.constant 25 : i32
    %scan3A_46 = arith.addi %scan3A_44, %scan3A_45 : i32
    %scan3A_47 = arith.constant 1 : i32
    scf.for %scan3A_137 = %scan3A_44 to %scan3A_46 step %scan3A_47  : i32 {
      %mul3A_138 = arith.constant 1 : i32
      %mul3A_139 = arith.muli %scan3A_137, %mul3A_138 : i32
      %add3A_140 = arith.constant 0 : i32
      %add3A_141 = arith.addi %add3A_140, %mul3A_139 : i32
      %mul3A_142 = arith.constant 80 : i32
      %mul3A_143 = arith.muli %add3A_141, %mul3A_142 : i32
      %add3A_144 = arith.constant 0 : i32
      %add3A_145 = arith.addi %mul3A_143, %add3A_144 : i32
      %get3A_146 = arith.index_cast %add3A_145 : i32 to index
      %get3A_147 = tpu.vector_load %arg15[%get3A_146] {strides = array<i32>} : memref<2000xi32, #tpu.memory_space<vmem>>, vector<16xi32>,
      %add3A_148 = arith.constant 150 : i32
      %add3A_149 = arith.addi %add3A_148, %add3A_141 : i32
      %swap3A = arith.index_cast %add3A_149 : i32 to index
      %swap3A_150 = arith.constant 0 : index
      %swap3A_151 = tpu.vector_load %arg14[%swap3A, %swap3A_150] {strides = array<i32>} : memref<250x80xi32, #tpu.memory_space<vmem>>, vector<16xi32>,
      tpu.vector_store %arg14[%swap3A, %swap3A_150], %get3A_147 {strides = array<i32>} : memref<250x80xi32, #tpu.memory_space<vmem>>, vector<16xi32>,
      %mul3A_152 = arith.constant 80 : i32
      %mul3A_153 = arith.muli %add3A_141, %mul3A_152 : i32
      %add3A_154 = arith.constant 16 : i32
      %add3A_155 = arith.addi %mul3A_153, %add3A_154 : i32
      %get3A_156 = arith.index_cast %add3A_155 : i32 to index
      %get3A_157 = tpu.vector_load %arg15[%get3A_156] {strides = array<i32>} : memref<2000xi32, #tpu.memory_space<vmem>>, vector<16xi32>,
      %add3A_158 = arith.constant 150 : i32
      %add3A_159 = arith.addi %add3A_158, %add3A_141 : i32
      %swap3A_160 = arith.index_cast %add3A_159 : i32 to index
      %swap3A_161 = arith.constant 16 : index
      %swap3A_162 = tpu.vector_load %arg14[%swap3A_160, %swap3A_161] {strides = array<i32>} : memref<250x80xi32, #tpu.memory_space<vmem>>, vector<16xi32>,
      tpu.vector_store %arg14[%swap3A_160, %swap3A_161], %get3A_157 {strides = array<i32>} : memref<250x80xi32, #tpu.memory_space<vmem>>, vector<16xi32>,
      %mul3A_163 = arith.constant 80 : i32
      %mul3A_164 = arith.muli %add3A_141, %mul3A_163 : i32
      %add3A_165 = arith.constant 32 : i32
      %add3A_166 = arith.addi %mul3A_164, %add3A_165 : i32
      %get3A_167 = arith.index_cast %add3A_166 : i32 to index
      %get3A_168 = tpu.vector_load %arg15[%get3A_167] {strides = array<i32>} : memref<2000xi32, #tpu.memory_space<vmem>>, vector<16xi32>,
      %add3A_169 = arith.constant 150 : i32
      %add3A_170 = arith.addi %add3A_169, %add3A_141 : i32
      %swap3A_171 = arith.index_cast %add3A_170 : i32 to index
      %swap3A_172 = arith.constant 32 : index
      %swap3A_173 = tpu.vector_load %arg14[%swap3A_171, %swap3A_172] {strides = array<i32>} : memref<250x80xi32, #tpu.memory_space<vmem>>, vector<16xi32>,
      tpu.vector_store %arg14[%swap3A_171, %swap3A_172], %get3A_168 {strides = array<i32>} : memref<250x80xi32, #tpu.memory_space<vmem>>, vector<16xi32>,
      %mul3A_174 = arith.constant 80 : i32
      %mul3A_175 = arith.muli %add3A_141, %mul3A_174 : i32
      %add3A_176 = arith.constant 48 : i32
      %add3A_177 = arith.addi %mul3A_175, %add3A_176 : i32
      %get3A_178 = arith.index_cast %add3A_177 : i32 to index
      %get3A_179 = tpu.vector_load %arg15[%get3A_178] {strides = array<i32>} : memref<2000xi32, #tpu.memory_space<vmem>>, vector<16xi32>,
      %add3A_180 = arith.constant 150 : i32
      %add3A_181 = arith.addi %add3A_180, %add3A_141 : i32
      %swap3A_182 = arith.index_cast %add3A_181 : i32 to index
      %swap3A_183 = arith.constant 48 : index
      %swap3A_184 = tpu.vector_load %arg14[%swap3A_182, %swap3A_183] {strides = array<i32>} : memref<250x80xi32, #tpu.memory_space<vmem>>, vector<16xi32>,
      tpu.vector_store %arg14[%swap3A_182, %swap3A_183], %get3A_179 {strides = array<i32>} : memref<250x80xi32, #tpu.memory_space<vmem>>, vector<16xi32>,
      %mul3A_185 = arith.constant 80 : i32
      %mul3A_186 = arith.muli %add3A_141, %mul3A_185 : i32
      %add3A_187 = arith.constant 64 : i32
      %add3A_188 = arith.addi %mul3A_186, %add3A_187 : i32
      %get3A_189 = arith.index_cast %add3A_188 : i32 to index
      %get3A_190 = tpu.vector_load %arg15[%get3A_189] {strides = array<i32>} : memref<2000xi32, #tpu.memory_space<vmem>>, vector<16xi32>,
      %add3A_191 = arith.constant 150 : i32
      %add3A_192 = arith.addi %add3A_191, %add3A_141 : i32
      %swap3A_193 = arith.index_cast %add3A_192 : i32 to index
      %swap3A_194 = arith.constant 64 : index
      %swap3A_195 = tpu.vector_load %arg14[%swap3A_193, %swap3A_194] {strides = array<i32>} : memref<250x80xi32, #tpu.memory_space<vmem>>, vector<16xi32>,
      tpu.vector_store %arg14[%swap3A_193, %swap3A_194], %get3A_190 {strides = array<i32>} : memref<250x80xi32, #tpu.memory_space<vmem>>, vector<16xi32>,
    }
    %scan3A_48 = arith.constant 25 : i32
    %add3A_49 = arith.constant 14000 : i32
    %add3A_50 = arith.addi %mul3A_0, %add3A_49 : i32
    "tpu.region"() ({
      %run_scoped3A = tpu.sem_alloc : memref<!tpu.dma_semaphore, #tpu.memory_space<semaphore_mem>>
      %dma_start3A_137 = tpu.memref_slice %arg4[%add3A_50] : memref<320000xi32, #tpu.memory_space<hbm>> -> memref<2000xi32, #tpu.memory_space<hbm>>
      %dma_start3A_138 = tpu.memref_slice %arg4[%add3A_50] : memref<320000xi32, #tpu.memory_space<hbm>> -> memref<2000xi32, #tpu.memory_space<hbm>>
      tpu.enqueue_dma source(%dma_start3A_138 : memref<2000xi32, #tpu.memory_space<hbm>>) target(%arg15 : memref<2000xi32, #tpu.memory_space<vmem>>) target_semaphore(%run_scoped3A : memref<!tpu.dma_semaphore, #tpu.memory_space<semaphore_mem>>)
      %dma_wait3A_139 = tpu.memref_slice %arg4[%add3A_50] : memref<320000xi32, #tpu.memory_space<hbm>> -> memref<2000xi32, #tpu.memory_space<hbm>>
      %dma_wait3A_140 = tpu.memref_slice %arg4[%add3A_50] : memref<320000xi32, #tpu.memory_space<hbm>> -> memref<2000xi32, #tpu.memory_space<hbm>>
      tpu.wait_dma2 semaphore(%run_scoped3A : memref<!tpu.dma_semaphore, #tpu.memory_space<semaphore_mem>>) src(%dma_wait3A_140 : memref<2000xi32, #tpu.memory_space<hbm>>) dst(%arg15 : memref<2000xi32, #tpu.memory_space<vmem>>)
      tpu.yield
    }) : () -> ()
    %scan3A_51 = arith.constant 0 : i32
    %scan3A_52 = arith.constant 25 : i32
    %scan3A_53 = arith.addi %scan3A_51, %scan3A_52 : i32
    %scan3A_54 = arith.constant 1 : i32
    scf.for %scan3A_137 = %scan3A_51 to %scan3A_53 step %scan3A_54  : i32 {
      %mul3A_138 = arith.constant 1 : i32
      %mul3A_139 = arith.muli %scan3A_137, %mul3A_138 : i32
      %add3A_140 = arith.constant 0 : i32
      %add3A_141 = arith.addi %add3A_140, %mul3A_139 : i32
      %mul3A_142 = arith.constant 80 : i32
      %mul3A_143 = arith.muli %add3A_141, %mul3A_142 : i32
      %add3A_144 = arith.constant 0 : i32
      %add3A_145 = arith.addi %mul3A_143, %add3A_144 : i32
      %get3A_146 = arith.index_cast %add3A_145 : i32 to index
      %get3A_147 = tpu.vector_load %arg15[%get3A_146] {strides = array<i32>} : memref<2000xi32, #tpu.memory_space<vmem>>, vector<16xi32>,
      %add3A_148 = arith.constant 175 : i32
      %add3A_149 = arith.addi %add3A_148, %add3A_141 : i32
      %swap3A = arith.index_cast %add3A_149 : i32 to index
      %swap3A_150 = arith.constant 0 : index
      %swap3A_151 = tpu.vector_load %arg14[%swap3A, %swap3A_150] {strides = array<i32>} : memref<250x80xi32, #tpu.memory_space<vmem>>, vector<16xi32>,
      tpu.vector_store %arg14[%swap3A, %swap3A_150], %get3A_147 {strides = array<i32>} : memref<250x80xi32, #tpu.memory_space<vmem>>, vector<16xi32>,
      %mul3A_152 = arith.constant 80 : i32
      %mul3A_153 = arith.muli %add3A_141, %mul3A_152 : i32
      %add3A_154 = arith.constant 16 : i32
      %add3A_155 = arith.addi %mul3A_153, %add3A_154 : i32
      %get3A_156 = arith.index_cast %add3A_155 : i32 to index
      %get3A_157 = tpu.vector_load %arg15[%get3A_156] {strides = array<i32>} : memref<2000xi32, #tpu.memory_space<vmem>>, vector<16xi32>,
      %add3A_158 = arith.constant 175 : i32
      %add3A_159 = arith.addi %add3A_158, %add3A_141 : i32
      %swap3A_160 = arith.index_cast %add3A_159 : i32 to index
      %swap3A_161 = arith.constant 16 : index
      %swap3A_162 = tpu.vector_load %arg14[%swap3A_160, %swap3A_161] {strides = array<i32>} : memref<250x80xi32, #tpu.memory_space<vmem>>, vector<16xi32>,
      tpu.vector_store %arg14[%swap3A_160, %swap3A_161], %get3A_157 {strides = array<i32>} : memref<250x80xi32, #tpu.memory_space<vmem>>, vector<16xi32>,
      %mul3A_163 = arith.constant 80 : i32
      %mul3A_164 = arith.muli %add3A_141, %mul3A_163 : i32
      %add3A_165 = arith.constant 32 : i32
      %add3A_166 = arith.addi %mul3A_164, %add3A_165 : i32
      %get3A_167 = arith.index_cast %add3A_166 : i32 to index
      %get3A_168 = tpu.vector_load %arg15[%get3A_167] {strides = array<i32>} : memref<2000xi32, #tpu.memory_space<vmem>>, vector<16xi32>,
      %add3A_169 = arith.constant 175 : i32
      %add3A_170 = arith.addi %add3A_169, %add3A_141 : i32
      %swap3A_171 = arith.index_cast %add3A_170 : i32 to index
      %swap3A_172 = arith.constant 32 : index
      %swap3A_173 = tpu.vector_load %arg14[%swap3A_171, %swap3A_172] {strides = array<i32>} : memref<250x80xi32, #tpu.memory_space<vmem>>, vector<16xi32>,
      tpu.vector_store %arg14[%swap3A_171, %swap3A_172], %get3A_168 {strides = array<i32>} : memref<250x80xi32, #tpu.memory_space<vmem>>, vector<16xi32>,
      %mul3A_174 = arith.constant 80 : i32
      %mul3A_175 = arith.muli %add3A_141, %mul3A_174 : i32
      %add3A_176 = arith.constant 48 : i32
      %add3A_177 = arith.addi %mul3A_175, %add3A_176 : i32
      %get3A_178 = arith.index_cast %add3A_177 : i32 to index
      %get3A_179 = tpu.vector_load %arg15[%get3A_178] {strides = array<i32>} : memref<2000xi32, #tpu.memory_space<vmem>>, vector<16xi32>,
      %add3A_180 = arith.constant 175 : i32
      %add3A_181 = arith.addi %add3A_180, %add3A_141 : i32
      %swap3A_182 = arith.index_cast %add3A_181 : i32 to index
      %swap3A_183 = arith.constant 48 : index
      %swap3A_184 = tpu.vector_load %arg14[%swap3A_182, %swap3A_183] {strides = array<i32>} : memref<250x80xi32, #tpu.memory_space<vmem>>, vector<16xi32>,
      tpu.vector_store %arg14[%swap3A_182, %swap3A_183], %get3A_179 {strides = array<i32>} : memref<250x80xi32, #tpu.memory_space<vmem>>, vector<16xi32>,
      %mul3A_185 = arith.constant 80 : i32
      %mul3A_186 = arith.muli %add3A_141, %mul3A_185 : i32
      %add3A_187 = arith.constant 64 : i32
      %add3A_188 = arith.addi %mul3A_186, %add3A_187 : i32
      %get3A_189 = arith.index_cast %add3A_188 : i32 to index
      %get3A_190 = tpu.vector_load %arg15[%get3A_189] {strides = array<i32>} : memref<2000xi32, #tpu.memory_space<vmem>>, vector<16xi32>,
      %add3A_191 = arith.constant 175 : i32
      %add3A_192 = arith.addi %add3A_191, %add3A_141 : i32
      %swap3A_193 = arith.index_cast %add3A_192 : i32 to index
      %swap3A_194 = arith.constant 64 : index
      %swap3A_195 = tpu.vector_load %arg14[%swap3A_193, %swap3A_194] {strides = array<i32>} : memref<250x80xi32, #tpu.memory_space<vmem>>, vector<16xi32>,
      tpu.vector_store %arg14[%swap3A_193, %swap3A_194], %get3A_190 {strides = array<i32>} : memref<250x80xi32, #tpu.memory_space<vmem>>, vector<16xi32>,
    }
    %scan3A_55 = arith.constant 25 : i32
    %add3A_56 = arith.constant 16000 : i32
    %add3A_57 = arith.addi %mul3A_0, %add3A_56 : i32
    "tpu.region"() ({
      %run_scoped3A = tpu.sem_alloc : memref<!tpu.dma_semaphore, #tpu.memory_space<semaphore_mem>>
      %dma_start3A_137 = tpu.memref_slice %arg4[%add3A_57] : memref<320000xi32, #tpu.memory_space<hbm>> -> memref<2000xi32, #tpu.memory_space<hbm>>
      %dma_start3A_138 = tpu.memref_slice %arg4[%add3A_57] : memref<320000xi32, #tpu.memory_space<hbm>> -> memref<2000xi32, #tpu.memory_space<hbm>>
      tpu.enqueue_dma source(%dma_start3A_138 : memref<2000xi32, #tpu.memory_space<hbm>>) target(%arg15 : memref<2000xi32, #tpu.memory_space<vmem>>) target_semaphore(%run_scoped3A : memref<!tpu.dma_semaphore, #tpu.memory_space<semaphore_mem>>)
      %dma_wait3A_139 = tpu.memref_slice %arg4[%add3A_57] : memref<320000xi32, #tpu.memory_space<hbm>> -> memref<2000xi32, #tpu.memory_space<hbm>>
      %dma_wait3A_140 = tpu.memref_slice %arg4[%add3A_57] : memref<320000xi32, #tpu.memory_space<hbm>> -> memref<2000xi32, #tpu.memory_space<hbm>>
      tpu.wait_dma2 semaphore(%run_scoped3A : memref<!tpu.dma_semaphore, #tpu.memory_space<semaphore_mem>>) src(%dma_wait3A_140 : memref<2000xi32, #tpu.memory_space<hbm>>) dst(%arg15 : memref<2000xi32, #tpu.memory_space<vmem>>)
      tpu.yield
    }) : () -> ()
    %scan3A_58 = arith.constant 0 : i32
    %scan3A_59 = arith.constant 25 : i32
    %scan3A_60 = arith.addi %scan3A_58, %scan3A_59 : i32
    %scan3A_61 = arith.constant 1 : i32
    scf.for %scan3A_137 = %scan3A_58 to %scan3A_60 step %scan3A_61  : i32 {
      %mul3A_138 = arith.constant 1 : i32
      %mul3A_139 = arith.muli %scan3A_137, %mul3A_138 : i32
      %add3A_140 = arith.constant 0 : i32
      %add3A_141 = arith.addi %add3A_140, %mul3A_139 : i32
      %mul3A_142 = arith.constant 80 : i32
      %mul3A_143 = arith.muli %add3A_141, %mul3A_142 : i32
      %add3A_144 = arith.constant 0 : i32
      %add3A_145 = arith.addi %mul3A_143, %add3A_144 : i32
      %get3A_146 = arith.index_cast %add3A_145 : i32 to index
      %get3A_147 = tpu.vector_load %arg15[%get3A_146] {strides = array<i32>} : memref<2000xi32, #tpu.memory_space<vmem>>, vector<16xi32>,
      %add3A_148 = arith.constant 200 : i32
      %add3A_149 = arith.addi %add3A_148, %add3A_141 : i32
      %swap3A = arith.index_cast %add3A_149 : i32 to index
      %swap3A_150 = arith.constant 0 : index
      %swap3A_151 = tpu.vector_load %arg14[%swap3A, %swap3A_150] {strides = array<i32>} : memref<250x80xi32, #tpu.memory_space<vmem>>, vector<16xi32>,
      tpu.vector_store %arg14[%swap3A, %swap3A_150], %get3A_147 {strides = array<i32>} : memref<250x80xi32, #tpu.memory_space<vmem>>, vector<16xi32>,
      %mul3A_152 = arith.constant 80 : i32
      %mul3A_153 = arith.muli %add3A_141, %mul3A_152 : i32
      %add3A_154 = arith.constant 16 : i32
      %add3A_155 = arith.addi %mul3A_153, %add3A_154 : i32
      %get3A_156 = arith.index_cast %add3A_155 : i32 to index
      %get3A_157 = tpu.vector_load %arg15[%get3A_156] {strides = array<i32>} : memref<2000xi32, #tpu.memory_space<vmem>>, vector<16xi32>,
      %add3A_158 = arith.constant 200 : i32
      %add3A_159 = arith.addi %add3A_158, %add3A_141 : i32
      %swap3A_160 = arith.index_cast %add3A_159 : i32 to index
      %swap3A_161 = arith.constant 16 : index
      %swap3A_162 = tpu.vector_load %arg14[%swap3A_160, %swap3A_161] {strides = array<i32>} : memref<250x80xi32, #tpu.memory_space<vmem>>, vector<16xi32>,
      tpu.vector_store %arg14[%swap3A_160, %swap3A_161], %get3A_157 {strides = array<i32>} : memref<250x80xi32, #tpu.memory_space<vmem>>, vector<16xi32>,
      %mul3A_163 = arith.constant 80 : i32
      %mul3A_164 = arith.muli %add3A_141, %mul3A_163 : i32
      %add3A_165 = arith.constant 32 : i32
      %add3A_166 = arith.addi %mul3A_164, %add3A_165 : i32
      %get3A_167 = arith.index_cast %add3A_166 : i32 to index
      %get3A_168 = tpu.vector_load %arg15[%get3A_167] {strides = array<i32>} : memref<2000xi32, #tpu.memory_space<vmem>>, vector<16xi32>,
      %add3A_169 = arith.constant 200 : i32
      %add3A_170 = arith.addi %add3A_169, %add3A_141 : i32
      %swap3A_171 = arith.index_cast %add3A_170 : i32 to index
      %swap3A_172 = arith.constant 32 : index
      %swap3A_173 = tpu.vector_load %arg14[%swap3A_171, %swap3A_172] {strides = array<i32>} : memref<250x80xi32, #tpu.memory_space<vmem>>, vector<16xi32>,
      tpu.vector_store %arg14[%swap3A_171, %swap3A_172], %get3A_168 {strides = array<i32>} : memref<250x80xi32, #tpu.memory_space<vmem>>, vector<16xi32>,
      %mul3A_174 = arith.constant 80 : i32
      %mul3A_175 = arith.muli %add3A_141, %mul3A_174 : i32
      %add3A_176 = arith.constant 48 : i32
      %add3A_177 = arith.addi %mul3A_175, %add3A_176 : i32
      %get3A_178 = arith.index_cast %add3A_177 : i32 to index
      %get3A_179 = tpu.vector_load %arg15[%get3A_178] {strides = array<i32>} : memref<2000xi32, #tpu.memory_space<vmem>>, vector<16xi32>,
      %add3A_180 = arith.constant 200 : i32
      %add3A_181 = arith.addi %add3A_180, %add3A_141 : i32
      %swap3A_182 = arith.index_cast %add3A_181 : i32 to index
      %swap3A_183 = arith.constant 48 : index
      %swap3A_184 = tpu.vector_load %arg14[%swap3A_182, %swap3A_183] {strides = array<i32>} : memref<250x80xi32, #tpu.memory_space<vmem>>, vector<16xi32>,
      tpu.vector_store %arg14[%swap3A_182, %swap3A_183], %get3A_179 {strides = array<i32>} : memref<250x80xi32, #tpu.memory_space<vmem>>, vector<16xi32>,
      %mul3A_185 = arith.constant 80 : i32
      %mul3A_186 = arith.muli %add3A_141, %mul3A_185 : i32
      %add3A_187 = arith.constant 64 : i32
      %add3A_188 = arith.addi %mul3A_186, %add3A_187 : i32
      %get3A_189 = arith.index_cast %add3A_188 : i32 to index
      %get3A_190 = tpu.vector_load %arg15[%get3A_189] {strides = array<i32>} : memref<2000xi32, #tpu.memory_space<vmem>>, vector<16xi32>,
      %add3A_191 = arith.constant 200 : i32
      %add3A_192 = arith.addi %add3A_191, %add3A_141 : i32
      %swap3A_193 = arith.index_cast %add3A_192 : i32 to index
      %swap3A_194 = arith.constant 64 : index
      %swap3A_195 = tpu.vector_load %arg14[%swap3A_193, %swap3A_194] {strides = array<i32>} : memref<250x80xi32, #tpu.memory_space<vmem>>, vector<16xi32>,
      tpu.vector_store %arg14[%swap3A_193, %swap3A_194], %get3A_190 {strides = array<i32>} : memref<250x80xi32, #tpu.memory_space<vmem>>, vector<16xi32>,
    }
    %scan3A_62 = arith.constant 25 : i32
    %add3A_63 = arith.constant 18000 : i32
    %add3A_64 = arith.addi %mul3A_0, %add3A_63 : i32
    "tpu.region"() ({
      %run_scoped3A = tpu.sem_alloc : memref<!tpu.dma_semaphore, #tpu.memory_space<semaphore_mem>>
      %dma_start3A_137 = tpu.memref_slice %arg4[%add3A_64] : memref<320000xi32, #tpu.memory_space<hbm>> -> memref<2000xi32, #tpu.memory_space<hbm>>
      %dma_start3A_138 = tpu.memref_slice %arg4[%add3A_64] : memref<320000xi32, #tpu.memory_space<hbm>> -> memref<2000xi32, #tpu.memory_space<hbm>>
      tpu.enqueue_dma source(%dma_start3A_138 : memref<2000xi32, #tpu.memory_space<hbm>>) target(%arg15 : memref<2000xi32, #tpu.memory_space<vmem>>) target_semaphore(%run_scoped3A : memref<!tpu.dma_semaphore, #tpu.memory_space<semaphore_mem>>)
      %dma_wait3A_139 = tpu.memref_slice %arg4[%add3A_64] : memref<320000xi32, #tpu.memory_space<hbm>> -> memref<2000xi32, #tpu.memory_space<hbm>>
      %dma_wait3A_140 = tpu.memref_slice %arg4[%add3A_64] : memref<320000xi32, #tpu.memory_space<hbm>> -> memref<2000xi32, #tpu.memory_space<hbm>>
      tpu.wait_dma2 semaphore(%run_scoped3A : memref<!tpu.dma_semaphore, #tpu.memory_space<semaphore_mem>>) src(%dma_wait3A_140 : memref<2000xi32, #tpu.memory_space<hbm>>) dst(%arg15 : memref<2000xi32, #tpu.memory_space<vmem>>)
      tpu.yield
    }) : () -> ()
    %scan3A_65 = arith.constant 0 : i32
    %scan3A_66 = arith.constant 25 : i32
    %scan3A_67 = arith.addi %scan3A_65, %scan3A_66 : i32
    %scan3A_68 = arith.constant 1 : i32
    scf.for %scan3A_137 = %scan3A_65 to %scan3A_67 step %scan3A_68  : i32 {
      %mul3A_138 = arith.constant 1 : i32
      %mul3A_139 = arith.muli %scan3A_137, %mul3A_138 : i32
      %add3A_140 = arith.constant 0 : i32
      %add3A_141 = arith.addi %add3A_140, %mul3A_139 : i32
      %mul3A_142 = arith.constant 80 : i32
      %mul3A_143 = arith.muli %add3A_141, %mul3A_142 : i32
      %add3A_144 = arith.constant 0 : i32
      %add3A_145 = arith.addi %mul3A_143, %add3A_144 : i32
      %get3A_146 = arith.index_cast %add3A_145 : i32 to index
      %get3A_147 = tpu.vector_load %arg15[%get3A_146] {strides = array<i32>} : memref<2000xi32, #tpu.memory_space<vmem>>, vector<16xi32>,
      %add3A_148 = arith.constant 225 : i32
      %add3A_149 = arith.addi %add3A_148, %add3A_141 : i32
      %swap3A = arith.index_cast %add3A_149 : i32 to index
      %swap3A_150 = arith.constant 0 : index
      %swap3A_151 = tpu.vector_load %arg14[%swap3A, %swap3A_150] {strides = array<i32>} : memref<250x80xi32, #tpu.memory_space<vmem>>, vector<16xi32>,
      tpu.vector_store %arg14[%swap3A, %swap3A_150], %get3A_147 {strides = array<i32>} : memref<250x80xi32, #tpu.memory_space<vmem>>, vector<16xi32>,
      %mul3A_152 = arith.constant 80 : i32
      %mul3A_153 = arith.muli %add3A_141, %mul3A_152 : i32
      %add3A_154 = arith.constant 16 : i32
      %add3A_155 = arith.addi %mul3A_153, %add3A_154 : i32
      %get3A_156 = arith.index_cast %add3A_155 : i32 to index
      %get3A_157 = tpu.vector_load %arg15[%get3A_156] {strides = array<i32>} : memref<2000xi32, #tpu.memory_space<vmem>>, vector<16xi32>,
      %add3A_158 = arith.constant 225 : i32
      %add3A_159 = arith.addi %add3A_158, %add3A_141 : i32
      %swap3A_160 = arith.index_cast %add3A_159 : i32 to index
      %swap3A_161 = arith.constant 16 : index
      %swap3A_162 = tpu.vector_load %arg14[%swap3A_160, %swap3A_161] {strides = array<i32>} : memref<250x80xi32, #tpu.memory_space<vmem>>, vector<16xi32>,
      tpu.vector_store %arg14[%swap3A_160, %swap3A_161], %get3A_157 {strides = array<i32>} : memref<250x80xi32, #tpu.memory_space<vmem>>, vector<16xi32>,
      %mul3A_163 = arith.constant 80 : i32
      %mul3A_164 = arith.muli %add3A_141, %mul3A_163 : i32
      %add3A_165 = arith.constant 32 : i32
      %add3A_166 = arith.addi %mul3A_164, %add3A_165 : i32
      %get3A_167 = arith.index_cast %add3A_166 : i32 to index
      %get3A_168 = tpu.vector_load %arg15[%get3A_167] {strides = array<i32>} : memref<2000xi32, #tpu.memory_space<vmem>>, vector<16xi32>,
      %add3A_169 = arith.constant 225 : i32
      %add3A_170 = arith.addi %add3A_169, %add3A_141 : i32
      %swap3A_171 = arith.index_cast %add3A_170 : i32 to index
      %swap3A_172 = arith.constant 32 : index
      %swap3A_173 = tpu.vector_load %arg14[%swap3A_171, %swap3A_172] {strides = array<i32>} : memref<250x80xi32, #tpu.memory_space<vmem>>, vector<16xi32>,
      tpu.vector_store %arg14[%swap3A_171, %swap3A_172], %get3A_168 {strides = array<i32>} : memref<250x80xi32, #tpu.memory_space<vmem>>, vector<16xi32>,
      %mul3A_174 = arith.constant 80 : i32
      %mul3A_175 = arith.muli %add3A_141, %mul3A_174 : i32
      %add3A_176 = arith.constant 48 : i32
      %add3A_177 = arith.addi %mul3A_175, %add3A_176 : i32
      %get3A_178 = arith.index_cast %add3A_177 : i32 to index
      %get3A_179 = tpu.vector_load %arg15[%get3A_178] {strides = array<i32>} : memref<2000xi32, #tpu.memory_space<vmem>>, vector<16xi32>,
      %add3A_180 = arith.constant 225 : i32
      %add3A_181 = arith.addi %add3A_180, %add3A_141 : i32
      %swap3A_182 = arith.index_cast %add3A_181 : i32 to index
      %swap3A_183 = arith.constant 48 : index
      %swap3A_184 = tpu.vector_load %arg14[%swap3A_182, %swap3A_183] {strides = array<i32>} : memref<250x80xi32, #tpu.memory_space<vmem>>, vector<16xi32>,
      tpu.vector_store %arg14[%swap3A_182, %swap3A_183], %get3A_179 {strides = array<i32>} : memref<250x80xi32, #tpu.memory_space<vmem>>, vector<16xi32>,
      %mul3A_185 = arith.constant 80 : i32
      %mul3A_186 = arith.muli %add3A_141, %mul3A_185 : i32
      %add3A_187 = arith.constant 64 : i32
      %add3A_188 = arith.addi %mul3A_186, %add3A_187 : i32
      %get3A_189 = arith.index_cast %add3A_188 : i32 to index
      %get3A_190 = tpu.vector_load %arg15[%get3A_189] {strides = array<i32>} : memref<2000xi32, #tpu.memory_space<vmem>>, vector<16xi32>,
      %add3A_191 = arith.constant 225 : i32
      %add3A_192 = arith.addi %add3A_191, %add3A_141 : i32
      %swap3A_193 = arith.index_cast %add3A_192 : i32 to index
      %swap3A_194 = arith.constant 64 : index
      %swap3A_195 = tpu.vector_load %arg14[%swap3A_193, %swap3A_194] {strides = array<i32>} : memref<250x80xi32, #tpu.memory_space<vmem>>, vector<16xi32>,
      tpu.vector_store %arg14[%swap3A_193, %swap3A_194], %get3A_190 {strides = array<i32>} : memref<250x80xi32, #tpu.memory_space<vmem>>, vector<16xi32>,
    }
    %scan3A_69 = arith.constant 25 : i32
    %scan3A_70 = arith.constant 0 : i32
    %scan3A_71 = arith.constant 80 : i32
    %scan3A_72 = arith.addi %scan3A_70, %scan3A_71 : i32
    %scan3A_73 = arith.constant 1 : i32
    scf.for %scan3A_137 = %scan3A_70 to %scan3A_72 step %scan3A_73  : i32 {
      %mul3A_138 = arith.constant 1 : i32
      %mul3A_139 = arith.muli %scan3A_137, %mul3A_138 : i32
      %add3A_140 = arith.constant 0 : i32
      %add3A_141 = arith.addi %add3A_140, %mul3A_139 : i32
      %broadcast_in_dim3A_142 = arith.constant 0.000000e+00 : f32
      %broadcast_in_dim3A_143 = vector.broadcast %broadcast_in_dim3A_142 : f32 to vector<16xf32>
      %swap3A = arith.index_cast %add3A_141 : i32 to index
      %swap3A_144 = arith.constant 0 : index
      %swap3A_145 = tpu.vector_load %arg17[%swap3A, %swap3A_144] {strides = array<i32>} : memref<80x64xf32, #tpu.memory_space<vmem>>, vector<16xf32>,
      tpu.vector_store %arg17[%swap3A, %swap3A_144], %broadcast_in_dim3A_143 {strides = array<i32>} : memref<80x64xf32, #tpu.memory_space<vmem>>, vector<16xf32>,
      %broadcast_in_dim3A_146 = arith.constant 0.000000e+00 : f32
      %broadcast_in_dim3A_147 = vector.broadcast %broadcast_in_dim3A_146 : f32 to vector<16xf32>
      %swap3A_148 = arith.index_cast %add3A_141 : i32 to index
      %swap3A_149 = arith.constant 16 : index
      %swap3A_150 = tpu.vector_load %arg17[%swap3A_148, %swap3A_149] {strides = array<i32>} : memref<80x64xf32, #tpu.memory_space<vmem>>, vector<16xf32>,
      tpu.vector_store %arg17[%swap3A_148, %swap3A_149], %broadcast_in_dim3A_147 {strides = array<i32>} : memref<80x64xf32, #tpu.memory_space<vmem>>, vector<16xf32>,
      %broadcast_in_dim3A_151 = arith.constant 0.000000e+00 : f32
      %broadcast_in_dim3A_152 = vector.broadcast %broadcast_in_dim3A_151 : f32 to vector<16xf32>
      %swap3A_153 = arith.index_cast %add3A_141 : i32 to index
      %swap3A_154 = arith.constant 32 : index
      %swap3A_155 = tpu.vector_load %arg17[%swap3A_153, %swap3A_154] {strides = array<i32>} : memref<80x64xf32, #tpu.memory_space<vmem>>, vector<16xf32>,
      tpu.vector_store %arg17[%swap3A_153, %swap3A_154], %broadcast_in_dim3A_152 {strides = array<i32>} : memref<80x64xf32, #tpu.memory_space<vmem>>, vector<16xf32>,
      %broadcast_in_dim3A_156 = arith.constant 0.000000e+00 : f32
      %broadcast_in_dim3A_157 = vector.broadcast %broadcast_in_dim3A_156 : f32 to vector<16xf32>
      %swap3A_158 = arith.index_cast %add3A_141 : i32 to index
      %swap3A_159 = arith.constant 48 : index
      %swap3A_160 = tpu.vector_load %arg17[%swap3A_158, %swap3A_159] {strides = array<i32>} : memref<80x64xf32, #tpu.memory_space<vmem>>, vector<16xf32>,
      tpu.vector_store %arg17[%swap3A_158, %swap3A_159], %broadcast_in_dim3A_157 {strides = array<i32>} : memref<80x64xf32, #tpu.memory_space<vmem>>, vector<16xf32>,
      %broadcast_in_dim3A_161 = arith.constant 0.000000e+00 : f32
      %broadcast_in_dim3A_162 = vector.broadcast %broadcast_in_dim3A_161 : f32 to vector<16xf32>
      %swap3A_163 = arith.index_cast %add3A_141 : i32 to index
      %swap3A_164 = arith.constant 0 : index
      %swap3A_165 = tpu.vector_load %arg19[%swap3A_163, %swap3A_164] {strides = array<i32>} : memref<80x16xf32, #tpu.memory_space<vmem>>, vector<16xf32>,
      tpu.vector_store %arg19[%swap3A_163, %swap3A_164], %broadcast_in_dim3A_162 {strides = array<i32>} : memref<80x16xf32, #tpu.memory_space<vmem>>, vector<16xf32>,
    }
    %scan3A_74 = arith.constant 80 : i32
    %scan3A_75 = arith.constant 0 : i32
    %scan3A_76 = arith.constant 8 : i32
    %scan3A_77 = arith.addi %scan3A_75, %scan3A_76 : i32
    %scan3A_78 = arith.constant 1 : i32
    scf.for %scan3A_137 = %scan3A_75 to %scan3A_77 step %scan3A_78  : i32 {
      %mul3A_138 = arith.constant 1 : i32
      %mul3A_139 = arith.muli %scan3A_137, %mul3A_138 : i32
      %add3A_140 = arith.constant 0 : i32
      %add3A_141 = arith.addi %add3A_140, %mul3A_139 : i32
      %mul3A_142 = arith.constant 16 : i32
      %mul3A_143 = arith.muli %add3A_141, %mul3A_142 : i32
      %add3A_144 = arith.addi %mul3A_143, %arg1 : i32
      %lt3A = arith.constant 125 : i32
      %lt3A_145 = arith.cmpi slt, %add3A_144, %lt3A : i32
      %convert_element_type3A = arith.extui %lt3A_145 : i1 to i32
      %cond3A = arith.constant 0 : i32
      %cond3A_146 = arith.cmpi ne, %convert_element_type3A, %cond3A : i32
      scf.if %cond3A_146 {
        %mul3A_147 = arith.constant 80 : i32
        %mul3A_148 = arith.muli %add3A_144, %mul3A_147 : i32
        %dma_start3A_149 = arith.constant 0 : i32
        %dma_start3A_150 = tpu.memref_slice %arg21[%mul3A_148, %dma_start3A_149] : memref<10000x64xf32, #tpu.memory_space<vmem_shared>> -> memref<80x64xf32, #tpu.memory_space<vmem_shared>>
        %dma_start3A_151 = arith.constant 0 : i32
        %dma_start3A_152 = tpu.memref_slice %arg21[%mul3A_148, %dma_start3A_151] : memref<10000x64xf32, #tpu.memory_space<vmem_shared>> -> memref<80x64xf32, #tpu.memory_space<vmem_shared>>
        tpu.enqueue_dma source(%arg17 : memref<80x64xf32, #tpu.memory_space<vmem>>) target(%dma_start3A_152 : memref<80x64xf32, #tpu.memory_space<vmem_shared>>) target_semaphore(%arg23 : memref<!tpu.dma_semaphore, #tpu.memory_space<semaphore_mem>>)
        %mul3A_153 = arith.constant 80 : i32
        %mul3A_154 = arith.muli %add3A_144, %mul3A_153 : i32
        %dma_start3A_155 = arith.constant 0 : i32
        %dma_start3A_156 = tpu.memref_slice %arg22[%mul3A_154, %dma_start3A_155] : memref<10000x16xf32, #tpu.memory_space<vmem_shared>> -> memref<80x16xf32, #tpu.memory_space<vmem_shared>>
        %dma_start3A_157 = arith.constant 0 : i32
        %dma_start3A_158 = tpu.memref_slice %arg22[%mul3A_154, %dma_start3A_157] : memref<10000x16xf32, #tpu.memory_space<vmem_shared>> -> memref<80x16xf32, #tpu.memory_space<vmem_shared>>
        tpu.enqueue_dma source(%arg19 : memref<80x16xf32, #tpu.memory_space<vmem>>) target(%dma_start3A_158 : memref<80x16xf32, #tpu.memory_space<vmem_shared>>) target_semaphore(%arg24 : memref<!tpu.dma_semaphore, #tpu.memory_space<semaphore_mem>>)
      } else {
      }
    }
    %scan3A_79 = arith.constant 8 : i32
    tpu.wait_dma2 semaphore(%arg23 : memref<!tpu.dma_semaphore, #tpu.memory_space<semaphore_mem>>) src(%arg5 : memref<10000xf32, #tpu.memory_space<hbm>>) dst(%arg10 : memref<10000xf32, #tpu.memory_space<vmem>>)
    tpu.wait_dma2 semaphore(%arg24 : memref<!tpu.dma_semaphore, #tpu.memory_space<semaphore_mem>>) src(%arg6 : memref<10000xf32, #tpu.memory_space<hbm>>) dst(%arg11 : memref<10000xf32, #tpu.memory_space<vmem>>)
    tpu.wait_dma2 semaphore(%arg25 : memref<!tpu.dma_semaphore, #tpu.memory_space<semaphore_mem>>) src(%arg7 : memref<16xf32, #tpu.memory_space<hbm>>) dst(%arg12 : memref<16xf32, #tpu.memory_space<vmem>>)
    %dma_wait3A = tpu.memref_slice %arg3[%mul3A_0] : memref<320000xi32, #tpu.memory_space<hbm>> -> memref<20000xi32, #tpu.memory_space<hbm>>
    %dma_wait3A_80 = tpu.memref_slice %arg3[%mul3A_0] : memref<320000xi32, #tpu.memory_space<hbm>> -> memref<20000xi32, #tpu.memory_space<hbm>>
    tpu.wait_dma2 semaphore(%arg26 : memref<!tpu.dma_semaphore, #tpu.memory_space<semaphore_mem>>) src(%dma_wait3A_80 : memref<20000xi32, #tpu.memory_space<hbm>>) dst(%arg13 : memref<20000xi32, #tpu.memory_space<vmem>>)
    %scan3A_81 = arith.constant 0 : i32
    %scan3A_82 = arith.constant 8 : i32
    %scan3A_83 = arith.addi %scan3A_81, %scan3A_82 : i32
    %scan3A_84 = arith.constant 1 : i32
    scf.for %scan3A_137 = %scan3A_81 to %scan3A_83 step %scan3A_84  : i32 {
      %mul3A_138 = arith.constant 1 : i32
      %mul3A_139 = arith.muli %scan3A_137, %mul3A_138 : i32
      %add3A_140 = arith.constant 0 : i32
      %add3A_141 = arith.addi %add3A_140, %mul3A_139 : i32
      %mul3A_142 = arith.constant 16 : i32
      %mul3A_143 = arith.muli %add3A_141, %mul3A_142 : i32
      %add3A_144 = arith.addi %mul3A_143, %arg1 : i32
      %lt3A = arith.constant 125 : i32
      %lt3A_145 = arith.cmpi slt, %add3A_144, %lt3A : i32
      %convert_element_type3A = arith.extui %lt3A_145 : i1 to i32
      %cond3A = arith.constant 0 : i32
      %cond3A_146 = arith.cmpi ne, %convert_element_type3A, %cond3A : i32
      scf.if %cond3A_146 {
        %dma_wait3A_147 = arith.constant 0 : i32
        %dma_wait3A_148 = arith.constant 0 : i32
        %dma_wait3A_149 = tpu.memref_slice %arg21[%dma_wait3A_147, %dma_wait3A_148] : memref<10000x64xf32, #tpu.memory_space<vmem_shared>> -> memref<80x64xf32, #tpu.memory_space<vmem_shared>>
        %dma_wait3A_150 = arith.constant 0 : i32
        %dma_wait3A_151 = arith.constant 0 : i32
        %dma_wait3A_152 = tpu.memref_slice %arg21[%dma_wait3A_150, %dma_wait3A_151] : memref<10000x64xf32, #tpu.memory_space<vmem_shared>> -> memref<80x64xf32, #tpu.memory_space<vmem_shared>>
        tpu.wait_dma2 semaphore(%arg23 : memref<!tpu.dma_semaphore, #tpu.memory_space<semaphore_mem>>) src(%arg17 : memref<80x64xf32, #tpu.memory_space<vmem>>) dst(%dma_wait3A_152 : memref<80x64xf32, #tpu.memory_space<vmem_shared>>)
        %dma_wait3A_153 = arith.constant 0 : i32
        %dma_wait3A_154 = arith.constant 0 : i32
        %dma_wait3A_155 = tpu.memref_slice %arg22[%dma_wait3A_153, %dma_wait3A_154] : memref<10000x16xf32, #tpu.memory_space<vmem_shared>> -> memref<80x16xf32, #tpu.memory_space<vmem_shared>>
        %dma_wait3A_156 = arith.constant 0 : i32
        %dma_wait3A_157 = arith.constant 0 : i32
        %dma_wait3A_158 = tpu.memref_slice %arg22[%dma_wait3A_156, %dma_wait3A_157] : memref<10000x16xf32, #tpu.memory_space<vmem_shared>> -> memref<80x16xf32, #tpu.memory_space<vmem_shared>>
        tpu.wait_dma2 semaphore(%arg24 : memref<!tpu.dma_semaphore, #tpu.memory_space<semaphore_mem>>) src(%arg19 : memref<80x16xf32, #tpu.memory_space<vmem>>) dst(%dma_wait3A_158 : memref<80x16xf32, #tpu.memory_space<vmem_shared>>)
      } else {
      }
    }
    %scan3A_85 = arith.constant 8 : i32
    %barrier3A = arith.constant 0 : index
    tpu.barrier barrier_id(%barrier3A)
    %get3A = arith.constant 0 : index
    %get3A_86 = tpu.vector_load %arg12[%get3A] {strides = array<i32>} : memref<16xf32, #tpu.memory_space<vmem>>, vector<16xf32>,
    %broadcast_in_dim3A = arith.constant 0 : i32
    %broadcast_in_dim3A_87 = vector.broadcast %broadcast_in_dim3A : i32 to vector<16xi32>
    %iota3A = tpu.iota {dimensions = array<i32: 0>} : vector<16xi32>
    %eq3A = arith.constant 0 : i32
    %eq3A_88 = vector.broadcast %eq3A : i32 to vector<16xi32>
    %eq3A_89 = arith.cmpi eq, %iota3A, %eq3A_88 : vector<16xi32>
    %jit3A = arith.constant 1.000000e+00 : f32
    %jit3A_90 = arith.constant 0.000000e+00 : f32
    %broadcast_in_dim3A_91 = vector.broadcast %jit3A : f32 to vector<16xf32>
    %broadcast_in_dim3A_92 = vector.broadcast %jit3A_90 : f32 to vector<16xf32>
    %select_n3A = arith.select %eq3A_89, %broadcast_in_dim3A_91, %broadcast_in_dim3A_92 : vector<16xi1>, vector<16xf32>
    %scan3A_93 = arith.constant 0 : i32
    %scan3A_94 = arith.constant 125 : i32
    %scan3A_95 = arith.addi %scan3A_93, %scan3A_94 : i32
    %scan3A_96 = arith.constant 1 : i32
    scf.for %scan3A_137 = %scan3A_93 to %scan3A_95 step %scan3A_96  : i32 {
      %mul3A_138 = arith.constant 2 : i32
      %mul3A_139 = arith.muli %scan3A_137, %mul3A_138 : i32
      %add3A_140 = arith.constant 0 : i32
      %add3A_141 = arith.addi %add3A_140, %mul3A_139 : i32
      %gt3A = arith.constant 0 : i32
      %gt3A_142 = arith.cmpi sgt, %add3A_141, %gt3A : i32
      %convert_element_type3A = arith.extui %gt3A_142 : i1 to i32
      %cond3A = arith.constant 0 : i32
      %cond3A_143 = arith.cmpi ne, %convert_element_type3A, %cond3A : i32
      scf.if %cond3A_143 {
        %dma_wait3A_231 = arith.constant 0 : i32
        %dma_wait3A_232 = arith.constant 0 : i32
        %dma_wait3A_233 = tpu.memref_slice %arg14[%dma_wait3A_231, %dma_wait3A_232] : memref<250x80xi32, #tpu.memory_space<vmem>> -> memref<1x80xi32, #tpu.memory_space<vmem>>
        %dma_wait3A_234 = tpu.memref_squeeze %dma_wait3A_233 : memref<1x80xi32, #tpu.memory_space<vmem>> -> memref<80xi32, #tpu.memory_space<vmem>>
        %dma_wait3A_235 = arith.constant 0 : i32
        %dma_wait3A_236 = arith.constant 0 : i32
        %dma_wait3A_237 = tpu.memref_slice %arg21[%dma_wait3A_235, %dma_wait3A_236] : memref<10000x64xf32, #tpu.memory_space<vmem_shared>> -> memref<10000x64xf32, #tpu.memory_space<vmem_shared>>
        tpu.wait_indirect_dma semaphore(%arg25 : memref<!tpu.dma_semaphore, #tpu.memory_space<semaphore_mem>>) src(%arg17 : memref<80x64xf32, #tpu.memory_space<vmem>>) dst(%dma_wait3A_237 : memref<10000x64xf32, #tpu.memory_space<vmem_shared>>)
        %dma_wait3A_238 = arith.constant 0 : i32
        %dma_wait3A_239 = arith.constant 0 : i32
        %dma_wait3A_240 = tpu.memref_slice %arg14[%dma_wait3A_238, %dma_wait3A_239] : memref<250x80xi32, #tpu.memory_space<vmem>> -> memref<1x80xi32, #tpu.memory_space<vmem>>
        %dma_wait3A_241 = tpu.memref_squeeze %dma_wait3A_240 : memref<1x80xi32, #tpu.memory_space<vmem>> -> memref<80xi32, #tpu.memory_space<vmem>>
        %dma_wait3A_242 = arith.constant 0 : i32
        %dma_wait3A_243 = arith.constant 0 : i32
        %dma_wait3A_244 = tpu.memref_slice %arg22[%dma_wait3A_242, %dma_wait3A_243] : memref<10000x16xf32, #tpu.memory_space<vmem_shared>> -> memref<10000x16xf32, #tpu.memory_space<vmem_shared>>
        tpu.wait_indirect_dma semaphore(%arg27 : memref<!tpu.dma_semaphore, #tpu.memory_space<semaphore_mem>>) src(%arg19 : memref<80x16xf32, #tpu.memory_space<vmem>>) dst(%dma_wait3A_244 : memref<10000x16xf32, #tpu.memory_space<vmem_shared>>)
        %dma_wait3A_245 = arith.constant 0 : i32
        %dma_wait3A_246 = arith.constant 0 : i32
        %dma_wait3A_247 = tpu.memref_slice %arg14[%dma_wait3A_245, %dma_wait3A_246] : memref<250x80xi32, #tpu.memory_space<vmem>> -> memref<1x80xi32, #tpu.memory_space<vmem>>
        %dma_wait3A_248 = tpu.memref_squeeze %dma_wait3A_247 : memref<1x80xi32, #tpu.memory_space<vmem>> -> memref<80xi32, #tpu.memory_space<vmem>>
        %dma_wait3A_249 = arith.constant 0 : i32
        %dma_wait3A_250 = arith.constant 0 : i32
        %dma_wait3A_251 = tpu.memref_slice %arg21[%dma_wait3A_249, %dma_wait3A_250] : memref<10000x64xf32, #tpu.memory_space<vmem_shared>> -> memref<10000x64xf32, #tpu.memory_space<vmem_shared>>
        tpu.wait_indirect_dma semaphore(%arg26 : memref<!tpu.dma_semaphore, #tpu.memory_space<semaphore_mem>>) src(%arg18 : memref<80x64xf32, #tpu.memory_space<vmem>>) dst(%dma_wait3A_251 : memref<10000x64xf32, #tpu.memory_space<vmem_shared>>)
        %dma_wait3A_252 = arith.constant 0 : i32
        %dma_wait3A_253 = arith.constant 0 : i32
        %dma_wait3A_254 = tpu.memref_slice %arg14[%dma_wait3A_252, %dma_wait3A_253] : memref<250x80xi32, #tpu.memory_space<vmem>> -> memref<1x80xi32, #tpu.memory_space<vmem>>
        %dma_wait3A_255 = tpu.memref_squeeze %dma_wait3A_254 : memref<1x80xi32, #tpu.memory_space<vmem>> -> memref<80xi32, #tpu.memory_space<vmem>>
        %dma_wait3A_256 = arith.constant 0 : i32
        %dma_wait3A_257 = arith.constant 0 : i32
        %dma_wait3A_258 = tpu.memref_slice %arg22[%dma_wait3A_256, %dma_wait3A_257] : memref<10000x16xf32, #tpu.memory_space<vmem_shared>> -> memref<10000x16xf32, #tpu.memory_space<vmem_shared>>
        tpu.wait_indirect_dma semaphore(%arg28 : memref<!tpu.dma_semaphore, #tpu.memory_space<semaphore_mem>>) src(%arg20 : memref<80x16xf32, #tpu.memory_space<vmem>>) dst(%dma_wait3A_258 : memref<10000x16xf32, #tpu.memory_space<vmem_shared>>)
      } else {
      }
      %add3A_144 = arith.constant 0 : i32
      %add3A_145 = arith.addi %add3A_141, %add3A_144 : i32
      %mul3A_146 = arith.constant 80 : i32
      %mul3A_147 = arith.muli %add3A_145, %mul3A_146 : i32
      %dma_start3A_148 = tpu.memref_slice %arg13[%mul3A_147] : memref<20000xi32, #tpu.memory_space<vmem>> -> memref<80xi32, #tpu.memory_space<vmem>>
      %dma_start3A_149 = arith.constant 0 : i32
      %dma_start3A_150 = arith.constant 0 : i32
      %dma_start3A_151 = tpu.memref_slice %arg2[%arg0, %dma_start3A_149, %dma_start3A_150] : memref<2x10000x64xf32, #tpu.memory_space<hbm>> -> memref<1x10000x64xf32, #tpu.memory_space<hbm>>
      %dma_start3A_152 = tpu.memref_squeeze %dma_start3A_151 : memref<1x10000x64xf32, #tpu.memory_space<hbm>> -> memref<10000x64xf32, #tpu.memory_space<hbm>>
      %dma_start3A_153 = arith.constant 0 : i32
      %dma_start3A_154 = arith.constant 0 : i32
      %dma_start3A_155 = tpu.memref_slice %dma_start3A_152[%dma_start3A_153, %dma_start3A_154] : memref<10000x64xf32, #tpu.memory_space<hbm>> -> memref<10000x64xf32, #tpu.memory_space<hbm>>
      tpu.enqueue_indirect_dma source(%dma_start3A_155 : memref<10000x64xf32, #tpu.memory_space<hbm>>) target(%arg17 : memref<80x64xf32, #tpu.memory_space<vmem>>) offsets(%dma_start3A_148 : memref<80xi32, #tpu.memory_space<vmem>>) semaphore(%arg23 : memref<!tpu.dma_semaphore, #tpu.memory_space<semaphore_mem>>)
      %add3A_156 = arith.constant 1 : i32
      %add3A_157 = arith.addi %add3A_141, %add3A_156 : i32
      %mul3A_158 = arith.constant 80 : i32
      %mul3A_159 = arith.muli %add3A_157, %mul3A_158 : i32
      %dma_start3A_160 = tpu.memref_slice %arg13[%mul3A_159] : memref<20000xi32, #tpu.memory_space<vmem>> -> memref<80xi32, #tpu.memory_space<vmem>>
      %dma_start3A_161 = arith.constant 0 : i32
      %dma_start3A_162 = arith.constant 0 : i32
      %dma_start3A_163 = tpu.memref_slice %arg2[%arg0, %dma_start3A_161, %dma_start3A_162] : memref<2x10000x64xf32, #tpu.memory_space<hbm>> -> memref<1x10000x64xf32, #tpu.memory_space<hbm>>
      %dma_start3A_164 = tpu.memref_squeeze %dma_start3A_163 : memref<1x10000x64xf32, #tpu.memory_space<hbm>> -> memref<10000x64xf32, #tpu.memory_space<hbm>>
      %dma_start3A_165 = arith.constant 0 : i32
      %dma_start3A_166 = arith.constant 0 : i32
      %dma_start3A_167 = tpu.memref_slice %dma_start3A_164[%dma_start3A_165, %dma_start3A_166] : memref<10000x64xf32, #tpu.memory_space<hbm>> -> memref<10000x64xf32, #tpu.memory_space<hbm>>
      tpu.enqueue_indirect_dma source(%dma_start3A_167 : memref<10000x64xf32, #tpu.memory_space<hbm>>) target(%arg18 : memref<80x64xf32, #tpu.memory_space<vmem>>) offsets(%dma_start3A_160 : memref<80xi32, #tpu.memory_space<vmem>>) semaphore(%arg24 : memref<!tpu.dma_semaphore, #tpu.memory_space<semaphore_mem>>)
      %add3A_168 = arith.constant 0 : i32
      %add3A_169 = arith.addi %add3A_141, %add3A_168 : i32
      %parallel_loop3A = arith.constant 0 : i32
      %parallel_loop3A_170 = arith.constant 80 : i32
      %parallel_loop3A_171 = arith.constant 16 : i32
      scf.for %parallel_loop3A_231 = %parallel_loop3A to %parallel_loop3A_170 step %parallel_loop3A_171  : i32 {
        %parallel_loop3A_232 = arith.constant 80 : i32
        %parallel_loop3A_233 = arith.muli %add3A_169, %parallel_loop3A_232 : i32
        %parallel_loop3A_234 = arith.addi %parallel_loop3A_233, %parallel_loop3A_231 : i32
        %parallel_loop3A_235 = arith.index_cast %parallel_loop3A_234 : i32 to index
        %parallel_loop3A_236 = tpu.vector_load %arg13[%parallel_loop3A_235] {strides = array<i32>} : memref<20000xi32, #tpu.memory_space<vmem>>, vector<16xi32>,
        %parallel_loop3A_237 = arith.index_cast %add3A_169 : i32 to index
        %parallel_loop3A_238 = arith.index_cast %parallel_loop3A_231 : i32 to index
        %parallel_loop3A_239 = tpu.vector_load %arg14[%parallel_loop3A_237, %parallel_loop3A_238] {strides = array<i32>} : memref<250x80xi32, #tpu.memory_space<vmem>>, vector<16xi32>,
        %parallel_loop3A_240 = tpu.vector_load_idx %arg10[%parallel_loop3A_236] : memref<10000xf32, #tpu.memory_space<vmem>>[vector<16xi32>], vector<16xf32>,
        %parallel_loop3A_241 = tpu.vector_load_idx %arg11[%parallel_loop3A_239] : memref<10000xf32, #tpu.memory_space<vmem>>[vector<16xi32>], vector<16xf32>,
        %parallel_loop3A_242 = arith.addf %parallel_loop3A_240, %parallel_loop3A_241 : vector<16xf32>
        %parallel_loop3A_243 = arith.constant 2.000000e-01 : f32
        %parallel_loop3A_244 = vector.broadcast %parallel_loop3A_243 : f32 to vector<16xf32>
        %parallel_loop3A_245 = arith.mulf %parallel_loop3A_244, %parallel_loop3A_242 : vector<16xf32>
        %parallel_loop3A_246 = arith.maximumf %parallel_loop3A_242, %parallel_loop3A_245 : vector<16xf32>
        %parallel_loop3A_247 = arith.subf %parallel_loop3A_246, %get3A_86 : vector<16xf32>
        %parallel_loop3A_248 = math.exp %parallel_loop3A_247 : vector<16xf32>
        %parallel_loop3A_249 = arith.index_cast %parallel_loop3A_231 : i32 to index
        %parallel_loop3A_250 = tpu.vector_load %arg16[%parallel_loop3A_249] {strides = array<i32>} : memref<80xf32, #tpu.memory_space<vmem>>, vector<16xf32>,
        tpu.vector_store %arg16[%parallel_loop3A_249], %parallel_loop3A_248 {strides = array<i32>} : memref<80xf32, #tpu.memory_space<vmem>>, vector<16xf32>,
      } {sc.loop_unroll_factor = 5 : i64, sc.parallel_access}
      %dma_wait3A_172 = tpu.memref_slice %arg13[%mul3A_147] : memref<20000xi32, #tpu.memory_space<vmem>> -> memref<80xi32, #tpu.memory_space<vmem>>
      %dma_wait3A_173 = arith.constant 0 : i32
      %dma_wait3A_174 = arith.constant 0 : i32
      %dma_wait3A_175 = tpu.memref_slice %arg2[%arg0, %dma_wait3A_173, %dma_wait3A_174] : memref<2x10000x64xf32, #tpu.memory_space<hbm>> -> memref<1x10000x64xf32, #tpu.memory_space<hbm>>
      %dma_wait3A_176 = tpu.memref_squeeze %dma_wait3A_175 : memref<1x10000x64xf32, #tpu.memory_space<hbm>> -> memref<10000x64xf32, #tpu.memory_space<hbm>>
      %dma_wait3A_177 = arith.constant 0 : i32
      %dma_wait3A_178 = arith.constant 0 : i32
      %dma_wait3A_179 = tpu.memref_slice %dma_wait3A_176[%dma_wait3A_177, %dma_wait3A_178] : memref<10000x64xf32, #tpu.memory_space<hbm>> -> memref<10000x64xf32, #tpu.memory_space<hbm>>
      tpu.wait_indirect_dma semaphore(%arg23 : memref<!tpu.dma_semaphore, #tpu.memory_space<semaphore_mem>>) src(%dma_wait3A_179 : memref<10000x64xf32, #tpu.memory_space<hbm>>) dst(%arg17 : memref<80x64xf32, #tpu.memory_space<vmem>>)
      %parallel_loop3A_180 = arith.constant 0 : i32
      %parallel_loop3A_181 = arith.constant 80 : i32
      %parallel_loop3A_182 = arith.constant 1 : i32
      scf.for %parallel_loop3A_231 = %parallel_loop3A_180 to %parallel_loop3A_181 step %parallel_loop3A_182  : i32 {
        %parallel_loop3A_232 = vector.broadcast %parallel_loop3A_231 : i32 to vector<16xi32>
        %parallel_loop3A_233 = arith.addi %broadcast_in_dim3A_87, %parallel_loop3A_232 : vector<16xi32>
        %parallel_loop3A_234 = tpu.vector_load_idx %arg16[%parallel_loop3A_233] : memref<80xf32, #tpu.memory_space<vmem>>[vector<16xi32>], vector<16xf32>,
        %parallel_loop3A_235 = arith.index_cast %parallel_loop3A_231 : i32 to index
        %parallel_loop3A_236 = arith.constant 0 : index
        %parallel_loop3A_237 = tpu.vector_load %arg17[%parallel_loop3A_235, %parallel_loop3A_236] {strides = array<i32>} : memref<80x64xf32, #tpu.memory_space<vmem>>, vector<16xf32>,
        %parallel_loop3A_238 = arith.mulf %parallel_loop3A_237, %parallel_loop3A_234 : vector<16xf32>
        %parallel_loop3A_239 = arith.index_cast %parallel_loop3A_231 : i32 to index
        %parallel_loop3A_240 = arith.constant 0 : index
        %parallel_loop3A_241 = tpu.vector_load %arg17[%parallel_loop3A_239, %parallel_loop3A_240] {strides = array<i32>} : memref<80x64xf32, #tpu.memory_space<vmem>>, vector<16xf32>,
        tpu.vector_store %arg17[%parallel_loop3A_239, %parallel_loop3A_240], %parallel_loop3A_238 {strides = array<i32>} : memref<80x64xf32, #tpu.memory_space<vmem>>, vector<16xf32>,
        %parallel_loop3A_242 = arith.index_cast %parallel_loop3A_231 : i32 to index
        %parallel_loop3A_243 = arith.constant 16 : index
        %parallel_loop3A_244 = tpu.vector_load %arg17[%parallel_loop3A_242, %parallel_loop3A_243] {strides = array<i32>} : memref<80x64xf32, #tpu.memory_space<vmem>>, vector<16xf32>,
        %parallel_loop3A_245 = arith.mulf %parallel_loop3A_244, %parallel_loop3A_234 : vector<16xf32>
        %parallel_loop3A_246 = arith.index_cast %parallel_loop3A_231 : i32 to index
        %parallel_loop3A_247 = arith.constant 16 : index
        %parallel_loop3A_248 = tpu.vector_load %arg17[%parallel_loop3A_246, %parallel_loop3A_247] {strides = array<i32>} : memref<80x64xf32, #tpu.memory_space<vmem>>, vector<16xf32>,
        tpu.vector_store %arg17[%parallel_loop3A_246, %parallel_loop3A_247], %parallel_loop3A_245 {strides = array<i32>} : memref<80x64xf32, #tpu.memory_space<vmem>>, vector<16xf32>,
        %parallel_loop3A_249 = arith.index_cast %parallel_loop3A_231 : i32 to index
        %parallel_loop3A_250 = arith.constant 32 : index
        %parallel_loop3A_251 = tpu.vector_load %arg17[%parallel_loop3A_249, %parallel_loop3A_250] {strides = array<i32>} : memref<80x64xf32, #tpu.memory_space<vmem>>, vector<16xf32>,
        %parallel_loop3A_252 = arith.mulf %parallel_loop3A_251, %parallel_loop3A_234 : vector<16xf32>
        %parallel_loop3A_253 = arith.index_cast %parallel_loop3A_231 : i32 to index
        %parallel_loop3A_254 = arith.constant 32 : index
        %parallel_loop3A_255 = tpu.vector_load %arg17[%parallel_loop3A_253, %parallel_loop3A_254] {strides = array<i32>} : memref<80x64xf32, #tpu.memory_space<vmem>>, vector<16xf32>,
        tpu.vector_store %arg17[%parallel_loop3A_253, %parallel_loop3A_254], %parallel_loop3A_252 {strides = array<i32>} : memref<80x64xf32, #tpu.memory_space<vmem>>, vector<16xf32>,
        %parallel_loop3A_256 = arith.index_cast %parallel_loop3A_231 : i32 to index
        %parallel_loop3A_257 = arith.constant 48 : index
        %parallel_loop3A_258 = tpu.vector_load %arg17[%parallel_loop3A_256, %parallel_loop3A_257] {strides = array<i32>} : memref<80x64xf32, #tpu.memory_space<vmem>>, vector<16xf32>,
        %parallel_loop3A_259 = arith.mulf %parallel_loop3A_258, %parallel_loop3A_234 : vector<16xf32>
        %parallel_loop3A_260 = arith.index_cast %parallel_loop3A_231 : i32 to index
        %parallel_loop3A_261 = arith.constant 48 : index
        %parallel_loop3A_262 = tpu.vector_load %arg17[%parallel_loop3A_260, %parallel_loop3A_261] {strides = array<i32>} : memref<80x64xf32, #tpu.memory_space<vmem>>, vector<16xf32>,
        tpu.vector_store %arg17[%parallel_loop3A_260, %parallel_loop3A_261], %parallel_loop3A_259 {strides = array<i32>} : memref<80x64xf32, #tpu.memory_space<vmem>>, vector<16xf32>,
        %parallel_loop3A_263 = arith.mulf %parallel_loop3A_234, %select_n3A : vector<16xf32>
        %parallel_loop3A_264 = arith.index_cast %parallel_loop3A_231 : i32 to index
        %parallel_loop3A_265 = arith.constant 0 : index
        %parallel_loop3A_266 = tpu.vector_load %arg19[%parallel_loop3A_264, %parallel_loop3A_265] {strides = array<i32>} : memref<80x16xf32, #tpu.memory_space<vmem>>, vector<16xf32>,
        tpu.vector_store %arg19[%parallel_loop3A_264, %parallel_loop3A_265], %parallel_loop3A_263 {strides = array<i32>} : memref<80x16xf32, #tpu.memory_space<vmem>>, vector<16xf32>,
      } {sc.loop_unroll_factor = 8 : i64, sc.parallel_access}
      %add3A_183 = arith.constant 0 : i32
      %add3A_184 = arith.addi %add3A_141, %add3A_183 : i32
      %dma_start3A_185 = arith.constant 0 : i32
      %dma_start3A_186 = tpu.memref_slice %arg14[%add3A_184, %dma_start3A_185] : memref<250x80xi32, #tpu.memory_space<vmem>> -> memref<1x80xi32, #tpu.memory_space<vmem>>
      %dma_start3A_187 = tpu.memref_squeeze %dma_start3A_186 : memref<1x80xi32, #tpu.memory_space<vmem>> -> memref<80xi32, #tpu.memory_space<vmem>>
      %dma_start3A_188 = arith.constant 0 : i32
      %dma_start3A_189 = arith.constant 0 : i32
      %dma_start3A_190 = tpu.memref_slice %arg21[%dma_start3A_188, %dma_start3A_189] : memref<10000x64xf32, #tpu.memory_space<vmem_shared>> -> memref<10000x64xf32, #tpu.memory_space<vmem_shared>>
      tpu.enqueue_indirect_dma source(%arg17 : memref<80x64xf32, #tpu.memory_space<vmem>>) target(%dma_start3A_190 : memref<10000x64xf32, #tpu.memory_space<vmem_shared>>) offsets(%dma_start3A_187 : memref<80xi32, #tpu.memory_space<vmem>>) semaphore(%arg25 : memref<!tpu.dma_semaphore, #tpu.memory_space<semaphore_mem>>) {add = true}
      %add3A_191 = arith.constant 0 : i32
      %add3A_192 = arith.addi %add3A_141, %add3A_191 : i32
      %dma_start3A_193 = arith.constant 0 : i32
      %dma_start3A_194 = tpu.memref_slice %arg14[%add3A_192, %dma_start3A_193] : memref<250x80xi32, #tpu.memory_space<vmem>> -> memref<1x80xi32, #tpu.memory_space<vmem>>
      %dma_start3A_195 = tpu.memref_squeeze %dma_start3A_194 : memref<1x80xi32, #tpu.memory_space<vmem>> -> memref<80xi32, #tpu.memory_space<vmem>>
      %dma_start3A_196 = arith.constant 0 : i32
      %dma_start3A_197 = arith.constant 0 : i32
      %dma_start3A_198 = tpu.memref_slice %arg22[%dma_start3A_196, %dma_start3A_197] : memref<10000x16xf32, #tpu.memory_space<vmem_shared>> -> memref<10000x16xf32, #tpu.memory_space<vmem_shared>>
      tpu.enqueue_indirect_dma source(%arg19 : memref<80x16xf32, #tpu.memory_space<vmem>>) target(%dma_start3A_198 : memref<10000x16xf32, #tpu.memory_space<vmem_shared>>) offsets(%dma_start3A_195 : memref<80xi32, #tpu.memory_space<vmem>>) semaphore(%arg27 : memref<!tpu.dma_semaphore, #tpu.memory_space<semaphore_mem>>) {add = true}
      %add3A_199 = arith.constant 1 : i32
      %add3A_200 = arith.addi %add3A_141, %add3A_199 : i32
      %parallel_loop3A_201 = arith.constant 0 : i32
      %parallel_loop3A_202 = arith.constant 80 : i32
      %parallel_loop3A_203 = arith.constant 16 : i32
      scf.for %parallel_loop3A_231 = %parallel_loop3A_201 to %parallel_loop3A_202 step %parallel_loop3A_203  : i32 {
        %parallel_loop3A_232 = arith.constant 80 : i32
        %parallel_loop3A_233 = arith.muli %add3A_200, %parallel_loop3A_232 : i32
        %parallel_loop3A_234 = arith.addi %parallel_loop3A_233, %parallel_loop3A_231 : i32
        %parallel_loop3A_235 = arith.index_cast %parallel_loop3A_234 : i32 to index
        %parallel_loop3A_236 = tpu.vector_load %arg13[%parallel_loop3A_235] {strides = array<i32>} : memref<20000xi32, #tpu.memory_space<vmem>>, vector<16xi32>,
        %parallel_loop3A_237 = arith.index_cast %add3A_200 : i32 to index
        %parallel_loop3A_238 = arith.index_cast %parallel_loop3A_231 : i32 to index
        %parallel_loop3A_239 = tpu.vector_load %arg14[%parallel_loop3A_237, %parallel_loop3A_238] {strides = array<i32>} : memref<250x80xi32, #tpu.memory_space<vmem>>, vector<16xi32>,
        %parallel_loop3A_240 = tpu.vector_load_idx %arg10[%parallel_loop3A_236] : memref<10000xf32, #tpu.memory_space<vmem>>[vector<16xi32>], vector<16xf32>,
        %parallel_loop3A_241 = tpu.vector_load_idx %arg11[%parallel_loop3A_239] : memref<10000xf32, #tpu.memory_space<vmem>>[vector<16xi32>], vector<16xf32>,
        %parallel_loop3A_242 = arith.addf %parallel_loop3A_240, %parallel_loop3A_241 : vector<16xf32>
        %parallel_loop3A_243 = arith.constant 2.000000e-01 : f32
        %parallel_loop3A_244 = vector.broadcast %parallel_loop3A_243 : f32 to vector<16xf32>
        %parallel_loop3A_245 = arith.mulf %parallel_loop3A_244, %parallel_loop3A_242 : vector<16xf32>
        %parallel_loop3A_246 = arith.maximumf %parallel_loop3A_242, %parallel_loop3A_245 : vector<16xf32>
        %parallel_loop3A_247 = arith.subf %parallel_loop3A_246, %get3A_86 : vector<16xf32>
        %parallel_loop3A_248 = math.exp %parallel_loop3A_247 : vector<16xf32>
        %parallel_loop3A_249 = arith.index_cast %parallel_loop3A_231 : i32 to index
        %parallel_loop3A_250 = tpu.vector_load %arg16[%parallel_loop3A_249] {strides = array<i32>} : memref<80xf32, #tpu.memory_space<vmem>>, vector<16xf32>,
        tpu.vector_store %arg16[%parallel_loop3A_249], %parallel_loop3A_248 {strides = array<i32>} : memref<80xf32, #tpu.memory_space<vmem>>, vector<16xf32>,
      } {sc.loop_unroll_factor = 5 : i64, sc.parallel_access}
      %dma_wait3A_204 = tpu.memref_slice %arg13[%mul3A_159] : memref<20000xi32, #tpu.memory_space<vmem>> -> memref<80xi32, #tpu.memory_space<vmem>>
      %dma_wait3A_205 = arith.constant 0 : i32
      %dma_wait3A_206 = arith.constant 0 : i32
      %dma_wait3A_207 = tpu.memref_slice %arg2[%arg0, %dma_wait3A_205, %dma_wait3A_206] : memref<2x10000x64xf32, #tpu.memory_space<hbm>> -> memref<1x10000x64xf32, #tpu.memory_space<hbm>>
      %dma_wait3A_208 = tpu.memref_squeeze %dma_wait3A_207 : memref<1x10000x64xf32, #tpu.memory_space<hbm>> -> memref<10000x64xf32, #tpu.memory_space<hbm>>
      %dma_wait3A_209 = arith.constant 0 : i32
      %dma_wait3A_210 = arith.constant 0 : i32
      %dma_wait3A_211 = tpu.memref_slice %dma_wait3A_208[%dma_wait3A_209, %dma_wait3A_210] : memref<10000x64xf32, #tpu.memory_space<hbm>> -> memref<10000x64xf32, #tpu.memory_space<hbm>>
      tpu.wait_indirect_dma semaphore(%arg24 : memref<!tpu.dma_semaphore, #tpu.memory_space<semaphore_mem>>) src(%dma_wait3A_211 : memref<10000x64xf32, #tpu.memory_space<hbm>>) dst(%arg18 : memref<80x64xf32, #tpu.memory_space<vmem>>)
      %parallel_loop3A_212 = arith.constant 0 : i32
      %parallel_loop3A_213 = arith.constant 80 : i32
      %parallel_loop3A_214 = arith.constant 1 : i32
      scf.for %parallel_loop3A_231 = %parallel_loop3A_212 to %parallel_loop3A_213 step %parallel_loop3A_214  : i32 {
        %parallel_loop3A_232 = vector.broadcast %parallel_loop3A_231 : i32 to vector<16xi32>
        %parallel_loop3A_233 = arith.addi %broadcast_in_dim3A_87, %parallel_loop3A_232 : vector<16xi32>
        %parallel_loop3A_234 = tpu.vector_load_idx %arg16[%parallel_loop3A_233] : memref<80xf32, #tpu.memory_space<vmem>>[vector<16xi32>], vector<16xf32>,
        %parallel_loop3A_235 = arith.index_cast %parallel_loop3A_231 : i32 to index
        %parallel_loop3A_236 = arith.constant 0 : index
        %parallel_loop3A_237 = tpu.vector_load %arg18[%parallel_loop3A_235, %parallel_loop3A_236] {strides = array<i32>} : memref<80x64xf32, #tpu.memory_space<vmem>>, vector<16xf32>,
        %parallel_loop3A_238 = arith.mulf %parallel_loop3A_237, %parallel_loop3A_234 : vector<16xf32>
        %parallel_loop3A_239 = arith.index_cast %parallel_loop3A_231 : i32 to index
        %parallel_loop3A_240 = arith.constant 0 : index
        %parallel_loop3A_241 = tpu.vector_load %arg18[%parallel_loop3A_239, %parallel_loop3A_240] {strides = array<i32>} : memref<80x64xf32, #tpu.memory_space<vmem>>, vector<16xf32>,
        tpu.vector_store %arg18[%parallel_loop3A_239, %parallel_loop3A_240], %parallel_loop3A_238 {strides = array<i32>} : memref<80x64xf32, #tpu.memory_space<vmem>>, vector<16xf32>,
        %parallel_loop3A_242 = arith.index_cast %parallel_loop3A_231 : i32 to index
        %parallel_loop3A_243 = arith.constant 16 : index
        %parallel_loop3A_244 = tpu.vector_load %arg18[%parallel_loop3A_242, %parallel_loop3A_243] {strides = array<i32>} : memref<80x64xf32, #tpu.memory_space<vmem>>, vector<16xf32>,
        %parallel_loop3A_245 = arith.mulf %parallel_loop3A_244, %parallel_loop3A_234 : vector<16xf32>
        %parallel_loop3A_246 = arith.index_cast %parallel_loop3A_231 : i32 to index
        %parallel_loop3A_247 = arith.constant 16 : index
        %parallel_loop3A_248 = tpu.vector_load %arg18[%parallel_loop3A_246, %parallel_loop3A_247] {strides = array<i32>} : memref<80x64xf32, #tpu.memory_space<vmem>>, vector<16xf32>,
        tpu.vector_store %arg18[%parallel_loop3A_246, %parallel_loop3A_247], %parallel_loop3A_245 {strides = array<i32>} : memref<80x64xf32, #tpu.memory_space<vmem>>, vector<16xf32>,
        %parallel_loop3A_249 = arith.index_cast %parallel_loop3A_231 : i32 to index
        %parallel_loop3A_250 = arith.constant 32 : index
        %parallel_loop3A_251 = tpu.vector_load %arg18[%parallel_loop3A_249, %parallel_loop3A_250] {strides = array<i32>} : memref<80x64xf32, #tpu.memory_space<vmem>>, vector<16xf32>,
        %parallel_loop3A_252 = arith.mulf %parallel_loop3A_251, %parallel_loop3A_234 : vector<16xf32>
        %parallel_loop3A_253 = arith.index_cast %parallel_loop3A_231 : i32 to index
        %parallel_loop3A_254 = arith.constant 32 : index
        %parallel_loop3A_255 = tpu.vector_load %arg18[%parallel_loop3A_253, %parallel_loop3A_254] {strides = array<i32>} : memref<80x64xf32, #tpu.memory_space<vmem>>, vector<16xf32>,
        tpu.vector_store %arg18[%parallel_loop3A_253, %parallel_loop3A_254], %parallel_loop3A_252 {strides = array<i32>} : memref<80x64xf32, #tpu.memory_space<vmem>>, vector<16xf32>,
        %parallel_loop3A_256 = arith.index_cast %parallel_loop3A_231 : i32 to index
        %parallel_loop3A_257 = arith.constant 48 : index
        %parallel_loop3A_258 = tpu.vector_load %arg18[%parallel_loop3A_256, %parallel_loop3A_257] {strides = array<i32>} : memref<80x64xf32, #tpu.memory_space<vmem>>, vector<16xf32>,
        %parallel_loop3A_259 = arith.mulf %parallel_loop3A_258, %parallel_loop3A_234 : vector<16xf32>
        %parallel_loop3A_260 = arith.index_cast %parallel_loop3A_231 : i32 to index
        %parallel_loop3A_261 = arith.constant 48 : index
        %parallel_loop3A_262 = tpu.vector_load %arg18[%parallel_loop3A_260, %parallel_loop3A_261] {strides = array<i32>} : memref<80x64xf32, #tpu.memory_space<vmem>>, vector<16xf32>,
        tpu.vector_store %arg18[%parallel_loop3A_260, %parallel_loop3A_261], %parallel_loop3A_259 {strides = array<i32>} : memref<80x64xf32, #tpu.memory_space<vmem>>, vector<16xf32>,
        %parallel_loop3A_263 = arith.mulf %parallel_loop3A_234, %select_n3A : vector<16xf32>
        %parallel_loop3A_264 = arith.index_cast %parallel_loop3A_231 : i32 to index
        %parallel_loop3A_265 = arith.constant 0 : index
        %parallel_loop3A_266 = tpu.vector_load %arg20[%parallel_loop3A_264, %parallel_loop3A_265] {strides = array<i32>} : memref<80x16xf32, #tpu.memory_space<vmem>>, vector<16xf32>,
        tpu.vector_store %arg20[%parallel_loop3A_264, %parallel_loop3A_265], %parallel_loop3A_263 {strides = array<i32>} : memref<80x16xf32, #tpu.memory_space<vmem>>, vector<16xf32>,
      } {sc.loop_unroll_factor = 8 : i64, sc.parallel_access}
      %add3A_215 = arith.constant 1 : i32
      %add3A_216 = arith.addi %add3A_141, %add3A_215 : i32
      %dma_start3A_217 = arith.constant 0 : i32
      %dma_start3A_218 = tpu.memref_slice %arg14[%add3A_216, %dma_start3A_217] : memref<250x80xi32, #tpu.memory_space<vmem>> -> memref<1x80xi32, #tpu.memory_space<vmem>>
      %dma_start3A_219 = tpu.memref_squeeze %dma_start3A_218 : memref<1x80xi32, #tpu.memory_space<vmem>> -> memref<80xi32, #tpu.memory_space<vmem>>
      %dma_start3A_220 = arith.constant 0 : i32
      %dma_start3A_221 = arith.constant 0 : i32
      %dma_start3A_222 = tpu.memref_slice %arg21[%dma_start3A_220, %dma_start3A_221] : memref<10000x64xf32, #tpu.memory_space<vmem_shared>> -> memref<10000x64xf32, #tpu.memory_space<vmem_shared>>
      tpu.enqueue_indirect_dma source(%arg18 : memref<80x64xf32, #tpu.memory_space<vmem>>) target(%dma_start3A_222 : memref<10000x64xf32, #tpu.memory_space<vmem_shared>>) offsets(%dma_start3A_219 : memref<80xi32, #tpu.memory_space<vmem>>) semaphore(%arg26 : memref<!tpu.dma_semaphore, #tpu.memory_space<semaphore_mem>>) {add = true}
      %add3A_223 = arith.constant 1 : i32
      %add3A_224 = arith.addi %add3A_141, %add3A_223 : i32
      %dma_start3A_225 = arith.constant 0 : i32
      %dma_start3A_226 = tpu.memref_slice %arg14[%add3A_224, %dma_start3A_225] : memref<250x80xi32, #tpu.memory_space<vmem>> -> memref<1x80xi32, #tpu.memory_space<vmem>>
      %dma_start3A_227 = tpu.memref_squeeze %dma_start3A_226 : memref<1x80xi32, #tpu.memory_space<vmem>> -> memref<80xi32, #tpu.memory_space<vmem>>
      %dma_start3A_228 = arith.constant 0 : i32
      %dma_start3A_229 = arith.constant 0 : i32
      %dma_start3A_230 = tpu.memref_slice %arg22[%dma_start3A_228, %dma_start3A_229] : memref<10000x16xf32, #tpu.memory_space<vmem_shared>> -> memref<10000x16xf32, #tpu.memory_space<vmem_shared>>
      tpu.enqueue_indirect_dma source(%arg20 : memref<80x16xf32, #tpu.memory_space<vmem>>) target(%dma_start3A_230 : memref<10000x16xf32, #tpu.memory_space<vmem_shared>>) offsets(%dma_start3A_227 : memref<80xi32, #tpu.memory_space<vmem>>) semaphore(%arg28 : memref<!tpu.dma_semaphore, #tpu.memory_space<semaphore_mem>>) {add = true}
    }
    %scan3A_97 = arith.constant 125 : i32
    %dma_wait3A_98 = arith.constant 0 : i32
    %dma_wait3A_99 = arith.constant 0 : i32
    %dma_wait3A_100 = tpu.memref_slice %arg14[%dma_wait3A_98, %dma_wait3A_99] : memref<250x80xi32, #tpu.memory_space<vmem>> -> memref<1x80xi32, #tpu.memory_space<vmem>>
    %dma_wait3A_101 = tpu.memref_squeeze %dma_wait3A_100 : memref<1x80xi32, #tpu.memory_space<vmem>> -> memref<80xi32, #tpu.memory_space<vmem>>
    %dma_wait3A_102 = arith.constant 0 : i32
    %dma_wait3A_103 = arith.constant 0 : i32
    %dma_wait3A_104 = tpu.memref_slice %arg21[%dma_wait3A_102, %dma_wait3A_103] : memref<10000x64xf32, #tpu.memory_space<vmem_shared>> -> memref<10000x64xf32, #tpu.memory_space<vmem_shared>>
    tpu.wait_indirect_dma semaphore(%arg25 : memref<!tpu.dma_semaphore, #tpu.memory_space<semaphore_mem>>) src(%arg17 : memref<80x64xf32, #tpu.memory_space<vmem>>) dst(%dma_wait3A_104 : memref<10000x64xf32, #tpu.memory_space<vmem_shared>>)
    %dma_wait3A_105 = arith.constant 0 : i32
    %dma_wait3A_106 = arith.constant 0 : i32
    %dma_wait3A_107 = tpu.memref_slice %arg14[%dma_wait3A_105, %dma_wait3A_106] : memref<250x80xi32, #tpu.memory_space<vmem>> -> memref<1x80xi32, #tpu.memory_space<vmem>>
    %dma_wait3A_108 = tpu.memref_squeeze %dma_wait3A_107 : memref<1x80xi32, #tpu.memory_space<vmem>> -> memref<80xi32, #tpu.memory_space<vmem>>
    %dma_wait3A_109 = arith.constant 0 : i32
    %dma_wait3A_110 = arith.constant 0 : i32
    %dma_wait3A_111 = tpu.memref_slice %arg22[%dma_wait3A_109, %dma_wait3A_110] : memref<10000x16xf32, #tpu.memory_space<vmem_shared>> -> memref<10000x16xf32, #tpu.memory_space<vmem_shared>>
    tpu.wait_indirect_dma semaphore(%arg27 : memref<!tpu.dma_semaphore, #tpu.memory_space<semaphore_mem>>) src(%arg19 : memref<80x16xf32, #tpu.memory_space<vmem>>) dst(%dma_wait3A_111 : memref<10000x16xf32, #tpu.memory_space<vmem_shared>>)
    %dma_wait3A_112 = arith.constant 0 : i32
    %dma_wait3A_113 = arith.constant 0 : i32
    %dma_wait3A_114 = tpu.memref_slice %arg14[%dma_wait3A_112, %dma_wait3A_113] : memref<250x80xi32, #tpu.memory_space<vmem>> -> memref<1x80xi32, #tpu.memory_space<vmem>>
    %dma_wait3A_115 = tpu.memref_squeeze %dma_wait3A_114 : memref<1x80xi32, #tpu.memory_space<vmem>> -> memref<80xi32, #tpu.memory_space<vmem>>
    %dma_wait3A_116 = arith.constant 0 : i32
    %dma_wait3A_117 = arith.constant 0 : i32
    %dma_wait3A_118 = tpu.memref_slice %arg21[%dma_wait3A_116, %dma_wait3A_117] : memref<10000x64xf32, #tpu.memory_space<vmem_shared>> -> memref<10000x64xf32, #tpu.memory_space<vmem_shared>>
    tpu.wait_indirect_dma semaphore(%arg26 : memref<!tpu.dma_semaphore, #tpu.memory_space<semaphore_mem>>) src(%arg18 : memref<80x64xf32, #tpu.memory_space<vmem>>) dst(%dma_wait3A_118 : memref<10000x64xf32, #tpu.memory_space<vmem_shared>>)
    %dma_wait3A_119 = arith.constant 0 : i32
    %dma_wait3A_120 = arith.constant 0 : i32
    %dma_wait3A_121 = tpu.memref_slice %arg14[%dma_wait3A_119, %dma_wait3A_120] : memref<250x80xi32, #tpu.memory_space<vmem>> -> memref<1x80xi32, #tpu.memory_space<vmem>>
    %dma_wait3A_122 = tpu.memref_squeeze %dma_wait3A_121 : memref<1x80xi32, #tpu.memory_space<vmem>> -> memref<80xi32, #tpu.memory_space<vmem>>
    %dma_wait3A_123 = arith.constant 0 : i32
    %dma_wait3A_124 = arith.constant 0 : i32
    %dma_wait3A_125 = tpu.memref_slice %arg22[%dma_wait3A_123, %dma_wait3A_124] : memref<10000x16xf32, #tpu.memory_space<vmem_shared>> -> memref<10000x16xf32, #tpu.memory_space<vmem_shared>>
    tpu.wait_indirect_dma semaphore(%arg28 : memref<!tpu.dma_semaphore, #tpu.memory_space<semaphore_mem>>) src(%arg20 : memref<80x16xf32, #tpu.memory_space<vmem>>) dst(%dma_wait3A_125 : memref<10000x16xf32, #tpu.memory_space<vmem_shared>>)
    %barrier3A_126 = arith.constant 0 : index
    tpu.barrier barrier_id(%barrier3A_126)
    %scan3A_127 = arith.constant 0 : i32
    %scan3A_128 = arith.constant 8 : i32
    %scan3A_129 = arith.addi %scan3A_127, %scan3A_128 : i32
    %scan3A_130 = arith.constant 1 : i32
    scf.for %scan3A_137 = %scan3A_127 to %scan3A_129 step %scan3A_130  : i32 {
      %mul3A_138 = arith.constant 1 : i32
      %mul3A_139 = arith.muli %scan3A_137, %mul3A_138 : i32
      %add3A_140 = arith.constant 0 : i32
      %add3A_141 = arith.addi %add3A_140, %mul3A_139 : i32
      %mul3A_142 = arith.constant 16 : i32
      %mul3A_143 = arith.muli %add3A_141, %mul3A_142 : i32
      %add3A_144 = arith.addi %mul3A_143, %arg1 : i32
      %lt3A = arith.constant 125 : i32
      %lt3A_145 = arith.cmpi slt, %add3A_144, %lt3A : i32
      %convert_element_type3A = arith.extui %lt3A_145 : i1 to i32
      %cond3A = arith.constant 0 : i32
      %cond3A_146 = arith.cmpi ne, %convert_element_type3A, %cond3A : i32
      scf.if %cond3A_146 {
        %mul3A_147 = arith.constant 80 : i32
        %mul3A_148 = arith.muli %add3A_144, %mul3A_147 : i32
        %dma_start3A_149 = arith.constant 0 : i32
        %dma_start3A_150 = tpu.memref_slice %arg8[%arg0, %mul3A_148, %dma_start3A_149] : memref<2x10000x64xf32, #tpu.memory_space<hbm>> -> memref<1x80x64xf32, #tpu.memory_space<hbm>>
        %dma_start3A_151 = tpu.memref_squeeze %dma_start3A_150 : memref<1x80x64xf32, #tpu.memory_space<hbm>> -> memref<80x64xf32, #tpu.memory_space<hbm>>
        %dma_start3A_152 = arith.constant 0 : i32
        %dma_start3A_153 = tpu.memref_slice %arg21[%mul3A_148, %dma_start3A_152] : memref<10000x64xf32, #tpu.memory_space<vmem_shared>> -> memref<80x64xf32, #tpu.memory_space<vmem_shared>>
        tpu.enqueue_dma source(%dma_start3A_153 : memref<80x64xf32, #tpu.memory_space<vmem_shared>>) target(%dma_start3A_151 : memref<80x64xf32, #tpu.memory_space<hbm>>) target_semaphore(%arg23 : memref<!tpu.dma_semaphore, #tpu.memory_space<semaphore_mem>>)
        %dma_start3A_154 = arith.constant 0 : i32
        %dma_start3A_155 = tpu.memref_slice %arg9[%arg0, %mul3A_148, %dma_start3A_154] : memref<2x10000x16xf32, #tpu.memory_space<hbm>> -> memref<1x80x16xf32, #tpu.memory_space<hbm>>
        %dma_start3A_156 = tpu.memref_squeeze %dma_start3A_155 : memref<1x80x16xf32, #tpu.memory_space<hbm>> -> memref<80x16xf32, #tpu.memory_space<hbm>>
        %dma_start3A_157 = arith.constant 0 : i32
        %dma_start3A_158 = tpu.memref_slice %arg22[%mul3A_148, %dma_start3A_157] : memref<10000x16xf32, #tpu.memory_space<vmem_shared>> -> memref<80x16xf32, #tpu.memory_space<vmem_shared>>
        tpu.enqueue_dma source(%dma_start3A_158 : memref<80x16xf32, #tpu.memory_space<vmem_shared>>) target(%dma_start3A_156 : memref<80x16xf32, #tpu.memory_space<hbm>>) target_semaphore(%arg24 : memref<!tpu.dma_semaphore, #tpu.memory_space<semaphore_mem>>)
      } else {
      }
    }
    %scan3A_131 = arith.constant 8 : i32
    %scan3A_132 = arith.constant 0 : i32
    %scan3A_133 = arith.constant 8 : i32
    %scan3A_134 = arith.addi %scan3A_132, %scan3A_133 : i32
    %scan3A_135 = arith.constant 1 : i32
    scf.for %scan3A_137 = %scan3A_132 to %scan3A_134 step %scan3A_135  : i32 {
      %mul3A_138 = arith.constant 1 : i32
      %mul3A_139 = arith.muli %scan3A_137, %mul3A_138 : i32
      %add3A_140 = arith.constant 0 : i32
      %add3A_141 = arith.addi %add3A_140, %mul3A_139 : i32
      %mul3A_142 = arith.constant 16 : i32
      %mul3A_143 = arith.muli %add3A_141, %mul3A_142 : i32
      %add3A_144 = arith.addi %mul3A_143, %arg1 : i32
      %lt3A = arith.constant 125 : i32
      %lt3A_145 = arith.cmpi slt, %add3A_144, %lt3A : i32
      %convert_element_type3A = arith.extui %lt3A_145 : i1 to i32
      %cond3A = arith.constant 0 : i32
      %cond3A_146 = arith.cmpi ne, %convert_element_type3A, %cond3A : i32
      scf.if %cond3A_146 {
        %dma_wait3A_147 = arith.constant 0 : i32
        %dma_wait3A_148 = arith.constant 0 : i32
        %dma_wait3A_149 = tpu.memref_slice %arg8[%arg0, %dma_wait3A_147, %dma_wait3A_148] : memref<2x10000x64xf32, #tpu.memory_space<hbm>> -> memref<1x80x64xf32, #tpu.memory_space<hbm>>
        %dma_wait3A_150 = tpu.memref_squeeze %dma_wait3A_149 : memref<1x80x64xf32, #tpu.memory_space<hbm>> -> memref<80x64xf32, #tpu.memory_space<hbm>>
        %dma_wait3A_151 = arith.constant 0 : i32
        %dma_wait3A_152 = arith.constant 0 : i32
        %dma_wait3A_153 = tpu.memref_slice %arg21[%dma_wait3A_151, %dma_wait3A_152] : memref<10000x64xf32, #tpu.memory_space<vmem_shared>> -> memref<80x64xf32, #tpu.memory_space<vmem_shared>>
        tpu.wait_dma2 semaphore(%arg23 : memref<!tpu.dma_semaphore, #tpu.memory_space<semaphore_mem>>) src(%dma_wait3A_153 : memref<80x64xf32, #tpu.memory_space<vmem_shared>>) dst(%dma_wait3A_150 : memref<80x64xf32, #tpu.memory_space<hbm>>)
        %dma_wait3A_154 = arith.constant 0 : i32
        %dma_wait3A_155 = arith.constant 0 : i32
        %dma_wait3A_156 = tpu.memref_slice %arg9[%arg0, %dma_wait3A_154, %dma_wait3A_155] : memref<2x10000x16xf32, #tpu.memory_space<hbm>> -> memref<1x80x16xf32, #tpu.memory_space<hbm>>
        %dma_wait3A_157 = tpu.memref_squeeze %dma_wait3A_156 : memref<1x80x16xf32, #tpu.memory_space<hbm>> -> memref<80x16xf32, #tpu.memory_space<hbm>>
        %dma_wait3A_158 = arith.constant 0 : i32
        %dma_wait3A_159 = arith.constant 0 : i32
        %dma_wait3A_160 = tpu.memref_slice %arg22[%dma_wait3A_158, %dma_wait3A_159] : memref<10000x16xf32, #tpu.memory_space<vmem_shared>> -> memref<80x16xf32, #tpu.memory_space<vmem_shared>>
        tpu.wait_dma2 semaphore(%arg24 : memref<!tpu.dma_semaphore, #tpu.memory_space<semaphore_mem>>) src(%dma_wait3A_160 : memref<80x16xf32, #tpu.memory_space<vmem_shared>>) dst(%dma_wait3A_157 : memref<80x16xf32, #tpu.memory_space<hbm>>)
      } else {
      }
    }
    %scan3A_136 = arith.constant 8 : i32
    return
  }
}

#map = affine_map<(d0, d1) -> (0, 0)>
#map1 = affine_map<(d0, d1) -> (0)>
#map2 = affine_map<(d0, d1) -> (0, 0, 0)>
module attributes {stable_mosaic.version = 14 : i64} {
  func.func @k(%arg0: i32, %arg1: i32, %arg2: memref<10000x32xf32, #tpu.memory_space<hbm>>, %arg3: memref<320000xi32, #tpu.memory_space<hbm>>, %arg4: memref<320000xi32, #tpu.memory_space<hbm>>, %arg5: memref<10000xf32, #tpu.memory_space<hbm>>, %arg6: memref<10000xf32, #tpu.memory_space<hbm>>, %arg7: memref<16xf32, #tpu.memory_space<hbm>>, %arg8: memref<2x10000x32xf32, #tpu.memory_space<hbm>>, %arg9: memref<10000xf32, #tpu.memory_space<vmem>>, %arg10: memref<10000xf32, #tpu.memory_space<vmem>>, %arg11: memref<16xf32, #tpu.memory_space<vmem>>, %arg12: memref<10000xi32, #tpu.memory_space<vmem>>, %arg13: memref<125x80xi32, #tpu.memory_space<vmem>>, %arg14: memref<2000xi32, #tpu.memory_space<vmem>>, %arg15: memref<80xf32, #tpu.memory_space<vmem>>, %arg16: memref<80x32xf32, #tpu.memory_space<vmem>>, %arg17: memref<80x32xf32, #tpu.memory_space<vmem>>, %arg18: memref<80x32xf32, #tpu.memory_space<vmem>>, %arg19: memref<80x32xf32, #tpu.memory_space<vmem>>, %arg20: memref<80x32xf32, #tpu.memory_space<vmem>>, %arg21: memref<10000x32xf32, #tpu.memory_space<vmem_shared>>, %arg22: memref<!tpu.dma_semaphore, #tpu.memory_space<semaphore_mem>>, %arg23: memref<!tpu.dma_semaphore, #tpu.memory_space<semaphore_mem>>, %arg24: memref<!tpu.dma_semaphore, #tpu.memory_space<semaphore_mem>>, %arg25: memref<!tpu.dma_semaphore, #tpu.memory_space<semaphore_mem>>, %arg26: memref<!tpu.dma_semaphore, #tpu.memory_space<semaphore_mem>>, %arg27: memref<!tpu.dma_semaphore, #tpu.memory_space<semaphore_mem>>, %arg28: memref<!tpu.dma_semaphore, #tpu.memory_space<semaphore_mem>>, %arg29: memref<!tpu.dma_semaphore, #tpu.memory_space<semaphore_mem>>, %arg30: memref<!tpu.dma_semaphore, #tpu.memory_space<semaphore_mem>>, %arg31: memref<!tpu.dma_semaphore, #tpu.memory_space<semaphore_mem>>) attributes {dimension_semantics = [#tpu.dimension_semantics<core_parallel>, #tpu.dimension_semantics<subcore_parallel>], iteration_bounds = array<i64: 2, 16>, scalar_prefetch = 0 : i64, scratch_operands = 23 : i64, tpu.core_type = #tpu.core_type<sc_vector_subcore>, window_params = [{transform_indices = #map}, {transform_indices = #map1}, {transform_indices = #map1}, {transform_indices = #map1}, {transform_indices = #map1}, {transform_indices = #map1}, {transform_indices = #map2}]} {
    %mul3A = arith.constant 160000 : i32
    %mul3A_0 = arith.muli %arg0, %mul3A : i32
    %mul3A_1 = arith.constant 10000 : i32
    %mul3A_2 = arith.muli %arg1, %mul3A_1 : i32
    %add3A = arith.addi %mul3A_0, %mul3A_2 : i32
    tpu.enqueue_dma source(%arg5 : memref<10000xf32, #tpu.memory_space<hbm>>) target(%arg9 : memref<10000xf32, #tpu.memory_space<vmem>>) target_semaphore(%arg22 : memref<!tpu.dma_semaphore, #tpu.memory_space<semaphore_mem>>)
    tpu.enqueue_dma source(%arg6 : memref<10000xf32, #tpu.memory_space<hbm>>) target(%arg10 : memref<10000xf32, #tpu.memory_space<vmem>>) target_semaphore(%arg23 : memref<!tpu.dma_semaphore, #tpu.memory_space<semaphore_mem>>)
    tpu.enqueue_dma source(%arg7 : memref<16xf32, #tpu.memory_space<hbm>>) target(%arg11 : memref<16xf32, #tpu.memory_space<vmem>>) target_semaphore(%arg27 : memref<!tpu.dma_semaphore, #tpu.memory_space<semaphore_mem>>)
    %dma_start3A = tpu.memref_slice %arg3[%add3A] : memref<320000xi32, #tpu.memory_space<hbm>> -> memref<10000xi32, #tpu.memory_space<hbm>>
    %dma_start3A_3 = tpu.memref_slice %arg3[%add3A] : memref<320000xi32, #tpu.memory_space<hbm>> -> memref<10000xi32, #tpu.memory_space<hbm>>
    tpu.enqueue_dma source(%dma_start3A_3 : memref<10000xi32, #tpu.memory_space<hbm>>) target(%arg12 : memref<10000xi32, #tpu.memory_space<vmem>>) target_semaphore(%arg28 : memref<!tpu.dma_semaphore, #tpu.memory_space<semaphore_mem>>)
    %add3A_4 = arith.constant 0 : i32
    %add3A_5 = arith.addi %add3A, %add3A_4 : i32
    "tpu.region"() ({
      %run_scoped3A = tpu.sem_alloc : memref<!tpu.dma_semaphore, #tpu.memory_space<semaphore_mem>>
      %dma_start3A_107 = tpu.memref_slice %arg4[%add3A_5] : memref<320000xi32, #tpu.memory_space<hbm>> -> memref<2000xi32, #tpu.memory_space<hbm>>
      %dma_start3A_108 = tpu.memref_slice %arg4[%add3A_5] : memref<320000xi32, #tpu.memory_space<hbm>> -> memref<2000xi32, #tpu.memory_space<hbm>>
      tpu.enqueue_dma source(%dma_start3A_108 : memref<2000xi32, #tpu.memory_space<hbm>>) target(%arg14 : memref<2000xi32, #tpu.memory_space<vmem>>) target_semaphore(%run_scoped3A : memref<!tpu.dma_semaphore, #tpu.memory_space<semaphore_mem>>)
      %dma_wait3A_109 = tpu.memref_slice %arg4[%add3A_5] : memref<320000xi32, #tpu.memory_space<hbm>> -> memref<2000xi32, #tpu.memory_space<hbm>>
      %dma_wait3A_110 = tpu.memref_slice %arg4[%add3A_5] : memref<320000xi32, #tpu.memory_space<hbm>> -> memref<2000xi32, #tpu.memory_space<hbm>>
      tpu.wait_dma2 semaphore(%run_scoped3A : memref<!tpu.dma_semaphore, #tpu.memory_space<semaphore_mem>>) src(%dma_wait3A_110 : memref<2000xi32, #tpu.memory_space<hbm>>) dst(%arg14 : memref<2000xi32, #tpu.memory_space<vmem>>)
      tpu.yield
    }) : () -> ()
    %scan3A = arith.constant 0 : i32
    %scan3A_6 = arith.constant 25 : i32
    %scan3A_7 = arith.addi %scan3A, %scan3A_6 : i32
    %scan3A_8 = arith.constant 1 : i32
    scf.for %scan3A_107 = %scan3A to %scan3A_7 step %scan3A_8  : i32 {
      %mul3A_108 = arith.constant 1 : i32
      %mul3A_109 = arith.muli %scan3A_107, %mul3A_108 : i32
      %add3A_110 = arith.constant 0 : i32
      %add3A_111 = arith.addi %add3A_110, %mul3A_109 : i32
      %mul3A_112 = arith.constant 80 : i32
      %mul3A_113 = arith.muli %add3A_111, %mul3A_112 : i32
      %add3A_114 = arith.constant 0 : i32
      %add3A_115 = arith.addi %mul3A_113, %add3A_114 : i32
      %get3A_116 = arith.index_cast %add3A_115 : i32 to index
      %get3A_117 = tpu.vector_load %arg14[%get3A_116] {strides = array<i32>} : memref<2000xi32, #tpu.memory_space<vmem>>, vector<16xi32>,
      %add3A_118 = arith.constant 0 : i32
      %add3A_119 = arith.addi %add3A_118, %add3A_111 : i32
      %swap3A = arith.index_cast %add3A_119 : i32 to index
      %swap3A_120 = arith.constant 0 : index
      %swap3A_121 = tpu.vector_load %arg13[%swap3A, %swap3A_120] {strides = array<i32>} : memref<125x80xi32, #tpu.memory_space<vmem>>, vector<16xi32>,
      tpu.vector_store %arg13[%swap3A, %swap3A_120], %get3A_117 {strides = array<i32>} : memref<125x80xi32, #tpu.memory_space<vmem>>, vector<16xi32>,
      %mul3A_122 = arith.constant 80 : i32
      %mul3A_123 = arith.muli %add3A_111, %mul3A_122 : i32
      %add3A_124 = arith.constant 16 : i32
      %add3A_125 = arith.addi %mul3A_123, %add3A_124 : i32
      %get3A_126 = arith.index_cast %add3A_125 : i32 to index
      %get3A_127 = tpu.vector_load %arg14[%get3A_126] {strides = array<i32>} : memref<2000xi32, #tpu.memory_space<vmem>>, vector<16xi32>,
      %add3A_128 = arith.constant 0 : i32
      %add3A_129 = arith.addi %add3A_128, %add3A_111 : i32
      %swap3A_130 = arith.index_cast %add3A_129 : i32 to index
      %swap3A_131 = arith.constant 16 : index
      %swap3A_132 = tpu.vector_load %arg13[%swap3A_130, %swap3A_131] {strides = array<i32>} : memref<125x80xi32, #tpu.memory_space<vmem>>, vector<16xi32>,
      tpu.vector_store %arg13[%swap3A_130, %swap3A_131], %get3A_127 {strides = array<i32>} : memref<125x80xi32, #tpu.memory_space<vmem>>, vector<16xi32>,
      %mul3A_133 = arith.constant 80 : i32
      %mul3A_134 = arith.muli %add3A_111, %mul3A_133 : i32
      %add3A_135 = arith.constant 32 : i32
      %add3A_136 = arith.addi %mul3A_134, %add3A_135 : i32
      %get3A_137 = arith.index_cast %add3A_136 : i32 to index
      %get3A_138 = tpu.vector_load %arg14[%get3A_137] {strides = array<i32>} : memref<2000xi32, #tpu.memory_space<vmem>>, vector<16xi32>,
      %add3A_139 = arith.constant 0 : i32
      %add3A_140 = arith.addi %add3A_139, %add3A_111 : i32
      %swap3A_141 = arith.index_cast %add3A_140 : i32 to index
      %swap3A_142 = arith.constant 32 : index
      %swap3A_143 = tpu.vector_load %arg13[%swap3A_141, %swap3A_142] {strides = array<i32>} : memref<125x80xi32, #tpu.memory_space<vmem>>, vector<16xi32>,
      tpu.vector_store %arg13[%swap3A_141, %swap3A_142], %get3A_138 {strides = array<i32>} : memref<125x80xi32, #tpu.memory_space<vmem>>, vector<16xi32>,
      %mul3A_144 = arith.constant 80 : i32
      %mul3A_145 = arith.muli %add3A_111, %mul3A_144 : i32
      %add3A_146 = arith.constant 48 : i32
      %add3A_147 = arith.addi %mul3A_145, %add3A_146 : i32
      %get3A_148 = arith.index_cast %add3A_147 : i32 to index
      %get3A_149 = tpu.vector_load %arg14[%get3A_148] {strides = array<i32>} : memref<2000xi32, #tpu.memory_space<vmem>>, vector<16xi32>,
      %add3A_150 = arith.constant 0 : i32
      %add3A_151 = arith.addi %add3A_150, %add3A_111 : i32
      %swap3A_152 = arith.index_cast %add3A_151 : i32 to index
      %swap3A_153 = arith.constant 48 : index
      %swap3A_154 = tpu.vector_load %arg13[%swap3A_152, %swap3A_153] {strides = array<i32>} : memref<125x80xi32, #tpu.memory_space<vmem>>, vector<16xi32>,
      tpu.vector_store %arg13[%swap3A_152, %swap3A_153], %get3A_149 {strides = array<i32>} : memref<125x80xi32, #tpu.memory_space<vmem>>, vector<16xi32>,
      %mul3A_155 = arith.constant 80 : i32
      %mul3A_156 = arith.muli %add3A_111, %mul3A_155 : i32
      %add3A_157 = arith.constant 64 : i32
      %add3A_158 = arith.addi %mul3A_156, %add3A_157 : i32
      %get3A_159 = arith.index_cast %add3A_158 : i32 to index
      %get3A_160 = tpu.vector_load %arg14[%get3A_159] {strides = array<i32>} : memref<2000xi32, #tpu.memory_space<vmem>>, vector<16xi32>,
      %add3A_161 = arith.constant 0 : i32
      %add3A_162 = arith.addi %add3A_161, %add3A_111 : i32
      %swap3A_163 = arith.index_cast %add3A_162 : i32 to index
      %swap3A_164 = arith.constant 64 : index
      %swap3A_165 = tpu.vector_load %arg13[%swap3A_163, %swap3A_164] {strides = array<i32>} : memref<125x80xi32, #tpu.memory_space<vmem>>, vector<16xi32>,
      tpu.vector_store %arg13[%swap3A_163, %swap3A_164], %get3A_160 {strides = array<i32>} : memref<125x80xi32, #tpu.memory_space<vmem>>, vector<16xi32>,
    }
    %scan3A_9 = arith.constant 25 : i32
    %add3A_10 = arith.constant 2000 : i32
    %add3A_11 = arith.addi %add3A, %add3A_10 : i32
    "tpu.region"() ({
      %run_scoped3A = tpu.sem_alloc : memref<!tpu.dma_semaphore, #tpu.memory_space<semaphore_mem>>
      %dma_start3A_107 = tpu.memref_slice %arg4[%add3A_11] : memref<320000xi32, #tpu.memory_space<hbm>> -> memref<2000xi32, #tpu.memory_space<hbm>>
      %dma_start3A_108 = tpu.memref_slice %arg4[%add3A_11] : memref<320000xi32, #tpu.memory_space<hbm>> -> memref<2000xi32, #tpu.memory_space<hbm>>
      tpu.enqueue_dma source(%dma_start3A_108 : memref<2000xi32, #tpu.memory_space<hbm>>) target(%arg14 : memref<2000xi32, #tpu.memory_space<vmem>>) target_semaphore(%run_scoped3A : memref<!tpu.dma_semaphore, #tpu.memory_space<semaphore_mem>>)
      %dma_wait3A_109 = tpu.memref_slice %arg4[%add3A_11] : memref<320000xi32, #tpu.memory_space<hbm>> -> memref<2000xi32, #tpu.memory_space<hbm>>
      %dma_wait3A_110 = tpu.memref_slice %arg4[%add3A_11] : memref<320000xi32, #tpu.memory_space<hbm>> -> memref<2000xi32, #tpu.memory_space<hbm>>
      tpu.wait_dma2 semaphore(%run_scoped3A : memref<!tpu.dma_semaphore, #tpu.memory_space<semaphore_mem>>) src(%dma_wait3A_110 : memref<2000xi32, #tpu.memory_space<hbm>>) dst(%arg14 : memref<2000xi32, #tpu.memory_space<vmem>>)
      tpu.yield
    }) : () -> ()
    %scan3A_12 = arith.constant 0 : i32
    %scan3A_13 = arith.constant 25 : i32
    %scan3A_14 = arith.addi %scan3A_12, %scan3A_13 : i32
    %scan3A_15 = arith.constant 1 : i32
    scf.for %scan3A_107 = %scan3A_12 to %scan3A_14 step %scan3A_15  : i32 {
      %mul3A_108 = arith.constant 1 : i32
      %mul3A_109 = arith.muli %scan3A_107, %mul3A_108 : i32
      %add3A_110 = arith.constant 0 : i32
      %add3A_111 = arith.addi %add3A_110, %mul3A_109 : i32
      %mul3A_112 = arith.constant 80 : i32
      %mul3A_113 = arith.muli %add3A_111, %mul3A_112 : i32
      %add3A_114 = arith.constant 0 : i32
      %add3A_115 = arith.addi %mul3A_113, %add3A_114 : i32
      %get3A_116 = arith.index_cast %add3A_115 : i32 to index
      %get3A_117 = tpu.vector_load %arg14[%get3A_116] {strides = array<i32>} : memref<2000xi32, #tpu.memory_space<vmem>>, vector<16xi32>,
      %add3A_118 = arith.constant 25 : i32
      %add3A_119 = arith.addi %add3A_118, %add3A_111 : i32
      %swap3A = arith.index_cast %add3A_119 : i32 to index
      %swap3A_120 = arith.constant 0 : index
      %swap3A_121 = tpu.vector_load %arg13[%swap3A, %swap3A_120] {strides = array<i32>} : memref<125x80xi32, #tpu.memory_space<vmem>>, vector<16xi32>,
      tpu.vector_store %arg13[%swap3A, %swap3A_120], %get3A_117 {strides = array<i32>} : memref<125x80xi32, #tpu.memory_space<vmem>>, vector<16xi32>,
      %mul3A_122 = arith.constant 80 : i32
      %mul3A_123 = arith.muli %add3A_111, %mul3A_122 : i32
      %add3A_124 = arith.constant 16 : i32
      %add3A_125 = arith.addi %mul3A_123, %add3A_124 : i32
      %get3A_126 = arith.index_cast %add3A_125 : i32 to index
      %get3A_127 = tpu.vector_load %arg14[%get3A_126] {strides = array<i32>} : memref<2000xi32, #tpu.memory_space<vmem>>, vector<16xi32>,
      %add3A_128 = arith.constant 25 : i32
      %add3A_129 = arith.addi %add3A_128, %add3A_111 : i32
      %swap3A_130 = arith.index_cast %add3A_129 : i32 to index
      %swap3A_131 = arith.constant 16 : index
      %swap3A_132 = tpu.vector_load %arg13[%swap3A_130, %swap3A_131] {strides = array<i32>} : memref<125x80xi32, #tpu.memory_space<vmem>>, vector<16xi32>,
      tpu.vector_store %arg13[%swap3A_130, %swap3A_131], %get3A_127 {strides = array<i32>} : memref<125x80xi32, #tpu.memory_space<vmem>>, vector<16xi32>,
      %mul3A_133 = arith.constant 80 : i32
      %mul3A_134 = arith.muli %add3A_111, %mul3A_133 : i32
      %add3A_135 = arith.constant 32 : i32
      %add3A_136 = arith.addi %mul3A_134, %add3A_135 : i32
      %get3A_137 = arith.index_cast %add3A_136 : i32 to index
      %get3A_138 = tpu.vector_load %arg14[%get3A_137] {strides = array<i32>} : memref<2000xi32, #tpu.memory_space<vmem>>, vector<16xi32>,
      %add3A_139 = arith.constant 25 : i32
      %add3A_140 = arith.addi %add3A_139, %add3A_111 : i32
      %swap3A_141 = arith.index_cast %add3A_140 : i32 to index
      %swap3A_142 = arith.constant 32 : index
      %swap3A_143 = tpu.vector_load %arg13[%swap3A_141, %swap3A_142] {strides = array<i32>} : memref<125x80xi32, #tpu.memory_space<vmem>>, vector<16xi32>,
      tpu.vector_store %arg13[%swap3A_141, %swap3A_142], %get3A_138 {strides = array<i32>} : memref<125x80xi32, #tpu.memory_space<vmem>>, vector<16xi32>,
      %mul3A_144 = arith.constant 80 : i32
      %mul3A_145 = arith.muli %add3A_111, %mul3A_144 : i32
      %add3A_146 = arith.constant 48 : i32
      %add3A_147 = arith.addi %mul3A_145, %add3A_146 : i32
      %get3A_148 = arith.index_cast %add3A_147 : i32 to index
      %get3A_149 = tpu.vector_load %arg14[%get3A_148] {strides = array<i32>} : memref<2000xi32, #tpu.memory_space<vmem>>, vector<16xi32>,
      %add3A_150 = arith.constant 25 : i32
      %add3A_151 = arith.addi %add3A_150, %add3A_111 : i32
      %swap3A_152 = arith.index_cast %add3A_151 : i32 to index
      %swap3A_153 = arith.constant 48 : index
      %swap3A_154 = tpu.vector_load %arg13[%swap3A_152, %swap3A_153] {strides = array<i32>} : memref<125x80xi32, #tpu.memory_space<vmem>>, vector<16xi32>,
      tpu.vector_store %arg13[%swap3A_152, %swap3A_153], %get3A_149 {strides = array<i32>} : memref<125x80xi32, #tpu.memory_space<vmem>>, vector<16xi32>,
      %mul3A_155 = arith.constant 80 : i32
      %mul3A_156 = arith.muli %add3A_111, %mul3A_155 : i32
      %add3A_157 = arith.constant 64 : i32
      %add3A_158 = arith.addi %mul3A_156, %add3A_157 : i32
      %get3A_159 = arith.index_cast %add3A_158 : i32 to index
      %get3A_160 = tpu.vector_load %arg14[%get3A_159] {strides = array<i32>} : memref<2000xi32, #tpu.memory_space<vmem>>, vector<16xi32>,
      %add3A_161 = arith.constant 25 : i32
      %add3A_162 = arith.addi %add3A_161, %add3A_111 : i32
      %swap3A_163 = arith.index_cast %add3A_162 : i32 to index
      %swap3A_164 = arith.constant 64 : index
      %swap3A_165 = tpu.vector_load %arg13[%swap3A_163, %swap3A_164] {strides = array<i32>} : memref<125x80xi32, #tpu.memory_space<vmem>>, vector<16xi32>,
      tpu.vector_store %arg13[%swap3A_163, %swap3A_164], %get3A_160 {strides = array<i32>} : memref<125x80xi32, #tpu.memory_space<vmem>>, vector<16xi32>,
    }
    %scan3A_16 = arith.constant 25 : i32
    %add3A_17 = arith.constant 4000 : i32
    %add3A_18 = arith.addi %add3A, %add3A_17 : i32
    "tpu.region"() ({
      %run_scoped3A = tpu.sem_alloc : memref<!tpu.dma_semaphore, #tpu.memory_space<semaphore_mem>>
      %dma_start3A_107 = tpu.memref_slice %arg4[%add3A_18] : memref<320000xi32, #tpu.memory_space<hbm>> -> memref<2000xi32, #tpu.memory_space<hbm>>
      %dma_start3A_108 = tpu.memref_slice %arg4[%add3A_18] : memref<320000xi32, #tpu.memory_space<hbm>> -> memref<2000xi32, #tpu.memory_space<hbm>>
      tpu.enqueue_dma source(%dma_start3A_108 : memref<2000xi32, #tpu.memory_space<hbm>>) target(%arg14 : memref<2000xi32, #tpu.memory_space<vmem>>) target_semaphore(%run_scoped3A : memref<!tpu.dma_semaphore, #tpu.memory_space<semaphore_mem>>)
      %dma_wait3A_109 = tpu.memref_slice %arg4[%add3A_18] : memref<320000xi32, #tpu.memory_space<hbm>> -> memref<2000xi32, #tpu.memory_space<hbm>>
      %dma_wait3A_110 = tpu.memref_slice %arg4[%add3A_18] : memref<320000xi32, #tpu.memory_space<hbm>> -> memref<2000xi32, #tpu.memory_space<hbm>>
      tpu.wait_dma2 semaphore(%run_scoped3A : memref<!tpu.dma_semaphore, #tpu.memory_space<semaphore_mem>>) src(%dma_wait3A_110 : memref<2000xi32, #tpu.memory_space<hbm>>) dst(%arg14 : memref<2000xi32, #tpu.memory_space<vmem>>)
      tpu.yield
    }) : () -> ()
    %scan3A_19 = arith.constant 0 : i32
    %scan3A_20 = arith.constant 25 : i32
    %scan3A_21 = arith.addi %scan3A_19, %scan3A_20 : i32
    %scan3A_22 = arith.constant 1 : i32
    scf.for %scan3A_107 = %scan3A_19 to %scan3A_21 step %scan3A_22  : i32 {
      %mul3A_108 = arith.constant 1 : i32
      %mul3A_109 = arith.muli %scan3A_107, %mul3A_108 : i32
      %add3A_110 = arith.constant 0 : i32
      %add3A_111 = arith.addi %add3A_110, %mul3A_109 : i32
      %mul3A_112 = arith.constant 80 : i32
      %mul3A_113 = arith.muli %add3A_111, %mul3A_112 : i32
      %add3A_114 = arith.constant 0 : i32
      %add3A_115 = arith.addi %mul3A_113, %add3A_114 : i32
      %get3A_116 = arith.index_cast %add3A_115 : i32 to index
      %get3A_117 = tpu.vector_load %arg14[%get3A_116] {strides = array<i32>} : memref<2000xi32, #tpu.memory_space<vmem>>, vector<16xi32>,
      %add3A_118 = arith.constant 50 : i32
      %add3A_119 = arith.addi %add3A_118, %add3A_111 : i32
      %swap3A = arith.index_cast %add3A_119 : i32 to index
      %swap3A_120 = arith.constant 0 : index
      %swap3A_121 = tpu.vector_load %arg13[%swap3A, %swap3A_120] {strides = array<i32>} : memref<125x80xi32, #tpu.memory_space<vmem>>, vector<16xi32>,
      tpu.vector_store %arg13[%swap3A, %swap3A_120], %get3A_117 {strides = array<i32>} : memref<125x80xi32, #tpu.memory_space<vmem>>, vector<16xi32>,
      %mul3A_122 = arith.constant 80 : i32
      %mul3A_123 = arith.muli %add3A_111, %mul3A_122 : i32
      %add3A_124 = arith.constant 16 : i32
      %add3A_125 = arith.addi %mul3A_123, %add3A_124 : i32
      %get3A_126 = arith.index_cast %add3A_125 : i32 to index
      %get3A_127 = tpu.vector_load %arg14[%get3A_126] {strides = array<i32>} : memref<2000xi32, #tpu.memory_space<vmem>>, vector<16xi32>,
      %add3A_128 = arith.constant 50 : i32
      %add3A_129 = arith.addi %add3A_128, %add3A_111 : i32
      %swap3A_130 = arith.index_cast %add3A_129 : i32 to index
      %swap3A_131 = arith.constant 16 : index
      %swap3A_132 = tpu.vector_load %arg13[%swap3A_130, %swap3A_131] {strides = array<i32>} : memref<125x80xi32, #tpu.memory_space<vmem>>, vector<16xi32>,
      tpu.vector_store %arg13[%swap3A_130, %swap3A_131], %get3A_127 {strides = array<i32>} : memref<125x80xi32, #tpu.memory_space<vmem>>, vector<16xi32>,
      %mul3A_133 = arith.constant 80 : i32
      %mul3A_134 = arith.muli %add3A_111, %mul3A_133 : i32
      %add3A_135 = arith.constant 32 : i32
      %add3A_136 = arith.addi %mul3A_134, %add3A_135 : i32
      %get3A_137 = arith.index_cast %add3A_136 : i32 to index
      %get3A_138 = tpu.vector_load %arg14[%get3A_137] {strides = array<i32>} : memref<2000xi32, #tpu.memory_space<vmem>>, vector<16xi32>,
      %add3A_139 = arith.constant 50 : i32
      %add3A_140 = arith.addi %add3A_139, %add3A_111 : i32
      %swap3A_141 = arith.index_cast %add3A_140 : i32 to index
      %swap3A_142 = arith.constant 32 : index
      %swap3A_143 = tpu.vector_load %arg13[%swap3A_141, %swap3A_142] {strides = array<i32>} : memref<125x80xi32, #tpu.memory_space<vmem>>, vector<16xi32>,
      tpu.vector_store %arg13[%swap3A_141, %swap3A_142], %get3A_138 {strides = array<i32>} : memref<125x80xi32, #tpu.memory_space<vmem>>, vector<16xi32>,
      %mul3A_144 = arith.constant 80 : i32
      %mul3A_145 = arith.muli %add3A_111, %mul3A_144 : i32
      %add3A_146 = arith.constant 48 : i32
      %add3A_147 = arith.addi %mul3A_145, %add3A_146 : i32
      %get3A_148 = arith.index_cast %add3A_147 : i32 to index
      %get3A_149 = tpu.vector_load %arg14[%get3A_148] {strides = array<i32>} : memref<2000xi32, #tpu.memory_space<vmem>>, vector<16xi32>,
      %add3A_150 = arith.constant 50 : i32
      %add3A_151 = arith.addi %add3A_150, %add3A_111 : i32
      %swap3A_152 = arith.index_cast %add3A_151 : i32 to index
      %swap3A_153 = arith.constant 48 : index
      %swap3A_154 = tpu.vector_load %arg13[%swap3A_152, %swap3A_153] {strides = array<i32>} : memref<125x80xi32, #tpu.memory_space<vmem>>, vector<16xi32>,
      tpu.vector_store %arg13[%swap3A_152, %swap3A_153], %get3A_149 {strides = array<i32>} : memref<125x80xi32, #tpu.memory_space<vmem>>, vector<16xi32>,
      %mul3A_155 = arith.constant 80 : i32
      %mul3A_156 = arith.muli %add3A_111, %mul3A_155 : i32
      %add3A_157 = arith.constant 64 : i32
      %add3A_158 = arith.addi %mul3A_156, %add3A_157 : i32
      %get3A_159 = arith.index_cast %add3A_158 : i32 to index
      %get3A_160 = tpu.vector_load %arg14[%get3A_159] {strides = array<i32>} : memref<2000xi32, #tpu.memory_space<vmem>>, vector<16xi32>,
      %add3A_161 = arith.constant 50 : i32
      %add3A_162 = arith.addi %add3A_161, %add3A_111 : i32
      %swap3A_163 = arith.index_cast %add3A_162 : i32 to index
      %swap3A_164 = arith.constant 64 : index
      %swap3A_165 = tpu.vector_load %arg13[%swap3A_163, %swap3A_164] {strides = array<i32>} : memref<125x80xi32, #tpu.memory_space<vmem>>, vector<16xi32>,
      tpu.vector_store %arg13[%swap3A_163, %swap3A_164], %get3A_160 {strides = array<i32>} : memref<125x80xi32, #tpu.memory_space<vmem>>, vector<16xi32>,
    }
    %scan3A_23 = arith.constant 25 : i32
    %add3A_24 = arith.constant 6000 : i32
    %add3A_25 = arith.addi %add3A, %add3A_24 : i32
    "tpu.region"() ({
      %run_scoped3A = tpu.sem_alloc : memref<!tpu.dma_semaphore, #tpu.memory_space<semaphore_mem>>
      %dma_start3A_107 = tpu.memref_slice %arg4[%add3A_25] : memref<320000xi32, #tpu.memory_space<hbm>> -> memref<2000xi32, #tpu.memory_space<hbm>>
      %dma_start3A_108 = tpu.memref_slice %arg4[%add3A_25] : memref<320000xi32, #tpu.memory_space<hbm>> -> memref<2000xi32, #tpu.memory_space<hbm>>
      tpu.enqueue_dma source(%dma_start3A_108 : memref<2000xi32, #tpu.memory_space<hbm>>) target(%arg14 : memref<2000xi32, #tpu.memory_space<vmem>>) target_semaphore(%run_scoped3A : memref<!tpu.dma_semaphore, #tpu.memory_space<semaphore_mem>>)
      %dma_wait3A_109 = tpu.memref_slice %arg4[%add3A_25] : memref<320000xi32, #tpu.memory_space<hbm>> -> memref<2000xi32, #tpu.memory_space<hbm>>
      %dma_wait3A_110 = tpu.memref_slice %arg4[%add3A_25] : memref<320000xi32, #tpu.memory_space<hbm>> -> memref<2000xi32, #tpu.memory_space<hbm>>
      tpu.wait_dma2 semaphore(%run_scoped3A : memref<!tpu.dma_semaphore, #tpu.memory_space<semaphore_mem>>) src(%dma_wait3A_110 : memref<2000xi32, #tpu.memory_space<hbm>>) dst(%arg14 : memref<2000xi32, #tpu.memory_space<vmem>>)
      tpu.yield
    }) : () -> ()
    %scan3A_26 = arith.constant 0 : i32
    %scan3A_27 = arith.constant 25 : i32
    %scan3A_28 = arith.addi %scan3A_26, %scan3A_27 : i32
    %scan3A_29 = arith.constant 1 : i32
    scf.for %scan3A_107 = %scan3A_26 to %scan3A_28 step %scan3A_29  : i32 {
      %mul3A_108 = arith.constant 1 : i32
      %mul3A_109 = arith.muli %scan3A_107, %mul3A_108 : i32
      %add3A_110 = arith.constant 0 : i32
      %add3A_111 = arith.addi %add3A_110, %mul3A_109 : i32
      %mul3A_112 = arith.constant 80 : i32
      %mul3A_113 = arith.muli %add3A_111, %mul3A_112 : i32
      %add3A_114 = arith.constant 0 : i32
      %add3A_115 = arith.addi %mul3A_113, %add3A_114 : i32
      %get3A_116 = arith.index_cast %add3A_115 : i32 to index
      %get3A_117 = tpu.vector_load %arg14[%get3A_116] {strides = array<i32>} : memref<2000xi32, #tpu.memory_space<vmem>>, vector<16xi32>,
      %add3A_118 = arith.constant 75 : i32
      %add3A_119 = arith.addi %add3A_118, %add3A_111 : i32
      %swap3A = arith.index_cast %add3A_119 : i32 to index
      %swap3A_120 = arith.constant 0 : index
      %swap3A_121 = tpu.vector_load %arg13[%swap3A, %swap3A_120] {strides = array<i32>} : memref<125x80xi32, #tpu.memory_space<vmem>>, vector<16xi32>,
      tpu.vector_store %arg13[%swap3A, %swap3A_120], %get3A_117 {strides = array<i32>} : memref<125x80xi32, #tpu.memory_space<vmem>>, vector<16xi32>,
      %mul3A_122 = arith.constant 80 : i32
      %mul3A_123 = arith.muli %add3A_111, %mul3A_122 : i32
      %add3A_124 = arith.constant 16 : i32
      %add3A_125 = arith.addi %mul3A_123, %add3A_124 : i32
      %get3A_126 = arith.index_cast %add3A_125 : i32 to index
      %get3A_127 = tpu.vector_load %arg14[%get3A_126] {strides = array<i32>} : memref<2000xi32, #tpu.memory_space<vmem>>, vector<16xi32>,
      %add3A_128 = arith.constant 75 : i32
      %add3A_129 = arith.addi %add3A_128, %add3A_111 : i32
      %swap3A_130 = arith.index_cast %add3A_129 : i32 to index
      %swap3A_131 = arith.constant 16 : index
      %swap3A_132 = tpu.vector_load %arg13[%swap3A_130, %swap3A_131] {strides = array<i32>} : memref<125x80xi32, #tpu.memory_space<vmem>>, vector<16xi32>,
      tpu.vector_store %arg13[%swap3A_130, %swap3A_131], %get3A_127 {strides = array<i32>} : memref<125x80xi32, #tpu.memory_space<vmem>>, vector<16xi32>,
      %mul3A_133 = arith.constant 80 : i32
      %mul3A_134 = arith.muli %add3A_111, %mul3A_133 : i32
      %add3A_135 = arith.constant 32 : i32
      %add3A_136 = arith.addi %mul3A_134, %add3A_135 : i32
      %get3A_137 = arith.index_cast %add3A_136 : i32 to index
      %get3A_138 = tpu.vector_load %arg14[%get3A_137] {strides = array<i32>} : memref<2000xi32, #tpu.memory_space<vmem>>, vector<16xi32>,
      %add3A_139 = arith.constant 75 : i32
      %add3A_140 = arith.addi %add3A_139, %add3A_111 : i32
      %swap3A_141 = arith.index_cast %add3A_140 : i32 to index
      %swap3A_142 = arith.constant 32 : index
      %swap3A_143 = tpu.vector_load %arg13[%swap3A_141, %swap3A_142] {strides = array<i32>} : memref<125x80xi32, #tpu.memory_space<vmem>>, vector<16xi32>,
      tpu.vector_store %arg13[%swap3A_141, %swap3A_142], %get3A_138 {strides = array<i32>} : memref<125x80xi32, #tpu.memory_space<vmem>>, vector<16xi32>,
      %mul3A_144 = arith.constant 80 : i32
      %mul3A_145 = arith.muli %add3A_111, %mul3A_144 : i32
      %add3A_146 = arith.constant 48 : i32
      %add3A_147 = arith.addi %mul3A_145, %add3A_146 : i32
      %get3A_148 = arith.index_cast %add3A_147 : i32 to index
      %get3A_149 = tpu.vector_load %arg14[%get3A_148] {strides = array<i32>} : memref<2000xi32, #tpu.memory_space<vmem>>, vector<16xi32>,
      %add3A_150 = arith.constant 75 : i32
      %add3A_151 = arith.addi %add3A_150, %add3A_111 : i32
      %swap3A_152 = arith.index_cast %add3A_151 : i32 to index
      %swap3A_153 = arith.constant 48 : index
      %swap3A_154 = tpu.vector_load %arg13[%swap3A_152, %swap3A_153] {strides = array<i32>} : memref<125x80xi32, #tpu.memory_space<vmem>>, vector<16xi32>,
      tpu.vector_store %arg13[%swap3A_152, %swap3A_153], %get3A_149 {strides = array<i32>} : memref<125x80xi32, #tpu.memory_space<vmem>>, vector<16xi32>,
      %mul3A_155 = arith.constant 80 : i32
      %mul3A_156 = arith.muli %add3A_111, %mul3A_155 : i32
      %add3A_157 = arith.constant 64 : i32
      %add3A_158 = arith.addi %mul3A_156, %add3A_157 : i32
      %get3A_159 = arith.index_cast %add3A_158 : i32 to index
      %get3A_160 = tpu.vector_load %arg14[%get3A_159] {strides = array<i32>} : memref<2000xi32, #tpu.memory_space<vmem>>, vector<16xi32>,
      %add3A_161 = arith.constant 75 : i32
      %add3A_162 = arith.addi %add3A_161, %add3A_111 : i32
      %swap3A_163 = arith.index_cast %add3A_162 : i32 to index
      %swap3A_164 = arith.constant 64 : index
      %swap3A_165 = tpu.vector_load %arg13[%swap3A_163, %swap3A_164] {strides = array<i32>} : memref<125x80xi32, #tpu.memory_space<vmem>>, vector<16xi32>,
      tpu.vector_store %arg13[%swap3A_163, %swap3A_164], %get3A_160 {strides = array<i32>} : memref<125x80xi32, #tpu.memory_space<vmem>>, vector<16xi32>,
    }
    %scan3A_30 = arith.constant 25 : i32
    %add3A_31 = arith.constant 8000 : i32
    %add3A_32 = arith.addi %add3A, %add3A_31 : i32
    "tpu.region"() ({
      %run_scoped3A = tpu.sem_alloc : memref<!tpu.dma_semaphore, #tpu.memory_space<semaphore_mem>>
      %dma_start3A_107 = tpu.memref_slice %arg4[%add3A_32] : memref<320000xi32, #tpu.memory_space<hbm>> -> memref<2000xi32, #tpu.memory_space<hbm>>
      %dma_start3A_108 = tpu.memref_slice %arg4[%add3A_32] : memref<320000xi32, #tpu.memory_space<hbm>> -> memref<2000xi32, #tpu.memory_space<hbm>>
      tpu.enqueue_dma source(%dma_start3A_108 : memref<2000xi32, #tpu.memory_space<hbm>>) target(%arg14 : memref<2000xi32, #tpu.memory_space<vmem>>) target_semaphore(%run_scoped3A : memref<!tpu.dma_semaphore, #tpu.memory_space<semaphore_mem>>)
      %dma_wait3A_109 = tpu.memref_slice %arg4[%add3A_32] : memref<320000xi32, #tpu.memory_space<hbm>> -> memref<2000xi32, #tpu.memory_space<hbm>>
      %dma_wait3A_110 = tpu.memref_slice %arg4[%add3A_32] : memref<320000xi32, #tpu.memory_space<hbm>> -> memref<2000xi32, #tpu.memory_space<hbm>>
      tpu.wait_dma2 semaphore(%run_scoped3A : memref<!tpu.dma_semaphore, #tpu.memory_space<semaphore_mem>>) src(%dma_wait3A_110 : memref<2000xi32, #tpu.memory_space<hbm>>) dst(%arg14 : memref<2000xi32, #tpu.memory_space<vmem>>)
      tpu.yield
    }) : () -> ()
    %scan3A_33 = arith.constant 0 : i32
    %scan3A_34 = arith.constant 25 : i32
    %scan3A_35 = arith.addi %scan3A_33, %scan3A_34 : i32
    %scan3A_36 = arith.constant 1 : i32
    scf.for %scan3A_107 = %scan3A_33 to %scan3A_35 step %scan3A_36  : i32 {
      %mul3A_108 = arith.constant 1 : i32
      %mul3A_109 = arith.muli %scan3A_107, %mul3A_108 : i32
      %add3A_110 = arith.constant 0 : i32
      %add3A_111 = arith.addi %add3A_110, %mul3A_109 : i32
      %mul3A_112 = arith.constant 80 : i32
      %mul3A_113 = arith.muli %add3A_111, %mul3A_112 : i32
      %add3A_114 = arith.constant 0 : i32
      %add3A_115 = arith.addi %mul3A_113, %add3A_114 : i32
      %get3A_116 = arith.index_cast %add3A_115 : i32 to index
      %get3A_117 = tpu.vector_load %arg14[%get3A_116] {strides = array<i32>} : memref<2000xi32, #tpu.memory_space<vmem>>, vector<16xi32>,
      %add3A_118 = arith.constant 100 : i32
      %add3A_119 = arith.addi %add3A_118, %add3A_111 : i32
      %swap3A = arith.index_cast %add3A_119 : i32 to index
      %swap3A_120 = arith.constant 0 : index
      %swap3A_121 = tpu.vector_load %arg13[%swap3A, %swap3A_120] {strides = array<i32>} : memref<125x80xi32, #tpu.memory_space<vmem>>, vector<16xi32>,
      tpu.vector_store %arg13[%swap3A, %swap3A_120], %get3A_117 {strides = array<i32>} : memref<125x80xi32, #tpu.memory_space<vmem>>, vector<16xi32>,
      %mul3A_122 = arith.constant 80 : i32
      %mul3A_123 = arith.muli %add3A_111, %mul3A_122 : i32
      %add3A_124 = arith.constant 16 : i32
      %add3A_125 = arith.addi %mul3A_123, %add3A_124 : i32
      %get3A_126 = arith.index_cast %add3A_125 : i32 to index
      %get3A_127 = tpu.vector_load %arg14[%get3A_126] {strides = array<i32>} : memref<2000xi32, #tpu.memory_space<vmem>>, vector<16xi32>,
      %add3A_128 = arith.constant 100 : i32
      %add3A_129 = arith.addi %add3A_128, %add3A_111 : i32
      %swap3A_130 = arith.index_cast %add3A_129 : i32 to index
      %swap3A_131 = arith.constant 16 : index
      %swap3A_132 = tpu.vector_load %arg13[%swap3A_130, %swap3A_131] {strides = array<i32>} : memref<125x80xi32, #tpu.memory_space<vmem>>, vector<16xi32>,
      tpu.vector_store %arg13[%swap3A_130, %swap3A_131], %get3A_127 {strides = array<i32>} : memref<125x80xi32, #tpu.memory_space<vmem>>, vector<16xi32>,
      %mul3A_133 = arith.constant 80 : i32
      %mul3A_134 = arith.muli %add3A_111, %mul3A_133 : i32
      %add3A_135 = arith.constant 32 : i32
      %add3A_136 = arith.addi %mul3A_134, %add3A_135 : i32
      %get3A_137 = arith.index_cast %add3A_136 : i32 to index
      %get3A_138 = tpu.vector_load %arg14[%get3A_137] {strides = array<i32>} : memref<2000xi32, #tpu.memory_space<vmem>>, vector<16xi32>,
      %add3A_139 = arith.constant 100 : i32
      %add3A_140 = arith.addi %add3A_139, %add3A_111 : i32
      %swap3A_141 = arith.index_cast %add3A_140 : i32 to index
      %swap3A_142 = arith.constant 32 : index
      %swap3A_143 = tpu.vector_load %arg13[%swap3A_141, %swap3A_142] {strides = array<i32>} : memref<125x80xi32, #tpu.memory_space<vmem>>, vector<16xi32>,
      tpu.vector_store %arg13[%swap3A_141, %swap3A_142], %get3A_138 {strides = array<i32>} : memref<125x80xi32, #tpu.memory_space<vmem>>, vector<16xi32>,
      %mul3A_144 = arith.constant 80 : i32
      %mul3A_145 = arith.muli %add3A_111, %mul3A_144 : i32
      %add3A_146 = arith.constant 48 : i32
      %add3A_147 = arith.addi %mul3A_145, %add3A_146 : i32
      %get3A_148 = arith.index_cast %add3A_147 : i32 to index
      %get3A_149 = tpu.vector_load %arg14[%get3A_148] {strides = array<i32>} : memref<2000xi32, #tpu.memory_space<vmem>>, vector<16xi32>,
      %add3A_150 = arith.constant 100 : i32
      %add3A_151 = arith.addi %add3A_150, %add3A_111 : i32
      %swap3A_152 = arith.index_cast %add3A_151 : i32 to index
      %swap3A_153 = arith.constant 48 : index
      %swap3A_154 = tpu.vector_load %arg13[%swap3A_152, %swap3A_153] {strides = array<i32>} : memref<125x80xi32, #tpu.memory_space<vmem>>, vector<16xi32>,
      tpu.vector_store %arg13[%swap3A_152, %swap3A_153], %get3A_149 {strides = array<i32>} : memref<125x80xi32, #tpu.memory_space<vmem>>, vector<16xi32>,
      %mul3A_155 = arith.constant 80 : i32
      %mul3A_156 = arith.muli %add3A_111, %mul3A_155 : i32
      %add3A_157 = arith.constant 64 : i32
      %add3A_158 = arith.addi %mul3A_156, %add3A_157 : i32
      %get3A_159 = arith.index_cast %add3A_158 : i32 to index
      %get3A_160 = tpu.vector_load %arg14[%get3A_159] {strides = array<i32>} : memref<2000xi32, #tpu.memory_space<vmem>>, vector<16xi32>,
      %add3A_161 = arith.constant 100 : i32
      %add3A_162 = arith.addi %add3A_161, %add3A_111 : i32
      %swap3A_163 = arith.index_cast %add3A_162 : i32 to index
      %swap3A_164 = arith.constant 64 : index
      %swap3A_165 = tpu.vector_load %arg13[%swap3A_163, %swap3A_164] {strides = array<i32>} : memref<125x80xi32, #tpu.memory_space<vmem>>, vector<16xi32>,
      tpu.vector_store %arg13[%swap3A_163, %swap3A_164], %get3A_160 {strides = array<i32>} : memref<125x80xi32, #tpu.memory_space<vmem>>, vector<16xi32>,
    }
    %scan3A_37 = arith.constant 25 : i32
    %scan3A_38 = arith.constant 0 : i32
    %scan3A_39 = arith.constant 80 : i32
    %scan3A_40 = arith.addi %scan3A_38, %scan3A_39 : i32
    %scan3A_41 = arith.constant 1 : i32
    scf.for %scan3A_107 = %scan3A_38 to %scan3A_40 step %scan3A_41  : i32 {
      %mul3A_108 = arith.constant 1 : i32
      %mul3A_109 = arith.muli %scan3A_107, %mul3A_108 : i32
      %add3A_110 = arith.constant 0 : i32
      %add3A_111 = arith.addi %add3A_110, %mul3A_109 : i32
      %broadcast_in_dim3A_112 = arith.constant 0.000000e+00 : f32
      %broadcast_in_dim3A_113 = vector.broadcast %broadcast_in_dim3A_112 : f32 to vector<16xf32>
      %swap3A = arith.index_cast %add3A_111 : i32 to index
      %swap3A_114 = arith.constant 0 : index
      %swap3A_115 = tpu.vector_load %arg16[%swap3A, %swap3A_114] {strides = array<i32>} : memref<80x32xf32, #tpu.memory_space<vmem>>, vector<16xf32>,
      tpu.vector_store %arg16[%swap3A, %swap3A_114], %broadcast_in_dim3A_113 {strides = array<i32>} : memref<80x32xf32, #tpu.memory_space<vmem>>, vector<16xf32>,
      %broadcast_in_dim3A_116 = arith.constant 0.000000e+00 : f32
      %broadcast_in_dim3A_117 = vector.broadcast %broadcast_in_dim3A_116 : f32 to vector<16xf32>
      %swap3A_118 = arith.index_cast %add3A_111 : i32 to index
      %swap3A_119 = arith.constant 16 : index
      %swap3A_120 = tpu.vector_load %arg16[%swap3A_118, %swap3A_119] {strides = array<i32>} : memref<80x32xf32, #tpu.memory_space<vmem>>, vector<16xf32>,
      tpu.vector_store %arg16[%swap3A_118, %swap3A_119], %broadcast_in_dim3A_117 {strides = array<i32>} : memref<80x32xf32, #tpu.memory_space<vmem>>, vector<16xf32>,
    }
    %scan3A_42 = arith.constant 80 : i32
    %scan3A_43 = arith.constant 0 : i32
    %scan3A_44 = arith.constant 8 : i32
    %scan3A_45 = arith.addi %scan3A_43, %scan3A_44 : i32
    %scan3A_46 = arith.constant 1 : i32
    scf.for %scan3A_107 = %scan3A_43 to %scan3A_45 step %scan3A_46  : i32 {
      %mul3A_108 = arith.constant 1 : i32
      %mul3A_109 = arith.muli %scan3A_107, %mul3A_108 : i32
      %add3A_110 = arith.constant 0 : i32
      %add3A_111 = arith.addi %add3A_110, %mul3A_109 : i32
      %mul3A_112 = arith.constant 16 : i32
      %mul3A_113 = arith.muli %add3A_111, %mul3A_112 : i32
      %add3A_114 = arith.addi %mul3A_113, %arg1 : i32
      %lt3A = arith.constant 125 : i32
      %lt3A_115 = arith.cmpi slt, %add3A_114, %lt3A : i32
      %convert_element_type3A = arith.extui %lt3A_115 : i1 to i32
      %cond3A = arith.constant 0 : i32
      %cond3A_116 = arith.cmpi ne, %convert_element_type3A, %cond3A : i32
      scf.if %cond3A_116 {
        %mul3A_117 = arith.constant 80 : i32
        %mul3A_118 = arith.muli %add3A_114, %mul3A_117 : i32
        %dma_start3A_119 = arith.constant 0 : i32
        %dma_start3A_120 = tpu.memref_slice %arg21[%mul3A_118, %dma_start3A_119] : memref<10000x32xf32, #tpu.memory_space<vmem_shared>> -> memref<80x32xf32, #tpu.memory_space<vmem_shared>>
        %dma_start3A_121 = arith.constant 0 : i32
        %dma_start3A_122 = tpu.memref_slice %arg21[%mul3A_118, %dma_start3A_121] : memref<10000x32xf32, #tpu.memory_space<vmem_shared>> -> memref<80x32xf32, #tpu.memory_space<vmem_shared>>
        tpu.enqueue_dma source(%arg16 : memref<80x32xf32, #tpu.memory_space<vmem>>) target(%dma_start3A_122 : memref<80x32xf32, #tpu.memory_space<vmem_shared>>) target_semaphore(%arg22 : memref<!tpu.dma_semaphore, #tpu.memory_space<semaphore_mem>>)
      } else {
      }
    }
    %scan3A_47 = arith.constant 8 : i32
    tpu.wait_dma2 semaphore(%arg22 : memref<!tpu.dma_semaphore, #tpu.memory_space<semaphore_mem>>) src(%arg5 : memref<10000xf32, #tpu.memory_space<hbm>>) dst(%arg9 : memref<10000xf32, #tpu.memory_space<vmem>>)
    tpu.wait_dma2 semaphore(%arg23 : memref<!tpu.dma_semaphore, #tpu.memory_space<semaphore_mem>>) src(%arg6 : memref<10000xf32, #tpu.memory_space<hbm>>) dst(%arg10 : memref<10000xf32, #tpu.memory_space<vmem>>)
    tpu.wait_dma2 semaphore(%arg27 : memref<!tpu.dma_semaphore, #tpu.memory_space<semaphore_mem>>) src(%arg7 : memref<16xf32, #tpu.memory_space<hbm>>) dst(%arg11 : memref<16xf32, #tpu.memory_space<vmem>>)
    %dma_wait3A = tpu.memref_slice %arg3[%add3A] : memref<320000xi32, #tpu.memory_space<hbm>> -> memref<10000xi32, #tpu.memory_space<hbm>>
    %dma_wait3A_48 = tpu.memref_slice %arg3[%add3A] : memref<320000xi32, #tpu.memory_space<hbm>> -> memref<10000xi32, #tpu.memory_space<hbm>>
    tpu.wait_dma2 semaphore(%arg28 : memref<!tpu.dma_semaphore, #tpu.memory_space<semaphore_mem>>) src(%dma_wait3A_48 : memref<10000xi32, #tpu.memory_space<hbm>>) dst(%arg12 : memref<10000xi32, #tpu.memory_space<vmem>>)
    %scan3A_49 = arith.constant 0 : i32
    %scan3A_50 = arith.constant 8 : i32
    %scan3A_51 = arith.addi %scan3A_49, %scan3A_50 : i32
    %scan3A_52 = arith.constant 1 : i32
    scf.for %scan3A_107 = %scan3A_49 to %scan3A_51 step %scan3A_52  : i32 {
      %mul3A_108 = arith.constant 1 : i32
      %mul3A_109 = arith.muli %scan3A_107, %mul3A_108 : i32
      %add3A_110 = arith.constant 0 : i32
      %add3A_111 = arith.addi %add3A_110, %mul3A_109 : i32
      %mul3A_112 = arith.constant 16 : i32
      %mul3A_113 = arith.muli %add3A_111, %mul3A_112 : i32
      %add3A_114 = arith.addi %mul3A_113, %arg1 : i32
      %lt3A = arith.constant 125 : i32
      %lt3A_115 = arith.cmpi slt, %add3A_114, %lt3A : i32
      %convert_element_type3A = arith.extui %lt3A_115 : i1 to i32
      %cond3A = arith.constant 0 : i32
      %cond3A_116 = arith.cmpi ne, %convert_element_type3A, %cond3A : i32
      scf.if %cond3A_116 {
        %dma_wait3A_117 = arith.constant 0 : i32
        %dma_wait3A_118 = arith.constant 0 : i32
        %dma_wait3A_119 = tpu.memref_slice %arg21[%dma_wait3A_117, %dma_wait3A_118] : memref<10000x32xf32, #tpu.memory_space<vmem_shared>> -> memref<80x32xf32, #tpu.memory_space<vmem_shared>>
        %dma_wait3A_120 = arith.constant 0 : i32
        %dma_wait3A_121 = arith.constant 0 : i32
        %dma_wait3A_122 = tpu.memref_slice %arg21[%dma_wait3A_120, %dma_wait3A_121] : memref<10000x32xf32, #tpu.memory_space<vmem_shared>> -> memref<80x32xf32, #tpu.memory_space<vmem_shared>>
        tpu.wait_dma2 semaphore(%arg22 : memref<!tpu.dma_semaphore, #tpu.memory_space<semaphore_mem>>) src(%arg16 : memref<80x32xf32, #tpu.memory_space<vmem>>) dst(%dma_wait3A_122 : memref<80x32xf32, #tpu.memory_space<vmem_shared>>)
      } else {
      }
    }
    %scan3A_53 = arith.constant 8 : i32
    %barrier3A = arith.constant 0 : index
    tpu.barrier barrier_id(%barrier3A)
    %get3A = arith.constant 0 : index
    %get3A_54 = tpu.vector_load %arg11[%get3A] {strides = array<i32>} : memref<16xf32, #tpu.memory_space<vmem>>, vector<16xf32>,
    %broadcast_in_dim3A = arith.constant 0 : i32
    %broadcast_in_dim3A_55 = vector.broadcast %broadcast_in_dim3A : i32 to vector<16xi32>
    %scan3A_56 = arith.constant 0 : i32
    %scan3A_57 = arith.constant 25 : i32
    %scan3A_58 = arith.addi %scan3A_56, %scan3A_57 : i32
    %scan3A_59 = arith.constant 1 : i32
    scf.for %scan3A_107 = %scan3A_56 to %scan3A_58 step %scan3A_59  : i32 {
      %mul3A_108 = arith.constant 5 : i32
      %mul3A_109 = arith.muli %scan3A_107, %mul3A_108 : i32
      %add3A_110 = arith.constant 0 : i32
      %add3A_111 = arith.addi %add3A_110, %mul3A_109 : i32
      %gt3A = arith.constant 0 : i32
      %gt3A_112 = arith.cmpi sgt, %add3A_111, %gt3A : i32
      %convert_element_type3A = arith.extui %gt3A_112 : i1 to i32
      %cond3A = arith.constant 0 : i32
      %cond3A_113 = arith.cmpi ne, %convert_element_type3A, %cond3A : i32
      scf.if %cond3A_113 {
        %dma_wait3A_253 = arith.constant 0 : i32
        %dma_wait3A_254 = arith.constant 0 : i32
        %dma_wait3A_255 = tpu.memref_slice %arg13[%dma_wait3A_253, %dma_wait3A_254] : memref<125x80xi32, #tpu.memory_space<vmem>> -> memref<1x80xi32, #tpu.memory_space<vmem>>
        %dma_wait3A_256 = tpu.memref_squeeze %dma_wait3A_255 : memref<1x80xi32, #tpu.memory_space<vmem>> -> memref<80xi32, #tpu.memory_space<vmem>>
        %dma_wait3A_257 = arith.constant 0 : i32
        %dma_wait3A_258 = arith.constant 0 : i32
        %dma_wait3A_259 = tpu.memref_slice %arg21[%dma_wait3A_257, %dma_wait3A_258] : memref<10000x32xf32, #tpu.memory_space<vmem_shared>> -> memref<10000x32xf32, #tpu.memory_space<vmem_shared>>
        tpu.wait_indirect_dma semaphore(%arg27 : memref<!tpu.dma_semaphore, #tpu.memory_space<semaphore_mem>>) src(%arg16 : memref<80x32xf32, #tpu.memory_space<vmem>>) dst(%dma_wait3A_259 : memref<10000x32xf32, #tpu.memory_space<vmem_shared>>)
        %dma_wait3A_260 = arith.constant 0 : i32
        %dma_wait3A_261 = arith.constant 0 : i32
        %dma_wait3A_262 = tpu.memref_slice %arg13[%dma_wait3A_260, %dma_wait3A_261] : memref<125x80xi32, #tpu.memory_space<vmem>> -> memref<1x80xi32, #tpu.memory_space<vmem>>
        %dma_wait3A_263 = tpu.memref_squeeze %dma_wait3A_262 : memref<1x80xi32, #tpu.memory_space<vmem>> -> memref<80xi32, #tpu.memory_space<vmem>>
        %dma_wait3A_264 = arith.constant 0 : i32
        %dma_wait3A_265 = arith.constant 0 : i32
        %dma_wait3A_266 = tpu.memref_slice %arg21[%dma_wait3A_264, %dma_wait3A_265] : memref<10000x32xf32, #tpu.memory_space<vmem_shared>> -> memref<10000x32xf32, #tpu.memory_space<vmem_shared>>
        tpu.wait_indirect_dma semaphore(%arg28 : memref<!tpu.dma_semaphore, #tpu.memory_space<semaphore_mem>>) src(%arg17 : memref<80x32xf32, #tpu.memory_space<vmem>>) dst(%dma_wait3A_266 : memref<10000x32xf32, #tpu.memory_space<vmem_shared>>)
        %dma_wait3A_267 = arith.constant 0 : i32
        %dma_wait3A_268 = arith.constant 0 : i32
        %dma_wait3A_269 = tpu.memref_slice %arg13[%dma_wait3A_267, %dma_wait3A_268] : memref<125x80xi32, #tpu.memory_space<vmem>> -> memref<1x80xi32, #tpu.memory_space<vmem>>
        %dma_wait3A_270 = tpu.memref_squeeze %dma_wait3A_269 : memref<1x80xi32, #tpu.memory_space<vmem>> -> memref<80xi32, #tpu.memory_space<vmem>>
        %dma_wait3A_271 = arith.constant 0 : i32
        %dma_wait3A_272 = arith.constant 0 : i32
        %dma_wait3A_273 = tpu.memref_slice %arg21[%dma_wait3A_271, %dma_wait3A_272] : memref<10000x32xf32, #tpu.memory_space<vmem_shared>> -> memref<10000x32xf32, #tpu.memory_space<vmem_shared>>
        tpu.wait_indirect_dma semaphore(%arg29 : memref<!tpu.dma_semaphore, #tpu.memory_space<semaphore_mem>>) src(%arg18 : memref<80x32xf32, #tpu.memory_space<vmem>>) dst(%dma_wait3A_273 : memref<10000x32xf32, #tpu.memory_space<vmem_shared>>)
        %dma_wait3A_274 = arith.constant 0 : i32
        %dma_wait3A_275 = arith.constant 0 : i32
        %dma_wait3A_276 = tpu.memref_slice %arg13[%dma_wait3A_274, %dma_wait3A_275] : memref<125x80xi32, #tpu.memory_space<vmem>> -> memref<1x80xi32, #tpu.memory_space<vmem>>
        %dma_wait3A_277 = tpu.memref_squeeze %dma_wait3A_276 : memref<1x80xi32, #tpu.memory_space<vmem>> -> memref<80xi32, #tpu.memory_space<vmem>>
        %dma_wait3A_278 = arith.constant 0 : i32
        %dma_wait3A_279 = arith.constant 0 : i32
        %dma_wait3A_280 = tpu.memref_slice %arg21[%dma_wait3A_278, %dma_wait3A_279] : memref<10000x32xf32, #tpu.memory_space<vmem_shared>> -> memref<10000x32xf32, #tpu.memory_space<vmem_shared>>
        tpu.wait_indirect_dma semaphore(%arg30 : memref<!tpu.dma_semaphore, #tpu.memory_space<semaphore_mem>>) src(%arg19 : memref<80x32xf32, #tpu.memory_space<vmem>>) dst(%dma_wait3A_280 : memref<10000x32xf32, #tpu.memory_space<vmem_shared>>)
        %dma_wait3A_281 = arith.constant 0 : i32
        %dma_wait3A_282 = arith.constant 0 : i32
        %dma_wait3A_283 = tpu.memref_slice %arg13[%dma_wait3A_281, %dma_wait3A_282] : memref<125x80xi32, #tpu.memory_space<vmem>> -> memref<1x80xi32, #tpu.memory_space<vmem>>
        %dma_wait3A_284 = tpu.memref_squeeze %dma_wait3A_283 : memref<1x80xi32, #tpu.memory_space<vmem>> -> memref<80xi32, #tpu.memory_space<vmem>>
        %dma_wait3A_285 = arith.constant 0 : i32
        %dma_wait3A_286 = arith.constant 0 : i32
        %dma_wait3A_287 = tpu.memref_slice %arg21[%dma_wait3A_285, %dma_wait3A_286] : memref<10000x32xf32, #tpu.memory_space<vmem_shared>> -> memref<10000x32xf32, #tpu.memory_space<vmem_shared>>
        tpu.wait_indirect_dma semaphore(%arg31 : memref<!tpu.dma_semaphore, #tpu.memory_space<semaphore_mem>>) src(%arg20 : memref<80x32xf32, #tpu.memory_space<vmem>>) dst(%dma_wait3A_287 : memref<10000x32xf32, #tpu.memory_space<vmem_shared>>)
      } else {
      }
      %add3A_114 = arith.constant 0 : i32
      %add3A_115 = arith.addi %add3A_111, %add3A_114 : i32
      %mul3A_116 = arith.constant 80 : i32
      %mul3A_117 = arith.muli %add3A_115, %mul3A_116 : i32
      %dma_start3A_118 = tpu.memref_slice %arg12[%mul3A_117] : memref<10000xi32, #tpu.memory_space<vmem>> -> memref<80xi32, #tpu.memory_space<vmem>>
      %dma_start3A_119 = arith.constant 0 : i32
      %dma_start3A_120 = arith.constant 0 : i32
      %dma_start3A_121 = tpu.memref_slice %arg2[%dma_start3A_119, %dma_start3A_120] : memref<10000x32xf32, #tpu.memory_space<hbm>> -> memref<10000x32xf32, #tpu.memory_space<hbm>>
      tpu.enqueue_indirect_dma source(%dma_start3A_121 : memref<10000x32xf32, #tpu.memory_space<hbm>>) target(%arg16 : memref<80x32xf32, #tpu.memory_space<vmem>>) offsets(%dma_start3A_118 : memref<80xi32, #tpu.memory_space<vmem>>) semaphore(%arg22 : memref<!tpu.dma_semaphore, #tpu.memory_space<semaphore_mem>>)
      %add3A_122 = arith.constant 1 : i32
      %add3A_123 = arith.addi %add3A_111, %add3A_122 : i32
      %mul3A_124 = arith.constant 80 : i32
      %mul3A_125 = arith.muli %add3A_123, %mul3A_124 : i32
      %dma_start3A_126 = tpu.memref_slice %arg12[%mul3A_125] : memref<10000xi32, #tpu.memory_space<vmem>> -> memref<80xi32, #tpu.memory_space<vmem>>
      %dma_start3A_127 = arith.constant 0 : i32
      %dma_start3A_128 = arith.constant 0 : i32
      %dma_start3A_129 = tpu.memref_slice %arg2[%dma_start3A_127, %dma_start3A_128] : memref<10000x32xf32, #tpu.memory_space<hbm>> -> memref<10000x32xf32, #tpu.memory_space<hbm>>
      tpu.enqueue_indirect_dma source(%dma_start3A_129 : memref<10000x32xf32, #tpu.memory_space<hbm>>) target(%arg17 : memref<80x32xf32, #tpu.memory_space<vmem>>) offsets(%dma_start3A_126 : memref<80xi32, #tpu.memory_space<vmem>>) semaphore(%arg23 : memref<!tpu.dma_semaphore, #tpu.memory_space<semaphore_mem>>)
      %add3A_130 = arith.constant 2 : i32
      %add3A_131 = arith.addi %add3A_111, %add3A_130 : i32
      %mul3A_132 = arith.constant 80 : i32
      %mul3A_133 = arith.muli %add3A_131, %mul3A_132 : i32
      %dma_start3A_134 = tpu.memref_slice %arg12[%mul3A_133] : memref<10000xi32, #tpu.memory_space<vmem>> -> memref<80xi32, #tpu.memory_space<vmem>>
      %dma_start3A_135 = arith.constant 0 : i32
      %dma_start3A_136 = arith.constant 0 : i32
      %dma_start3A_137 = tpu.memref_slice %arg2[%dma_start3A_135, %dma_start3A_136] : memref<10000x32xf32, #tpu.memory_space<hbm>> -> memref<10000x32xf32, #tpu.memory_space<hbm>>
      tpu.enqueue_indirect_dma source(%dma_start3A_137 : memref<10000x32xf32, #tpu.memory_space<hbm>>) target(%arg18 : memref<80x32xf32, #tpu.memory_space<vmem>>) offsets(%dma_start3A_134 : memref<80xi32, #tpu.memory_space<vmem>>) semaphore(%arg24 : memref<!tpu.dma_semaphore, #tpu.memory_space<semaphore_mem>>)
      %add3A_138 = arith.constant 3 : i32
      %add3A_139 = arith.addi %add3A_111, %add3A_138 : i32
      %mul3A_140 = arith.constant 80 : i32
      %mul3A_141 = arith.muli %add3A_139, %mul3A_140 : i32
      %dma_start3A_142 = tpu.memref_slice %arg12[%mul3A_141] : memref<10000xi32, #tpu.memory_space<vmem>> -> memref<80xi32, #tpu.memory_space<vmem>>
      %dma_start3A_143 = arith.constant 0 : i32
      %dma_start3A_144 = arith.constant 0 : i32
      %dma_start3A_145 = tpu.memref_slice %arg2[%dma_start3A_143, %dma_start3A_144] : memref<10000x32xf32, #tpu.memory_space<hbm>> -> memref<10000x32xf32, #tpu.memory_space<hbm>>
      tpu.enqueue_indirect_dma source(%dma_start3A_145 : memref<10000x32xf32, #tpu.memory_space<hbm>>) target(%arg19 : memref<80x32xf32, #tpu.memory_space<vmem>>) offsets(%dma_start3A_142 : memref<80xi32, #tpu.memory_space<vmem>>) semaphore(%arg25 : memref<!tpu.dma_semaphore, #tpu.memory_space<semaphore_mem>>)
      %add3A_146 = arith.constant 4 : i32
      %add3A_147 = arith.addi %add3A_111, %add3A_146 : i32
      %mul3A_148 = arith.constant 80 : i32
      %mul3A_149 = arith.muli %add3A_147, %mul3A_148 : i32
      %dma_start3A_150 = tpu.memref_slice %arg12[%mul3A_149] : memref<10000xi32, #tpu.memory_space<vmem>> -> memref<80xi32, #tpu.memory_space<vmem>>
      %dma_start3A_151 = arith.constant 0 : i32
      %dma_start3A_152 = arith.constant 0 : i32
      %dma_start3A_153 = tpu.memref_slice %arg2[%dma_start3A_151, %dma_start3A_152] : memref<10000x32xf32, #tpu.memory_space<hbm>> -> memref<10000x32xf32, #tpu.memory_space<hbm>>
      tpu.enqueue_indirect_dma source(%dma_start3A_153 : memref<10000x32xf32, #tpu.memory_space<hbm>>) target(%arg20 : memref<80x32xf32, #tpu.memory_space<vmem>>) offsets(%dma_start3A_150 : memref<80xi32, #tpu.memory_space<vmem>>) semaphore(%arg26 : memref<!tpu.dma_semaphore, #tpu.memory_space<semaphore_mem>>)
      %add3A_154 = arith.constant 0 : i32
      %add3A_155 = arith.addi %add3A_111, %add3A_154 : i32
      %parallel_loop3A = arith.constant 0 : i32
      %parallel_loop3A_156 = arith.constant 80 : i32
      %parallel_loop3A_157 = arith.constant 16 : i32
      scf.for %parallel_loop3A_253 = %parallel_loop3A to %parallel_loop3A_156 step %parallel_loop3A_157  : i32 {
        %parallel_loop3A_254 = arith.constant 80 : i32
        %parallel_loop3A_255 = arith.muli %add3A_155, %parallel_loop3A_254 : i32
        %parallel_loop3A_256 = arith.addi %parallel_loop3A_255, %parallel_loop3A_253 : i32
        %parallel_loop3A_257 = arith.index_cast %parallel_loop3A_256 : i32 to index
        %parallel_loop3A_258 = tpu.vector_load %arg12[%parallel_loop3A_257] {strides = array<i32>} : memref<10000xi32, #tpu.memory_space<vmem>>, vector<16xi32>,
        %parallel_loop3A_259 = arith.index_cast %add3A_155 : i32 to index
        %parallel_loop3A_260 = arith.index_cast %parallel_loop3A_253 : i32 to index
        %parallel_loop3A_261 = tpu.vector_load %arg13[%parallel_loop3A_259, %parallel_loop3A_260] {strides = array<i32>} : memref<125x80xi32, #tpu.memory_space<vmem>>, vector<16xi32>,
        %parallel_loop3A_262 = tpu.vector_load_idx %arg9[%parallel_loop3A_258] : memref<10000xf32, #tpu.memory_space<vmem>>[vector<16xi32>], vector<16xf32>,
        %parallel_loop3A_263 = tpu.vector_load_idx %arg10[%parallel_loop3A_261] : memref<10000xf32, #tpu.memory_space<vmem>>[vector<16xi32>], vector<16xf32>,
        %parallel_loop3A_264 = arith.addf %parallel_loop3A_262, %parallel_loop3A_263 : vector<16xf32>
        %parallel_loop3A_265 = arith.constant 2.000000e-01 : f32
        %parallel_loop3A_266 = vector.broadcast %parallel_loop3A_265 : f32 to vector<16xf32>
        %parallel_loop3A_267 = arith.mulf %parallel_loop3A_266, %parallel_loop3A_264 : vector<16xf32>
        %parallel_loop3A_268 = arith.maximumf %parallel_loop3A_264, %parallel_loop3A_267 : vector<16xf32>
        %parallel_loop3A_269 = arith.subf %parallel_loop3A_268, %get3A_54 : vector<16xf32>
        %parallel_loop3A_270 = math.exp %parallel_loop3A_269 : vector<16xf32>
        %parallel_loop3A_271 = arith.index_cast %parallel_loop3A_253 : i32 to index
        %parallel_loop3A_272 = tpu.vector_load %arg15[%parallel_loop3A_271] {strides = array<i32>} : memref<80xf32, #tpu.memory_space<vmem>>, vector<16xf32>,
        tpu.vector_store %arg15[%parallel_loop3A_271], %parallel_loop3A_270 {strides = array<i32>} : memref<80xf32, #tpu.memory_space<vmem>>, vector<16xf32>,
      } {sc.loop_unroll_factor = 5 : i64, sc.parallel_access}
      %dma_wait3A_158 = tpu.memref_slice %arg12[%mul3A_117] : memref<10000xi32, #tpu.memory_space<vmem>> -> memref<80xi32, #tpu.memory_space<vmem>>
      %dma_wait3A_159 = arith.constant 0 : i32
      %dma_wait3A_160 = arith.constant 0 : i32
      %dma_wait3A_161 = tpu.memref_slice %arg2[%dma_wait3A_159, %dma_wait3A_160] : memref<10000x32xf32, #tpu.memory_space<hbm>> -> memref<10000x32xf32, #tpu.memory_space<hbm>>
      tpu.wait_indirect_dma semaphore(%arg22 : memref<!tpu.dma_semaphore, #tpu.memory_space<semaphore_mem>>) src(%dma_wait3A_161 : memref<10000x32xf32, #tpu.memory_space<hbm>>) dst(%arg16 : memref<80x32xf32, #tpu.memory_space<vmem>>)
      %parallel_loop3A_162 = arith.constant 0 : i32
      %parallel_loop3A_163 = arith.constant 80 : i32
      %parallel_loop3A_164 = arith.constant 1 : i32
      scf.for %parallel_loop3A_253 = %parallel_loop3A_162 to %parallel_loop3A_163 step %parallel_loop3A_164  : i32 {
        %parallel_loop3A_254 = vector.broadcast %parallel_loop3A_253 : i32 to vector<16xi32>
        %parallel_loop3A_255 = arith.addi %broadcast_in_dim3A_55, %parallel_loop3A_254 : vector<16xi32>
        %parallel_loop3A_256 = tpu.vector_load_idx %arg15[%parallel_loop3A_255] : memref<80xf32, #tpu.memory_space<vmem>>[vector<16xi32>], vector<16xf32>,
        %parallel_loop3A_257 = arith.index_cast %parallel_loop3A_253 : i32 to index
        %parallel_loop3A_258 = arith.constant 0 : index
        %parallel_loop3A_259 = tpu.vector_load %arg16[%parallel_loop3A_257, %parallel_loop3A_258] {strides = array<i32>} : memref<80x32xf32, #tpu.memory_space<vmem>>, vector<16xf32>,
        %parallel_loop3A_260 = arith.mulf %parallel_loop3A_259, %parallel_loop3A_256 : vector<16xf32>
        %parallel_loop3A_261 = arith.index_cast %parallel_loop3A_253 : i32 to index
        %parallel_loop3A_262 = arith.constant 0 : index
        %parallel_loop3A_263 = tpu.vector_load %arg16[%parallel_loop3A_261, %parallel_loop3A_262] {strides = array<i32>} : memref<80x32xf32, #tpu.memory_space<vmem>>, vector<16xf32>,
        tpu.vector_store %arg16[%parallel_loop3A_261, %parallel_loop3A_262], %parallel_loop3A_260 {strides = array<i32>} : memref<80x32xf32, #tpu.memory_space<vmem>>, vector<16xf32>,
        %parallel_loop3A_264 = arith.index_cast %parallel_loop3A_253 : i32 to index
        %parallel_loop3A_265 = arith.constant 16 : index
        %parallel_loop3A_266 = tpu.vector_load %arg16[%parallel_loop3A_264, %parallel_loop3A_265] {strides = array<i32>} : memref<80x32xf32, #tpu.memory_space<vmem>>, vector<16xf32>,
        %parallel_loop3A_267 = arith.mulf %parallel_loop3A_266, %parallel_loop3A_256 : vector<16xf32>
        %parallel_loop3A_268 = arith.index_cast %parallel_loop3A_253 : i32 to index
        %parallel_loop3A_269 = arith.constant 16 : index
        %parallel_loop3A_270 = tpu.vector_load %arg16[%parallel_loop3A_268, %parallel_loop3A_269] {strides = array<i32>} : memref<80x32xf32, #tpu.memory_space<vmem>>, vector<16xf32>,
        tpu.vector_store %arg16[%parallel_loop3A_268, %parallel_loop3A_269], %parallel_loop3A_267 {strides = array<i32>} : memref<80x32xf32, #tpu.memory_space<vmem>>, vector<16xf32>,
      } {sc.loop_unroll_factor = 8 : i64, sc.parallel_access}
      %add3A_165 = arith.constant 0 : i32
      %add3A_166 = arith.addi %add3A_111, %add3A_165 : i32
      %dma_start3A_167 = arith.constant 0 : i32
      %dma_start3A_168 = tpu.memref_slice %arg13[%add3A_166, %dma_start3A_167] : memref<125x80xi32, #tpu.memory_space<vmem>> -> memref<1x80xi32, #tpu.memory_space<vmem>>
      %dma_start3A_169 = tpu.memref_squeeze %dma_start3A_168 : memref<1x80xi32, #tpu.memory_space<vmem>> -> memref<80xi32, #tpu.memory_space<vmem>>
      %dma_start3A_170 = arith.constant 0 : i32
      %dma_start3A_171 = arith.constant 0 : i32
      %dma_start3A_172 = tpu.memref_slice %arg21[%dma_start3A_170, %dma_start3A_171] : memref<10000x32xf32, #tpu.memory_space<vmem_shared>> -> memref<10000x32xf32, #tpu.memory_space<vmem_shared>>
      tpu.enqueue_indirect_dma source(%arg16 : memref<80x32xf32, #tpu.memory_space<vmem>>) target(%dma_start3A_172 : memref<10000x32xf32, #tpu.memory_space<vmem_shared>>) offsets(%dma_start3A_169 : memref<80xi32, #tpu.memory_space<vmem>>) semaphore(%arg27 : memref<!tpu.dma_semaphore, #tpu.memory_space<semaphore_mem>>) {add = true}
      %add3A_173 = arith.constant 1 : i32
      %add3A_174 = arith.addi %add3A_111, %add3A_173 : i32
      %parallel_loop3A_175 = arith.constant 0 : i32
      %parallel_loop3A_176 = arith.constant 80 : i32
      %parallel_loop3A_177 = arith.constant 16 : i32
      scf.for %parallel_loop3A_253 = %parallel_loop3A_175 to %parallel_loop3A_176 step %parallel_loop3A_177  : i32 {
        %parallel_loop3A_254 = arith.constant 80 : i32
        %parallel_loop3A_255 = arith.muli %add3A_174, %parallel_loop3A_254 : i32
        %parallel_loop3A_256 = arith.addi %parallel_loop3A_255, %parallel_loop3A_253 : i32
        %parallel_loop3A_257 = arith.index_cast %parallel_loop3A_256 : i32 to index
        %parallel_loop3A_258 = tpu.vector_load %arg12[%parallel_loop3A_257] {strides = array<i32>} : memref<10000xi32, #tpu.memory_space<vmem>>, vector<16xi32>,
        %parallel_loop3A_259 = arith.index_cast %add3A_174 : i32 to index
        %parallel_loop3A_260 = arith.index_cast %parallel_loop3A_253 : i32 to index
        %parallel_loop3A_261 = tpu.vector_load %arg13[%parallel_loop3A_259, %parallel_loop3A_260] {strides = array<i32>} : memref<125x80xi32, #tpu.memory_space<vmem>>, vector<16xi32>,
        %parallel_loop3A_262 = tpu.vector_load_idx %arg9[%parallel_loop3A_258] : memref<10000xf32, #tpu.memory_space<vmem>>[vector<16xi32>], vector<16xf32>,
        %parallel_loop3A_263 = tpu.vector_load_idx %arg10[%parallel_loop3A_261] : memref<10000xf32, #tpu.memory_space<vmem>>[vector<16xi32>], vector<16xf32>,
        %parallel_loop3A_264 = arith.addf %parallel_loop3A_262, %parallel_loop3A_263 : vector<16xf32>
        %parallel_loop3A_265 = arith.constant 2.000000e-01 : f32
        %parallel_loop3A_266 = vector.broadcast %parallel_loop3A_265 : f32 to vector<16xf32>
        %parallel_loop3A_267 = arith.mulf %parallel_loop3A_266, %parallel_loop3A_264 : vector<16xf32>
        %parallel_loop3A_268 = arith.maximumf %parallel_loop3A_264, %parallel_loop3A_267 : vector<16xf32>
        %parallel_loop3A_269 = arith.subf %parallel_loop3A_268, %get3A_54 : vector<16xf32>
        %parallel_loop3A_270 = math.exp %parallel_loop3A_269 : vector<16xf32>
        %parallel_loop3A_271 = arith.index_cast %parallel_loop3A_253 : i32 to index
        %parallel_loop3A_272 = tpu.vector_load %arg15[%parallel_loop3A_271] {strides = array<i32>} : memref<80xf32, #tpu.memory_space<vmem>>, vector<16xf32>,
        tpu.vector_store %arg15[%parallel_loop3A_271], %parallel_loop3A_270 {strides = array<i32>} : memref<80xf32, #tpu.memory_space<vmem>>, vector<16xf32>,
      } {sc.loop_unroll_factor = 5 : i64, sc.parallel_access}
      %dma_wait3A_178 = tpu.memref_slice %arg12[%mul3A_125] : memref<10000xi32, #tpu.memory_space<vmem>> -> memref<80xi32, #tpu.memory_space<vmem>>
      %dma_wait3A_179 = arith.constant 0 : i32
      %dma_wait3A_180 = arith.constant 0 : i32
      %dma_wait3A_181 = tpu.memref_slice %arg2[%dma_wait3A_179, %dma_wait3A_180] : memref<10000x32xf32, #tpu.memory_space<hbm>> -> memref<10000x32xf32, #tpu.memory_space<hbm>>
      tpu.wait_indirect_dma semaphore(%arg23 : memref<!tpu.dma_semaphore, #tpu.memory_space<semaphore_mem>>) src(%dma_wait3A_181 : memref<10000x32xf32, #tpu.memory_space<hbm>>) dst(%arg17 : memref<80x32xf32, #tpu.memory_space<vmem>>)
      %parallel_loop3A_182 = arith.constant 0 : i32
      %parallel_loop3A_183 = arith.constant 80 : i32
      %parallel_loop3A_184 = arith.constant 1 : i32
      scf.for %parallel_loop3A_253 = %parallel_loop3A_182 to %parallel_loop3A_183 step %parallel_loop3A_184  : i32 {
        %parallel_loop3A_254 = vector.broadcast %parallel_loop3A_253 : i32 to vector<16xi32>
        %parallel_loop3A_255 = arith.addi %broadcast_in_dim3A_55, %parallel_loop3A_254 : vector<16xi32>
        %parallel_loop3A_256 = tpu.vector_load_idx %arg15[%parallel_loop3A_255] : memref<80xf32, #tpu.memory_space<vmem>>[vector<16xi32>], vector<16xf32>,
        %parallel_loop3A_257 = arith.index_cast %parallel_loop3A_253 : i32 to index
        %parallel_loop3A_258 = arith.constant 0 : index
        %parallel_loop3A_259 = tpu.vector_load %arg17[%parallel_loop3A_257, %parallel_loop3A_258] {strides = array<i32>} : memref<80x32xf32, #tpu.memory_space<vmem>>, vector<16xf32>,
        %parallel_loop3A_260 = arith.mulf %parallel_loop3A_259, %parallel_loop3A_256 : vector<16xf32>
        %parallel_loop3A_261 = arith.index_cast %parallel_loop3A_253 : i32 to index
        %parallel_loop3A_262 = arith.constant 0 : index
        %parallel_loop3A_263 = tpu.vector_load %arg17[%parallel_loop3A_261, %parallel_loop3A_262] {strides = array<i32>} : memref<80x32xf32, #tpu.memory_space<vmem>>, vector<16xf32>,
        tpu.vector_store %arg17[%parallel_loop3A_261, %parallel_loop3A_262], %parallel_loop3A_260 {strides = array<i32>} : memref<80x32xf32, #tpu.memory_space<vmem>>, vector<16xf32>,
        %parallel_loop3A_264 = arith.index_cast %parallel_loop3A_253 : i32 to index
        %parallel_loop3A_265 = arith.constant 16 : index
        %parallel_loop3A_266 = tpu.vector_load %arg17[%parallel_loop3A_264, %parallel_loop3A_265] {strides = array<i32>} : memref<80x32xf32, #tpu.memory_space<vmem>>, vector<16xf32>,
        %parallel_loop3A_267 = arith.mulf %parallel_loop3A_266, %parallel_loop3A_256 : vector<16xf32>
        %parallel_loop3A_268 = arith.index_cast %parallel_loop3A_253 : i32 to index
        %parallel_loop3A_269 = arith.constant 16 : index
        %parallel_loop3A_270 = tpu.vector_load %arg17[%parallel_loop3A_268, %parallel_loop3A_269] {strides = array<i32>} : memref<80x32xf32, #tpu.memory_space<vmem>>, vector<16xf32>,
        tpu.vector_store %arg17[%parallel_loop3A_268, %parallel_loop3A_269], %parallel_loop3A_267 {strides = array<i32>} : memref<80x32xf32, #tpu.memory_space<vmem>>, vector<16xf32>,
      } {sc.loop_unroll_factor = 8 : i64, sc.parallel_access}
      %add3A_185 = arith.constant 1 : i32
      %add3A_186 = arith.addi %add3A_111, %add3A_185 : i32
      %dma_start3A_187 = arith.constant 0 : i32
      %dma_start3A_188 = tpu.memref_slice %arg13[%add3A_186, %dma_start3A_187] : memref<125x80xi32, #tpu.memory_space<vmem>> -> memref<1x80xi32, #tpu.memory_space<vmem>>
      %dma_start3A_189 = tpu.memref_squeeze %dma_start3A_188 : memref<1x80xi32, #tpu.memory_space<vmem>> -> memref<80xi32, #tpu.memory_space<vmem>>
      %dma_start3A_190 = arith.constant 0 : i32
      %dma_start3A_191 = arith.constant 0 : i32
      %dma_start3A_192 = tpu.memref_slice %arg21[%dma_start3A_190, %dma_start3A_191] : memref<10000x32xf32, #tpu.memory_space<vmem_shared>> -> memref<10000x32xf32, #tpu.memory_space<vmem_shared>>
      tpu.enqueue_indirect_dma source(%arg17 : memref<80x32xf32, #tpu.memory_space<vmem>>) target(%dma_start3A_192 : memref<10000x32xf32, #tpu.memory_space<vmem_shared>>) offsets(%dma_start3A_189 : memref<80xi32, #tpu.memory_space<vmem>>) semaphore(%arg28 : memref<!tpu.dma_semaphore, #tpu.memory_space<semaphore_mem>>) {add = true}
      %add3A_193 = arith.constant 2 : i32
      %add3A_194 = arith.addi %add3A_111, %add3A_193 : i32
      %parallel_loop3A_195 = arith.constant 0 : i32
      %parallel_loop3A_196 = arith.constant 80 : i32
      %parallel_loop3A_197 = arith.constant 16 : i32
      scf.for %parallel_loop3A_253 = %parallel_loop3A_195 to %parallel_loop3A_196 step %parallel_loop3A_197  : i32 {
        %parallel_loop3A_254 = arith.constant 80 : i32
        %parallel_loop3A_255 = arith.muli %add3A_194, %parallel_loop3A_254 : i32
        %parallel_loop3A_256 = arith.addi %parallel_loop3A_255, %parallel_loop3A_253 : i32
        %parallel_loop3A_257 = arith.index_cast %parallel_loop3A_256 : i32 to index
        %parallel_loop3A_258 = tpu.vector_load %arg12[%parallel_loop3A_257] {strides = array<i32>} : memref<10000xi32, #tpu.memory_space<vmem>>, vector<16xi32>,
        %parallel_loop3A_259 = arith.index_cast %add3A_194 : i32 to index
        %parallel_loop3A_260 = arith.index_cast %parallel_loop3A_253 : i32 to index
        %parallel_loop3A_261 = tpu.vector_load %arg13[%parallel_loop3A_259, %parallel_loop3A_260] {strides = array<i32>} : memref<125x80xi32, #tpu.memory_space<vmem>>, vector<16xi32>,
        %parallel_loop3A_262 = tpu.vector_load_idx %arg9[%parallel_loop3A_258] : memref<10000xf32, #tpu.memory_space<vmem>>[vector<16xi32>], vector<16xf32>,
        %parallel_loop3A_263 = tpu.vector_load_idx %arg10[%parallel_loop3A_261] : memref<10000xf32, #tpu.memory_space<vmem>>[vector<16xi32>], vector<16xf32>,
        %parallel_loop3A_264 = arith.addf %parallel_loop3A_262, %parallel_loop3A_263 : vector<16xf32>
        %parallel_loop3A_265 = arith.constant 2.000000e-01 : f32
        %parallel_loop3A_266 = vector.broadcast %parallel_loop3A_265 : f32 to vector<16xf32>
        %parallel_loop3A_267 = arith.mulf %parallel_loop3A_266, %parallel_loop3A_264 : vector<16xf32>
        %parallel_loop3A_268 = arith.maximumf %parallel_loop3A_264, %parallel_loop3A_267 : vector<16xf32>
        %parallel_loop3A_269 = arith.subf %parallel_loop3A_268, %get3A_54 : vector<16xf32>
        %parallel_loop3A_270 = math.exp %parallel_loop3A_269 : vector<16xf32>
        %parallel_loop3A_271 = arith.index_cast %parallel_loop3A_253 : i32 to index
        %parallel_loop3A_272 = tpu.vector_load %arg15[%parallel_loop3A_271] {strides = array<i32>} : memref<80xf32, #tpu.memory_space<vmem>>, vector<16xf32>,
        tpu.vector_store %arg15[%parallel_loop3A_271], %parallel_loop3A_270 {strides = array<i32>} : memref<80xf32, #tpu.memory_space<vmem>>, vector<16xf32>,
      } {sc.loop_unroll_factor = 5 : i64, sc.parallel_access}
      %dma_wait3A_198 = tpu.memref_slice %arg12[%mul3A_133] : memref<10000xi32, #tpu.memory_space<vmem>> -> memref<80xi32, #tpu.memory_space<vmem>>
      %dma_wait3A_199 = arith.constant 0 : i32
      %dma_wait3A_200 = arith.constant 0 : i32
      %dma_wait3A_201 = tpu.memref_slice %arg2[%dma_wait3A_199, %dma_wait3A_200] : memref<10000x32xf32, #tpu.memory_space<hbm>> -> memref<10000x32xf32, #tpu.memory_space<hbm>>
      tpu.wait_indirect_dma semaphore(%arg24 : memref<!tpu.dma_semaphore, #tpu.memory_space<semaphore_mem>>) src(%dma_wait3A_201 : memref<10000x32xf32, #tpu.memory_space<hbm>>) dst(%arg18 : memref<80x32xf32, #tpu.memory_space<vmem>>)
      %parallel_loop3A_202 = arith.constant 0 : i32
      %parallel_loop3A_203 = arith.constant 80 : i32
      %parallel_loop3A_204 = arith.constant 1 : i32
      scf.for %parallel_loop3A_253 = %parallel_loop3A_202 to %parallel_loop3A_203 step %parallel_loop3A_204  : i32 {
        %parallel_loop3A_254 = vector.broadcast %parallel_loop3A_253 : i32 to vector<16xi32>
        %parallel_loop3A_255 = arith.addi %broadcast_in_dim3A_55, %parallel_loop3A_254 : vector<16xi32>
        %parallel_loop3A_256 = tpu.vector_load_idx %arg15[%parallel_loop3A_255] : memref<80xf32, #tpu.memory_space<vmem>>[vector<16xi32>], vector<16xf32>,
        %parallel_loop3A_257 = arith.index_cast %parallel_loop3A_253 : i32 to index
        %parallel_loop3A_258 = arith.constant 0 : index
        %parallel_loop3A_259 = tpu.vector_load %arg18[%parallel_loop3A_257, %parallel_loop3A_258] {strides = array<i32>} : memref<80x32xf32, #tpu.memory_space<vmem>>, vector<16xf32>,
        %parallel_loop3A_260 = arith.mulf %parallel_loop3A_259, %parallel_loop3A_256 : vector<16xf32>
        %parallel_loop3A_261 = arith.index_cast %parallel_loop3A_253 : i32 to index
        %parallel_loop3A_262 = arith.constant 0 : index
        %parallel_loop3A_263 = tpu.vector_load %arg18[%parallel_loop3A_261, %parallel_loop3A_262] {strides = array<i32>} : memref<80x32xf32, #tpu.memory_space<vmem>>, vector<16xf32>,
        tpu.vector_store %arg18[%parallel_loop3A_261, %parallel_loop3A_262], %parallel_loop3A_260 {strides = array<i32>} : memref<80x32xf32, #tpu.memory_space<vmem>>, vector<16xf32>,
        %parallel_loop3A_264 = arith.index_cast %parallel_loop3A_253 : i32 to index
        %parallel_loop3A_265 = arith.constant 16 : index
        %parallel_loop3A_266 = tpu.vector_load %arg18[%parallel_loop3A_264, %parallel_loop3A_265] {strides = array<i32>} : memref<80x32xf32, #tpu.memory_space<vmem>>, vector<16xf32>,
        %parallel_loop3A_267 = arith.mulf %parallel_loop3A_266, %parallel_loop3A_256 : vector<16xf32>
        %parallel_loop3A_268 = arith.index_cast %parallel_loop3A_253 : i32 to index
        %parallel_loop3A_269 = arith.constant 16 : index
        %parallel_loop3A_270 = tpu.vector_load %arg18[%parallel_loop3A_268, %parallel_loop3A_269] {strides = array<i32>} : memref<80x32xf32, #tpu.memory_space<vmem>>, vector<16xf32>,
        tpu.vector_store %arg18[%parallel_loop3A_268, %parallel_loop3A_269], %parallel_loop3A_267 {strides = array<i32>} : memref<80x32xf32, #tpu.memory_space<vmem>>, vector<16xf32>,
      } {sc.loop_unroll_factor = 8 : i64, sc.parallel_access}
      %add3A_205 = arith.constant 2 : i32
      %add3A_206 = arith.addi %add3A_111, %add3A_205 : i32
      %dma_start3A_207 = arith.constant 0 : i32
      %dma_start3A_208 = tpu.memref_slice %arg13[%add3A_206, %dma_start3A_207] : memref<125x80xi32, #tpu.memory_space<vmem>> -> memref<1x80xi32, #tpu.memory_space<vmem>>
      %dma_start3A_209 = tpu.memref_squeeze %dma_start3A_208 : memref<1x80xi32, #tpu.memory_space<vmem>> -> memref<80xi32, #tpu.memory_space<vmem>>
      %dma_start3A_210 = arith.constant 0 : i32
      %dma_start3A_211 = arith.constant 0 : i32
      %dma_start3A_212 = tpu.memref_slice %arg21[%dma_start3A_210, %dma_start3A_211] : memref<10000x32xf32, #tpu.memory_space<vmem_shared>> -> memref<10000x32xf32, #tpu.memory_space<vmem_shared>>
      tpu.enqueue_indirect_dma source(%arg18 : memref<80x32xf32, #tpu.memory_space<vmem>>) target(%dma_start3A_212 : memref<10000x32xf32, #tpu.memory_space<vmem_shared>>) offsets(%dma_start3A_209 : memref<80xi32, #tpu.memory_space<vmem>>) semaphore(%arg29 : memref<!tpu.dma_semaphore, #tpu.memory_space<semaphore_mem>>) {add = true}
      %add3A_213 = arith.constant 3 : i32
      %add3A_214 = arith.addi %add3A_111, %add3A_213 : i32
      %parallel_loop3A_215 = arith.constant 0 : i32
      %parallel_loop3A_216 = arith.constant 80 : i32
      %parallel_loop3A_217 = arith.constant 16 : i32
      scf.for %parallel_loop3A_253 = %parallel_loop3A_215 to %parallel_loop3A_216 step %parallel_loop3A_217  : i32 {
        %parallel_loop3A_254 = arith.constant 80 : i32
        %parallel_loop3A_255 = arith.muli %add3A_214, %parallel_loop3A_254 : i32
        %parallel_loop3A_256 = arith.addi %parallel_loop3A_255, %parallel_loop3A_253 : i32
        %parallel_loop3A_257 = arith.index_cast %parallel_loop3A_256 : i32 to index
        %parallel_loop3A_258 = tpu.vector_load %arg12[%parallel_loop3A_257] {strides = array<i32>} : memref<10000xi32, #tpu.memory_space<vmem>>, vector<16xi32>,
        %parallel_loop3A_259 = arith.index_cast %add3A_214 : i32 to index
        %parallel_loop3A_260 = arith.index_cast %parallel_loop3A_253 : i32 to index
        %parallel_loop3A_261 = tpu.vector_load %arg13[%parallel_loop3A_259, %parallel_loop3A_260] {strides = array<i32>} : memref<125x80xi32, #tpu.memory_space<vmem>>, vector<16xi32>,
        %parallel_loop3A_262 = tpu.vector_load_idx %arg9[%parallel_loop3A_258] : memref<10000xf32, #tpu.memory_space<vmem>>[vector<16xi32>], vector<16xf32>,
        %parallel_loop3A_263 = tpu.vector_load_idx %arg10[%parallel_loop3A_261] : memref<10000xf32, #tpu.memory_space<vmem>>[vector<16xi32>], vector<16xf32>,
        %parallel_loop3A_264 = arith.addf %parallel_loop3A_262, %parallel_loop3A_263 : vector<16xf32>
        %parallel_loop3A_265 = arith.constant 2.000000e-01 : f32
        %parallel_loop3A_266 = vector.broadcast %parallel_loop3A_265 : f32 to vector<16xf32>
        %parallel_loop3A_267 = arith.mulf %parallel_loop3A_266, %parallel_loop3A_264 : vector<16xf32>
        %parallel_loop3A_268 = arith.maximumf %parallel_loop3A_264, %parallel_loop3A_267 : vector<16xf32>
        %parallel_loop3A_269 = arith.subf %parallel_loop3A_268, %get3A_54 : vector<16xf32>
        %parallel_loop3A_270 = math.exp %parallel_loop3A_269 : vector<16xf32>
        %parallel_loop3A_271 = arith.index_cast %parallel_loop3A_253 : i32 to index
        %parallel_loop3A_272 = tpu.vector_load %arg15[%parallel_loop3A_271] {strides = array<i32>} : memref<80xf32, #tpu.memory_space<vmem>>, vector<16xf32>,
        tpu.vector_store %arg15[%parallel_loop3A_271], %parallel_loop3A_270 {strides = array<i32>} : memref<80xf32, #tpu.memory_space<vmem>>, vector<16xf32>,
      } {sc.loop_unroll_factor = 5 : i64, sc.parallel_access}
      %dma_wait3A_218 = tpu.memref_slice %arg12[%mul3A_141] : memref<10000xi32, #tpu.memory_space<vmem>> -> memref<80xi32, #tpu.memory_space<vmem>>
      %dma_wait3A_219 = arith.constant 0 : i32
      %dma_wait3A_220 = arith.constant 0 : i32
      %dma_wait3A_221 = tpu.memref_slice %arg2[%dma_wait3A_219, %dma_wait3A_220] : memref<10000x32xf32, #tpu.memory_space<hbm>> -> memref<10000x32xf32, #tpu.memory_space<hbm>>
      tpu.wait_indirect_dma semaphore(%arg25 : memref<!tpu.dma_semaphore, #tpu.memory_space<semaphore_mem>>) src(%dma_wait3A_221 : memref<10000x32xf32, #tpu.memory_space<hbm>>) dst(%arg19 : memref<80x32xf32, #tpu.memory_space<vmem>>)
      %parallel_loop3A_222 = arith.constant 0 : i32
      %parallel_loop3A_223 = arith.constant 80 : i32
      %parallel_loop3A_224 = arith.constant 1 : i32
      scf.for %parallel_loop3A_253 = %parallel_loop3A_222 to %parallel_loop3A_223 step %parallel_loop3A_224  : i32 {
        %parallel_loop3A_254 = vector.broadcast %parallel_loop3A_253 : i32 to vector<16xi32>
        %parallel_loop3A_255 = arith.addi %broadcast_in_dim3A_55, %parallel_loop3A_254 : vector<16xi32>
        %parallel_loop3A_256 = tpu.vector_load_idx %arg15[%parallel_loop3A_255] : memref<80xf32, #tpu.memory_space<vmem>>[vector<16xi32>], vector<16xf32>,
        %parallel_loop3A_257 = arith.index_cast %parallel_loop3A_253 : i32 to index
        %parallel_loop3A_258 = arith.constant 0 : index
        %parallel_loop3A_259 = tpu.vector_load %arg19[%parallel_loop3A_257, %parallel_loop3A_258] {strides = array<i32>} : memref<80x32xf32, #tpu.memory_space<vmem>>, vector<16xf32>,
        %parallel_loop3A_260 = arith.mulf %parallel_loop3A_259, %parallel_loop3A_256 : vector<16xf32>
        %parallel_loop3A_261 = arith.index_cast %parallel_loop3A_253 : i32 to index
        %parallel_loop3A_262 = arith.constant 0 : index
        %parallel_loop3A_263 = tpu.vector_load %arg19[%parallel_loop3A_261, %parallel_loop3A_262] {strides = array<i32>} : memref<80x32xf32, #tpu.memory_space<vmem>>, vector<16xf32>,
        tpu.vector_store %arg19[%parallel_loop3A_261, %parallel_loop3A_262], %parallel_loop3A_260 {strides = array<i32>} : memref<80x32xf32, #tpu.memory_space<vmem>>, vector<16xf32>,
        %parallel_loop3A_264 = arith.index_cast %parallel_loop3A_253 : i32 to index
        %parallel_loop3A_265 = arith.constant 16 : index
        %parallel_loop3A_266 = tpu.vector_load %arg19[%parallel_loop3A_264, %parallel_loop3A_265] {strides = array<i32>} : memref<80x32xf32, #tpu.memory_space<vmem>>, vector<16xf32>,
        %parallel_loop3A_267 = arith.mulf %parallel_loop3A_266, %parallel_loop3A_256 : vector<16xf32>
        %parallel_loop3A_268 = arith.index_cast %parallel_loop3A_253 : i32 to index
        %parallel_loop3A_269 = arith.constant 16 : index
        %parallel_loop3A_270 = tpu.vector_load %arg19[%parallel_loop3A_268, %parallel_loop3A_269] {strides = array<i32>} : memref<80x32xf32, #tpu.memory_space<vmem>>, vector<16xf32>,
        tpu.vector_store %arg19[%parallel_loop3A_268, %parallel_loop3A_269], %parallel_loop3A_267 {strides = array<i32>} : memref<80x32xf32, #tpu.memory_space<vmem>>, vector<16xf32>,
      } {sc.loop_unroll_factor = 8 : i64, sc.parallel_access}
      %add3A_225 = arith.constant 3 : i32
      %add3A_226 = arith.addi %add3A_111, %add3A_225 : i32
      %dma_start3A_227 = arith.constant 0 : i32
      %dma_start3A_228 = tpu.memref_slice %arg13[%add3A_226, %dma_start3A_227] : memref<125x80xi32, #tpu.memory_space<vmem>> -> memref<1x80xi32, #tpu.memory_space<vmem>>
      %dma_start3A_229 = tpu.memref_squeeze %dma_start3A_228 : memref<1x80xi32, #tpu.memory_space<vmem>> -> memref<80xi32, #tpu.memory_space<vmem>>
      %dma_start3A_230 = arith.constant 0 : i32
      %dma_start3A_231 = arith.constant 0 : i32
      %dma_start3A_232 = tpu.memref_slice %arg21[%dma_start3A_230, %dma_start3A_231] : memref<10000x32xf32, #tpu.memory_space<vmem_shared>> -> memref<10000x32xf32, #tpu.memory_space<vmem_shared>>
      tpu.enqueue_indirect_dma source(%arg19 : memref<80x32xf32, #tpu.memory_space<vmem>>) target(%dma_start3A_232 : memref<10000x32xf32, #tpu.memory_space<vmem_shared>>) offsets(%dma_start3A_229 : memref<80xi32, #tpu.memory_space<vmem>>) semaphore(%arg30 : memref<!tpu.dma_semaphore, #tpu.memory_space<semaphore_mem>>) {add = true}
      %add3A_233 = arith.constant 4 : i32
      %add3A_234 = arith.addi %add3A_111, %add3A_233 : i32
      %parallel_loop3A_235 = arith.constant 0 : i32
      %parallel_loop3A_236 = arith.constant 80 : i32
      %parallel_loop3A_237 = arith.constant 16 : i32
      scf.for %parallel_loop3A_253 = %parallel_loop3A_235 to %parallel_loop3A_236 step %parallel_loop3A_237  : i32 {
        %parallel_loop3A_254 = arith.constant 80 : i32
        %parallel_loop3A_255 = arith.muli %add3A_234, %parallel_loop3A_254 : i32
        %parallel_loop3A_256 = arith.addi %parallel_loop3A_255, %parallel_loop3A_253 : i32
        %parallel_loop3A_257 = arith.index_cast %parallel_loop3A_256 : i32 to index
        %parallel_loop3A_258 = tpu.vector_load %arg12[%parallel_loop3A_257] {strides = array<i32>} : memref<10000xi32, #tpu.memory_space<vmem>>, vector<16xi32>,
        %parallel_loop3A_259 = arith.index_cast %add3A_234 : i32 to index
        %parallel_loop3A_260 = arith.index_cast %parallel_loop3A_253 : i32 to index
        %parallel_loop3A_261 = tpu.vector_load %arg13[%parallel_loop3A_259, %parallel_loop3A_260] {strides = array<i32>} : memref<125x80xi32, #tpu.memory_space<vmem>>, vector<16xi32>,
        %parallel_loop3A_262 = tpu.vector_load_idx %arg9[%parallel_loop3A_258] : memref<10000xf32, #tpu.memory_space<vmem>>[vector<16xi32>], vector<16xf32>,
        %parallel_loop3A_263 = tpu.vector_load_idx %arg10[%parallel_loop3A_261] : memref<10000xf32, #tpu.memory_space<vmem>>[vector<16xi32>], vector<16xf32>,
        %parallel_loop3A_264 = arith.addf %parallel_loop3A_262, %parallel_loop3A_263 : vector<16xf32>
        %parallel_loop3A_265 = arith.constant 2.000000e-01 : f32
        %parallel_loop3A_266 = vector.broadcast %parallel_loop3A_265 : f32 to vector<16xf32>
        %parallel_loop3A_267 = arith.mulf %parallel_loop3A_266, %parallel_loop3A_264 : vector<16xf32>
        %parallel_loop3A_268 = arith.maximumf %parallel_loop3A_264, %parallel_loop3A_267 : vector<16xf32>
        %parallel_loop3A_269 = arith.subf %parallel_loop3A_268, %get3A_54 : vector<16xf32>
        %parallel_loop3A_270 = math.exp %parallel_loop3A_269 : vector<16xf32>
        %parallel_loop3A_271 = arith.index_cast %parallel_loop3A_253 : i32 to index
        %parallel_loop3A_272 = tpu.vector_load %arg15[%parallel_loop3A_271] {strides = array<i32>} : memref<80xf32, #tpu.memory_space<vmem>>, vector<16xf32>,
        tpu.vector_store %arg15[%parallel_loop3A_271], %parallel_loop3A_270 {strides = array<i32>} : memref<80xf32, #tpu.memory_space<vmem>>, vector<16xf32>,
      } {sc.loop_unroll_factor = 5 : i64, sc.parallel_access}
      %dma_wait3A_238 = tpu.memref_slice %arg12[%mul3A_149] : memref<10000xi32, #tpu.memory_space<vmem>> -> memref<80xi32, #tpu.memory_space<vmem>>
      %dma_wait3A_239 = arith.constant 0 : i32
      %dma_wait3A_240 = arith.constant 0 : i32
      %dma_wait3A_241 = tpu.memref_slice %arg2[%dma_wait3A_239, %dma_wait3A_240] : memref<10000x32xf32, #tpu.memory_space<hbm>> -> memref<10000x32xf32, #tpu.memory_space<hbm>>
      tpu.wait_indirect_dma semaphore(%arg26 : memref<!tpu.dma_semaphore, #tpu.memory_space<semaphore_mem>>) src(%dma_wait3A_241 : memref<10000x32xf32, #tpu.memory_space<hbm>>) dst(%arg20 : memref<80x32xf32, #tpu.memory_space<vmem>>)
      %parallel_loop3A_242 = arith.constant 0 : i32
      %parallel_loop3A_243 = arith.constant 80 : i32
      %parallel_loop3A_244 = arith.constant 1 : i32
      scf.for %parallel_loop3A_253 = %parallel_loop3A_242 to %parallel_loop3A_243 step %parallel_loop3A_244  : i32 {
        %parallel_loop3A_254 = vector.broadcast %parallel_loop3A_253 : i32 to vector<16xi32>
        %parallel_loop3A_255 = arith.addi %broadcast_in_dim3A_55, %parallel_loop3A_254 : vector<16xi32>
        %parallel_loop3A_256 = tpu.vector_load_idx %arg15[%parallel_loop3A_255] : memref<80xf32, #tpu.memory_space<vmem>>[vector<16xi32>], vector<16xf32>,
        %parallel_loop3A_257 = arith.index_cast %parallel_loop3A_253 : i32 to index
        %parallel_loop3A_258 = arith.constant 0 : index
        %parallel_loop3A_259 = tpu.vector_load %arg20[%parallel_loop3A_257, %parallel_loop3A_258] {strides = array<i32>} : memref<80x32xf32, #tpu.memory_space<vmem>>, vector<16xf32>,
        %parallel_loop3A_260 = arith.mulf %parallel_loop3A_259, %parallel_loop3A_256 : vector<16xf32>
        %parallel_loop3A_261 = arith.index_cast %parallel_loop3A_253 : i32 to index
        %parallel_loop3A_262 = arith.constant 0 : index
        %parallel_loop3A_263 = tpu.vector_load %arg20[%parallel_loop3A_261, %parallel_loop3A_262] {strides = array<i32>} : memref<80x32xf32, #tpu.memory_space<vmem>>, vector<16xf32>,
        tpu.vector_store %arg20[%parallel_loop3A_261, %parallel_loop3A_262], %parallel_loop3A_260 {strides = array<i32>} : memref<80x32xf32, #tpu.memory_space<vmem>>, vector<16xf32>,
        %parallel_loop3A_264 = arith.index_cast %parallel_loop3A_253 : i32 to index
        %parallel_loop3A_265 = arith.constant 16 : index
        %parallel_loop3A_266 = tpu.vector_load %arg20[%parallel_loop3A_264, %parallel_loop3A_265] {strides = array<i32>} : memref<80x32xf32, #tpu.memory_space<vmem>>, vector<16xf32>,
        %parallel_loop3A_267 = arith.mulf %parallel_loop3A_266, %parallel_loop3A_256 : vector<16xf32>
        %parallel_loop3A_268 = arith.index_cast %parallel_loop3A_253 : i32 to index
        %parallel_loop3A_269 = arith.constant 16 : index
        %parallel_loop3A_270 = tpu.vector_load %arg20[%parallel_loop3A_268, %parallel_loop3A_269] {strides = array<i32>} : memref<80x32xf32, #tpu.memory_space<vmem>>, vector<16xf32>,
        tpu.vector_store %arg20[%parallel_loop3A_268, %parallel_loop3A_269], %parallel_loop3A_267 {strides = array<i32>} : memref<80x32xf32, #tpu.memory_space<vmem>>, vector<16xf32>,
      } {sc.loop_unroll_factor = 8 : i64, sc.parallel_access}
      %add3A_245 = arith.constant 4 : i32
      %add3A_246 = arith.addi %add3A_111, %add3A_245 : i32
      %dma_start3A_247 = arith.constant 0 : i32
      %dma_start3A_248 = tpu.memref_slice %arg13[%add3A_246, %dma_start3A_247] : memref<125x80xi32, #tpu.memory_space<vmem>> -> memref<1x80xi32, #tpu.memory_space<vmem>>
      %dma_start3A_249 = tpu.memref_squeeze %dma_start3A_248 : memref<1x80xi32, #tpu.memory_space<vmem>> -> memref<80xi32, #tpu.memory_space<vmem>>
      %dma_start3A_250 = arith.constant 0 : i32
      %dma_start3A_251 = arith.constant 0 : i32
      %dma_start3A_252 = tpu.memref_slice %arg21[%dma_start3A_250, %dma_start3A_251] : memref<10000x32xf32, #tpu.memory_space<vmem_shared>> -> memref<10000x32xf32, #tpu.memory_space<vmem_shared>>
      tpu.enqueue_indirect_dma source(%arg20 : memref<80x32xf32, #tpu.memory_space<vmem>>) target(%dma_start3A_252 : memref<10000x32xf32, #tpu.memory_space<vmem_shared>>) offsets(%dma_start3A_249 : memref<80xi32, #tpu.memory_space<vmem>>) semaphore(%arg31 : memref<!tpu.dma_semaphore, #tpu.memory_space<semaphore_mem>>) {add = true}
    }
    %scan3A_60 = arith.constant 25 : i32
    %dma_wait3A_61 = arith.constant 0 : i32
    %dma_wait3A_62 = arith.constant 0 : i32
    %dma_wait3A_63 = tpu.memref_slice %arg13[%dma_wait3A_61, %dma_wait3A_62] : memref<125x80xi32, #tpu.memory_space<vmem>> -> memref<1x80xi32, #tpu.memory_space<vmem>>
    %dma_wait3A_64 = tpu.memref_squeeze %dma_wait3A_63 : memref<1x80xi32, #tpu.memory_space<vmem>> -> memref<80xi32, #tpu.memory_space<vmem>>
    %dma_wait3A_65 = arith.constant 0 : i32
    %dma_wait3A_66 = arith.constant 0 : i32
    %dma_wait3A_67 = tpu.memref_slice %arg21[%dma_wait3A_65, %dma_wait3A_66] : memref<10000x32xf32, #tpu.memory_space<vmem_shared>> -> memref<10000x32xf32, #tpu.memory_space<vmem_shared>>
    tpu.wait_indirect_dma semaphore(%arg27 : memref<!tpu.dma_semaphore, #tpu.memory_space<semaphore_mem>>) src(%arg16 : memref<80x32xf32, #tpu.memory_space<vmem>>) dst(%dma_wait3A_67 : memref<10000x32xf32, #tpu.memory_space<vmem_shared>>)
    %dma_wait3A_68 = arith.constant 0 : i32
    %dma_wait3A_69 = arith.constant 0 : i32
    %dma_wait3A_70 = tpu.memref_slice %arg13[%dma_wait3A_68, %dma_wait3A_69] : memref<125x80xi32, #tpu.memory_space<vmem>> -> memref<1x80xi32, #tpu.memory_space<vmem>>
    %dma_wait3A_71 = tpu.memref_squeeze %dma_wait3A_70 : memref<1x80xi32, #tpu.memory_space<vmem>> -> memref<80xi32, #tpu.memory_space<vmem>>
    %dma_wait3A_72 = arith.constant 0 : i32
    %dma_wait3A_73 = arith.constant 0 : i32
    %dma_wait3A_74 = tpu.memref_slice %arg21[%dma_wait3A_72, %dma_wait3A_73] : memref<10000x32xf32, #tpu.memory_space<vmem_shared>> -> memref<10000x32xf32, #tpu.memory_space<vmem_shared>>
    tpu.wait_indirect_dma semaphore(%arg28 : memref<!tpu.dma_semaphore, #tpu.memory_space<semaphore_mem>>) src(%arg17 : memref<80x32xf32, #tpu.memory_space<vmem>>) dst(%dma_wait3A_74 : memref<10000x32xf32, #tpu.memory_space<vmem_shared>>)
    %dma_wait3A_75 = arith.constant 0 : i32
    %dma_wait3A_76 = arith.constant 0 : i32
    %dma_wait3A_77 = tpu.memref_slice %arg13[%dma_wait3A_75, %dma_wait3A_76] : memref<125x80xi32, #tpu.memory_space<vmem>> -> memref<1x80xi32, #tpu.memory_space<vmem>>
    %dma_wait3A_78 = tpu.memref_squeeze %dma_wait3A_77 : memref<1x80xi32, #tpu.memory_space<vmem>> -> memref<80xi32, #tpu.memory_space<vmem>>
    %dma_wait3A_79 = arith.constant 0 : i32
    %dma_wait3A_80 = arith.constant 0 : i32
    %dma_wait3A_81 = tpu.memref_slice %arg21[%dma_wait3A_79, %dma_wait3A_80] : memref<10000x32xf32, #tpu.memory_space<vmem_shared>> -> memref<10000x32xf32, #tpu.memory_space<vmem_shared>>
    tpu.wait_indirect_dma semaphore(%arg29 : memref<!tpu.dma_semaphore, #tpu.memory_space<semaphore_mem>>) src(%arg18 : memref<80x32xf32, #tpu.memory_space<vmem>>) dst(%dma_wait3A_81 : memref<10000x32xf32, #tpu.memory_space<vmem_shared>>)
    %dma_wait3A_82 = arith.constant 0 : i32
    %dma_wait3A_83 = arith.constant 0 : i32
    %dma_wait3A_84 = tpu.memref_slice %arg13[%dma_wait3A_82, %dma_wait3A_83] : memref<125x80xi32, #tpu.memory_space<vmem>> -> memref<1x80xi32, #tpu.memory_space<vmem>>
    %dma_wait3A_85 = tpu.memref_squeeze %dma_wait3A_84 : memref<1x80xi32, #tpu.memory_space<vmem>> -> memref<80xi32, #tpu.memory_space<vmem>>
    %dma_wait3A_86 = arith.constant 0 : i32
    %dma_wait3A_87 = arith.constant 0 : i32
    %dma_wait3A_88 = tpu.memref_slice %arg21[%dma_wait3A_86, %dma_wait3A_87] : memref<10000x32xf32, #tpu.memory_space<vmem_shared>> -> memref<10000x32xf32, #tpu.memory_space<vmem_shared>>
    tpu.wait_indirect_dma semaphore(%arg30 : memref<!tpu.dma_semaphore, #tpu.memory_space<semaphore_mem>>) src(%arg19 : memref<80x32xf32, #tpu.memory_space<vmem>>) dst(%dma_wait3A_88 : memref<10000x32xf32, #tpu.memory_space<vmem_shared>>)
    %dma_wait3A_89 = arith.constant 0 : i32
    %dma_wait3A_90 = arith.constant 0 : i32
    %dma_wait3A_91 = tpu.memref_slice %arg13[%dma_wait3A_89, %dma_wait3A_90] : memref<125x80xi32, #tpu.memory_space<vmem>> -> memref<1x80xi32, #tpu.memory_space<vmem>>
    %dma_wait3A_92 = tpu.memref_squeeze %dma_wait3A_91 : memref<1x80xi32, #tpu.memory_space<vmem>> -> memref<80xi32, #tpu.memory_space<vmem>>
    %dma_wait3A_93 = arith.constant 0 : i32
    %dma_wait3A_94 = arith.constant 0 : i32
    %dma_wait3A_95 = tpu.memref_slice %arg21[%dma_wait3A_93, %dma_wait3A_94] : memref<10000x32xf32, #tpu.memory_space<vmem_shared>> -> memref<10000x32xf32, #tpu.memory_space<vmem_shared>>
    tpu.wait_indirect_dma semaphore(%arg31 : memref<!tpu.dma_semaphore, #tpu.memory_space<semaphore_mem>>) src(%arg20 : memref<80x32xf32, #tpu.memory_space<vmem>>) dst(%dma_wait3A_95 : memref<10000x32xf32, #tpu.memory_space<vmem_shared>>)
    %barrier3A_96 = arith.constant 0 : index
    tpu.barrier barrier_id(%barrier3A_96)
    %scan3A_97 = arith.constant 0 : i32
    %scan3A_98 = arith.constant 8 : i32
    %scan3A_99 = arith.addi %scan3A_97, %scan3A_98 : i32
    %scan3A_100 = arith.constant 1 : i32
    scf.for %scan3A_107 = %scan3A_97 to %scan3A_99 step %scan3A_100  : i32 {
      %mul3A_108 = arith.constant 1 : i32
      %mul3A_109 = arith.muli %scan3A_107, %mul3A_108 : i32
      %add3A_110 = arith.constant 0 : i32
      %add3A_111 = arith.addi %add3A_110, %mul3A_109 : i32
      %mul3A_112 = arith.constant 16 : i32
      %mul3A_113 = arith.muli %add3A_111, %mul3A_112 : i32
      %add3A_114 = arith.addi %mul3A_113, %arg1 : i32
      %lt3A = arith.constant 125 : i32
      %lt3A_115 = arith.cmpi slt, %add3A_114, %lt3A : i32
      %convert_element_type3A = arith.extui %lt3A_115 : i1 to i32
      %cond3A = arith.constant 0 : i32
      %cond3A_116 = arith.cmpi ne, %convert_element_type3A, %cond3A : i32
      scf.if %cond3A_116 {
        %mul3A_117 = arith.constant 80 : i32
        %mul3A_118 = arith.muli %add3A_114, %mul3A_117 : i32
        %dma_start3A_119 = arith.constant 0 : i32
        %dma_start3A_120 = tpu.memref_slice %arg8[%arg0, %mul3A_118, %dma_start3A_119] : memref<2x10000x32xf32, #tpu.memory_space<hbm>> -> memref<1x80x32xf32, #tpu.memory_space<hbm>>
        %dma_start3A_121 = tpu.memref_squeeze %dma_start3A_120 : memref<1x80x32xf32, #tpu.memory_space<hbm>> -> memref<80x32xf32, #tpu.memory_space<hbm>>
        %dma_start3A_122 = arith.constant 0 : i32
        %dma_start3A_123 = tpu.memref_slice %arg21[%mul3A_118, %dma_start3A_122] : memref<10000x32xf32, #tpu.memory_space<vmem_shared>> -> memref<80x32xf32, #tpu.memory_space<vmem_shared>>
        tpu.enqueue_dma source(%dma_start3A_123 : memref<80x32xf32, #tpu.memory_space<vmem_shared>>) target(%dma_start3A_121 : memref<80x32xf32, #tpu.memory_space<hbm>>) target_semaphore(%arg22 : memref<!tpu.dma_semaphore, #tpu.memory_space<semaphore_mem>>)
      } else {
      }
    }
    %scan3A_101 = arith.constant 8 : i32
    %scan3A_102 = arith.constant 0 : i32
    %scan3A_103 = arith.constant 8 : i32
    %scan3A_104 = arith.addi %scan3A_102, %scan3A_103 : i32
    %scan3A_105 = arith.constant 1 : i32
    scf.for %scan3A_107 = %scan3A_102 to %scan3A_104 step %scan3A_105  : i32 {
      %mul3A_108 = arith.constant 1 : i32
      %mul3A_109 = arith.muli %scan3A_107, %mul3A_108 : i32
      %add3A_110 = arith.constant 0 : i32
      %add3A_111 = arith.addi %add3A_110, %mul3A_109 : i32
      %mul3A_112 = arith.constant 16 : i32
      %mul3A_113 = arith.muli %add3A_111, %mul3A_112 : i32
      %add3A_114 = arith.addi %mul3A_113, %arg1 : i32
      %lt3A = arith.constant 125 : i32
      %lt3A_115 = arith.cmpi slt, %add3A_114, %lt3A : i32
      %convert_element_type3A = arith.extui %lt3A_115 : i1 to i32
      %cond3A = arith.constant 0 : i32
      %cond3A_116 = arith.cmpi ne, %convert_element_type3A, %cond3A : i32
      scf.if %cond3A_116 {
        %dma_wait3A_117 = arith.constant 0 : i32
        %dma_wait3A_118 = arith.constant 0 : i32
        %dma_wait3A_119 = tpu.memref_slice %arg8[%arg0, %dma_wait3A_117, %dma_wait3A_118] : memref<2x10000x32xf32, #tpu.memory_space<hbm>> -> memref<1x80x32xf32, #tpu.memory_space<hbm>>
        %dma_wait3A_120 = tpu.memref_squeeze %dma_wait3A_119 : memref<1x80x32xf32, #tpu.memory_space<hbm>> -> memref<80x32xf32, #tpu.memory_space<hbm>>
        %dma_wait3A_121 = arith.constant 0 : i32
        %dma_wait3A_122 = arith.constant 0 : i32
        %dma_wait3A_123 = tpu.memref_slice %arg21[%dma_wait3A_121, %dma_wait3A_122] : memref<10000x32xf32, #tpu.memory_space<vmem_shared>> -> memref<80x32xf32, #tpu.memory_space<vmem_shared>>
        tpu.wait_dma2 semaphore(%arg22 : memref<!tpu.dma_semaphore, #tpu.memory_space<semaphore_mem>>) src(%dma_wait3A_123 : memref<80x32xf32, #tpu.memory_space<vmem_shared>>) dst(%dma_wait3A_120 : memref<80x32xf32, #tpu.memory_space<hbm>>)
      } else {
      }
    }
    %scan3A_106 = arith.constant 8 : i32
    return
  }
}

module attributes {stable_mosaic.version = 14 : i64} {
  func.func @body(%arg0: memref<10000x128xf32, #tpu.memory_space<vmem>>, %arg1: memref<128x128xf32, #tpu.memory_space<vmem>>, %arg2: memref<1x128xf32, #tpu.memory_space<vmem>>, %arg3: memref<1x128xf32, #tpu.memory_space<vmem>>, %arg4: memref<2x10000x64xf32, #tpu.memory_space<vmem>>, %arg5: memref<1x10000xf32, #tpu.memory_space<vmem>>, %arg6: memref<1x10000xf32, #tpu.memory_space<vmem>>, %arg7: memref<1x2xf32, #tpu.memory_space<vmem>>) attributes {dimension_semantics = [], scalar_prefetch = 0 : i64, scratch_operands = 0 : i64, tpu.core_type = #tpu.core_type<tc>} {
    %get3A = arith.constant 0 : index
    %get3A_0 = arith.constant 0 : index
    %get3A_1 = vector.load %arg0[%get3A, %get3A_0] : memref<10000x128xf32, #tpu.memory_space<vmem>>, vector<10000x128xf32>
    %get3A_2 = arith.constant 0 : index
    %get3A_3 = arith.constant 0 : index
    %get3A_4 = vector.load %arg1[%get3A_2, %get3A_3] : memref<128x128xf32, #tpu.memory_space<vmem>>, vector<128x128xf32>
    %dot_general3A = arith.constant dense<0.000000e+00> : vector<10000x128xf32>
    %dot_general3A_5 = tpu.matmul %get3A_1, %get3A_4, %dot_general3A {dimension_numbers = #tpu.dot_dimension_numbers<[1], [0], [0], [1], [0, 0, 1, 1], [], []>, transpose_lhs_hint = false} : vector<10000x128xf32>, vector<128x128xf32>, vector<10000x128xf32> -> vector<10000x128xf32>
    %slice3A = vector.extract_strided_slice %dot_general3A_5 {offsets = [0, 0], sizes = [10000, 64], strides = [1, 1]} : vector<10000x128xf32> to vector<10000x64xf32>
    %swap3A = arith.constant 0 : index
    %swap3A_6 = arith.constant 0 : index
    %swap3A_7 = arith.constant 0 : index
    %swap3A_8 = vector.load %arg4[%swap3A, %swap3A_6, %swap3A_7] : memref<2x10000x64xf32, #tpu.memory_space<vmem>>, vector<1x10000x64xf32>
    %swap3A_9 = vector.shape_cast %swap3A_8 : vector<1x10000x64xf32> to vector<10000x64xf32>
    %swap3A_10 = vector.shape_cast %slice3A : vector<10000x64xf32> to vector<1x10000x64xf32>
    tpu.vector_store %arg4[%swap3A, %swap3A_6, %swap3A_7], %swap3A_10 {strides = array<i32>} : memref<2x10000x64xf32, #tpu.memory_space<vmem>>, vector<1x10000x64xf32>,
    %slice3A_11 = vector.extract_strided_slice %dot_general3A_5 {offsets = [0, 64], sizes = [10000, 64], strides = [1, 1]} : vector<10000x128xf32> to vector<10000x64xf32>
    %swap3A_12 = arith.constant 1 : index
    %swap3A_13 = arith.constant 0 : index
    %swap3A_14 = arith.constant 0 : index
    %swap3A_15 = vector.load %arg4[%swap3A_12, %swap3A_13, %swap3A_14] : memref<2x10000x64xf32, #tpu.memory_space<vmem>>, vector<1x10000x64xf32>
    %swap3A_16 = vector.shape_cast %swap3A_15 : vector<1x10000x64xf32> to vector<10000x64xf32>
    %swap3A_17 = vector.shape_cast %slice3A_11 : vector<10000x64xf32> to vector<1x10000x64xf32>
    tpu.vector_store %arg4[%swap3A_12, %swap3A_13, %swap3A_14], %swap3A_17 {strides = array<i32>} : memref<2x10000x64xf32, #tpu.memory_space<vmem>>, vector<1x10000x64xf32>,
    %get3A_18 = arith.constant 0 : index
    %get3A_19 = arith.constant 0 : index
    %get3A_20 = vector.load %arg2[%get3A_18, %get3A_19] : memref<1x128xf32, #tpu.memory_space<vmem>>, vector<1x128xf32>
    %mul3A = vector.broadcast %get3A_20 : vector<1x128xf32> to vector<10000x128xf32>
    %mul3A_21 = arith.mulf %dot_general3A_5, %mul3A : vector<10000x128xf32>
    %reduce_sum3A = arith.constant dense<0.000000e+00> : vector<10000xf32>
    %reduce_sum3A_22 = vector.multi_reduction <add>, %mul3A_21, %reduce_sum3A [1] : vector<10000x128xf32> to vector<10000xf32>
    %get3A_23 = arith.constant 0 : index
    %get3A_24 = arith.constant 0 : index
    %get3A_25 = vector.load %arg3[%get3A_23, %get3A_24] : memref<1x128xf32, #tpu.memory_space<vmem>>, vector<1x128xf32>
    %mul3A_26 = vector.broadcast %get3A_25 : vector<1x128xf32> to vector<10000x128xf32>
    %mul3A_27 = arith.mulf %dot_general3A_5, %mul3A_26 : vector<10000x128xf32>
    %reduce_sum3A_28 = arith.constant dense<0.000000e+00> : vector<10000xf32>
    %reduce_sum3A_29 = vector.multi_reduction <add>, %mul3A_27, %reduce_sum3A_28 [1] : vector<10000x128xf32> to vector<10000xf32>
    %broadcast_in_dim3A = vector.shape_cast %reduce_sum3A_22 : vector<10000xf32> to vector<1x10000xf32>
    %swap3A_30 = arith.constant 0 : index
    %swap3A_31 = arith.constant 0 : index
    %swap3A_32 = vector.load %arg5[%swap3A_30, %swap3A_31] : memref<1x10000xf32, #tpu.memory_space<vmem>>, vector<1x10000xf32>
    tpu.vector_store %arg5[%swap3A_30, %swap3A_31], %broadcast_in_dim3A {strides = array<i32>} : memref<1x10000xf32, #tpu.memory_space<vmem>>, vector<1x10000xf32>,
    %broadcast_in_dim3A_33 = vector.shape_cast %reduce_sum3A_29 : vector<10000xf32> to vector<1x10000xf32>
    %swap3A_34 = arith.constant 0 : index
    %swap3A_35 = arith.constant 0 : index
    %swap3A_36 = vector.load %arg6[%swap3A_34, %swap3A_35] : memref<1x10000xf32, #tpu.memory_space<vmem>>, vector<1x10000xf32>
    tpu.vector_store %arg6[%swap3A_34, %swap3A_35], %broadcast_in_dim3A_33 {strides = array<i32>} : memref<1x10000xf32, #tpu.memory_space<vmem>>, vector<1x10000xf32>,
    %reduce_max3A = vector.shape_cast %reduce_sum3A_22 : vector<10000xf32> to vector<1x10000xf32>
    %reduce_max3A_37 = arith.constant dense<0xFF800000> : vector<1xf32>
    %reduce_max3A_38 = vector.multi_reduction <maximumf>, %reduce_max3A, %reduce_max3A_37 [1] : vector<1x10000xf32> to vector<1xf32>
    %reduce_max3A_39 = vector.shape_cast %reduce_max3A_38 : vector<1xf32> to vector<1x1xf32>
    %reduce_max3A_40 = vector.extract %reduce_max3A_39[0, 0] : f32 from vector<1x1xf32>
    %broadcast_in_dim3A_41 = vector.broadcast %reduce_max3A_40 : f32 to vector<1x1xf32>
    %reduce_max3A_42 = vector.shape_cast %reduce_sum3A_29 : vector<10000xf32> to vector<1x10000xf32>
    %reduce_max3A_43 = arith.constant dense<0xFF800000> : vector<1xf32>
    %reduce_max3A_44 = vector.multi_reduction <maximumf>, %reduce_max3A_42, %reduce_max3A_43 [1] : vector<1x10000xf32> to vector<1xf32>
    %reduce_max3A_45 = vector.shape_cast %reduce_max3A_44 : vector<1xf32> to vector<1x1xf32>
    %reduce_max3A_46 = vector.extract %reduce_max3A_45[0, 0] : f32 from vector<1x1xf32>
    %broadcast_in_dim3A_47 = vector.broadcast %reduce_max3A_46 : f32 to vector<1x1xf32>
    %concatenate3A = tpu.concatenate %broadcast_in_dim3A_41, %broadcast_in_dim3A_47 in 1 : vector<1x1xf32>, vector<1x1xf32> -> vector<1x2xf32>
    %swap3A_48 = arith.constant 0 : index
    %swap3A_49 = arith.constant 0 : index
    %swap3A_50 = vector.load %arg7[%swap3A_48, %swap3A_49] : memref<1x2xf32, #tpu.memory_space<vmem>>, vector<1x2xf32>
    tpu.vector_store %arg7[%swap3A_48, %swap3A_49], %concatenate3A {strides = array<i32>} : memref<1x2xf32, #tpu.memory_space<vmem>>, vector<1x2xf32>,
    return
  }
}

module attributes {stable_mosaic.version = 14 : i64} {
  func.func @body(%arg0: memref<2x10000x64xf32, #tpu.memory_space<vmem>>, %arg1: memref<2x10000x16xf32, #tpu.memory_space<vmem>>, %arg2: memref<1x128xf32, #tpu.memory_space<vmem>>, %arg3: memref<128x16xf32, #tpu.memory_space<vmem>>, %arg4: memref<1x16xf32, #tpu.memory_space<vmem>>, %arg5: memref<1x16xf32, #tpu.memory_space<vmem>>, %arg6: memref<10000x32xf32, #tpu.memory_space<vmem>>, %arg7: memref<1x10000xf32, #tpu.memory_space<vmem>>, %arg8: memref<1x10000xf32, #tpu.memory_space<vmem>>, %arg9: memref<1x2xf32, #tpu.memory_space<vmem>>) attributes {dimension_semantics = [], scalar_prefetch = 0 : i64, scratch_operands = 0 : i64, tpu.core_type = #tpu.core_type<tc>} {
    %get3A = arith.constant 0 : index
    %get3A_0 = arith.constant 0 : index
    %get3A_1 = arith.constant 0 : index
    %get3A_2 = vector.load %arg0[%get3A, %get3A_0, %get3A_1] : memref<2x10000x64xf32, #tpu.memory_space<vmem>>, vector<1x10000x64xf32>
    %get3A_3 = vector.shape_cast %get3A_2 : vector<1x10000x64xf32> to vector<10000x64xf32>
    %get3A_4 = arith.constant 1 : index
    %get3A_5 = arith.constant 0 : index
    %get3A_6 = arith.constant 0 : index
    %get3A_7 = vector.load %arg0[%get3A_4, %get3A_5, %get3A_6] : memref<2x10000x64xf32, #tpu.memory_space<vmem>>, vector<1x10000x64xf32>
    %get3A_8 = vector.shape_cast %get3A_7 : vector<1x10000x64xf32> to vector<10000x64xf32>
    %concatenate3A = tpu.concatenate %get3A_3, %get3A_8 in 1 : vector<10000x64xf32>, vector<10000x64xf32> -> vector<10000x128xf32>
    %get3A_9 = arith.constant 0 : index
    %get3A_10 = arith.constant 0 : index
    %get3A_11 = arith.constant 0 : index
    %get3A_12 = vector.load %arg1[%get3A_9, %get3A_10, %get3A_11] : memref<2x10000x16xf32, #tpu.memory_space<vmem>>, vector<1x10000x1xf32>
    %get3A_13 = vector.shape_cast %get3A_12 : vector<1x10000x1xf32> to vector<10000x1xf32>
    %add3A = arith.constant 1.000000e-16 : f32
    %add3A_14 = vector.broadcast %add3A : f32 to vector<10000x1xf32>
    %add3A_15 = arith.addf %get3A_13, %add3A_14 : vector<10000x1xf32>
    %div3A = vector.broadcast %add3A_15 : vector<10000x1xf32> to vector<10000x128xf32>
    %div3A_16 = arith.divf %concatenate3A, %div3A : vector<10000x128xf32>
    %get3A_17 = arith.constant 0 : index
    %get3A_18 = arith.constant 0 : index
    %get3A_19 = vector.load %arg2[%get3A_17, %get3A_18] : memref<1x128xf32, #tpu.memory_space<vmem>>, vector<1x128xf32>
    %add3A_20 = vector.broadcast %get3A_19 : vector<1x128xf32> to vector<10000x128xf32>
    %add3A_21 = arith.addf %div3A_16, %add3A_20 : vector<10000x128xf32>
    %max3A = arith.constant 0.000000e+00 : f32
    %max3A_22 = vector.broadcast %max3A : f32 to vector<10000x128xf32>
    %max3A_23 = arith.maximumf %add3A_21, %max3A_22 : vector<10000x128xf32>
    %get3A_24 = arith.constant 0 : index
    %get3A_25 = arith.constant 0 : index
    %get3A_26 = vector.load %arg3[%get3A_24, %get3A_25] : memref<128x16xf32, #tpu.memory_space<vmem>>, vector<128x16xf32>
    %dot_general3A = arith.constant dense<0.000000e+00> : vector<10000x16xf32>
    %dot_general3A_27 = tpu.matmul %max3A_23, %get3A_26, %dot_general3A {dimension_numbers = #tpu.dot_dimension_numbers<[1], [0], [0], [1], [0, 0, 1, 1], [], []>, transpose_lhs_hint = false} : vector<10000x128xf32>, vector<128x16xf32>, vector<10000x16xf32> -> vector<10000x16xf32>
    %iota3A = tpu.iota {dimensions = array<i32: 1>} : vector<10000x16xi32>
    %eq3A = arith.constant 0 : i32
    %eq3A_28 = vector.broadcast %eq3A : i32 to vector<10000x16xi32>
    %eq3A_29 = arith.cmpi eq, %iota3A, %eq3A_28 : vector<10000x16xi32>
    %convert_element_type3A = arith.extui %eq3A_29 : vector<10000x16xi1> to vector<10000x16xi32>
    %convert_element_type3A_30 = arith.sitofp %convert_element_type3A : vector<10000x16xi32> to vector<10000x16xf32>
    %swap3A = arith.constant 0 : index
    %swap3A_31 = arith.constant 0 : index
    %swap3A_32 = vector.load %arg6[%swap3A, %swap3A_31] : memref<10000x32xf32, #tpu.memory_space<vmem>>, vector<10000x16xf32>
    tpu.vector_store %arg6[%swap3A, %swap3A_31], %dot_general3A_27 {strides = array<i32>} : memref<10000x32xf32, #tpu.memory_space<vmem>>, vector<10000x16xf32>,
    %swap3A_33 = arith.constant 0 : index
    %swap3A_34 = arith.constant 16 : index
    %swap3A_35 = vector.load %arg6[%swap3A_33, %swap3A_34] : memref<10000x32xf32, #tpu.memory_space<vmem>>, vector<10000x16xf32>
    tpu.vector_store %arg6[%swap3A_33, %swap3A_34], %convert_element_type3A_30 {strides = array<i32>} : memref<10000x32xf32, #tpu.memory_space<vmem>>, vector<10000x16xf32>,
    %get3A_36 = arith.constant 0 : index
    %get3A_37 = arith.constant 0 : index
    %get3A_38 = vector.load %arg4[%get3A_36, %get3A_37] : memref<1x16xf32, #tpu.memory_space<vmem>>, vector<1x16xf32>
    %mul3A = vector.broadcast %get3A_38 : vector<1x16xf32> to vector<10000x16xf32>
    %mul3A_39 = arith.mulf %dot_general3A_27, %mul3A : vector<10000x16xf32>
    %reduce_sum3A = arith.constant dense<0.000000e+00> : vector<10000xf32>
    %reduce_sum3A_40 = vector.multi_reduction <add>, %mul3A_39, %reduce_sum3A [1] : vector<10000x16xf32> to vector<10000xf32>
    %get3A_41 = arith.constant 0 : index
    %get3A_42 = arith.constant 0 : index
    %get3A_43 = vector.load %arg5[%get3A_41, %get3A_42] : memref<1x16xf32, #tpu.memory_space<vmem>>, vector<1x16xf32>
    %mul3A_44 = vector.broadcast %get3A_43 : vector<1x16xf32> to vector<10000x16xf32>
    %mul3A_45 = arith.mulf %dot_general3A_27, %mul3A_44 : vector<10000x16xf32>
    %reduce_sum3A_46 = arith.constant dense<0.000000e+00> : vector<10000xf32>
    %reduce_sum3A_47 = vector.multi_reduction <add>, %mul3A_45, %reduce_sum3A_46 [1] : vector<10000x16xf32> to vector<10000xf32>
    %broadcast_in_dim3A = vector.shape_cast %reduce_sum3A_40 : vector<10000xf32> to vector<1x10000xf32>
    %swap3A_48 = arith.constant 0 : index
    %swap3A_49 = arith.constant 0 : index
    %swap3A_50 = vector.load %arg7[%swap3A_48, %swap3A_49] : memref<1x10000xf32, #tpu.memory_space<vmem>>, vector<1x10000xf32>
    tpu.vector_store %arg7[%swap3A_48, %swap3A_49], %broadcast_in_dim3A {strides = array<i32>} : memref<1x10000xf32, #tpu.memory_space<vmem>>, vector<1x10000xf32>,
    %broadcast_in_dim3A_51 = vector.shape_cast %reduce_sum3A_47 : vector<10000xf32> to vector<1x10000xf32>
    %swap3A_52 = arith.constant 0 : index
    %swap3A_53 = arith.constant 0 : index
    %swap3A_54 = vector.load %arg8[%swap3A_52, %swap3A_53] : memref<1x10000xf32, #tpu.memory_space<vmem>>, vector<1x10000xf32>
    tpu.vector_store %arg8[%swap3A_52, %swap3A_53], %broadcast_in_dim3A_51 {strides = array<i32>} : memref<1x10000xf32, #tpu.memory_space<vmem>>, vector<1x10000xf32>,
    %reduce_max3A = vector.shape_cast %reduce_sum3A_40 : vector<10000xf32> to vector<1x10000xf32>
    %reduce_max3A_55 = arith.constant dense<0xFF800000> : vector<1xf32>
    %reduce_max3A_56 = vector.multi_reduction <maximumf>, %reduce_max3A, %reduce_max3A_55 [1] : vector<1x10000xf32> to vector<1xf32>
    %reduce_max3A_57 = vector.shape_cast %reduce_max3A_56 : vector<1xf32> to vector<1x1xf32>
    %reduce_max3A_58 = vector.extract %reduce_max3A_57[0, 0] : f32 from vector<1x1xf32>
    %broadcast_in_dim3A_59 = vector.broadcast %reduce_max3A_58 : f32 to vector<1x1xf32>
    %reduce_max3A_60 = vector.shape_cast %reduce_sum3A_47 : vector<10000xf32> to vector<1x10000xf32>
    %reduce_max3A_61 = arith.constant dense<0xFF800000> : vector<1xf32>
    %reduce_max3A_62 = vector.multi_reduction <maximumf>, %reduce_max3A_60, %reduce_max3A_61 [1] : vector<1x10000xf32> to vector<1xf32>
    %reduce_max3A_63 = vector.shape_cast %reduce_max3A_62 : vector<1xf32> to vector<1x1xf32>
    %reduce_max3A_64 = vector.extract %reduce_max3A_63[0, 0] : f32 from vector<1x1xf32>
    %broadcast_in_dim3A_65 = vector.broadcast %reduce_max3A_64 : f32 to vector<1x1xf32>
    %concatenate3A_66 = tpu.concatenate %broadcast_in_dim3A_59, %broadcast_in_dim3A_65 in 1 : vector<1x1xf32>, vector<1x1xf32> -> vector<1x2xf32>
    %swap3A_67 = arith.constant 0 : index
    %swap3A_68 = arith.constant 0 : index
    %swap3A_69 = vector.load %arg9[%swap3A_67, %swap3A_68] : memref<1x2xf32, #tpu.memory_space<vmem>>, vector<1x2xf32>
    tpu.vector_store %arg9[%swap3A_67, %swap3A_68], %concatenate3A_66 {strides = array<i32>} : memref<1x2xf32, #tpu.memory_space<vmem>>, vector<1x2xf32>,
    return
  }
}

module attributes {stable_mosaic.version = 14 : i64} {
  func.func @body(%arg0: memref<2x10000x32xf32, #tpu.memory_space<vmem>>, %arg1: memref<1x16xf32, #tpu.memory_space<vmem>>, %arg2: memref<10000x16xf32, #tpu.memory_space<vmem>>) attributes {dimension_semantics = [], scalar_prefetch = 0 : i64, scratch_operands = 0 : i64, tpu.core_type = #tpu.core_type<tc>} {
    %get3A = arith.constant 0 : index
    %get3A_0 = arith.constant 0 : index
    %get3A_1 = arith.constant 0 : index
    %get3A_2 = vector.load %arg0[%get3A, %get3A_0, %get3A_1] : memref<2x10000x32xf32, #tpu.memory_space<vmem>>, vector<1x10000x32xf32>
    %get3A_3 = vector.shape_cast %get3A_2 : vector<1x10000x32xf32> to vector<10000x32xf32>
    %get3A_4 = arith.constant 1 : index
    %get3A_5 = arith.constant 0 : index
    %get3A_6 = arith.constant 0 : index
    %get3A_7 = vector.load %arg0[%get3A_4, %get3A_5, %get3A_6] : memref<2x10000x32xf32, #tpu.memory_space<vmem>>, vector<1x10000x32xf32>
    %get3A_8 = vector.shape_cast %get3A_7 : vector<1x10000x32xf32> to vector<10000x32xf32>
    %add3A = arith.addf %get3A_3, %get3A_8 : vector<10000x32xf32>
    %slice3A = vector.extract_strided_slice %add3A {offsets = [0, 0], sizes = [10000, 16], strides = [1, 1]} : vector<10000x32xf32> to vector<10000x16xf32>
    %slice3A_9 = vector.extract_strided_slice %add3A {offsets = [0, 16], sizes = [10000, 1], strides = [1, 1]} : vector<10000x32xf32> to vector<10000x1xf32>
    %add3A_10 = arith.constant 1.000000e-16 : f32
    %add3A_11 = vector.broadcast %add3A_10 : f32 to vector<10000x1xf32>
    %add3A_12 = arith.addf %slice3A_9, %add3A_11 : vector<10000x1xf32>
    %div3A = vector.broadcast %add3A_12 : vector<10000x1xf32> to vector<10000x16xf32>
    %div3A_13 = arith.divf %slice3A, %div3A : vector<10000x16xf32>
    %get3A_14 = arith.constant 0 : index
    %get3A_15 = arith.constant 0 : index
    %get3A_16 = vector.load %arg1[%get3A_14, %get3A_15] : memref<1x16xf32, #tpu.memory_space<vmem>>, vector<1x16xf32>
    %add3A_17 = vector.broadcast %get3A_16 : vector<1x16xf32> to vector<10000x16xf32>
    %add3A_18 = arith.addf %div3A_13, %add3A_17 : vector<10000x16xf32>
    %reduce_max3A = arith.constant dense<0xFF800000> : vector<10000xf32>
    %reduce_max3A_19 = vector.multi_reduction <maximumf>, %add3A_18, %reduce_max3A [1] : vector<10000x16xf32> to vector<10000xf32>
    %broadcast_in_dim3A = vector.shape_cast %reduce_max3A_19 : vector<10000xf32> to vector<10000x1xf32>
    %sub3A = vector.broadcast %broadcast_in_dim3A : vector<10000x1xf32> to vector<10000x16xf32>
    %sub3A_20 = arith.subf %add3A_18, %sub3A : vector<10000x16xf32>
    %exp3A = math.exp %sub3A_20 : vector<10000x16xf32>
    %reduce_sum3A = arith.constant dense<0.000000e+00> : vector<10000xf32>
    %reduce_sum3A_21 = vector.multi_reduction <add>, %exp3A, %reduce_sum3A [1] : vector<10000x16xf32> to vector<10000xf32>
    %broadcast_in_dim3A_22 = vector.shape_cast %reduce_sum3A_21 : vector<10000xf32> to vector<10000x1xf32>
    %log3A = math.log %broadcast_in_dim3A_22 : vector<10000x1xf32>
    %sub3A_23 = vector.broadcast %log3A : vector<10000x1xf32> to vector<10000x16xf32>
    %sub3A_24 = arith.subf %sub3A_20, %sub3A_23 : vector<10000x16xf32>
    %swap3A = arith.constant 0 : index
    %swap3A_25 = arith.constant 0 : index
    %swap3A_26 = vector.load %arg2[%swap3A, %swap3A_25] : memref<10000x16xf32, #tpu.memory_space<vmem>>, vector<10000x16xf32>
    tpu.vector_store %arg2[%swap3A, %swap3A_25], %sub3A_24 {strides = array<i32>} : memref<10000x16xf32, #tpu.memory_space<vmem>>, vector<10000x16xf32>,
    return
  }
}

</mosaic_0001>

<sc_bundles>
// kernel: kernel.10.cloned.1.call-start
scs
__scs_entry_jumppad:
0x0: {  	(pc) =	sbr.rel $0x88, $3  }
0x1: {  	(tag) =	ssettag $0x0;
	lr =	simm.s32 $0x1  }
0x2: {  	[smem:$0x3F97] =	sst lr;
	_ =	strace $0xD0000000  }
0x3: {  	_ = 	snop  }
0x4: {  	_ = 	snop  }
0x5: {  	_ = 	snop  }
0x6: {  	_ = 	snop  }
0x7: {  	_ = 	snop  }
__scs_overlays_trampoline_lowered:
0x8: {  	[smem:$0x3FA6] =	sst s0  }
0x9: {  	[smem:$0x3FA7] =	sst s1  }
0xa: {  	[smem:$0x3FA8] =	sst s2  }
0xb: {  	[smem:$0x3FA9] =	sst s3  }
0xc: {  	[smem:$0x3FAA] =	sst s4  }
0xd: {  	[smem:$0x3FAB] =	sst s5  }
0xe: {  	[smem:$0x3FAC] =	sst s6  }
0xf: {  	[smem:$0x3FAD] =	sst s7  }
0x10: {  	[smem:$0x3FAE] =	sst s8  }
0x11: {  	[smem:$0x3FAF] =	sst s9;
	s0 =	simm.s32 @!p0 $0x0  }
0x12: {  	s1 =	sld [smem:$0x3F95];
	s0 =	simm.s32 @p0 $0x1  }
0x13: {  	[smem:$0x3FB0] =	sst s0;
	s0 =	simm.s32 @!p1 $0x0  }
0x14: {  	s2 =	sld [smem:$0x3F94];
	s0 =	simm.s32 @p1 $0x1  }
0x15: {  	[smem:$0x3FB1] =	sst s0;
	s0 =	simm.s32 @!p2 $0x0  }
0x16: {  	s3 =	sld [smem:$0x3FDB];
	s0 =	simm.s32 @p2 $0x1  }
0x17: {  	s4 =	simm.s32 $0x1BF5;
	[smem:$0x3FB3] =	sst s0  }
0x18: {  	s0 =	sld [smem:$0x3F96];
	_ =	swait.ge [sflag:s4], $0x0  }
0x19: {  	s7 =	sld [smem:$0x3F97]  }
0x1a: {  	s8 =	sadd.s32 $0xFFFFE003, lr  }
0x1b: {  	s9 =	sadd.s32 $0xFFFFFEF7, lr;
	s5 =	simm.s32 $0xFFFFFFFF;
	p2 =	slt.u32 s8, $0xFFFFF086  }
0x1c: {  	p1 =	slt.u32 s9, $0xF7A;
	s5 =	simm.s32 @!p2 $0x0  }
0x1d: {  	s5 =	simm.s32 @p1 $0x1;
	p0 =	seq.s32 s7, s2  }
0x1e: {  	s7 =	smul.u32 @!p0 $0xF7A, s2;
	p2 =	seq.s32 @!p0 s5, $0x0  }
0x1f: {  	s9 =	smul.u32 $0xF7A, s1;
	s8 =	simm.s32 @!p0 $0x1BF5;
	p2 =	por !p2, p0  }
0x20: {  	[sflag:s8] =	ssyncset.s32 @!p0 $0xFFFFF086;
	s6 =	sadd.s32 @!p0 s3, s7;
	s7 =	simm.s32 @!p0 $0x108  }
0x21: {  	s3 =	sadd.s32 s3, s9;
	s6 =	sadd.s32 @!p0 $0x88, s6;
	s7 =	simm.s32 @p2 $0x1082  }
0x22: {  	[simem:s7], [sflag:s8] =	dma.local @!p0 [hbm:s6], $0xF7A  }
0x23: {  	s9 =	sor.u32 $0xD0000000, s2;
	s6 =	simm.s32 $0x108;
	_ =	swait.ge @!p0 [sflag:s8], $0x0  }
0x24: {  	s3 =	sadd.s32 $0x88, s3;
	s6 =	simm.s32 @!p1 $0x1082;
	[sflag:s4] =	ssyncset.s32 $0xFFFFF086  }
0x25: {  	[simem:s6], [sflag:s4] =	dma.local [hbm:s3], $0xF7A  }
0x26: {  	[smem:$0x3F97] =	sst s1;
	(tag) =	ssettag s2;
	_ =	strace s9  }
0x27: {  	s1 =	sld [smem:$0x3FA7]  }
0x28: {  	s2 =	sld [smem:$0x3FA8]  }
0x29: {  	s4 =	sld [smem:$0x3FAA]  }
0x2a: {  	p0 =	seq.s32 s5, $0x0;
	s5 =	sld [smem:$0x3FAB]  }
0x2b: {  	s6 =	sld [smem:$0x3FAC]  }
0x2c: {  	s7 =	sld [smem:$0x3FAD]  }
0x2d: {  	s3 =	simm.s32 $0x108;
	s8 =	sld [smem:$0x3FAE]  }
0x2e: {  	s3 =	simm.s32 @!p0 $0x1082;
	s9 =	sld [smem:$0x3FAF]  }
0x2f: {  	lr =	sadd.s32 s0, s3;
	s0 =	sld [smem:$0x3FA6]  }
0x30: {  	s3 =	sld [smem:$0x3FA9]  }
0x31: {  	[smem:$0x3FB2] =	sst s10  }
0x32: {  	s10 =	sld [smem:$0x3FB0];
	_ =	sdelay $0x3  }
0x33: {  	p0 =	seq.s32 s10, $0x1;
	s10 =	sld [smem:$0x3FB2];
	_ =	sdelay $0x3  }
0x34: {  	[smem:$0x3FB2] =	sst s10  }
0x35: {  	s10 =	sld [smem:$0x3FB1];
	_ =	sdelay $0x3  }
0x36: {  	p1 =	seq.s32 s10, $0x1;
	s10 =	sld [smem:$0x3FB2];
	_ =	sdelay $0x3  }
0x37: {  	[smem:$0x3FB2] =	sst s10  }
0x38: {  	s10 =	sld [smem:$0x3FB3]  }
0x39: {  	_ = 	snop;
	(pc) =	sbr.ind lr, $3  }
0x3a: {  	_ = 	snop  }
0x3b: {  	_ = 	snop  }
0x3c: {  	p2 =	seq.s32 s10, $0x1;
	s10 =	sld [smem:$0x3FB2]  }
0x3d: {  	_ =	shalt  }
0x3e: {  	_ =	shalt  }
0x3f: {  	_ =	shalt  }
0x40: {  	_ =	shalt  }
0x41: {  	_ =	shalt  }
0x42: {  	_ =	shalt  }
0x43: {  	_ =	shalt  }
0x44: {  	_ =	shalt  }
0x45: {  	_ =	shalt  }
0x46: {  	_ =	shalt  }
0x47: {  	_ =	shalt  }
0x48: {  	_ =	shalt  }
0x49: {  	_ =	shalt  }
0x4a: {  	_ =	shalt  }
0x4b: {  	_ =	shalt  }
0x4c: {  	_ =	shalt  }
0x4d: {  	_ =	shalt  }
0x4e: {  	_ =	shalt  }
0x4f: {  	_ =	shalt  }
0x50: {  	_ =	shalt  }
0x51: {  	_ =	shalt  }
0x52: {  	_ =	shalt  }
0x53: {  	_ =	shalt  }
0x54: {  	_ =	shalt  }
0x55: {  	_ =	shalt  }
0x56: {  	_ =	shalt  }
0x57: {  	_ =	shalt  }
0x58: {  	_ =	shalt  }
0x59: {  	_ =	shalt  }
0x5a: {  	_ =	shalt  }
0x5b: {  	_ =	shalt  }
0x5c: {  	_ =	shalt  }
0x5d: {  	_ =	shalt  }
0x5e: {  	_ =	shalt  }
0x5f: {  	_ =	shalt  }
0x60: {  	_ =	shalt  }
0x61: {  	_ =	shalt  }
0x62: {  	_ =	shalt  }
0x63: {  	_ =	shalt  }
0x64: {  	_ =	shalt  }
0x65: {  	_ =	shalt  }
0x66: {  	_ =	shalt  }
0x67: {  	_ =	shalt  }
0x68: {  	_ =	shalt  }
0x69: {  	_ =	shalt  }
0x6a: {  	_ =	shalt  }
0x6b: {  	_ =	shalt  }
0x6c: {  	_ =	shalt  }
0x6d: {  	_ =	shalt  }
0x6e: {  	_ =	shalt  }
0x6f: {  	_ =	shalt  }
0x70: {  	_ =	shalt  }
0x71: {  	_ =	shalt  }
0x72: {  	_ =	shalt  }
0x73: {  	_ =	shalt  }
0x74: {  	_ =	shalt  }
0x75: {  	_ =	shalt  }
0x76: {  	_ =	shalt  }
0x77: {  	_ =	shalt  }
0x78: {  	_ =	shalt  }
0x79: {  	_ =	shalt  }
0x7a: {  	_ =	shalt  }
0x7b: {  	_ =	shalt  }
0x7c: {  	_ =	shalt  }
0x7d: {  	_ =	shalt  }
0x7e: {  	_ =	shalt  }
0x7f: {  	_ =	shalt  }
0x80: {  	_ =	shalt  }
0x81: {  	_ =	shalt  }
0x82: {  	_ =	shalt  }
0x83: {  	_ =	shalt  }
0x84: {  	_ =	shalt  }
0x85: {  	_ =	shalt  }
0x86: {  	_ =	shalt  }
0x87: {  	_ =	shalt  }
.Lfunc_end0:
.L_simem_size_0:
called_computation.1_lowered:
.L_overlay_start_0:
0x88: {  	s2 =	sld [smem:$0x3FD9]  }
0x89: {  	s3 =	sld [smem:$0x3FFE];
	_ =	sdelay $0x1  }
0x8a: {  	s1 =	srdreg.scid  }
0x8b: {  	s0 =	sand.u32 $0x1, s1  }
0x8c: {  	s17 =	sshll.u32 s0, $0xA;
	s2 =	sadd.s32 s3, s2  }
0x8d: {  	s2 =	sadd.s32 s2, s17  }
0x8e: {  	[smem:$0x3FBE] =	sst s2  }
0x8f: {  	_ = 	snop  }
0x90: {  	s2 =	sld [smem:$0x3FD0];
	(tm) =	ssettm $0x1  }
0x91: {  	s18 =	sld [smem:$0x3FFB];
	_ =	sdelay $0x3  }
0x92: {  	_ =	strace s18  }
0x93: {  	s3 =	sld [smem:$0x3FFC];
	_ =	sdelay $0x3  }
0x94: {  	_ =	strace s3  }
0x95: {  	s3 =	sld [smem:$0x3FFD];
	_ =	sdelay $0x3  }
0x96: {  	_ =	strace s3  }
0x97: {  	_ =	strace $0x8FFFFFFF  }
0x98: {  	s19 =	sld [smem:$0x3FDB];
	_ =	sdelay $0x1  }
0x99: {  	s4 =	simm.s32 $_scs_section_size  }
0x9a: {  	s5 =	simm.s32 $_size__tile_overlayer_lowered;
	s6 =	simm.s32 $_tile_overlayer_lowered  }
0x9b: {  	s22 =	simm.s32 $0x1BFF;
	s21 =	sshll.u32 s6, $0x1;
	s3 =	sadd.s32 s4, s19  }
0x9c: {  	s7 =	simm.s32 $0x0;
	s20 =	sshll.u32 s5, $0x1;
	s5 =	sadd.s32 s21, s3  }
0x9d: {  	[timem:s7], [sflag:s22] =	dma.local [hbm:s5], s20  }
0x9e: {  	_ =	swait.ge [sflag:s22], s20  }
0x9f: {  	s4 =	ssub.s32 $0x0, s20;
	[sflag:s22] =	ssyncset.done $0x0  }
0xa0: {  	[sflag:s22] =	ssyncadd.s32 s4;
	_ =	sdelay $0x1  }
0xa1: {  	s23 =	simm.s32 $0x1B8B  }
0xa2: {  	_ =	swait.ge [sflag:s23], $0x1  }
0xa3: {  	[sflag:s23] =	ssyncset.done $0x0  }
0xa4: {  	s25 =	simm.s32 $0x1B8E;
	s24 =	sld [smem:$0x3FFE];
	[sflag:s23] =	ssyncadd.s32 $0xFFFFFFFF  }
0xa5: {  	s26 =	simm.s32 $execute0_lowered;
	[smem:$0x3FD2] =	sst s25  }
0xa6: {  	s5 =	sshll.u32 s26, $0x1;
	_ =	strace $0x80000049;
	[dreg:$0x1] =	wrdreg $0xFFFFFFFF  }
0xa7: {  	s28 =	simm.s32 $_size_execute0_lowered;
	s3 =	sadd.s32 s3, s5;
	[dreg:$0x0] =	wrdreg $0x0  }
0xa8: {  	s5 =	sshll.u32 s28, $0x1;
	[dreg:$0x2] =	wrdreg s3  }
0xa9: {  	[dreg:$0x3] =	wrdreg s5  }
0xaa: {  	[dreg:$0x4] =	wrdreg $0xC0  }
0xab: {  	_ =	task [dreg:s7], $0x5FFFF  }
0xac: {  	[dreg:$0x1] =	wrdreg $0xFFFFFFFF  }
0xad: {  	[dreg:$0x0] =	wrdreg $0x60  }
0xae: {  	[dreg:$0x2] =	wrdreg s24  }
0xaf: {  	[dreg:$0x3] =	wrdreg s2  }
0xb0: {  	[dreg:$0x4] =	wrdreg $0xD6700  }
0xb1: {  	[dreg:$0x5] =	wrdreg $0x9  }
0xb2: {  	_ =	task.clear_ibuf [dreg:s7], $0x6FFFF;
	_ =	strace $0x90000049  }
0xb3: {  	s29 =	simm.s32 $0x9;
	_ =	strace $0x8000004B  }
0xb4: {  	_ =	swait.ge [sflag:s29], $0x1  }
0xb5: {  	[sflag:s29] =	ssyncadd.s32 $0xFFFFFFFF  }
0xb6: {  	_ =	strace $0x9000004B  }
0xb7: {  	_ =	sfence  }
0xb8: {  	s30 =	sld [smem:$0x0];
	_ =	sdelay $0x2  }
0xb9: {  	s31 =	sshll.u32 s1, $0xD;
	s1 =	sshrl.u32 s1, $0x2  }
0xba: {  	s3 =	sand.u32 $0x4000, s31;
	s1 =	sadd.s32 s1, s30  }
0xbb: {  	s0 =	sor.u32 s3, s0;
	s1 =	sshll.u32 s1, $0x11  }
0xbc: {  	s0 =	sor.u32 s1, s0  }
0xbd: {  	s0 =	sadd.s32 $0x8F2B, s0  }
0xbe: {  	[sflag:s0] =	ssyncadd.remote.s32 $0x1  }
0xbf: {  	_ =	sfence.sel $0xFFFF  }
0xc0: {  	[dreg:$0x0] =	wrdreg $0xFFFFFFFF;
	(pc) =	sbr.abs _section_cstart, $3  }
0xc1: {  	[dreg:$0x1] =	wrdreg $0xFFFFFFFF  }
0xc2: {  	_ =	task.clear_ibuf [dreg:s7], $0x2FFFF;
	_ =	strace $0x9FFFFFFF  }
0xc3: {  	(tm) =	ssettm $0x7FFFFFFF  }
tec
execute0_lowered:
.L_overlay_start_1:
0x0: {  	(tag) =	ssettag $0x1  }
0x1: {  	s0 =	srdreg.scid;
	s22 =	stileid.u32  }
0x2: {  	s6 =	rddreg [dreg:$0x0];
	s3 =	simm.s32 $0x0;
	s28 =	simm.s32 $0x5  }
0x3: {  	s0 =	sand.u32 $0x1, s0;
	s2 =	smul.u32 $0x2710, s22;
	[smem:$0x7FF] =	sst s3  }
0x4: {  	s7 =	sadd.s32 $0x1EC00, s6;
	s11 =	sor.u32 $0x10, s22;
	s1 =	smul.u32 $0x27100, s0  }
0x5: {  	s12 =	sor.u32 $0x20, s22;
	s14 =	sor.u32 $0x30, s22;
	s8 =	smul.u32 $0x4E200, s0  }
0x6: {  	s15 =	sor.u32 $0x40, s22;
	s20 =	ssub.s32 $0x2, s0;
	s0 =	smul.u32 $0xA00, s22  }
0x7: {  	s16 =	sor.u32 $0x50, s22;
	s17 =	sor.u32 $0x60, s22;
	s3 =	smul.u32 $0xA00, s12  }
0x8: {  	s18 =	sor.u32 $0x70, s22;
	p1 =	sgt.u32 s22, $0xC;
	s19 =	smul.u32 $0xA00, s16  }
0x9: {  	p0 =	sgt.u32 s18, $0x7C;
	s21 =	sshrl.u32 s20, $0x1;
	s1 =	sadd.s32 s2, s1  }
0xa: {  	s9 =	ssub.s32 s20, s21;
	s2 =	smul.u32 $0xA00, s11;
	s4 =	sadd.s32 s8, s0  }
0xb: {  	s23 =	sadd.s32 s8, s3;
	s26 =	sadd.s32 s8, s19;
	s20 =	smul.u32 $0xA00, s17  }
0xc: {  	s21 =	smul.u32 $0xA00, s18;
	s1 =	sshrl.u32 s1, $0x3;
	s10 =	sshrl.u32 s4, $0x3  }
0xd: {  	s4 =	smul.u32 $0xA00, s14;
	s29 =	sshrl.u32 s26, $0x3;
	s5 =	sadd.s32 s8, s2  }
0xe: {  	s10 =	sadd.s32 s7, s10;
	s30 =	sadd.s32 s8, s20;
	s5 =	sshrl.u32 s5, $0x3  }
0xf: {  	[dreg:$0x4] =	wrdreg s10;
	s13 =	sadd.s32 s8, s4;
	s5 =	sadd.s32 s7, s5  }
0x10: {  	s10 =	sshrl.u32 s23, $0x3;
	[dreg:$0x5] =	wrdreg s5;
	s5 =	smul.u32 $0xA00, s15  }
0x11: {  	s31 =	sshrl.u32 s30, $0x3;
	s13 =	sshrl.u32 s13, $0x3;
	s10 =	sadd.s32 s7, s10  }
0x12: {  	[dreg:$0x6] =	wrdreg s10;
	s24 =	sadd.s32 s7, s13;
	s25 =	sadd.s32 s8, s5  }
0x13: {  	s13 =	sadd.s32 s7, s31;
	[dreg:$0x7] =	wrdreg s24;
	s10 =	sshrl.u32 s25, $0x3  }
0x14: {  	s1 =	sadd.s32 s1, s6;
	[dreg:$0xa] =	wrdreg s13;
	s10 =	sadd.s32 s7, s10  }
0x15: {  	s8 =	sadd.s32 s8, s21;
	[dreg:$0x8] =	wrdreg s10;
	s10 =	sadd.s32 s7, s29  }
0x16: {  	s23 =	sadd.s32 $0x1E400, s6;
	s8 =	sshrl.u32 s8, $0x3;
	[dreg:$0x9] =	wrdreg s10  }
0x17: {  	s26 =	sadd.s32 $0x8FA, s1;
	s7 =	sadd.s32 s7, s8;
	s10 =	rddreg [dreg:$0x2]  }
0x18: {  	s30 =	smul.u32 $0x2800, s22;
	s13 =	sadd.s32 $0x14400, s6;
	[dreg:$0xb] =	wrdreg s7  }
0x19: {  	s6 =	sadd.s32 $0x1EA00, s6;
	_ =	strace $0x8000004A;
	[dreg:$0xc] =	wrdreg s23  }
0x1a: {  	s24 =	sadd.s32 $0xA600, s1;
	s25 =	sadd.s32 $0x800, s1;
	[dreg:$0xd] =	wrdreg s6  }
0x1b: {  	s7 =	sshrl.u32 s30, $0x2;
	s30 =	smul.u32 $0x2800, s18;
	[dreg:$0xe] =	wrdreg s24  }
0x1c: {  	s22 =	simm.s32 $0xC270;
	s6 =	smul.u32 $0x2800, s11;
	[dreg:$0xf] =	wrdreg s25  }
0x1d: {  	s29 =	sadd.s32 $0x9F4, s1;
	[dreg:$0x10] =	wrdreg s26;
	s11 =	smul.u32 $0x2800, s12  }
0x1e: {  	s31 =	sadd.s32 $0xAEE, s1;
	[dreg:$0x11] =	wrdreg s29;
	s23 =	smul.u32 $0x2800, s14  }
0x1f: {  	s1 =	sadd.s32 $0xBE8, s1;
	[dreg:$0x12] =	wrdreg s31;
	s24 =	smul.u32 $0x2800, s15  }
0x20: {  	s8 =	simm.s32 $0x0;
	[dreg:$0x13] =	wrdreg s1;
	s25 =	smul.u32 $0x2800, s16  }
0x21: {  	s12 =	smax.u32 s9, $0x1;
	s7 =	sadd.s32 s7, s10;
	s29 =	smul.u32 $0x2800, s17  }
0x22: {  	s0 =	sadd.s32 s0, s10;
	s15 =	sadd.s32 s2, s10;
	s16 =	sadd.s32 s3, s10  }
0x23: {  	s17 =	sadd.s32 s4, s10;
	s18 =	sadd.s32 s5, s10;
	s19 =	sadd.s32 s19, s10  }
0x24: {  	s3 =	simm.s32 $0x9C50;
	s4 =	simm.s32 $0x6;
	[dreg:$0x14] =	wrdreg s12  }
0x25: {  	s9 =	simm.s32 $0x0;
	[dreg:$0x15] =	wrdreg s7;
	s12 =	sshrl.u32 s30, $0x2  }
0x26: {  	s0 =	sshrl.u32 s0, $0x3;
	s30 =	sshrl.u32 s19, $0x3;
	s19 =	simm.s32 $0x50  }
0x27: {  	s6 =	sshrl.u32 s6, $0x2;
	s1 =	sshrl.u32 s11, $0x2;
	s26 =	sshrl.u32 s23, $0x2  }
0x28: {  	s7 =	sshrl.u32 s24, $0x2;
	s11 =	sshrl.u32 s29, $0x2;
	[dreg:$0x1d] =	wrdreg s0  }
0x29: {  	s14 =	sadd.s32 s12, s10;
	s23 =	sadd.s32 s20, s10;
	[smem:$0x7FB] =	sst s30  }
0x2a: {  	s24 =	sshrl.u32 s15, $0x3;
	s29 =	sshrl.u32 s18, $0x3;
	[dreg:$0x1c] =	wrdreg s14  }
0x2b: {  	s12 =	simm.s32 $0xB;
	s15 =	simm.s32 $0x1;
	[dreg:$0x1e] =	wrdreg s24  }
0x2c: {  	s18 =	simm.s32 $0x7;
	s6 =	sadd.s32 s6, s10;
	[smem:$0x7FA] =	sst s29  }
0x2d: {  	s20 =	simm.s32 $0xAE70;
	s1 =	sadd.s32 s1, s10;
	[dreg:$0x16] =	wrdreg s6  }
0x2e: {  	s31 =	sadd.s32 s7, s10;
	s7 =	sshrl.u32 s25, $0x2;
	[dreg:$0x17] =	wrdreg s1  }
0x2f: {  	s25 =	sshrl.u32 s16, $0x3;
	s14 =	simm.s32 $0xA470;
	[dreg:$0x19] =	wrdreg s31  }
0x30: {  	s16 =	simm.s32 $0x2;
	s1 =	sadd.s32 s26, s10;
	[dreg:$0x1f] =	wrdreg s25  }
0x31: {  	s24 =	simm.s32 $0xA420;
	s26 =	sshrl.u32 s17, $0x3;
	[dreg:$0x18] =	wrdreg s1  }
0x32: {  	s31 =	sshrl.u32 s23, $0x3;
	s23 =	simm.s32 $0xCC70;
	[smem:$0x7F9] =	sst s26  }
0x33: {  	s25 =	simm.s32 $0x3;
	s1 =	sadd.s32 s7, s10;
	[smem:$0x7FC] =	sst s31  }
0x34: {  	s7 =	sadd.s32 s21, s10;
	[dreg:$0x1a] =	wrdreg s1;
	s1 =	sadd.s32 s11, s10  }
0x35: {  	v1 =	vimm.s32 $0x0;
	vm0 =	vcmask $0x300;
	s21 =	simm.s32 $0xB870;
	s0 =	sshrl.u32 @!p0 s7, $0x3;
	[dreg:$0x1b] =	wrdreg s1  }
0x36: {  	v0 =	vimm.f32 $0.0e+00;
	v1 =	vsel vm0, $0x3, v1;
	s26 =	simm.s32 $0x4;
	s7 =	simm.s32 $0x2710;
	[smem:$0x7FD] =	sst s0  }
.LBB2_1:
0x37: {  	s0 =	simm.s32 $0x0;
	s1 =	rddreg [dreg:$0x1]  }
0x38: {  	[tilespmem:s0], [sflag:$0x1] =	stream.linear.gather [hbm4b:s1+s0], $0x2710, $0x38;
	[tilespmem:$0x12490] =	vst v63  }
0x39: {  	s11 =	rddreg [dreg:$0xc]  }
0x3a: {  	[tilespmem:s7], [sflag:$0x2] =	stream.linear.gather [hbm4b:s11+s0], $0x2710, $0x38;
	[tilespmem:$0x12490] =	vst v63  }
0x3b: {  	s17 =	rddreg [dreg:$0xd];
	s2 =	simm.s32 $0x4E20  }
0x3c: {  	[tilespmem:s2], [sflag:$0x6] =	stream.linear.gather [hbm4b:s17+s0], $0x10, $0x38;
	[tilespmem:$0x12490] =	vst v63  }
0x3d: {  	s29 =	rddreg [dreg:$0xe];
	s30 =	simm.s32 $0x4E30  }
0x3e: {  	[tilespmem:s30], [sflag:$0x7] =	stream.linear.gather [hbm4b:s29+s0], $0x2710, $0x38;
	[tilespmem:$0x12490] =	vst v63  }
0x3f: {  	s31 =	rddreg [dreg:$0xf]  }
0x40: {  	[tilespmem:s3], [sflag:$0xB] =	stream.linear.gather [hbm4b:s31+s0], $0x7D0, $0x38;
	[tilespmem:$0x12490] =	vst v63  }
0x41: {  	_ =	swait.ge [sflag:s12], $0x7D0  }
0x42: {  	[sflag:s12] =	ssyncset.done $0x0  }
0x43: {  	s0 =	simm.s32 $0x0;
	[sflag:s12] =	ssyncadd.s32 $0xFFFFF830  }
0x44: {  	v2 =	vld [tilespmem:s0+$0x9C90]  }
0x45: {  	v3 =	vld [tilespmem:s0+$0x9C50]  }
0x46: {  	v4 =	vld [tilespmem:s0+$0x9C60]  }
0x47: {  	v5 =	vld [tilespmem:s0+$0x9C70]  }
0x48: {  	s2 =	simm.s32 $0x140;
	v6 =	vld [tilespmem:s0+$0x9C80]  }
.LBB2_2:
0x49: {  	s1 =	sshra.s32 s2, $0x2;
	p2 =	sne.s32 s2, $0x1E00;
	s2 =	sadd.s32 $0x140, s2;
	[tilespmem:s0+$0x7580] =	vst v2  }
.Ltmp0:
0x4a: {  	v2 =	vld [tilespmem:s1+$0x9C90];
	[tilespmem:s0+$0x7540] =	vst v3;
	(pc) =	sbr.rel @p2 .LBB2_2-.Ltmp0, $4  }
0x4b: {  	v3 =	vld [tilespmem:s1+$0x9C50];
	[tilespmem:s0+$0x7550] =	vst v4  }
0x4c: {  	v4 =	vld [tilespmem:s1+$0x9C60];
	[tilespmem:s0+$0x7560] =	vst v5  }
0x4d: {  	v5 =	vld [tilespmem:s1+$0x9C70];
	[tilespmem:s0+$0x7570] =	vst v6;
	s0 =	smov.u32 s1  }
0x4e: {  	v6 =	vld [tilespmem:s0+$0x9C80]  }
0x4f: {  	[tilespmem:s0+$0x7580] =	vst v2  }
0x50: {  	[tilespmem:s0+$0x7540] =	vst v3  }
0x51: {  	[tilespmem:s0+$0x7550] =	vst v4  }
0x52: {  	[tilespmem:s0+$0x7560] =	vst v5  }
0x53: {  	s31 =	simm.s32 $0x0;
	s1 =	rddreg [dreg:$0x10];
	[tilespmem:s0+$0x7570] =	vst v6  }
0x54: {  	[tilespmem:s3], [sflag:$0xB] =	stream.linear.gather [hbm4b:s1+s31], $0x7D0, $0x38;
	[tilespmem:$0x12490] =	vst v63  }
0x55: {  	_ =	swait.ge [sflag:s12], $0x7D0  }
0x56: {  	[sflag:s12] =	ssyncset.done $0x0  }
0x57: {  	s0 =	simm.s32 $0x0;
	[sflag:s12] =	ssyncadd.s32 $0xFFFFF830  }
0x58: {  	v2 =	vld [tilespmem:s0+$0x9C90]  }
0x59: {  	v3 =	vld [tilespmem:s0+$0x9C50]  }
0x5a: {  	v4 =	vld [tilespmem:s0+$0x9C60]  }
0x5b: {  	v5 =	vld [tilespmem:s0+$0x9C70]  }
0x5c: {  	s2 =	simm.s32 $0x140;
	v6 =	vld [tilespmem:s0+$0x9C80]  }
.LBB2_4:
0x5d: {  	s1 =	sshra.s32 s2, $0x2;
	p2 =	sne.s32 s2, $0x1E00;
	s2 =	sadd.s32 $0x140, s2;
	[tilespmem:s0+$0x7D50] =	vst v2  }
.Ltmp1:
0x5e: {  	v2 =	vld [tilespmem:s1+$0x9C90];
	[tilespmem:s0+$0x7D10] =	vst v3;
	(pc) =	sbr.rel @p2 .LBB2_4-.Ltmp1, $4  }
0x5f: {  	v3 =	vld [tilespmem:s1+$0x9C50];
	[tilespmem:s0+$0x7D20] =	vst v4  }
0x60: {  	v4 =	vld [tilespmem:s1+$0x9C60];
	[tilespmem:s0+$0x7D30] =	vst v5  }
0x61: {  	v5 =	vld [tilespmem:s1+$0x9C70];
	[tilespmem:s0+$0x7D40] =	vst v6;
	s0 =	smov.u32 s1  }
0x62: {  	v6 =	vld [tilespmem:s0+$0x9C80]  }
0x63: {  	[tilespmem:s0+$0x7D50] =	vst v2  }
0x64: {  	[tilespmem:s0+$0x7D10] =	vst v3  }
0x65: {  	[tilespmem:s0+$0x7D20] =	vst v4  }
0x66: {  	[tilespmem:s0+$0x7D30] =	vst v5  }
0x67: {  	s31 =	simm.s32 $0x0;
	s1 =	rddreg [dreg:$0x11];
	[tilespmem:s0+$0x7D40] =	vst v6  }
0x68: {  	[tilespmem:s3], [sflag:$0xB] =	stream.linear.gather [hbm4b:s1+s31], $0x7D0, $0x38;
	[tilespmem:$0x12490] =	vst v63  }
0x69: {  	_ =	swait.ge [sflag:s12], $0x7D0  }
0x6a: {  	[sflag:s12] =	ssyncset.done $0x0  }
0x6b: {  	s0 =	simm.s32 $0x0;
	[sflag:s12] =	ssyncadd.s32 $0xFFFFF830  }
0x6c: {  	v2 =	vld [tilespmem:s0+$0x9C90]  }
0x6d: {  	v3 =	vld [tilespmem:s0+$0x9C50]  }
0x6e: {  	v4 =	vld [tilespmem:s0+$0x9C60]  }
0x6f: {  	v5 =	vld [tilespmem:s0+$0x9C70]  }
0x70: {  	s2 =	simm.s32 $0x140;
	v6 =	vld [tilespmem:s0+$0x9C80]  }
.LBB2_6:
0x71: {  	s1 =	sshra.s32 s2, $0x2;
	p2 =	sne.s32 s2, $0x1E00;
	s2 =	sadd.s32 $0x140, s2;
	[tilespmem:s0+$0x8520] =	vst v2  }
.Ltmp2:
0x72: {  	v2 =	vld [tilespmem:s1+$0x9C90];
	[tilespmem:s0+$0x84E0] =	vst v3;
	(pc) =	sbr.rel @p2 .LBB2_6-.Ltmp2, $4  }
0x73: {  	v3 =	vld [tilespmem:s1+$0x9C50];
	[tilespmem:s0+$0x84F0] =	vst v4  }
0x74: {  	v4 =	vld [tilespmem:s1+$0x9C60];
	[tilespmem:s0+$0x8500] =	vst v5  }
0x75: {  	v5 =	vld [tilespmem:s1+$0x9C70];
	[tilespmem:s0+$0x8510] =	vst v6;
	s0 =	smov.u32 s1  }
0x76: {  	v6 =	vld [tilespmem:s0+$0x9C80]  }
0x77: {  	[tilespmem:s0+$0x8520] =	vst v2  }
0x78: {  	[tilespmem:s0+$0x84E0] =	vst v3  }
0x79: {  	[tilespmem:s0+$0x84F0] =	vst v4  }
0x7a: {  	[tilespmem:s0+$0x8500] =	vst v5  }
0x7b: {  	s31 =	simm.s32 $0x0;
	s1 =	rddreg [dreg:$0x12];
	[tilespmem:s0+$0x8510] =	vst v6  }
0x7c: {  	[tilespmem:s3], [sflag:$0xB] =	stream.linear.gather [hbm4b:s1+s31], $0x7D0, $0x38;
	[tilespmem:$0x12490] =	vst v63  }
0x7d: {  	_ =	swait.ge [sflag:s12], $0x7D0  }
0x7e: {  	[sflag:s12] =	ssyncset.done $0x0  }
0x7f: {  	s0 =	simm.s32 $0x0;
	[sflag:s12] =	ssyncadd.s32 $0xFFFFF830  }
0x80: {  	v2 =	vld [tilespmem:s0+$0x9C90]  }
0x81: {  	v3 =	vld [tilespmem:s0+$0x9C50]  }
0x82: {  	v4 =	vld [tilespmem:s0+$0x9C60]  }
0x83: {  	v5 =	vld [tilespmem:s0+$0x9C70]  }
0x84: {  	s2 =	simm.s32 $0x140;
	v6 =	vld [tilespmem:s0+$0x9C80]  }
.LBB2_8:
0x85: {  	s1 =	sshra.s32 s2, $0x2;
	p2 =	sne.s32 s2, $0x1E00;
	s2 =	sadd.s32 $0x140, s2;
	[tilespmem:s0+$0x8CF0] =	vst v2  }
.Ltmp3:
0x86: {  	v2 =	vld [tilespmem:s1+$0x9C90];
	[tilespmem:s0+$0x8CB0] =	vst v3;
	(pc) =	sbr.rel @p2 .LBB2_8-.Ltmp3, $4  }
0x87: {  	v3 =	vld [tilespmem:s1+$0x9C50];
	[tilespmem:s0+$0x8CC0] =	vst v4  }
0x88: {  	v4 =	vld [tilespmem:s1+$0x9C60];
	[tilespmem:s0+$0x8CD0] =	vst v5  }
0x89: {  	v5 =	vld [tilespmem:s1+$0x9C70];
	[tilespmem:s0+$0x8CE0] =	vst v6;
	s0 =	smov.u32 s1  }
0x8a: {  	v6 =	vld [tilespmem:s0+$0x9C80]  }
0x8b: {  	[tilespmem:s0+$0x8CF0] =	vst v2  }
0x8c: {  	[tilespmem:s0+$0x8CB0] =	vst v3  }
0x8d: {  	[tilespmem:s0+$0x8CC0] =	vst v4  }
0x8e: {  	[tilespmem:s0+$0x8CD0] =	vst v5  }
0x8f: {  	s31 =	simm.s32 $0x0;
	s1 =	rddreg [dreg:$0x13];
	[tilespmem:s0+$0x8CE0] =	vst v6  }
0x90: {  	[tilespmem:s3], [sflag:$0xB] =	stream.linear.gather [hbm4b:s1+s31], $0x7D0, $0x38;
	[tilespmem:$0x12490] =	vst v63  }
0x91: {  	_ =	swait.ge [sflag:s12], $0x7D0  }
0x92: {  	[sflag:s12] =	ssyncset.done $0x0  }
0x93: {  	s0 =	simm.s32 $0x0;
	[sflag:s12] =	ssyncadd.s32 $0xFFFFF830  }
0x94: {  	v2 =	vld [tilespmem:s0+$0x9C90]  }
0x95: {  	v3 =	vld [tilespmem:s0+$0x9C50]  }
0x96: {  	v4 =	vld [tilespmem:s0+$0x9C60]  }
0x97: {  	v5 =	vld [tilespmem:s0+$0x9C70]  }
0x98: {  	s2 =	simm.s32 $0x140;
	v6 =	vld [tilespmem:s0+$0x9C80]  }
.LBB2_10:
0x99: {  	s1 =	sshra.s32 s2, $0x2;
	p2 =	sne.s32 s2, $0x1E00;
	s2 =	sadd.s32 $0x140, s2;
	[tilespmem:s0+$0x94C0] =	vst v2  }
.Ltmp4:
0x9a: {  	v2 =	vld [tilespmem:s1+$0x9C90];
	[tilespmem:s0+$0x9480] =	vst v3;
	(pc) =	sbr.rel @p2 .LBB2_10-.Ltmp4, $4  }
0x9b: {  	v3 =	vld [tilespmem:s1+$0x9C50];
	[tilespmem:s0+$0x9490] =	vst v4  }
0x9c: {  	v4 =	vld [tilespmem:s1+$0x9C60];
	[tilespmem:s0+$0x94A0] =	vst v5  }
0x9d: {  	v5 =	vld [tilespmem:s1+$0x9C70];
	[tilespmem:s0+$0x94B0] =	vst v6;
	s0 =	smov.u32 s1  }
0x9e: {  	v6 =	vld [tilespmem:s0+$0x9C80]  }
0x9f: {  	[tilespmem:s0+$0x94C0] =	vst v2  }
0xa0: {  	[tilespmem:s0+$0x9480] =	vst v3  }
0xa1: {  	[tilespmem:s0+$0x9490] =	vst v4  }
0xa2: {  	[tilespmem:s0+$0x94A0] =	vst v5  }
0xa3: {  	s1 =	simm.s32 $0x0;
	[tilespmem:s0+$0x94B0] =	vst v6;
	s0 =	simm.s32 $0x80  }
.LBB2_12:
0xa4: {  	p2 =	sne.s32 s0, $0x2780;
	[tilespmem:s1+$0xA470] =	vst v0;
	s2 =	smov.u32 s0;
	s0 =	sadd.s32 $0x80, s0  }
.Ltmp5:
0xa5: {  	[tilespmem:s1+$0xA480] =	vst v0;
	(pc) =	sbr.rel @p2 .LBB2_12-.Ltmp5, $2  }
0xa6: {  	_ =	sdelay $0x2  }
0xa7: {  	s1 =	sshra.s32 s2, $0x2  }
0xa8: {  	[tilespmem:s1+$0xA470] =	vst v0  }
0xa9: {  	[tilespmem:s1+$0xA480] =	vst v0;
	s0 =	rddreg [dreg:$0x15]  }
0xaa: {  	[spmem:s0] =	stream.linear.scatter [tilespmem:s14], [sflag:$0x1], $0xA00, $0x38;
	[tilespmem:$0x12490] =	vst v63  }
0xab: {  	s6 =	rddreg [dreg:$0x16]  }
0xac: {  	[spmem:s6] =	stream.linear.scatter [tilespmem:s14], [sflag:$0x1], $0xA00, $0x38;
	[tilespmem:$0x12490] =	vst v63  }
0xad: {  	s11 =	rddreg [dreg:$0x17]  }
0xae: {  	[spmem:s11] =	stream.linear.scatter [tilespmem:s14], [sflag:$0x1], $0xA00, $0x38;
	[tilespmem:$0x12490] =	vst v63  }
0xaf: {  	s17 =	rddreg [dreg:$0x18]  }
0xb0: {  	[spmem:s17] =	stream.linear.scatter [tilespmem:s14], [sflag:$0x1], $0xA00, $0x38;
	[tilespmem:$0x12490] =	vst v63  }
0xb1: {  	s29 =	rddreg [dreg:$0x19]  }
0xb2: {  	[spmem:s29] =	stream.linear.scatter [tilespmem:s14], [sflag:$0x1], $0xA00, $0x38;
	[tilespmem:$0x12490] =	vst v63  }
0xb3: {  	s30 =	rddreg [dreg:$0x1a]  }
0xb4: {  	[spmem:s30] =	stream.linear.scatter [tilespmem:s14], [sflag:$0x1], $0xA00, $0x38;
	[tilespmem:$0x12490] =	vst v63  }
0xb5: {  	s31 =	rddreg [dreg:$0x1b]  }
0xb6: {  	[spmem:s31] =	stream.linear.scatter [tilespmem:s14], [sflag:$0x1], $0xA00, $0x38;
	[tilespmem:$0x12490] =	vst v63  }
0xb7: {  	s1 =	rddreg [dreg:$0x1c];
	s0 =	simm.s32 @!p0 $0xA470  }
0xb8: {  	[spmem:s1] =	stream.linear.scatter @!p0 [tilespmem:s0], [sflag:$0x1], $0xA00, $0x38;
	[tilespmem:$0x12490] =	vst v63  }
0xb9: {  	_ =	swait.ge [sflag:s15], $0x2710  }
0xba: {  	[sflag:s15] =	ssyncset.done $0x0  }
0xbb: {  	[sflag:s15] =	ssyncadd.s32 $0xFFFFD8F0  }
0xbc: {  	_ =	swait.ge [sflag:s16], $0x2710  }
0xbd: {  	[sflag:s16] =	ssyncset.done $0x0  }
0xbe: {  	[sflag:s16] =	ssyncadd.s32 $0xFFFFD8F0  }
0xbf: {  	_ =	swait.ge [sflag:s4], $0x10  }
0xc0: {  	[sflag:s4] =	ssyncset.done $0x0  }
0xc1: {  	[sflag:s4] =	ssyncadd.s32 $0xFFFFFFF0  }
0xc2: {  	_ =	swait.ge [sflag:s18], $0x2710  }
0xc3: {  	[sflag:s18] =	ssyncset.done $0x0  }
0xc4: {  	[sflag:s18] =	ssyncadd.s32 $0xFFFFD8F0  }
0xc5: {  	_ =	swait.ge [sflag:s15], $0xA00  }
0xc6: {  	[sflag:s15] =	ssyncset.done $0x0  }
0xc7: {  	[sflag:s15] =	ssyncadd.s32 $0xFFFFF600  }
0xc8: {  	_ =	swait.ge [sflag:s15], $0xA00  }
0xc9: {  	[sflag:s15] =	ssyncset.done $0x0  }
0xca: {  	[sflag:s15] =	ssyncadd.s32 $0xFFFFF600  }
0xcb: {  	_ =	swait.ge [sflag:s15], $0xA00  }
0xcc: {  	[sflag:s15] =	ssyncset.done $0x0  }
0xcd: {  	[sflag:s15] =	ssyncadd.s32 $0xFFFFF600  }
0xce: {  	_ =	swait.ge [sflag:s15], $0xA00  }
0xcf: {  	[sflag:s15] =	ssyncset.done $0x0  }
0xd0: {  	[sflag:s15] =	ssyncadd.s32 $0xFFFFF600  }
0xd1: {  	_ =	swait.ge [sflag:s15], $0xA00  }
0xd2: {  	[sflag:s15] =	ssyncset.done $0x0  }
0xd3: {  	[sflag:s15] =	ssyncadd.s32 $0xFFFFF600  }
0xd4: {  	_ =	swait.ge [sflag:s15], $0xA00  }
0xd5: {  	[sflag:s15] =	ssyncset.done $0x0  }
0xd6: {  	[sflag:s15] =	ssyncadd.s32 $0xFFFFF600  }
0xd7: {  	_ =	swait.ge [sflag:s15], $0xA00  }
0xd8: {  	[sflag:s15] =	ssyncset.done $0x0  }
0xd9: {  	s0 =	simm.s32 @!p1 $0x1;
	[sflag:s15] =	ssyncadd.s32 $0xFFFFF600  }
0xda: {  	_ =	swait.ge @!p1 [sflag:s0], $0xA00  }
0xdb: {  	[sflag:s0] =	ssyncset.done @!p1 $0x0  }
0xdc: {  	[sflag:s0] =	ssyncadd.s32 @!p1 $0xFFFFF600  }
0xdd: {  	[bflag:$0x0] =	sbarrier.arrive $0xFFFF  }
0xde: {  	s0 =	simm.s32 $0x0;
	v2 =	vld [tilespmem:$0x4E20]  }
.LBB2_14:
0xdf: {  	p2 =	seq.s32 s0, $0x0  }
0xe0: {  	s1 =	simm.s32 @!p2 $0x6  }
0xe1: {  	_ =	swait.ge @!p2 [sflag:s1], $0xA00  }
0xe2: {  	[sflag:s1] =	ssyncset.done @!p2 $0x0  }
0xe3: {  	[sflag:s1] =	ssyncadd.s32 @!p2 $0xFFFFF600;
	s1 =	simm.s32 @!p2 $0x7  }
0xe4: {  	_ =	swait.ge @!p2 [sflag:s1], $0xA00  }
0xe5: {  	[sflag:s1] =	ssyncset.done @!p2 $0x0  }
0xe6: {  	[sflag:s1] =	ssyncadd.s32 @!p2 $0xFFFFF600;
	s1 =	simm.s32 @!p2 $0x8  }
0xe7: {  	_ =	swait.ge @!p2 [sflag:s1], $0xA00  }
0xe8: {  	[sflag:s1] =	ssyncset.done @!p2 $0x0  }
0xe9: {  	[sflag:s1] =	ssyncadd.s32 @!p2 $0xFFFFF600;
	s1 =	simm.s32 @!p2 $0x9  }
0xea: {  	_ =	swait.ge @!p2 [sflag:s1], $0xA00  }
0xeb: {  	[sflag:s1] =	ssyncset.done @!p2 $0x0  }
0xec: {  	[sflag:s1] =	ssyncadd.s32 @!p2 $0xFFFFF600;
	s1 =	simm.s32 @!p2 $0xA  }
0xed: {  	s2 =	smul.u32 $0x190, s0;
	_ =	swait.ge @!p2 [sflag:s1], $0xA00  }
0xee: {  	[sflag:s1] =	ssyncset.done @!p2 $0x0  }
0xef: {  	s17 =	sadd.s32 $0x4E30, s2;
	[sflag:s1] =	ssyncadd.s32 @!p2 $0xFFFFF600  }
0xf0: {  	[tilespmem:s14], [sflag:$0x1] =	stream.indirect.gather [hbm4b:s13+s19], $0x20, s17, s19, $0xb8;
	[tilespmem:$0x12490] =	vst v63  }
0xf1: {  	s3 =	sadd.s32 $0x4E80, s2  }
0xf2: {  	[tilespmem:s20], [sflag:$0x2] =	stream.indirect.gather [hbm4b:s13+s19], $0x20, s3, s19, $0xb8;
	[tilespmem:$0x12490] =	vst v63  }
0xf3: {  	s4 =	sadd.s32 $0x4ED0, s2  }
0xf4: {  	[tilespmem:s21], [sflag:$0x3] =	stream.indirect.gather [hbm4b:s13+s19], $0x20, s4, s19, $0xb8;
	[tilespmem:$0x12490] =	vst v63  }
0xf5: {  	s5 =	sadd.s32 $0x4F20, s2  }
0xf6: {  	[tilespmem:s22], [sflag:$0x4] =	stream.indirect.gather [hbm4b:s13+s19], $0x20, s5, s19, $0xb8;
	[tilespmem:$0x12490] =	vst v63  }
0xf7: {  	s6 =	sadd.s32 $0x4F70, s2  }
0xf8: {  	[tilespmem:s23], [sflag:$0x5] =	stream.indirect.gather [hbm4b:s13+s19], $0x20, s6, s19, $0xb8;
	[tilespmem:$0x12490] =	vst v63  }
0xf9: {  	v3 =	vld [tilespmem:s2+$0x4E30]  }
0xfa: {  	v4 =	vld [tilespmem:s2+$0x7540]  }
0xfb: {  	v5 =	vld [tilespmem:s2+$0x4E40]  }
0xfc: {  	v6 =	vld [tilespmem:s2+$0x7550]  }
0xfd: {  	v7 =	vld [tilespmem:s2+$0x4E50]  }
0xfe: {  	v8 =	vld [tilespmem:s2+$0x7560]  }
0xff: {  	v9 =	vld [tilespmem:s2+$0x4E60]  }
0x100: {  	v10 =	vld [tilespmem:s2+$0x7570]  }
0x101: {  	v11 =	vld [tilespmem:s2+$0x4E70]  }
0x102: {  	v12 =	vld [tilespmem:s2+$0x7580]  }
0x103: {  	v3 =	vld.idx.msk [tilespmem:v3+s8+$0x0], $0xffff  }
0x104: {  	v4 =	vld.idx.msk [tilespmem:v4+s7+$0x0], $0xffff  }
0x105: {  	v5 =	vld.idx.msk [tilespmem:v5+s8+$0x0], $0xffff  }
0x106: {  	v6 =	vld.idx.msk [tilespmem:v6+s7+$0x0], $0xffff  }
0x107: {  	v7 =	vld.idx.msk [tilespmem:v7+s8+$0x0], $0xffff  }
0x108: {  	v8 =	vld.idx.msk [tilespmem:v8+s7+$0x0], $0xffff  }
0x109: {  	v9 =	vld.idx.msk [tilespmem:v9+s8+$0x0], $0xffff  }
0x10a: {  	v10 =	vld.idx.msk [tilespmem:v10+s7+$0x0], $0xffff  }
0x10b: {  	v11 =	vld.idx.msk [tilespmem:v11+s8+$0x0], $0xffff  }
0x10c: {  	v12 =	vld.idx.msk [tilespmem:v12+s7+$0x0], $0xffff  }
0x10d: {  	v3 =	vadd.f32 v4, v3  }
0x10e: {  	v4 =	vadd.f32 v6, v5  }
0x10f: {  	v6 =	vadd.f32 v8, v7;
	v5 =	vmul.f32 $2.000000030e-01, v3  }
0x110: {  	v8 =	vadd.f32 v10, v9;
	v7 =	vmul.f32 $2.000000030e-01, v4  }
0x111: {  	v9 =	vadd.f32 v12, v11;
	v3 =	vmax.f32 v3, v5;
	v5 =	vmul.f32 $2.000000030e-01, v6  }
0x112: {  	v4 =	vmax.f32 v4, v7;
	v7 =	vmul.f32 $2.000000030e-01, v8;
	v3 =	vsub.f32 v3, v2  }
0x113: {  	v4 =	vsub.f32 v4, v2;
	v5 =	vmax.f32 v6, v5;
	v6 =	vmul.f32 $2.000000030e-01, v9  }
0x114: {  	v7 =	vmax.f32 v8, v7;
	v3 =	vmul.f32 $1.442695020e+00, v3;
	v5 =	vsub.f32 v5, v2  }
0x115: {  	v4 =	vmul.f32 $1.442695020e+00, v4;
	v7 =	vsub.f32 v7, v2;
	v6 =	vmax.f32 v9, v6  }
0x116: {  	(erf) = vpow2.f32 v3;
	v3 =	vmul.f32 $1.442695020e+00, v5;
	v5 =	vsub.f32 v6, v2  }
0x117: {  	(erf) = vpow2.f32 v4;
	v4 =	vmul.f32 $1.442695020e+00, v7  }
0x118: {  	(erf) = vpow2.f32 v3;
	v3 =	vmul.f32 $1.442695020e+00, v5  }
0x119: {  	(erf) = vpow2.f32 v4  }
0x11a: {  	(erf) = vpow2.f32 v3  }
0x11b: {  	s5 =	simm.s32 $0x5  }
0x11c: {  	v8 =	vmov s5  }
0x11d: {  	s4 =	simm.s32 $0x3;
	v8 =	vshrl.u32 v8, $0x3  }
0x11e: {  	s11 =	simm.s32 $0x1;
	v8 =	vshll.u32 v8, v1;
	v6 =	vmov s4  }
0x11f: {  	s3 =	simm.s32 $0x2;
	v6 =	vshrl.u32 v6, $0x3;
	v4 =	vmov s11;
	v3 =	vmov s8;
	v10 =	vpop (erf)  }
0x120: {  	v5 =	vmov s3;
	v4 =	vshrl.u32 v4, $0x3;
	v3 =	vshrl.u32 v3, $0x3;
	v11 =	vpop (erf);
	[tilespmem:$0xA420] =	vst v10  }
0x121: {  	v5 =	vshrl.u32 v5, $0x3;
	v4 =	vshll.u32 v4, v1;
	v3 =	vshll.u32 v3, v1;
	v10 =	vpop (erf);
	[tilespmem:$0xA430] =	vst v11  }
0x122: {  	v5 =	vshll.u32 v5, v1;
	v4 =	vadd.s32 $0x1, v4;
	v3 =	vbroadcast v3, $0x0;
	v11 =	vpop (erf);
	[tilespmem:$0xA440] =	vst v10  }
0x123: {  	s17 =	simm.s32 $0x4;
	v6 =	vshll.u32 v6, v1;
	v5 =	vadd.s32 $0x2, v5;
	v4 =	vbroadcast v4, $0x0;
	[tilespmem:$0xA450] =	vst v11;
	v10 =	vpop (erf)  }
0x124: {  	v7 =	vmov s17;
	v6 =	vadd.s32 $0x3, v6;
	v5 =	vbroadcast v5, $0x0;
	[tilespmem:$0xA460] =	vst v10  }
0x125: {  	v8 =	vadd.s32 $0x5, v8;
	v7 =	vshrl.u32 v7, $0x3;
	v6 =	vbroadcast v6, $0x0;
	_ =	swait.ge [sflag:s15], $0xA00  }
0x126: {  	v8 =	vbroadcast v8, $0x0;
	v7 =	vshll.u32 v7, v1;
	s11 =	simm.s32 $0x7;
	[sflag:s15] =	ssyncset.done $0x0  }
0x127: {  	v7 =	vadd.s32 $0x4, v7;
	v10 =	vmov s11;
	[sflag:s15] =	ssyncadd.s32 $0xFFFFF600  }
0x128: {  	s6 =	simm.s32 $0x6;
	v11 =	vbroadcast v7, $0x0;
	v7 =	vshrl.u32 v10, $0x3;
	v10 =	vld.idx.msk [tilespmem:v3+s24+$0x0], $0xffff  }
0x129: {  	v9 =	vmov s6;
	v7 =	vshll.u32 v7, v1;
	v12 =	vld.idx.msk [tilespmem:v4+s24+$0x0], $0xffff  }
0x12a: {  	v9 =	vshrl.u32 v9, $0x3;
	v7 =	vadd.s32 $0x7, v7;
	v14 =	vld.idx.msk [tilespmem:v5+s24+$0x0], $0xffff  }
0x12b: {  	v9 =	vshll.u32 v9, v1;
	v4 =	vbroadcast v7, $0x0;
	v7 =	vld.idx.msk [tilespmem:v6+s24+$0x0], $0xffff  }
0x12c: {  	s29 =	simm.s32 $0xA4F0;
	v9 =	vadd.s32 $0x6, v9;
	v5 =	vld.idx.msk [tilespmem:v8+s24+$0x0], $0xffff  }
0x12d: {  	v3 =	vbroadcast v9, $0x0;
	v9 =	vld [tilespmem:s29+$0x70]  }
0x12e: {  	v16 =	vld [tilespmem:s29+$0xFFFFFF80]  }
0x12f: {  	s5 =	simm.s32 $0xB;
	s4 =	simm.s32 $0xA;
	v20 =	vld [tilespmem:s29+$0xFFFFFF90]  }
0x130: {  	v15 =	vmov s5;
	s6 =	simm.s32 $0xC;
	v13 =	vmov s4;
	v21 =	vld [tilespmem:s29+$0xFFFFFFA0]  }
0x131: {  	v15 =	vshrl.u32 v15, $0x3;
	v17 =	vmov s6;
	v13 =	vshrl.u32 v13, $0x3;
	v4 =	vld.idx.msk [tilespmem:v4+s24+$0x0], $0xffff  }
0x132: {  	v15 =	vshll.u32 v15, v1;
	s17 =	simm.s32 $0x8;
	v17 =	vshrl.u32 v17, $0x3;
	v13 =	vshll.u32 v13, v1;
	v22 =	vld [tilespmem:s29+$0xFFFFFFB0]  }
0x133: {  	s3 =	simm.s32 $0x9;
	v17 =	vshll.u32 v17, v1;
	v27 =	vadd.s32 $0x2, v13;
	v8 =	vmov s17;
	s17 =	simm.s32 $0xE;
	v23 =	vld [tilespmem:s29+$0xFFFFFFC0]  }
0x134: {  	v6 =	vld.idx.msk [tilespmem:v11+s24+$0x0], $0xffff;
	v8 =	vshrl.u32 v8, $0x3;
	v11 =	vmov s3;
	v19 =	vmov s17  }
0x135: {  	v24 =	vld [tilespmem:s29+$0xFFFFFFD0];
	v8 =	vshll.u32 v8, v1;
	v11 =	vshrl.u32 v11, $0x3;
	v16 =	vmul.f32 v16, v10  }
0x136: {  	v25 =	vld [tilespmem:s29+$0xFFFFFFE0];
	v19 =	vshrl.u32 v19, $0x3;
	v11 =	vshll.u32 v11, v1;
	v9 =	vmul.f32 v9, v4  }
0x137: {  	s11 =	simm.s32 $0xD;
	v10 =	vmul.f32 v20, v10;
	v20 =	vmul.f32 v21, v12;
	v21 =	vadd.s32 $0x1, v11;
	v11 =	vld [tilespmem:s29+$0x10];
	[tilespmem:s29+$0xFFFFFF80] =	vst v16  }
0x138: {  	v18 =	vmov s11;
	v8 =	vbroadcast v8, $0x0;
	v26 =	vshll.u32 v19, v1;
	[tilespmem:s29+$0x70] =	vst v9;
	v9 =	vld [tilespmem:s29+$0xFFFFFFF0]  }
0x139: {  	v19 =	vadd.s32 $0x3, v15;
	v15 =	vbroadcast v27, $0x0;
	v12 =	vmul.f32 v22, v12;
	[tilespmem:s29+$0xFFFFFF90] =	vst v10;
	v10 =	vld [tilespmem:s29+$0x0]  }
0x13a: {  	s31 =	simm.s32 $0x10;
	v18 =	vshrl.u32 v18, $0x3;
	v22 =	vmul.f32 v23, v14;
	v3 =	vld.idx.msk [tilespmem:v3+s24+$0x0], $0xffff;
	v13 =	vbroadcast v21, $0x0;
	[tilespmem:s29+$0xFFFFFFA0] =	vst v20  }
0x13b: {  	s30 =	sadd.s32 $0x7540, s2;
	s1 =	simm.s32 $0xF;
	s5 =	sadd.s32 $0xA0, s2;
	v18 =	vshll.u32 v18, v1;
	v21 =	vmul.f32 v25, v7;
	[tilespmem:s29+$0xFFFFFFB0] =	vst v12;
	v20 =	vmul.f32 v24, v14;
	v12 =	vld [tilespmem:s29+$0x20]  }
0x13c: {  	s6 =	sadd.s32 $0x50, s2;
	s4 =	sadd.s32 $0xF0, s2;
	s3 =	sadd.s32 $0x140, s2;
	v16 =	vadd.s32 $0x4, v17;
	v17 =	vadd.s32 $0x5, v18;
	v18 =	vadd.s32 $0x6, v26;
	[tilespmem:s29+$0xFFFFFFC0] =	vst v22;
	v14 =	vld [tilespmem:s29+$0x30]  }
.LBB2_15:
0x13d: {  	p2 =	slt.u32 s31, $0x48;
	v19 =	vbroadcast v19, $0x0;
	v22 =	vmov s1;
	[tilespmem:s29+$0xFFFFFFD0] =	vst v20;
	v7 =	vmul.f32 v9, v7;
	v9 =	vld [tilespmem:s29+$0x40]  }
0x13e: {  	v16 =	vbroadcast v16, $0x0;
	v20 =	vshrl.u32 v22, $0x3;
	[tilespmem:s29+$0xFFFFFFE0] =	vst v21;
	v10 =	vmul.f32 v10, v6;
	v21 =	vld [tilespmem:s29+$0x50]  }
0x13f: {  	v17 =	vbroadcast v17, $0x0;
	v20 =	vshll.u32 v20, v1;
	[tilespmem:s29+$0xFFFFFFF0] =	vst v7;
	v6 =	vmul.f32 v11, v6;
	v11 =	vld [tilespmem:s29+$0x60]  }
0x140: {  	v22 =	vld.idx.msk [tilespmem:v8+s24+$0x0], $0xffff;
	v8 =	vbroadcast v18, $0x0;
	v7 =	vadd.s32 $0x7, v20;
	[tilespmem:s29+$0x0] =	vst v10;
	v10 =	vmul.f32 v12, v5  }
0x141: {  	v12 =	vld.idx.msk [tilespmem:v13+s24+$0x0], $0xffff;
	v13 =	vbroadcast v7, $0x0;
	[tilespmem:s29+$0x10] =	vst v6;
	v5 =	vmul.f32 v14, v5  }
0x142: {  	v14 =	vld.idx.msk [tilespmem:v15+s24+$0x0], $0xffff;
	[tilespmem:s29+$0x20] =	vst v10;
	v9 =	vmul.f32 v9, v3  }
0x143: {  	v7 =	vld.idx.msk [tilespmem:v19+s24+$0x0], $0xffff;
	[tilespmem:s29+$0x30] =	vst v5;
	v3 =	vmul.f32 v21, v3  }
0x144: {  	v6 =	vld.idx.msk [tilespmem:v16+s24+$0x0], $0xffff;
	[tilespmem:s29+$0x40] =	vst v9;
	v4 =	vmul.f32 v11, v4  }
0x145: {  	v5 =	vld.idx.msk [tilespmem:v17+s24+$0x0], $0xffff;
	[tilespmem:s29+$0x50] =	vst v3  }
0x146: {  	v3 =	vld.idx.msk [tilespmem:v8+s24+$0x0], $0xffff;
	[tilespmem:s29+$0x60] =	vst v4  }
0x147: {  	v8 =	vmov s31;
	s29 =	sadd.s32 $0x100, s29;
	v4 =	vld.idx.msk [tilespmem:v13+s24+$0x0], $0xffff  }
0x148: {  	s1 =	sadd.s32 $0x1, s31;
	s11 =	sadd.s32 $0x2, s31;
	s17 =	sadd.s32 $0x3, s31;
	v8 =	vshrl.u32 v8, $0x3;
	v9 =	vld [tilespmem:s29+$0x70]  }
0x149: {  	v10 =	vmov s1;
	s1 =	sadd.s32 $0x4, s31;
	v11 =	vmov s11;
	s11 =	sadd.s32 $0x5, s31;
	v13 =	vmov s17;
	s17 =	sadd.s32 $0x6, s31;
	v15 =	vld [tilespmem:s29+$0xFFFFFF80]  }
0x14a: {  	v16 =	vmov s1;
	v17 =	vmov s11;
	v18 =	vmov s17;
	v19 =	vld [tilespmem:s29+$0xFFFFFF90]  }
0x14b: {  	v10 =	vshrl.u32 v10, $0x3;
	v11 =	vshrl.u32 v11, $0x3;
	v8 =	vshll.u32 v8, v1;
	v20 =	vld [tilespmem:s29+$0xFFFFFFA0]  }
0x14c: {  	v16 =	vshrl.u32 v16, $0x3;
	v17 =	vshrl.u32 v17, $0x3;
	v13 =	vshrl.u32 v13, $0x3;
	v21 =	vld [tilespmem:s29+$0xFFFFFFB0]  }
0x14d: {  	v8 =	vbroadcast v8, $0x0;
	v18 =	vshrl.u32 v18, $0x3;
	v23 =	vld [tilespmem:s29+$0xFFFFFFC0];
	v9 =	vmul.f32 v9, v4  }
0x14e: {  	v10 =	vshll.u32 v10, v1;
	v11 =	vshll.u32 v11, v1;
	v15 =	vmul.f32 v15, v22;
	v24 =	vld [tilespmem:s29+$0xFFFFFFD0]  }
0x14f: {  	v16 =	vshll.u32 v16, v1;
	v13 =	vshll.u32 v13, v1;
	v19 =	vmul.f32 v19, v22;
	v22 =	vld [tilespmem:s29+$0xFFFFFFE0];
	[tilespmem:s29+$0x70] =	vst v9  }
.Ltmp6:
0x150: {  	v17 =	vshll.u32 v17, v1;
	v18 =	vshll.u32 v18, v1;
	[tilespmem:s29+$0xFFFFFF80] =	vst v15;
	v15 =	vmul.f32 v20, v12;
	v9 =	vld [tilespmem:s29+$0xFFFFFFF0];
	(pc) =	sbr.rel @p2 .LBB2_15-.Ltmp6, $4  }
0x151: {  	v25 =	vadd.s32 $0x2, v11;
	v20 =	vadd.s32 $0x1, v10;
	[tilespmem:s29+$0xFFFFFF90] =	vst v19;
	v12 =	vmul.f32 v21, v12;
	v10 =	vld [tilespmem:s29+$0x0]  }
0x152: {  	v16 =	vadd.s32 $0x4, v16;
	v19 =	vadd.s32 $0x3, v13;
	[tilespmem:s29+$0xFFFFFFA0] =	vst v15;
	v21 =	vmul.f32 v23, v14;
	v11 =	vld [tilespmem:s29+$0x10]  }
0x153: {  	v17 =	vadd.s32 $0x5, v17;
	v13 =	vbroadcast v20, $0x0;
	[tilespmem:s29+$0xFFFFFFB0] =	vst v12;
	v20 =	vmul.f32 v24, v14;
	v12 =	vld [tilespmem:s29+$0x20]  }
0x154: {  	s1 =	sadd.s32 $0x7, s31;
	s31 =	sadd.s32 $0x8, s31;
	v18 =	vadd.s32 $0x6, v18;
	v15 =	vbroadcast v25, $0x0;
	[tilespmem:s29+$0xFFFFFFC0] =	vst v21;
	v21 =	vmul.f32 v22, v7;
	v14 =	vld [tilespmem:s29+$0x30]  }
0x155: {  	_ = 	snop  }
0x156: {  	v23 =	vld [tilespmem:s29+$0x40]  }
0x157: {  	v24 =	vld [tilespmem:s29+$0x50]  }
0x158: {  	v25 =	vld [tilespmem:s29+$0x60]  }
0x159: {  	v19 =	vbroadcast v19, $0x0;
	v8 =	vld.idx.msk [tilespmem:v8+s24+$0x0], $0xffff  }
0x15a: {  	v16 =	vbroadcast v16, $0x0;
	v13 =	vld.idx.msk [tilespmem:v13+s24+$0x0], $0xffff  }
0x15b: {  	v17 =	vbroadcast v17, $0x0;
	s11 =	sadd.s32 $0x100, s29;
	v15 =	vld.idx.msk [tilespmem:v15+s24+$0x0], $0xffff;
	v10 =	vmul.f32 v10, v6  }
0x15c: {  	v6 =	vmul.f32 v11, v6;
	v11 =	vld [tilespmem:s11+$0x70]  }
0x15d: {  	v22 =	vmov s1;
	[tilespmem:s29+$0x0] =	vst v10;
	v10 =	vmul.f32 v12, v5;
	v12 =	vld [tilespmem:s11+$0xFFFFFF90]  }
0x15e: {  	v22 =	vshrl.u32 v22, $0x3;
	[tilespmem:s29+$0x10] =	vst v6;
	v6 =	vld [tilespmem:s11+$0xFFFFFF80]  }
0x15f: {  	v22 =	vshll.u32 v22, v1;
	v19 =	vld.idx.msk [tilespmem:v19+s24+$0x0], $0xffff  }
0x160: {  	[tilespmem:s29+$0xFFFFFFD0] =	vst v20;
	v7 =	vmul.f32 v9, v7;
	v22 =	vadd.s32 $0x7, v22;
	v5 =	vmul.f32 v14, v5;
	v16 =	vld.idx.msk [tilespmem:v16+s24+$0x0], $0xffff  }
0x161: {  	v22 =	vbroadcast v22, $0x0;
	[tilespmem:s29+$0x20] =	vst v10;
	v10 =	vmul.f32 v23, v3;
	v9 =	vld.idx.msk [tilespmem:v17+s24+$0x0], $0xffff  }
0x162: {  	v3 =	vmul.f32 v24, v3;
	[tilespmem:s29+$0x30] =	vst v5;
	v5 =	vld [tilespmem:s11+$0xFFFFFFA0]  }
0x163: {  	v4 =	vmul.f32 v25, v4;
	[tilespmem:s29+$0x40] =	vst v10;
	v10 =	vld [tilespmem:s11+$0xFFFFFFB0]  }
0x164: {  	v18 =	vbroadcast v18, $0x0;
	[tilespmem:s29+$0x50] =	vst v3;
	v3 =	vld [tilespmem:s11+$0xFFFFFFC0]  }
0x165: {  	[tilespmem:s29+$0x60] =	vst v4;
	v4 =	vmul.f32 v6, v8;
	v6 =	vld [tilespmem:s11+$0xFFFFFFD0]  }
0x166: {  	[tilespmem:s29+$0xFFFFFFF0] =	vst v7;
	v8 =	vmul.f32 v12, v8;
	v12 =	vld [tilespmem:s11+$0xFFFFFFE0]  }
0x167: {  	v7 =	vld.idx.msk [tilespmem:v22+s24+$0x0], $0xffff;
	[tilespmem:s11+$0xFFFFFF80] =	vst v4;
	v4 =	vmul.f32 v5, v13  }
0x168: {  	v5 =	vld [tilespmem:s11+$0xFFFFFFF0];
	[tilespmem:s11+$0xFFFFFF90] =	vst v8;
	v8 =	vmul.f32 v10, v13  }
0x169: {  	v10 =	vld [tilespmem:s11+$0x0];
	v3 =	vmul.f32 v3, v15;
	[tilespmem:s11+$0xFFFFFFA0] =	vst v4  }
0x16a: {  	v17 =	vld.idx.msk [tilespmem:v18+s24+$0x0], $0xffff;
	[tilespmem:s11+$0xFFFFFFB0] =	vst v8;
	v6 =	vmul.f32 v6, v15  }
0x16b: {  	v8 =	vld [tilespmem:s11+$0x20];
	[tilespmem:s11+$0xFFFFFFC0] =	vst v3;
	v3 =	vmul.f32 v12, v19  }
0x16c: {  	v4 =	vld [tilespmem:s11+$0x10];
	v11 =	vmul.f32 v11, v7;
	[tilespmem:s11+$0xFFFFFFD0] =	vst v6  }
0x16d: {  	v5 =	vmul.f32 v5, v19;
	v6 =	vld [tilespmem:s11+$0x40];
	[tilespmem:s11+$0xFFFFFFE0] =	vst v3  }
0x16e: {  	[tilespmem:s11+$0x70] =	vst v11;
	v11 =	vld [tilespmem:s11+$0x30];
	v3 =	vmul.f32 v10, v16  }
0x16f: {  	[tilespmem:s11+$0xFFFFFFF0] =	vst v5;
	v5 =	vld [tilespmem:s11+$0x60]  }
0x170: {  	v10 =	vld [tilespmem:s11+$0x50];
	[tilespmem:s11+$0x0] =	vst v3;
	v3 =	vmul.f32 v8, v9  }
0x171: {  	[tilespmem:s29+$0xFFFFFFE0] =	vst v21;
	v4 =	vmul.f32 v4, v16  }
0x172: {  	[tilespmem:s11+$0x20] =	vst v3;
	v3 =	vmul.f32 v6, v17  }
0x173: {  	[tilespmem:s11+$0x10] =	vst v4;
	v4 =	vmul.f32 v11, v9  }
0x174: {  	[tilespmem:s11+$0x40] =	vst v3;
	v3 =	vmul.f32 v5, v7  }
0x175: {  	[tilespmem:s11+$0x30] =	vst v4;
	v4 =	vmul.f32 v10, v17  }
0x176: {  	[tilespmem:s11+$0x60] =	vst v3  }
0x177: {  	[tilespmem:s11+$0x50] =	vst v4  }
0x178: {  	[spmem:s10] =	stream.indirect.scatter.add.f32 [tilespmem:s14], [sflag:$0x6], $0x20, s30, s19, $0xb8;
	[tilespmem:$0x12490] =	vst v63  }
0x179: {  	v3 =	vld [tilespmem:s6+$0x4E30]  }
0x17a: {  	v4 =	vld [tilespmem:s6+$0x7540]  }
0x17b: {  	v5 =	vld [tilespmem:s2+$0x4E90]  }
0x17c: {  	v6 =	vld [tilespmem:s2+$0x75A0]  }
0x17d: {  	v7 =	vld [tilespmem:s2+$0x4EA0]  }
0x17e: {  	v8 =	vld [tilespmem:s2+$0x75B0]  }
0x17f: {  	v9 =	vld [tilespmem:s2+$0x4EB0]  }
0x180: {  	v10 =	vld [tilespmem:s2+$0x75C0]  }
0x181: {  	v11 =	vld [tilespmem:s2+$0x4EC0]  }
0x182: {  	s17 =	simm.s32 $0x0;
	v12 =	vld [tilespmem:s2+$0x75D0]  }
0x183: {  	v3 =	vld.idx.msk [tilespmem:v3+s17+$0x0], $0xffff  }
0x184: {  	v4 =	vld.idx.msk [tilespmem:v4+s7+$0x0], $0xffff  }
0x185: {  	v5 =	vld.idx.msk [tilespmem:v5+s17+$0x0], $0xffff  }
0x186: {  	v6 =	vld.idx.msk [tilespmem:v6+s7+$0x0], $0xffff  }
0x187: {  	v7 =	vld.idx.msk [tilespmem:v7+s17+$0x0], $0xffff  }
0x188: {  	v8 =	vld.idx.msk [tilespmem:v8+s7+$0x0], $0xffff  }
0x189: {  	v9 =	vld.idx.msk [tilespmem:v9+s17+$0x0], $0xffff  }
0x18a: {  	v10 =	vld.idx.msk [tilespmem:v10+s7+$0x0], $0xffff  }
0x18b: {  	v11 =	vld.idx.msk [tilespmem:v11+s17+$0x0], $0xffff  }
0x18c: {  	v12 =	vld.idx.msk [tilespmem:v12+s7+$0x0], $0xffff  }
0x18d: {  	v3 =	vadd.f32 v4, v3  }
0x18e: {  	v4 =	vadd.f32 v6, v5  }
0x18f: {  	v6 =	vadd.f32 v8, v7;
	v5 =	vmul.f32 $2.000000030e-01, v3  }
0x190: {  	v8 =	vadd.f32 v10, v9;
	v7 =	vmul.f32 $2.000000030e-01, v4  }
0x191: {  	v9 =	vadd.f32 v12, v11;
	v3 =	vmax.f32 v3, v5;
	v5 =	vmul.f32 $2.000000030e-01, v6  }
0x192: {  	v4 =	vmax.f32 v4, v7;
	v7 =	vmul.f32 $2.000000030e-01, v8;
	v3 =	vsub.f32 v3, v2  }
0x193: {  	v4 =	vsub.f32 v4, v2;
	v5 =	vmax.f32 v6, v5;
	v6 =	vmul.f32 $2.000000030e-01, v9  }
0x194: {  	v7 =	vmax.f32 v8, v7;
	v3 =	vmul.f32 $1.442695020e+00, v3;
	v5 =	vsub.f32 v5, v2  }
0x195: {  	v4 =	vmul.f32 $1.442695020e+00, v4;
	v7 =	vsub.f32 v7, v2;
	v6 =	vmax.f32 v9, v6  }
0x196: {  	(erf) = vpow2.f32 v3;
	v3 =	vmul.f32 $1.442695020e+00, v5;
	v5 =	vsub.f32 v6, v2  }
0x197: {  	(erf) = vpow2.f32 v4;
	v4 =	vmul.f32 $1.442695020e+00, v7  }
0x198: {  	(erf) = vpow2.f32 v3;
	v3 =	vmul.f32 $1.442695020e+00, v5  }
0x199: {  	(erf) = vpow2.f32 v4  }
0x19a: {  	(erf) = vpow2.f32 v3;
	_ =	sdelay $0x1  }
0x19b: {  	s11 =	simm.s32 $0x2  }
0x19c: {  	s31 =	simm.s32 $0x1;
	s1 =	simm.s32 $0x4;
	v5 =	vmov s11  }
0x19d: {  	v7 =	vmov s1;
	v4 =	vmov s31;
	v5 =	vshrl.u32 v5, $0x3  }
0x19e: {  	v3 =	vmov s17;
	s17 =	simm.s32 $0x3;
	v4 =	vshrl.u32 v4, $0x3;
	v5 =	vshll.u32 v5, v1;
	v10 =	vpop (erf)  }
0x19f: {  	v3 =	vshrl.u32 v3, $0x3;
	v6 =	vmov s17;
	s17 =	simm.s32 $0x5;
	v4 =	vshll.u32 v4, v1;
	v11 =	vpop (erf);
	[tilespmem:$0xA420] =	vst v10  }
0x1a0: {  	v5 =	vadd.s32 $0x2, v5;
	v8 =	vmov s17;
	v3 =	vshll.u32 v3, v1;
	v10 =	vpop (erf);
	[tilespmem:$0xA430] =	vst v11  }
0x1a1: {  	v6 =	vshrl.u32 v6, $0x3;
	v4 =	vadd.s32 $0x1, v4;
	v3 =	vbroadcast v3, $0x0;
	v11 =	vpop (erf);
	[tilespmem:$0xA440] =	vst v10  }
0x1a2: {  	v8 =	vshrl.u32 v8, $0x3;
	v6 =	vshll.u32 v6, v1;
	v4 =	vbroadcast v4, $0x0;
	[tilespmem:$0xA450] =	vst v11;
	v10 =	vpop (erf)  }
0x1a3: {  	v5 =	vbroadcast v5, $0x0;
	v8 =	vshll.u32 v8, v1;
	v6 =	vadd.s32 $0x3, v6;
	[tilespmem:$0xA460] =	vst v10  }
0x1a4: {  	v7 =	vshrl.u32 v7, $0x3;
	v6 =	vbroadcast v6, $0x0;
	v8 =	vadd.s32 $0x5, v8;
	_ =	swait.ge [sflag:s16], $0xA00  }
0x1a5: {  	v7 =	vshll.u32 v7, v1;
	s17 =	simm.s32 $0x7;
	v8 =	vbroadcast v8, $0x0;
	[sflag:s16] =	ssyncset.done $0x0  }
0x1a6: {  	v7 =	vadd.s32 $0x4, v7;
	v10 =	vmov s17;
	[sflag:s16] =	ssyncadd.s32 $0xFFFFF600  }
0x1a7: {  	s31 =	simm.s32 $0x6;
	v11 =	vbroadcast v7, $0x0;
	v7 =	vshrl.u32 v10, $0x3;
	v10 =	vld.idx.msk [tilespmem:v3+s24+$0x0], $0xffff  }
0x1a8: {  	v9 =	vmov s31;
	v7 =	vshll.u32 v7, v1;
	v12 =	vld.idx.msk [tilespmem:v4+s24+$0x0], $0xffff  }
0x1a9: {  	v9 =	vshrl.u32 v9, $0x3;
	v7 =	vadd.s32 $0x7, v7;
	v14 =	vld.idx.msk [tilespmem:v5+s24+$0x0], $0xffff  }
0x1aa: {  	v9 =	vshll.u32 v9, v1;
	v4 =	vbroadcast v7, $0x0;
	v7 =	vld.idx.msk [tilespmem:v6+s24+$0x0], $0xffff  }
0x1ab: {  	s29 =	simm.s32 $0xAEF0;
	v9 =	vadd.s32 $0x6, v9;
	v5 =	vld.idx.msk [tilespmem:v8+s24+$0x0], $0xffff  }
0x1ac: {  	v3 =	vbroadcast v9, $0x0;
	v9 =	vld [tilespmem:s29+$0x70]  }
0x1ad: {  	s17 =	simm.s32 $0xA;
	v16 =	vld [tilespmem:s29+$0xFFFFFF80]  }
0x1ae: {  	v13 =	vmov s17;
	s17 =	simm.s32 $0xD;
	v20 =	vld [tilespmem:s29+$0xFFFFFF90]  }
0x1af: {  	v18 =	vmov s17;
	v13 =	vshrl.u32 v13, $0x3;
	v21 =	vld [tilespmem:s29+$0xFFFFFFA0]  }
0x1b0: {  	s31 =	simm.s32 $0x8;
	v18 =	vshrl.u32 v18, $0x3;
	v13 =	vshll.u32 v13, v1;
	v4 =	vld.idx.msk [tilespmem:v4+s24+$0x0], $0xffff  }
0x1b1: {  	s11 =	simm.s32 $0x9;
	v8 =	vmov s31;
	s31 =	simm.s32 $0xB;
	v22 =	vld [tilespmem:s29+$0xFFFFFFB0];
	v18 =	vshll.u32 v18, v1;
	v27 =	vadd.s32 $0x2, v13  }
0x1b2: {  	v6 =	vld.idx.msk [tilespmem:v11+s24+$0x0], $0xffff;
	v8 =	vshrl.u32 v8, $0x3;
	v11 =	vmov s11;
	v15 =	vmov s31;
	s11 =	simm.s32 $0xC;
	s31 =	simm.s32 $0xE  }
0x1b3: {  	v23 =	vld [tilespmem:s29+$0xFFFFFFC0];
	v17 =	vmov s11;
	v19 =	vmov s31;
	v8 =	vshll.u32 v8, v1  }
0x1b4: {  	v62 =	vld [tilespmem:s29+$0xFFFFFFD0];
	v11 =	vshrl.u32 v11, $0x3;
	v19 =	vshrl.u32 v19, $0x3;
	v16 =	vmul.f32 v16, v10  }
0x1b5: {  	v63 =	vld [tilespmem:s29+$0xFFFFFFE0];
	v11 =	vshll.u32 v11, v1;
	v26 =	vshll.u32 v19, v1;
	v9 =	vmul.f32 v9, v4  }
0x1b6: {  	v10 =	vmul.f32 v20, v10;
	v19 =	vmul.f32 v21, v12;
	v21 =	vadd.s32 $0x1, v11;
	v11 =	vld [tilespmem:s29+$0x10];
	[tilespmem:s29+$0xFFFFFF80] =	vst v16  }
0x1b7: {  	v15 =	vshrl.u32 v15, $0x3;
	v17 =	vshrl.u32 v17, $0x3;
	v8 =	vbroadcast v8, $0x0;
	[tilespmem:s29+$0x70] =	vst v9;
	v9 =	vld [tilespmem:s29+$0xFFFFFFF0]  }
0x1b8: {  	v15 =	vshll.u32 v15, v1;
	v12 =	vmul.f32 v22, v12;
	v22 =	vmul.f32 v23, v14;
	[tilespmem:s29+$0xFFFFFF90] =	vst v10;
	v10 =	vld [tilespmem:s29+$0x0]  }
0x1b9: {  	v20 =	vadd.s32 $0x3, v15;
	v15 =	vbroadcast v27, $0x0;
	v3 =	vld.idx.msk [tilespmem:v3+s24+$0x0], $0xffff;
	v13 =	vbroadcast v21, $0x0;
	[tilespmem:s29+$0xFFFFFFA0] =	vst v19  }
0x1ba: {  	v17 =	vshll.u32 v17, v1;
	v21 =	vmul.f32 v63, v7;
	[tilespmem:s29+$0xFFFFFFB0] =	vst v12;
	v19 =	vmul.f32 v62, v14;
	v12 =	vld [tilespmem:s29+$0x20]  }
0x1bb: {  	s30 =	simm.s32 $0x10;
	s6 =	sadd.s32 $0x7540, s6;
	s1 =	simm.s32 $0xF;
	v16 =	vadd.s32 $0x4, v17;
	v17 =	vadd.s32 $0x5, v18;
	v18 =	vadd.s32 $0x6, v26;
	[tilespmem:s29+$0xFFFFFFC0] =	vst v22;
	v14 =	vld [tilespmem:s29+$0x30]  }
.LBB2_17:
0x1bc: {  	p2 =	slt.u32 s30, $0x48;
	v20 =	vbroadcast v20, $0x0;
	v22 =	vmov s1;
	[tilespmem:s29+$0xFFFFFFD0] =	vst v19;
	v7 =	vmul.f32 v9, v7;
	v9 =	vld [tilespmem:s29+$0x40]  }
0x1bd: {  	v16 =	vbroadcast v16, $0x0;
	v19 =	vshrl.u32 v22, $0x3;
	[tilespmem:s29+$0xFFFFFFE0] =	vst v21;
	v10 =	vmul.f32 v10, v6;
	v21 =	vld [tilespmem:s29+$0x50]  }
0x1be: {  	v17 =	vbroadcast v17, $0x0;
	v19 =	vshll.u32 v19, v1;
	[tilespmem:s29+$0xFFFFFFF0] =	vst v7;
	v6 =	vmul.f32 v11, v6;
	v11 =	vld [tilespmem:s29+$0x60]  }
0x1bf: {  	v22 =	vld.idx.msk [tilespmem:v8+s24+$0x0], $0xffff;
	v8 =	vbroadcast v18, $0x0;
	v7 =	vadd.s32 $0x7, v19;
	[tilespmem:s29+$0x0] =	vst v10;
	v10 =	vmul.f32 v12, v5  }
0x1c0: {  	v12 =	vld.idx.msk [tilespmem:v13+s24+$0x0], $0xffff;
	v13 =	vbroadcast v7, $0x0;
	[tilespmem:s29+$0x10] =	vst v6;
	v5 =	vmul.f32 v14, v5  }
0x1c1: {  	v14 =	vld.idx.msk [tilespmem:v15+s24+$0x0], $0xffff;
	[tilespmem:s29+$0x20] =	vst v10;
	v9 =	vmul.f32 v9, v3  }
0x1c2: {  	v7 =	vld.idx.msk [tilespmem:v20+s24+$0x0], $0xffff;
	[tilespmem:s29+$0x30] =	vst v5;
	v3 =	vmul.f32 v21, v3  }
0x1c3: {  	v6 =	vld.idx.msk [tilespmem:v16+s24+$0x0], $0xffff;
	[tilespmem:s29+$0x40] =	vst v9;
	v4 =	vmul.f32 v11, v4  }
0x1c4: {  	v5 =	vld.idx.msk [tilespmem:v17+s24+$0x0], $0xffff;
	[tilespmem:s29+$0x50] =	vst v3  }
0x1c5: {  	v3 =	vld.idx.msk [tilespmem:v8+s24+$0x0], $0xffff;
	[tilespmem:s29+$0x60] =	vst v4  }
0x1c6: {  	v8 =	vmov s30;
	s29 =	sadd.s32 $0x100, s29;
	v4 =	vld.idx.msk [tilespmem:v13+s24+$0x0], $0xffff  }
0x1c7: {  	s1 =	sadd.s32 $0x1, s30;
	s11 =	sadd.s32 $0x2, s30;
	s17 =	sadd.s32 $0x3, s30;
	v8 =	vshrl.u32 v8, $0x3;
	v9 =	vld [tilespmem:s29+$0x70]  }
0x1c8: {  	v10 =	vmov s1;
	s1 =	sadd.s32 $0x4, s30;
	v11 =	vmov s11;
	s11 =	sadd.s32 $0x5, s30;
	v13 =	vmov s17;
	s17 =	sadd.s32 $0x6, s30;
	v15 =	vld [tilespmem:s29+$0xFFFFFF80]  }
0x1c9: {  	v16 =	vmov s1;
	v17 =	vmov s11;
	v18 =	vmov s17;
	v19 =	vld [tilespmem:s29+$0xFFFFFF90]  }
0x1ca: {  	v10 =	vshrl.u32 v10, $0x3;
	v11 =	vshrl.u32 v11, $0x3;
	v8 =	vshll.u32 v8, v1;
	v20 =	vld [tilespmem:s29+$0xFFFFFFA0]  }
0x1cb: {  	v16 =	vshrl.u32 v16, $0x3;
	v17 =	vshrl.u32 v17, $0x3;
	v13 =	vshrl.u32 v13, $0x3;
	v21 =	vld [tilespmem:s29+$0xFFFFFFB0]  }
0x1cc: {  	v8 =	vbroadcast v8, $0x0;
	v18 =	vshrl.u32 v18, $0x3;
	v23 =	vld [tilespmem:s29+$0xFFFFFFC0];
	v9 =	vmul.f32 v9, v4  }
0x1cd: {  	v10 =	vshll.u32 v10, v1;
	v11 =	vshll.u32 v11, v1;
	v15 =	vmul.f32 v15, v22;
	v24 =	vld [tilespmem:s29+$0xFFFFFFD0]  }
0x1ce: {  	v16 =	vshll.u32 v16, v1;
	v13 =	vshll.u32 v13, v1;
	v19 =	vmul.f32 v19, v22;
	v22 =	vld [tilespmem:s29+$0xFFFFFFE0];
	[tilespmem:s29+$0x70] =	vst v9  }
.Ltmp7:
0x1cf: {  	v17 =	vshll.u32 v17, v1;
	v18 =	vshll.u32 v18, v1;
	[tilespmem:s29+$0xFFFFFF80] =	vst v15;
	v15 =	vmul.f32 v20, v12;
	v9 =	vld [tilespmem:s29+$0xFFFFFFF0];
	(pc) =	sbr.rel @p2 .LBB2_17-.Ltmp7, $4  }
0x1d0: {  	v25 =	vadd.s32 $0x1, v10;
	v26 =	vadd.s32 $0x2, v11;
	[tilespmem:s29+$0xFFFFFF90] =	vst v19;
	v12 =	vmul.f32 v21, v12;
	v10 =	vld [tilespmem:s29+$0x0]  }
0x1d1: {  	v16 =	vadd.s32 $0x4, v16;
	v20 =	vadd.s32 $0x3, v13;
	[tilespmem:s29+$0xFFFFFFA0] =	vst v15;
	v21 =	vmul.f32 v23, v14;
	v11 =	vld [tilespmem:s29+$0x10]  }
0x1d2: {  	v17 =	vadd.s32 $0x5, v17;
	v13 =	vbroadcast v25, $0x0;
	[tilespmem:s29+$0xFFFFFFB0] =	vst v12;
	v19 =	vmul.f32 v24, v14;
	v12 =	vld [tilespmem:s29+$0x20]  }
0x1d3: {  	s1 =	sadd.s32 $0x7, s30;
	s30 =	sadd.s32 $0x8, s30;
	v18 =	vadd.s32 $0x6, v18;
	v15 =	vbroadcast v26, $0x0;
	[tilespmem:s29+$0xFFFFFFC0] =	vst v21;
	v21 =	vmul.f32 v22, v7;
	v14 =	vld [tilespmem:s29+$0x30]  }
0x1d4: {  	_ = 	snop  }
0x1d5: {  	v23 =	vld [tilespmem:s29+$0x40]  }
0x1d6: {  	v24 =	vld [tilespmem:s29+$0x50]  }
0x1d7: {  	v25 =	vld [tilespmem:s29+$0x60]  }
0x1d8: {  	v20 =	vbroadcast v20, $0x0;
	v8 =	vld.idx.msk [tilespmem:v8+s24+$0x0], $0xffff  }
0x1d9: {  	v16 =	vbroadcast v16, $0x0;
	v13 =	vld.idx.msk [tilespmem:v13+s24+$0x0], $0xffff  }
0x1da: {  	v17 =	vbroadcast v17, $0x0;
	s11 =	sadd.s32 $0x100, s29;
	v15 =	vld.idx.msk [tilespmem:v15+s24+$0x0], $0xffff;
	v10 =	vmul.f32 v10, v6  }
0x1db: {  	v6 =	vmul.f32 v11, v6;
	v11 =	vld [tilespmem:s11+$0x70]  }
0x1dc: {  	v22 =	vmov s1;
	[tilespmem:s29+$0x0] =	vst v10;
	v10 =	vmul.f32 v12, v5;
	v12 =	vld [tilespmem:s11+$0xFFFFFF90]  }
0x1dd: {  	v22 =	vshrl.u32 v22, $0x3;
	[tilespmem:s29+$0x10] =	vst v6;
	v6 =	vld [tilespmem:s11+$0xFFFFFF80]  }
0x1de: {  	v22 =	vshll.u32 v22, v1;
	v20 =	vld.idx.msk [tilespmem:v20+s24+$0x0], $0xffff  }
0x1df: {  	[tilespmem:s29+$0xFFFFFFD0] =	vst v19;
	v7 =	vmul.f32 v9, v7;
	v22 =	vadd.s32 $0x7, v22;
	v5 =	vmul.f32 v14, v5;
	v16 =	vld.idx.msk [tilespmem:v16+s24+$0x0], $0xffff  }
0x1e0: {  	v22 =	vbroadcast v22, $0x0;
	[tilespmem:s29+$0x20] =	vst v10;
	v10 =	vmul.f32 v23, v3;
	v9 =	vld.idx.msk [tilespmem:v17+s24+$0x0], $0xffff  }
0x1e1: {  	v3 =	vmul.f32 v24, v3;
	[tilespmem:s29+$0x30] =	vst v5;
	v5 =	vld [tilespmem:s11+$0xFFFFFFA0]  }
0x1e2: {  	v4 =	vmul.f32 v25, v4;
	[tilespmem:s29+$0x40] =	vst v10;
	v10 =	vld [tilespmem:s11+$0xFFFFFFB0]  }
0x1e3: {  	v18 =	vbroadcast v18, $0x0;
	[tilespmem:s29+$0x50] =	vst v3;
	v3 =	vld [tilespmem:s11+$0xFFFFFFC0]  }
0x1e4: {  	[tilespmem:s29+$0x60] =	vst v4;
	v4 =	vmul.f32 v6, v8;
	v6 =	vld [tilespmem:s11+$0xFFFFFFD0]  }
0x1e5: {  	[tilespmem:s29+$0xFFFFFFF0] =	vst v7;
	v8 =	vmul.f32 v12, v8;
	v12 =	vld [tilespmem:s11+$0xFFFFFFE0]  }
0x1e6: {  	v7 =	vld.idx.msk [tilespmem:v22+s24+$0x0], $0xffff;
	[tilespmem:s11+$0xFFFFFF80] =	vst v4;
	v4 =	vmul.f32 v5, v13  }
0x1e7: {  	v5 =	vld [tilespmem:s11+$0xFFFFFFF0];
	[tilespmem:s11+$0xFFFFFF90] =	vst v8;
	v8 =	vmul.f32 v10, v13  }
0x1e8: {  	v10 =	vld [tilespmem:s11+$0x0];
	v3 =	vmul.f32 v3, v15;
	[tilespmem:s11+$0xFFFFFFA0] =	vst v4  }
0x1e9: {  	v17 =	vld.idx.msk [tilespmem:v18+s24+$0x0], $0xffff;
	[tilespmem:s11+$0xFFFFFFB0] =	vst v8;
	v6 =	vmul.f32 v6, v15  }
0x1ea: {  	v8 =	vld [tilespmem:s11+$0x20];
	[tilespmem:s11+$0xFFFFFFC0] =	vst v3;
	v3 =	vmul.f32 v12, v20  }
0x1eb: {  	v4 =	vld [tilespmem:s11+$0x10];
	v11 =	vmul.f32 v11, v7;
	[tilespmem:s11+$0xFFFFFFD0] =	vst v6  }
0x1ec: {  	v5 =	vmul.f32 v5, v20;
	v6 =	vld [tilespmem:s11+$0x40];
	[tilespmem:s11+$0xFFFFFFE0] =	vst v3  }
0x1ed: {  	[tilespmem:s11+$0x70] =	vst v11;
	v11 =	vld [tilespmem:s11+$0x30];
	v3 =	vmul.f32 v10, v16  }
0x1ee: {  	[tilespmem:s11+$0xFFFFFFF0] =	vst v5;
	v5 =	vld [tilespmem:s11+$0x60]  }
0x1ef: {  	v10 =	vld [tilespmem:s11+$0x50];
	[tilespmem:s11+$0x0] =	vst v3;
	v3 =	vmul.f32 v8, v9  }
0x1f0: {  	[tilespmem:s29+$0xFFFFFFE0] =	vst v21;
	v4 =	vmul.f32 v4, v16  }
0x1f1: {  	[tilespmem:s11+$0x20] =	vst v3;
	v3 =	vmul.f32 v6, v17  }
0x1f2: {  	[tilespmem:s11+$0x10] =	vst v4;
	v4 =	vmul.f32 v11, v9  }
0x1f3: {  	[tilespmem:s11+$0x40] =	vst v3;
	v3 =	vmul.f32 v5, v7  }
0x1f4: {  	[tilespmem:s11+$0x30] =	vst v4;
	v4 =	vmul.f32 v10, v17  }
0x1f5: {  	[tilespmem:s11+$0x60] =	vst v3  }
0x1f6: {  	[tilespmem:s11+$0x50] =	vst v4  }
0x1f7: {  	[spmem:s10] =	stream.indirect.scatter.add.f32 [tilespmem:s20], [sflag:$0x7], $0x20, s6, s19, $0xb8;
	[tilespmem:$0x12490] =	vst v63  }
0x1f8: {  	v3 =	vld [tilespmem:s5+$0x4E30]  }
0x1f9: {  	v4 =	vld [tilespmem:s5+$0x7540]  }
0x1fa: {  	v5 =	vld [tilespmem:s2+$0x4EE0]  }
0x1fb: {  	v6 =	vld [tilespmem:s2+$0x75F0]  }
0x1fc: {  	v7 =	vld [tilespmem:s2+$0x4EF0]  }
0x1fd: {  	v8 =	vld [tilespmem:s2+$0x7600]  }
0x1fe: {  	v9 =	vld [tilespmem:s2+$0x4F00]  }
0x1ff: {  	v10 =	vld [tilespmem:s2+$0x7610]  }
0x200: {  	v11 =	vld [tilespmem:s2+$0x4F10]  }
0x201: {  	s17 =	simm.s32 $0x0;
	v12 =	vld [tilespmem:s2+$0x7620]  }
0x202: {  	v3 =	vld.idx.msk [tilespmem:v3+s17+$0x0], $0xffff  }
0x203: {  	v4 =	vld.idx.msk [tilespmem:v4+s7+$0x0], $0xffff  }
0x204: {  	v5 =	vld.idx.msk [tilespmem:v5+s17+$0x0], $0xffff  }
0x205: {  	v6 =	vld.idx.msk [tilespmem:v6+s7+$0x0], $0xffff  }
0x206: {  	v7 =	vld.idx.msk [tilespmem:v7+s17+$0x0], $0xffff  }
0x207: {  	v8 =	vld.idx.msk [tilespmem:v8+s7+$0x0], $0xffff  }
0x208: {  	v9 =	vld.idx.msk [tilespmem:v9+s17+$0x0], $0xffff  }
0x209: {  	v10 =	vld.idx.msk [tilespmem:v10+s7+$0x0], $0xffff  }
0x20a: {  	v11 =	vld.idx.msk [tilespmem:v11+s17+$0x0], $0xffff  }
0x20b: {  	v12 =	vld.idx.msk [tilespmem:v12+s7+$0x0], $0xffff  }
0x20c: {  	v3 =	vadd.f32 v4, v3  }
0x20d: {  	v4 =	vadd.f32 v6, v5  }
0x20e: {  	v6 =	vadd.f32 v8, v7;
	v5 =	vmul.f32 $2.000000030e-01, v3  }
0x20f: {  	v8 =	vadd.f32 v10, v9;
	v7 =	vmul.f32 $2.000000030e-01, v4  }
0x210: {  	v9 =	vadd.f32 v12, v11;
	v3 =	vmax.f32 v3, v5;
	v5 =	vmul.f32 $2.000000030e-01, v6  }
0x211: {  	v4 =	vmax.f32 v4, v7;
	v7 =	vmul.f32 $2.000000030e-01, v8;
	v3 =	vsub.f32 v3, v2  }
0x212: {  	v4 =	vsub.f32 v4, v2;
	v5 =	vmax.f32 v6, v5;
	v6 =	vmul.f32 $2.000000030e-01, v9  }
0x213: {  	v7 =	vmax.f32 v8, v7;
	v3 =	vmul.f32 $1.442695020e+00, v3;
	v5 =	vsub.f32 v5, v2  }
0x214: {  	v4 =	vmul.f32 $1.442695020e+00, v4;
	v7 =	vsub.f32 v7, v2;
	v6 =	vmax.f32 v9, v6  }
0x215: {  	(erf) = vpow2.f32 v3;
	v3 =	vmul.f32 $1.442695020e+00, v5;
	v5 =	vsub.f32 v6, v2  }
0x216: {  	(erf) = vpow2.f32 v4;
	v4 =	vmul.f32 $1.442695020e+00, v7  }
0x217: {  	(erf) = vpow2.f32 v3;
	v3 =	vmul.f32 $1.442695020e+00, v5  }
0x218: {  	(erf) = vpow2.f32 v4  }
0x219: {  	(erf) = vpow2.f32 v3  }
0x21a: {  	s11 =	simm.s32 $0x3  }
0x21b: {  	v6 =	vmov s11  }
0x21c: {  	s31 =	simm.s32 $0x2;
	v6 =	vshrl.u32 v6, $0x3  }
0x21d: {  	s30 =	simm.s32 $0x1;
	v5 =	vmov s31;
	v6 =	vshll.u32 v6, v1  }
0x21e: {  	v4 =	vmov s30;
	v5 =	vshrl.u32 v5, $0x3;
	v3 =	vmov s17;
	v10 =	vpop (erf)  }
0x21f: {  	s30 =	simm.s32 $0x5;
	v6 =	vadd.s32 $0x3, v6;
	v4 =	vshrl.u32 v4, $0x3;
	v3 =	vshrl.u32 v3, $0x3;
	v11 =	vpop (erf);
	[tilespmem:$0xA420] =	vst v10  }
0x220: {  	v8 =	vmov s30;
	v4 =	vshll.u32 v4, v1;
	v3 =	vshll.u32 v3, v1;
	v10 =	vpop (erf);
	[tilespmem:$0xA430] =	vst v11  }
0x221: {  	v5 =	vshll.u32 v5, v1;
	v4 =	vadd.s32 $0x1, v4;
	v3 =	vbroadcast v3, $0x0;
	v11 =	vpop (erf);
	[tilespmem:$0xA440] =	vst v10  }
0x222: {  	s17 =	simm.s32 $0x4;
	v8 =	vshrl.u32 v8, $0x3;
	v5 =	vadd.s32 $0x2, v5;
	v4 =	vbroadcast v4, $0x0;
	[tilespmem:$0xA450] =	vst v11;
	v10 =	vpop (erf)  }
0x223: {  	v7 =	vmov s17;
	v8 =	vshll.u32 v8, v1;
	v5 =	vbroadcast v5, $0x0;
	[tilespmem:$0xA460] =	vst v10  }
0x224: {  	v6 =	vbroadcast v6, $0x0;
	v7 =	vshrl.u32 v7, $0x3;
	v8 =	vadd.s32 $0x5, v8;
	_ =	swait.ge [sflag:s25], $0xA00  }
0x225: {  	s11 =	simm.s32 $0x7;
	v7 =	vshll.u32 v7, v1;
	v8 =	vbroadcast v8, $0x0;
	[sflag:s25] =	ssyncset.done $0x0  }
0x226: {  	v7 =	vadd.s32 $0x4, v7;
	v10 =	vmov s11;
	[sflag:s25] =	ssyncadd.s32 $0xFFFFF600  }
0x227: {  	s31 =	simm.s32 $0x6;
	v11 =	vbroadcast v7, $0x0;
	v7 =	vshrl.u32 v10, $0x3;
	v10 =	vld.idx.msk [tilespmem:v3+s24+$0x0], $0xffff  }
0x228: {  	v9 =	vmov s31;
	v7 =	vshll.u32 v7, v1;
	v12 =	vld.idx.msk [tilespmem:v4+s24+$0x0], $0xffff  }
0x229: {  	v9 =	vshrl.u32 v9, $0x3;
	v7 =	vadd.s32 $0x7, v7;
	v14 =	vld.idx.msk [tilespmem:v5+s24+$0x0], $0xffff  }
0x22a: {  	v9 =	vshll.u32 v9, v1;
	v4 =	vbroadcast v7, $0x0;
	v7 =	vld.idx.msk [tilespmem:v6+s24+$0x0], $0xffff  }
0x22b: {  	s6 =	simm.s32 $0xB8F0;
	v9 =	vadd.s32 $0x6, v9;
	v5 =	vld.idx.msk [tilespmem:v8+s24+$0x0], $0xffff  }
0x22c: {  	v3 =	vbroadcast v9, $0x0;
	v9 =	vld [tilespmem:s6+$0x70]  }
0x22d: {  	s31 =	simm.s32 $0xA;
	v16 =	vld [tilespmem:s6+$0xFFFFFF80]  }
0x22e: {  	v13 =	vmov s31;
	s31 =	simm.s32 $0xE;
	v20 =	vld [tilespmem:s6+$0xFFFFFF90]  }
0x22f: {  	v19 =	vmov s31;
	v13 =	vshrl.u32 v13, $0x3;
	v21 =	vld [tilespmem:s6+$0xFFFFFFA0]  }
0x230: {  	s17 =	simm.s32 $0x8;
	v19 =	vshrl.u32 v19, $0x3;
	v13 =	vshll.u32 v13, v1;
	v4 =	vld.idx.msk [tilespmem:v4+s24+$0x0], $0xffff  }
0x231: {  	s30 =	simm.s32 $0x9;
	v26 =	vshll.u32 v19, v1;
	v27 =	vadd.s32 $0x2, v13;
	v8 =	vmov s17;
	s17 =	simm.s32 $0xB;
	v22 =	vld [tilespmem:s6+$0xFFFFFFB0]  }
0x232: {  	v6 =	vld.idx.msk [tilespmem:v11+s24+$0x0], $0xffff;
	v8 =	vshrl.u32 v8, $0x3;
	v11 =	vmov s30;
	v15 =	vmov s17;
	s17 =	simm.s32 $0xC;
	s30 =	simm.s32 $0xD  }
0x233: {  	v23 =	vld [tilespmem:s6+$0xFFFFFFC0];
	v17 =	vmov s17;
	v18 =	vmov s30;
	v8 =	vshll.u32 v8, v1  }
0x234: {  	v62 =	vld [tilespmem:s6+$0xFFFFFFD0];
	v11 =	vshrl.u32 v11, $0x3;
	v15 =	vshrl.u32 v15, $0x3;
	v16 =	vmul.f32 v16, v10  }
0x235: {  	v63 =	vld [tilespmem:s6+$0xFFFFFFE0];
	v17 =	vshrl.u32 v17, $0x3;
	v11 =	vshll.u32 v11, v1;
	v9 =	vmul.f32 v9, v4  }
0x236: {  	v10 =	vmul.f32 v20, v10;
	v19 =	vmul.f32 v21, v12;
	v21 =	vadd.s32 $0x1, v11;
	v11 =	vld [tilespmem:s6+$0x10];
	[tilespmem:s6+$0xFFFFFF80] =	vst v16  }
0x237: {  	v18 =	vshrl.u32 v18, $0x3;
	v8 =	vbroadcast v8, $0x0;
	v15 =	vshll.u32 v15, v1;
	[tilespmem:s6+$0x70] =	vst v9;
	v9 =	vld [tilespmem:s6+$0xFFFFFFF0]  }
0x238: {  	v17 =	vshll.u32 v17, v1;
	v12 =	vmul.f32 v22, v12;
	v22 =	vmul.f32 v23, v14;
	[tilespmem:s6+$0xFFFFFF90] =	vst v10;
	v10 =	vld [tilespmem:s6+$0x0]  }
0x239: {  	v20 =	vadd.s32 $0x3, v15;
	v15 =	vbroadcast v27, $0x0;
	v3 =	vld.idx.msk [tilespmem:v3+s24+$0x0], $0xffff;
	v13 =	vbroadcast v21, $0x0;
	[tilespmem:s6+$0xFFFFFFA0] =	vst v19  }
0x23a: {  	v18 =	vshll.u32 v18, v1;
	v21 =	vmul.f32 v63, v7;
	[tilespmem:s6+$0xFFFFFFB0] =	vst v12;
	v19 =	vmul.f32 v62, v14;
	v12 =	vld [tilespmem:s6+$0x20]  }
0x23b: {  	s1 =	simm.s32 $0xF;
	s29 =	simm.s32 $0x10;
	s5 =	sadd.s32 $0x7540, s5;
	v16 =	vadd.s32 $0x4, v17;
	v17 =	vadd.s32 $0x5, v18;
	v18 =	vadd.s32 $0x6, v26;
	[tilespmem:s6+$0xFFFFFFC0] =	vst v22;
	v14 =	vld [tilespmem:s6+$0x30]  }
.LBB2_19:
0x23c: {  	p2 =	slt.u32 s29, $0x48;
	v20 =	vbroadcast v20, $0x0;
	v22 =	vmov s1;
	[tilespmem:s6+$0xFFFFFFD0] =	vst v19;
	v7 =	vmul.f32 v9, v7;
	v9 =	vld [tilespmem:s6+$0x40]  }
0x23d: {  	v16 =	vbroadcast v16, $0x0;
	v19 =	vshrl.u32 v22, $0x3;
	[tilespmem:s6+$0xFFFFFFE0] =	vst v21;
	v10 =	vmul.f32 v10, v6;
	v21 =	vld [tilespmem:s6+$0x50]  }
0x23e: {  	v17 =	vbroadcast v17, $0x0;
	v19 =	vshll.u32 v19, v1;
	[tilespmem:s6+$0xFFFFFFF0] =	vst v7;
	v6 =	vmul.f32 v11, v6;
	v11 =	vld [tilespmem:s6+$0x60]  }
0x23f: {  	v22 =	vld.idx.msk [tilespmem:v8+s24+$0x0], $0xffff;
	v8 =	vbroadcast v18, $0x0;
	v7 =	vadd.s32 $0x7, v19;
	[tilespmem:s6+$0x0] =	vst v10;
	v10 =	vmul.f32 v12, v5  }
0x240: {  	v12 =	vld.idx.msk [tilespmem:v13+s24+$0x0], $0xffff;
	v13 =	vbroadcast v7, $0x0;
	[tilespmem:s6+$0x10] =	vst v6;
	v5 =	vmul.f32 v14, v5  }
0x241: {  	v14 =	vld.idx.msk [tilespmem:v15+s24+$0x0], $0xffff;
	[tilespmem:s6+$0x20] =	vst v10;
	v9 =	vmul.f32 v9, v3  }
0x242: {  	v7 =	vld.idx.msk [tilespmem:v20+s24+$0x0], $0xffff;
	[tilespmem:s6+$0x30] =	vst v5;
	v3 =	vmul.f32 v21, v3  }
0x243: {  	v6 =	vld.idx.msk [tilespmem:v16+s24+$0x0], $0xffff;
	[tilespmem:s6+$0x40] =	vst v9;
	v4 =	vmul.f32 v11, v4  }
0x244: {  	v5 =	vld.idx.msk [tilespmem:v17+s24+$0x0], $0xffff;
	[tilespmem:s6+$0x50] =	vst v3  }
0x245: {  	v3 =	vld.idx.msk [tilespmem:v8+s24+$0x0], $0xffff;
	[tilespmem:s6+$0x60] =	vst v4  }
0x246: {  	v8 =	vmov s29;
	s6 =	sadd.s32 $0x100, s6;
	v4 =	vld.idx.msk [tilespmem:v13+s24+$0x0], $0xffff  }
0x247: {  	s1 =	sadd.s32 $0x1, s29;
	s11 =	sadd.s32 $0x2, s29;
	s17 =	sadd.s32 $0x3, s29;
	v8 =	vshrl.u32 v8, $0x3;
	v9 =	vld [tilespmem:s6+$0x70]  }
0x248: {  	v10 =	vmov s1;
	s1 =	sadd.s32 $0x4, s29;
	v11 =	vmov s11;
	s11 =	sadd.s32 $0x5, s29;
	v13 =	vmov s17;
	s17 =	sadd.s32 $0x6, s29;
	v15 =	vld [tilespmem:s6+$0xFFFFFF80]  }
0x249: {  	v16 =	vmov s1;
	v17 =	vmov s11;
	v18 =	vmov s17;
	v19 =	vld [tilespmem:s6+$0xFFFFFF90]  }
0x24a: {  	v10 =	vshrl.u32 v10, $0x3;
	v11 =	vshrl.u32 v11, $0x3;
	v8 =	vshll.u32 v8, v1;
	v20 =	vld [tilespmem:s6+$0xFFFFFFA0]  }
0x24b: {  	v16 =	vshrl.u32 v16, $0x3;
	v17 =	vshrl.u32 v17, $0x3;
	v13 =	vshrl.u32 v13, $0x3;
	v21 =	vld [tilespmem:s6+$0xFFFFFFB0]  }
0x24c: {  	v8 =	vbroadcast v8, $0x0;
	v18 =	vshrl.u32 v18, $0x3;
	v23 =	vld [tilespmem:s6+$0xFFFFFFC0];
	v9 =	vmul.f32 v9, v4  }
0x24d: {  	v10 =	vshll.u32 v10, v1;
	v11 =	vshll.u32 v11, v1;
	v15 =	vmul.f32 v15, v22;
	v24 =	vld [tilespmem:s6+$0xFFFFFFD0]  }
0x24e: {  	v16 =	vshll.u32 v16, v1;
	v13 =	vshll.u32 v13, v1;
	v19 =	vmul.f32 v19, v22;
	v22 =	vld [tilespmem:s6+$0xFFFFFFE0];
	[tilespmem:s6+$0x70] =	vst v9  }
.Ltmp8:
0x24f: {  	v17 =	vshll.u32 v17, v1;
	v18 =	vshll.u32 v18, v1;
	[tilespmem:s6+$0xFFFFFF80] =	vst v15;
	v15 =	vmul.f32 v20, v12;
	v9 =	vld [tilespmem:s6+$0xFFFFFFF0];
	(pc) =	sbr.rel @p2 .LBB2_19-.Ltmp8, $4  }
0x250: {  	v25 =	vadd.s32 $0x1, v10;
	v26 =	vadd.s32 $0x2, v11;
	[tilespmem:s6+$0xFFFFFF90] =	vst v19;
	v12 =	vmul.f32 v21, v12;
	v10 =	vld [tilespmem:s6+$0x0]  }
0x251: {  	v16 =	vadd.s32 $0x4, v16;
	v20 =	vadd.s32 $0x3, v13;
	[tilespmem:s6+$0xFFFFFFA0] =	vst v15;
	v21 =	vmul.f32 v23, v14;
	v11 =	vld [tilespmem:s6+$0x10]  }
0x252: {  	v17 =	vadd.s32 $0x5, v17;
	v13 =	vbroadcast v25, $0x0;
	[tilespmem:s6+$0xFFFFFFB0] =	vst v12;
	v19 =	vmul.f32 v24, v14;
	v12 =	vld [tilespmem:s6+$0x20]  }
0x253: {  	s1 =	sadd.s32 $0x7, s29;
	s29 =	sadd.s32 $0x8, s29;
	v18 =	vadd.s32 $0x6, v18;
	v15 =	vbroadcast v26, $0x0;
	[tilespmem:s6+$0xFFFFFFC0] =	vst v21;
	v21 =	vmul.f32 v22, v7;
	v14 =	vld [tilespmem:s6+$0x30]  }
0x254: {  	_ = 	snop  }
0x255: {  	v23 =	vld [tilespmem:s6+$0x40]  }
0x256: {  	v24 =	vld [tilespmem:s6+$0x50]  }
0x257: {  	v25 =	vld [tilespmem:s6+$0x60]  }
0x258: {  	v20 =	vbroadcast v20, $0x0;
	v8 =	vld.idx.msk [tilespmem:v8+s24+$0x0], $0xffff  }
0x259: {  	v16 =	vbroadcast v16, $0x0;
	v13 =	vld.idx.msk [tilespmem:v13+s24+$0x0], $0xffff  }
0x25a: {  	v17 =	vbroadcast v17, $0x0;
	s11 =	sadd.s32 $0x100, s6;
	v15 =	vld.idx.msk [tilespmem:v15+s24+$0x0], $0xffff;
	v10 =	vmul.f32 v10, v6  }
0x25b: {  	v6 =	vmul.f32 v11, v6;
	v11 =	vld [tilespmem:s11+$0x70]  }
0x25c: {  	v22 =	vmov s1;
	[tilespmem:s6+$0x0] =	vst v10;
	v10 =	vmul.f32 v12, v5;
	v12 =	vld [tilespmem:s11+$0xFFFFFF90]  }
0x25d: {  	v22 =	vshrl.u32 v22, $0x3;
	[tilespmem:s6+$0x10] =	vst v6;
	v6 =	vld [tilespmem:s11+$0xFFFFFF80]  }
0x25e: {  	v22 =	vshll.u32 v22, v1;
	v20 =	vld.idx.msk [tilespmem:v20+s24+$0x0], $0xffff  }
0x25f: {  	[tilespmem:s6+$0xFFFFFFD0] =	vst v19;
	v7 =	vmul.f32 v9, v7;
	v22 =	vadd.s32 $0x7, v22;
	v5 =	vmul.f32 v14, v5;
	v16 =	vld.idx.msk [tilespmem:v16+s24+$0x0], $0xffff  }
0x260: {  	v22 =	vbroadcast v22, $0x0;
	[tilespmem:s6+$0x20] =	vst v10;
	v10 =	vmul.f32 v23, v3;
	v9 =	vld.idx.msk [tilespmem:v17+s24+$0x0], $0xffff  }
0x261: {  	v3 =	vmul.f32 v24, v3;
	[tilespmem:s6+$0x30] =	vst v5;
	v5 =	vld [tilespmem:s11+$0xFFFFFFA0]  }
0x262: {  	v4 =	vmul.f32 v25, v4;
	[tilespmem:s6+$0x40] =	vst v10;
	v10 =	vld [tilespmem:s11+$0xFFFFFFB0]  }
0x263: {  	v18 =	vbroadcast v18, $0x0;
	[tilespmem:s6+$0x50] =	vst v3;
	v3 =	vld [tilespmem:s11+$0xFFFFFFC0]  }
0x264: {  	[tilespmem:s6+$0x60] =	vst v4;
	v4 =	vmul.f32 v6, v8;
	v6 =	vld [tilespmem:s11+$0xFFFFFFD0]  }
0x265: {  	[tilespmem:s6+$0xFFFFFFF0] =	vst v7;
	v8 =	vmul.f32 v12, v8;
	v12 =	vld [tilespmem:s11+$0xFFFFFFE0]  }
0x266: {  	v7 =	vld.idx.msk [tilespmem:v22+s24+$0x0], $0xffff;
	[tilespmem:s11+$0xFFFFFF80] =	vst v4;
	v4 =	vmul.f32 v5, v13  }
0x267: {  	v5 =	vld [tilespmem:s11+$0xFFFFFFF0];
	[tilespmem:s11+$0xFFFFFF90] =	vst v8;
	v8 =	vmul.f32 v10, v13  }
0x268: {  	v10 =	vld [tilespmem:s11+$0x0];
	v3 =	vmul.f32 v3, v15;
	[tilespmem:s11+$0xFFFFFFA0] =	vst v4  }
0x269: {  	v17 =	vld.idx.msk [tilespmem:v18+s24+$0x0], $0xffff;
	[tilespmem:s11+$0xFFFFFFB0] =	vst v8;
	v6 =	vmul.f32 v6, v15  }
0x26a: {  	v8 =	vld [tilespmem:s11+$0x20];
	[tilespmem:s11+$0xFFFFFFC0] =	vst v3;
	v3 =	vmul.f32 v12, v20  }
0x26b: {  	v4 =	vld [tilespmem:s11+$0x10];
	v11 =	vmul.f32 v11, v7;
	[tilespmem:s11+$0xFFFFFFD0] =	vst v6  }
0x26c: {  	v5 =	vmul.f32 v5, v20;
	v6 =	vld [tilespmem:s11+$0x40];
	[tilespmem:s11+$0xFFFFFFE0] =	vst v3  }
0x26d: {  	[tilespmem:s11+$0x70] =	vst v11;
	v11 =	vld [tilespmem:s11+$0x30];
	v3 =	vmul.f32 v10, v16  }
0x26e: {  	[tilespmem:s11+$0xFFFFFFF0] =	vst v5;
	v5 =	vld [tilespmem:s11+$0x60]  }
0x26f: {  	v10 =	vld [tilespmem:s11+$0x50];
	[tilespmem:s11+$0x0] =	vst v3;
	v3 =	vmul.f32 v8, v9  }
0x270: {  	[tilespmem:s6+$0xFFFFFFE0] =	vst v21;
	v4 =	vmul.f32 v4, v16  }
0x271: {  	[tilespmem:s11+$0x20] =	vst v3;
	v3 =	vmul.f32 v6, v17  }
0x272: {  	[tilespmem:s11+$0x10] =	vst v4;
	v4 =	vmul.f32 v11, v9  }
0x273: {  	[tilespmem:s11+$0x40] =	vst v3;
	v3 =	vmul.f32 v5, v7  }
0x274: {  	[tilespmem:s11+$0x30] =	vst v4;
	v4 =	vmul.f32 v10, v17  }
0x275: {  	[tilespmem:s11+$0x60] =	vst v3  }
0x276: {  	[tilespmem:s11+$0x50] =	vst v4  }
0x277: {  	[spmem:s10] =	stream.indirect.scatter.add.f32 [tilespmem:s21], [sflag:$0x8], $0x20, s5, s19, $0xb8;
	[tilespmem:$0x12490] =	vst v63  }
0x278: {  	v3 =	vld [tilespmem:s4+$0x4E30]  }
0x279: {  	v4 =	vld [tilespmem:s4+$0x7540]  }
0x27a: {  	v5 =	vld [tilespmem:s2+$0x4F30]  }
0x27b: {  	v6 =	vld [tilespmem:s2+$0x7640]  }
0x27c: {  	v7 =	vld [tilespmem:s2+$0x4F40]  }
0x27d: {  	v8 =	vld [tilespmem:s2+$0x7650]  }
0x27e: {  	v9 =	vld [tilespmem:s2+$0x4F50]  }
0x27f: {  	v10 =	vld [tilespmem:s2+$0x7660]  }
0x280: {  	v11 =	vld [tilespmem:s2+$0x4F60]  }
0x281: {  	s17 =	simm.s32 $0x0;
	v12 =	vld [tilespmem:s2+$0x7670]  }
0x282: {  	v3 =	vld.idx.msk [tilespmem:v3+s17+$0x0], $0xffff  }
0x283: {  	v4 =	vld.idx.msk [tilespmem:v4+s7+$0x0], $0xffff  }
0x284: {  	v5 =	vld.idx.msk [tilespmem:v5+s17+$0x0], $0xffff  }
0x285: {  	v6 =	vld.idx.msk [tilespmem:v6+s7+$0x0], $0xffff  }
0x286: {  	v7 =	vld.idx.msk [tilespmem:v7+s17+$0x0], $0xffff  }
0x287: {  	v8 =	vld.idx.msk [tilespmem:v8+s7+$0x0], $0xffff  }
0x288: {  	v9 =	vld.idx.msk [tilespmem:v9+s17+$0x0], $0xffff  }
0x289: {  	v10 =	vld.idx.msk [tilespmem:v10+s7+$0x0], $0xffff  }
0x28a: {  	v11 =	vld.idx.msk [tilespmem:v11+s17+$0x0], $0xffff  }
0x28b: {  	v12 =	vld.idx.msk [tilespmem:v12+s7+$0x0], $0xffff  }
0x28c: {  	v3 =	vadd.f32 v4, v3  }
0x28d: {  	v4 =	vadd.f32 v6, v5  }
0x28e: {  	v6 =	vadd.f32 v8, v7;
	v5 =	vmul.f32 $2.000000030e-01, v3  }
0x28f: {  	v8 =	vadd.f32 v10, v9;
	v7 =	vmul.f32 $2.000000030e-01, v4  }
0x290: {  	v9 =	vadd.f32 v12, v11;
	v3 =	vmax.f32 v3, v5;
	v5 =	vmul.f32 $2.000000030e-01, v6  }
0x291: {  	v4 =	vmax.f32 v4, v7;
	v7 =	vmul.f32 $2.000000030e-01, v8;
	v3 =	vsub.f32 v3, v2  }
0x292: {  	v4 =	vsub.f32 v4, v2;
	v5 =	vmax.f32 v6, v5;
	v6 =	vmul.f32 $2.000000030e-01, v9  }
0x293: {  	v7 =	vmax.f32 v8, v7;
	v3 =	vmul.f32 $1.442695020e+00, v3;
	v5 =	vsub.f32 v5, v2  }
0x294: {  	v4 =	vmul.f32 $1.442695020e+00, v4;
	v7 =	vsub.f32 v7, v2;
	v6 =	vmax.f32 v9, v6  }
0x295: {  	(erf) = vpow2.f32 v3;
	v3 =	vmul.f32 $1.442695020e+00, v5;
	v5 =	vsub.f32 v6, v2  }
0x296: {  	(erf) = vpow2.f32 v4;
	v4 =	vmul.f32 $1.442695020e+00, v7  }
0x297: {  	(erf) = vpow2.f32 v3;
	v3 =	vmul.f32 $1.442695020e+00, v5  }
0x298: {  	(erf) = vpow2.f32 v4  }
0x299: {  	(erf) = vpow2.f32 v3;
	_ =	sdelay $0x1  }
0x29a: {  	s31 =	simm.s32 $0x3  }
0x29b: {  	s30 =	simm.s32 $0x2;
	s11 =	simm.s32 $0x4;
	v6 =	vmov s31  }
0x29c: {  	s29 =	simm.s32 $0x1;
	v7 =	vmov s11;
	v6 =	vshrl.u32 v6, $0x3;
	v5 =	vmov s30  }
0x29d: {  	v6 =	vshll.u32 v6, v1;
	v4 =	vmov s29;
	v3 =	vmov s17;
	v10 =	vpop (erf)  }
0x29e: {  	v5 =	vshrl.u32 v5, $0x3;
	v4 =	vshrl.u32 v4, $0x3;
	v3 =	vshrl.u32 v3, $0x3;
	v11 =	vpop (erf);
	[tilespmem:$0xA420] =	vst v10  }
0x29f: {  	s17 =	simm.s32 $0x5;
	v5 =	vshll.u32 v5, v1;
	v4 =	vshll.u32 v4, v1;
	v3 =	vshll.u32 v3, v1;
	v10 =	vpop (erf);
	[tilespmem:$0xA430] =	vst v11  }
0x2a0: {  	v8 =	vmov s17;
	v4 =	vadd.s32 $0x1, v4;
	v3 =	vbroadcast v3, $0x0;
	v11 =	vpop (erf);
	[tilespmem:$0xA440] =	vst v10  }
0x2a1: {  	v5 =	vadd.s32 $0x2, v5;
	v8 =	vshrl.u32 v8, $0x3;
	v4 =	vbroadcast v4, $0x0;
	[tilespmem:$0xA450] =	vst v11;
	v10 =	vpop (erf)  }
0x2a2: {  	v6 =	vadd.s32 $0x3, v6;
	v5 =	vbroadcast v5, $0x0;
	v8 =	vshll.u32 v8, v1;
	[tilespmem:$0xA460] =	vst v10  }
0x2a3: {  	v7 =	vshrl.u32 v7, $0x3;
	v6 =	vbroadcast v6, $0x0;
	v8 =	vadd.s32 $0x5, v8;
	_ =	swait.ge [sflag:s26], $0xA00  }
0x2a4: {  	s30 =	simm.s32 $0x7;
	v7 =	vshll.u32 v7, v1;
	v8 =	vbroadcast v8, $0x0;
	[sflag:s26] =	ssyncset.done $0x0  }
0x2a5: {  	v7 =	vadd.s32 $0x4, v7;
	v10 =	vmov s30;
	[sflag:s26] =	ssyncadd.s32 $0xFFFFF600  }
0x2a6: {  	s29 =	simm.s32 $0x6;
	v11 =	vbroadcast v7, $0x0;
	v7 =	vshrl.u32 v10, $0x3;
	v10 =	vld.idx.msk [tilespmem:v3+s24+$0x0], $0xffff  }
0x2a7: {  	v9 =	vmov s29;
	v7 =	vshll.u32 v7, v1;
	v12 =	vld.idx.msk [tilespmem:v4+s24+$0x0], $0xffff  }
0x2a8: {  	v9 =	vshrl.u32 v9, $0x3;
	v7 =	vadd.s32 $0x7, v7;
	v14 =	vld.idx.msk [tilespmem:v5+s24+$0x0], $0xffff  }
0x2a9: {  	v9 =	vshll.u32 v9, v1;
	v4 =	vbroadcast v7, $0x0;
	v7 =	vld.idx.msk [tilespmem:v6+s24+$0x0], $0xffff  }
0x2aa: {  	s5 =	simm.s32 $0xC2F0;
	v9 =	vadd.s32 $0x6, v9;
	v5 =	vld.idx.msk [tilespmem:v8+s24+$0x0], $0xffff  }
0x2ab: {  	v3 =	vbroadcast v9, $0x0;
	v9 =	vld [tilespmem:s5+$0x70]  }
0x2ac: {  	s11 =	simm.s32 $0xB;
	v16 =	vld [tilespmem:s5+$0xFFFFFF80]  }
0x2ad: {  	v15 =	vmov s11;
	v20 =	vld [tilespmem:s5+$0xFFFFFF90]  }
0x2ae: {  	v15 =	vshrl.u32 v15, $0x3;
	s29 =	simm.s32 $0xC;
	s17 =	simm.s32 $0xA;
	v21 =	vld [tilespmem:s5+$0xFFFFFFA0]  }
0x2af: {  	s31 =	simm.s32 $0x8;
	v15 =	vshll.u32 v15, v1;
	v17 =	vmov s29;
	v13 =	vmov s17;
	v4 =	vld.idx.msk [tilespmem:v4+s24+$0x0], $0xffff  }
0x2b0: {  	v17 =	vshrl.u32 v17, $0x3;
	v13 =	vshrl.u32 v13, $0x3;
	v8 =	vmov s31;
	v22 =	vld [tilespmem:s5+$0xFFFFFFB0]  }
0x2b1: {  	s6 =	simm.s32 $0x9;
	v17 =	vshll.u32 v17, v1;
	v13 =	vshll.u32 v13, v1;
	s31 =	simm.s32 $0xE;
	v23 =	vld [tilespmem:s5+$0xFFFFFFC0];
	v8 =	vshrl.u32 v8, $0x3  }
0x2b2: {  	v6 =	vld.idx.msk [tilespmem:v11+s24+$0x0], $0xffff;
	v11 =	vmov s6;
	v19 =	vmov s31;
	v8 =	vshll.u32 v8, v1  }
0x2b3: {  	v62 =	vld [tilespmem:s5+$0xFFFFFFD0];
	v11 =	vshrl.u32 v11, $0x3;
	v19 =	vshrl.u32 v19, $0x3;
	v16 =	vmul.f32 v16, v10  }
0x2b4: {  	v63 =	vld [tilespmem:s5+$0xFFFFFFE0];
	v11 =	vshll.u32 v11, v1;
	v26 =	vshll.u32 v19, v1;
	v9 =	vmul.f32 v9, v4  }
0x2b5: {  	s30 =	simm.s32 $0xD;
	v10 =	vmul.f32 v20, v10;
	v19 =	vmul.f32 v21, v12;
	v21 =	vadd.s32 $0x1, v11;
	v11 =	vld [tilespmem:s5+$0x10];
	[tilespmem:s5+$0xFFFFFF80] =	vst v16  }
0x2b6: {  	v27 =	vadd.s32 $0x2, v13;
	v18 =	vmov s30;
	v8 =	vbroadcast v8, $0x0;
	[tilespmem:s5+$0x70] =	vst v9;
	v9 =	vld [tilespmem:s5+$0xFFFFFFF0]  }
0x2b7: {  	v18 =	vshrl.u32 v18, $0x3;
	v12 =	vmul.f32 v22, v12;
	v22 =	vmul.f32 v23, v14;
	[tilespmem:s5+$0xFFFFFF90] =	vst v10;
	v10 =	vld [tilespmem:s5+$0x0]  }
0x2b8: {  	v20 =	vadd.s32 $0x3, v15;
	v15 =	vbroadcast v27, $0x0;
	v3 =	vld.idx.msk [tilespmem:v3+s24+$0x0], $0xffff;
	v13 =	vbroadcast v21, $0x0;
	[tilespmem:s5+$0xFFFFFFA0] =	vst v19  }
0x2b9: {  	v18 =	vshll.u32 v18, v1;
	v21 =	vmul.f32 v63, v7;
	[tilespmem:s5+$0xFFFFFFB0] =	vst v12;
	v19 =	vmul.f32 v62, v14;
	v12 =	vld [tilespmem:s5+$0x20]  }
0x2ba: {  	s1 =	simm.s32 $0xF;
	s4 =	sadd.s32 $0x7540, s4;
	s6 =	simm.s32 $0x10;
	v16 =	vadd.s32 $0x4, v17;
	v17 =	vadd.s32 $0x5, v18;
	v18 =	vadd.s32 $0x6, v26;
	[tilespmem:s5+$0xFFFFFFC0] =	vst v22;
	v14 =	vld [tilespmem:s5+$0x30]  }
.LBB2_21:
0x2bb: {  	p2 =	slt.u32 s6, $0x48;
	v20 =	vbroadcast v20, $0x0;
	v22 =	vmov s1;
	[tilespmem:s5+$0xFFFFFFD0] =	vst v19;
	v7 =	vmul.f32 v9, v7;
	v9 =	vld [tilespmem:s5+$0x40]  }
0x2bc: {  	v16 =	vbroadcast v16, $0x0;
	v19 =	vshrl.u32 v22, $0x3;
	[tilespmem:s5+$0xFFFFFFE0] =	vst v21;
	v10 =	vmul.f32 v10, v6;
	v21 =	vld [tilespmem:s5+$0x50]  }
0x2bd: {  	v17 =	vbroadcast v17, $0x0;
	v19 =	vshll.u32 v19, v1;
	[tilespmem:s5+$0xFFFFFFF0] =	vst v7;
	v6 =	vmul.f32 v11, v6;
	v11 =	vld [tilespmem:s5+$0x60]  }
0x2be: {  	v22 =	vld.idx.msk [tilespmem:v8+s24+$0x0], $0xffff;
	v8 =	vbroadcast v18, $0x0;
	v7 =	vadd.s32 $0x7, v19;
	[tilespmem:s5+$0x0] =	vst v10;
	v10 =	vmul.f32 v12, v5  }
0x2bf: {  	v12 =	vld.idx.msk [tilespmem:v13+s24+$0x0], $0xffff;
	v13 =	vbroadcast v7, $0x0;
	[tilespmem:s5+$0x10] =	vst v6;
	v5 =	vmul.f32 v14, v5  }
0x2c0: {  	v14 =	vld.idx.msk [tilespmem:v15+s24+$0x0], $0xffff;
	[tilespmem:s5+$0x20] =	vst v10;
	v9 =	vmul.f32 v9, v3  }
0x2c1: {  	v7 =	vld.idx.msk [tilespmem:v20+s24+$0x0], $0xffff;
	[tilespmem:s5+$0x30] =	vst v5;
	v3 =	vmul.f32 v21, v3  }
0x2c2: {  	v6 =	vld.idx.msk [tilespmem:v16+s24+$0x0], $0xffff;
	[tilespmem:s5+$0x40] =	vst v9;
	v4 =	vmul.f32 v11, v4  }
0x2c3: {  	v5 =	vld.idx.msk [tilespmem:v17+s24+$0x0], $0xffff;
	[tilespmem:s5+$0x50] =	vst v3  }
0x2c4: {  	v3 =	vld.idx.msk [tilespmem:v8+s24+$0x0], $0xffff;
	[tilespmem:s5+$0x60] =	vst v4  }
0x2c5: {  	v8 =	vmov s6;
	s5 =	sadd.s32 $0x100, s5;
	v4 =	vld.idx.msk [tilespmem:v13+s24+$0x0], $0xffff  }
0x2c6: {  	s1 =	sadd.s32 $0x1, s6;
	s11 =	sadd.s32 $0x2, s6;
	s17 =	sadd.s32 $0x3, s6;
	v8 =	vshrl.u32 v8, $0x3;
	v9 =	vld [tilespmem:s5+$0x70]  }
0x2c7: {  	v10 =	vmov s1;
	s1 =	sadd.s32 $0x4, s6;
	v11 =	vmov s11;
	s11 =	sadd.s32 $0x5, s6;
	v13 =	vmov s17;
	s17 =	sadd.s32 $0x6, s6;
	v15 =	vld [tilespmem:s5+$0xFFFFFF80]  }
0x2c8: {  	v16 =	vmov s1;
	v17 =	vmov s11;
	v18 =	vmov s17;
	v19 =	vld [tilespmem:s5+$0xFFFFFF90]  }
0x2c9: {  	v10 =	vshrl.u32 v10, $0x3;
	v11 =	vshrl.u32 v11, $0x3;
	v8 =	vshll.u32 v8, v1;
	v20 =	vld [tilespmem:s5+$0xFFFFFFA0]  }
0x2ca: {  	v16 =	vshrl.u32 v16, $0x3;
	v17 =	vshrl.u32 v17, $0x3;
	v13 =	vshrl.u32 v13, $0x3;
	v21 =	vld [tilespmem:s5+$0xFFFFFFB0]  }
0x2cb: {  	v8 =	vbroadcast v8, $0x0;
	v18 =	vshrl.u32 v18, $0x3;
	v23 =	vld [tilespmem:s5+$0xFFFFFFC0];
	v9 =	vmul.f32 v9, v4  }
0x2cc: {  	v10 =	vshll.u32 v10, v1;
	v11 =	vshll.u32 v11, v1;
	v15 =	vmul.f32 v15, v22;
	v24 =	vld [tilespmem:s5+$0xFFFFFFD0]  }
0x2cd: {  	v16 =	vshll.u32 v16, v1;
	v13 =	vshll.u32 v13, v1;
	v19 =	vmul.f32 v19, v22;
	v22 =	vld [tilespmem:s5+$0xFFFFFFE0];
	[tilespmem:s5+$0x70] =	vst v9  }
.Ltmp9:
0x2ce: {  	v17 =	vshll.u32 v17, v1;
	v18 =	vshll.u32 v18, v1;
	[tilespmem:s5+$0xFFFFFF80] =	vst v15;
	v15 =	vmul.f32 v20, v12;
	v9 =	vld [tilespmem:s5+$0xFFFFFFF0];
	(pc) =	sbr.rel @p2 .LBB2_21-.Ltmp9, $4  }
0x2cf: {  	v25 =	vadd.s32 $0x1, v10;
	v26 =	vadd.s32 $0x2, v11;
	[tilespmem:s5+$0xFFFFFF90] =	vst v19;
	v12 =	vmul.f32 v21, v12;
	v10 =	vld [tilespmem:s5+$0x0]  }
0x2d0: {  	v16 =	vadd.s32 $0x4, v16;
	v20 =	vadd.s32 $0x3, v13;
	[tilespmem:s5+$0xFFFFFFA0] =	vst v15;
	v21 =	vmul.f32 v23, v14;
	v11 =	vld [tilespmem:s5+$0x10]  }
0x2d1: {  	v17 =	vadd.s32 $0x5, v17;
	v13 =	vbroadcast v25, $0x0;
	[tilespmem:s5+$0xFFFFFFB0] =	vst v12;
	v19 =	vmul.f32 v24, v14;
	v12 =	vld [tilespmem:s5+$0x20]  }
0x2d2: {  	s1 =	sadd.s32 $0x7, s6;
	s6 =	sadd.s32 $0x8, s6;
	v18 =	vadd.s32 $0x6, v18;
	v15 =	vbroadcast v26, $0x0;
	[tilespmem:s5+$0xFFFFFFC0] =	vst v21;
	v21 =	vmul.f32 v22, v7;
	v14 =	vld [tilespmem:s5+$0x30]  }
0x2d3: {  	_ = 	snop  }
0x2d4: {  	v23 =	vld [tilespmem:s5+$0x40]  }
0x2d5: {  	v24 =	vld [tilespmem:s5+$0x50]  }
0x2d6: {  	v25 =	vld [tilespmem:s5+$0x60]  }
0x2d7: {  	v20 =	vbroadcast v20, $0x0;
	v8 =	vld.idx.msk [tilespmem:v8+s24+$0x0], $0xffff  }
0x2d8: {  	v16 =	vbroadcast v16, $0x0;
	v13 =	vld.idx.msk [tilespmem:v13+s24+$0x0], $0xffff  }
0x2d9: {  	v17 =	vbroadcast v17, $0x0;
	s31 =	sadd.s32 $0x100, s5;
	v15 =	vld.idx.msk [tilespmem:v15+s24+$0x0], $0xffff;
	v10 =	vmul.f32 v10, v6  }
0x2da: {  	v6 =	vmul.f32 v11, v6;
	v11 =	vld [tilespmem:s31+$0x70]  }
0x2db: {  	v22 =	vmov s1;
	[tilespmem:s5+$0x0] =	vst v10;
	v10 =	vmul.f32 v12, v5;
	v12 =	vld [tilespmem:s31+$0xFFFFFF90]  }
0x2dc: {  	v22 =	vshrl.u32 v22, $0x3;
	[tilespmem:s5+$0x10] =	vst v6;
	v6 =	vld [tilespmem:s31+$0xFFFFFF80]  }
0x2dd: {  	v22 =	vshll.u32 v22, v1;
	v20 =	vld.idx.msk [tilespmem:v20+s24+$0x0], $0xffff  }
0x2de: {  	[tilespmem:s5+$0xFFFFFFD0] =	vst v19;
	v7 =	vmul.f32 v9, v7;
	v22 =	vadd.s32 $0x7, v22;
	v5 =	vmul.f32 v14, v5;
	v16 =	vld.idx.msk [tilespmem:v16+s24+$0x0], $0xffff  }
0x2df: {  	v22 =	vbroadcast v22, $0x0;
	[tilespmem:s5+$0x20] =	vst v10;
	v10 =	vmul.f32 v23, v3;
	v9 =	vld.idx.msk [tilespmem:v17+s24+$0x0], $0xffff  }
0x2e0: {  	v3 =	vmul.f32 v24, v3;
	[tilespmem:s5+$0x30] =	vst v5;
	v5 =	vld [tilespmem:s31+$0xFFFFFFA0]  }
0x2e1: {  	v4 =	vmul.f32 v25, v4;
	[tilespmem:s5+$0x40] =	vst v10;
	v10 =	vld [tilespmem:s31+$0xFFFFFFB0]  }
0x2e2: {  	v18 =	vbroadcast v18, $0x0;
	[tilespmem:s5+$0x50] =	vst v3;
	v3 =	vld [tilespmem:s31+$0xFFFFFFC0]  }
0x2e3: {  	[tilespmem:s5+$0x60] =	vst v4;
	v4 =	vmul.f32 v6, v8;
	v6 =	vld [tilespmem:s31+$0xFFFFFFD0]  }
0x2e4: {  	[tilespmem:s5+$0xFFFFFFF0] =	vst v7;
	v8 =	vmul.f32 v12, v8;
	v12 =	vld [tilespmem:s31+$0xFFFFFFE0]  }
0x2e5: {  	v7 =	vld.idx.msk [tilespmem:v22+s24+$0x0], $0xffff;
	[tilespmem:s31+$0xFFFFFF80] =	vst v4;
	v4 =	vmul.f32 v5, v13  }
0x2e6: {  	v5 =	vld [tilespmem:s31+$0xFFFFFFF0];
	[tilespmem:s31+$0xFFFFFF90] =	vst v8;
	v8 =	vmul.f32 v10, v13  }
0x2e7: {  	v10 =	vld [tilespmem:s31+$0x0];
	v3 =	vmul.f32 v3, v15;
	[tilespmem:s31+$0xFFFFFFA0] =	vst v4  }
0x2e8: {  	v17 =	vld.idx.msk [tilespmem:v18+s24+$0x0], $0xffff;
	[tilespmem:s31+$0xFFFFFFB0] =	vst v8;
	v6 =	vmul.f32 v6, v15  }
0x2e9: {  	v8 =	vld [tilespmem:s31+$0x20];
	[tilespmem:s31+$0xFFFFFFC0] =	vst v3;
	v3 =	vmul.f32 v12, v20  }
0x2ea: {  	v4 =	vld [tilespmem:s31+$0x10];
	v11 =	vmul.f32 v11, v7;
	[tilespmem:s31+$0xFFFFFFD0] =	vst v6  }
0x2eb: {  	v5 =	vmul.f32 v5, v20;
	v6 =	vld [tilespmem:s31+$0x40];
	[tilespmem:s31+$0xFFFFFFE0] =	vst v3  }
0x2ec: {  	[tilespmem:s31+$0x70] =	vst v11;
	v11 =	vld [tilespmem:s31+$0x30];
	v3 =	vmul.f32 v10, v16  }
0x2ed: {  	[tilespmem:s31+$0xFFFFFFF0] =	vst v5;
	v5 =	vld [tilespmem:s31+$0x60]  }
0x2ee: {  	v10 =	vld [tilespmem:s31+$0x50];
	[tilespmem:s31+$0x0] =	vst v3;
	v3 =	vmul.f32 v8, v9  }
0x2ef: {  	[tilespmem:s5+$0xFFFFFFE0] =	vst v21;
	v4 =	vmul.f32 v4, v16  }
0x2f0: {  	[tilespmem:s31+$0x20] =	vst v3;
	v3 =	vmul.f32 v6, v17  }
0x2f1: {  	[tilespmem:s31+$0x10] =	vst v4;
	v4 =	vmul.f32 v11, v9  }
0x2f2: {  	[tilespmem:s31+$0x40] =	vst v3;
	v3 =	vmul.f32 v5, v7  }
0x2f3: {  	[tilespmem:s31+$0x30] =	vst v4;
	v4 =	vmul.f32 v10, v17  }
0x2f4: {  	[tilespmem:s31+$0x60] =	vst v3  }
0x2f5: {  	[tilespmem:s31+$0x50] =	vst v4  }
0x2f6: {  	[spmem:s10] =	stream.indirect.scatter.add.f32 [tilespmem:s22], [sflag:$0x9], $0x20, s4, s19, $0xb8;
	[tilespmem:$0x12490] =	vst v63  }
0x2f7: {  	v3 =	vld [tilespmem:s3+$0x4E30]  }
0x2f8: {  	v4 =	vld [tilespmem:s3+$0x7540]  }
0x2f9: {  	v5 =	vld [tilespmem:s2+$0x4F80]  }
0x2fa: {  	v6 =	vld [tilespmem:s2+$0x7690]  }
0x2fb: {  	v7 =	vld [tilespmem:s2+$0x4F90]  }
0x2fc: {  	v8 =	vld [tilespmem:s2+$0x76A0]  }
0x2fd: {  	v9 =	vld [tilespmem:s2+$0x4FA0]  }
0x2fe: {  	v10 =	vld [tilespmem:s2+$0x76B0]  }
0x2ff: {  	v11 =	vld [tilespmem:s2+$0x4FB0]  }
0x300: {  	s5 =	simm.s32 $0x0;
	v12 =	vld [tilespmem:s2+$0x76C0]  }
0x301: {  	v3 =	vld.idx.msk [tilespmem:v3+s5+$0x0], $0xffff  }
0x302: {  	v4 =	vld.idx.msk [tilespmem:v4+s7+$0x0], $0xffff  }
0x303: {  	v5 =	vld.idx.msk [tilespmem:v5+s5+$0x0], $0xffff  }
0x304: {  	v6 =	vld.idx.msk [tilespmem:v6+s7+$0x0], $0xffff  }
0x305: {  	v7 =	vld.idx.msk [tilespmem:v7+s5+$0x0], $0xffff  }
0x306: {  	v8 =	vld.idx.msk [tilespmem:v8+s7+$0x0], $0xffff  }
0x307: {  	v9 =	vld.idx.msk [tilespmem:v9+s5+$0x0], $0xffff  }
0x308: {  	v10 =	vld.idx.msk [tilespmem:v10+s7+$0x0], $0xffff  }
0x309: {  	v11 =	vld.idx.msk [tilespmem:v11+s5+$0x0], $0xffff  }
0x30a: {  	v12 =	vld.idx.msk [tilespmem:v12+s7+$0x0], $0xffff  }
0x30b: {  	v3 =	vadd.f32 v4, v3  }
0x30c: {  	v4 =	vadd.f32 v6, v5  }
0x30d: {  	v6 =	vadd.f32 v8, v7;
	v5 =	vmul.f32 $2.000000030e-01, v3  }
0x30e: {  	v8 =	vadd.f32 v10, v9;
	v7 =	vmul.f32 $2.000000030e-01, v4  }
0x30f: {  	v9 =	vadd.f32 v12, v11;
	v3 =	vmax.f32 v3, v5;
	v5 =	vmul.f32 $2.000000030e-01, v6  }
0x310: {  	v4 =	vmax.f32 v4, v7;
	v7 =	vmul.f32 $2.000000030e-01, v8;
	v3 =	vsub.f32 v3, v2  }
0x311: {  	v4 =	vsub.f32 v4, v2;
	v5 =	vmax.f32 v6, v5;
	v6 =	vmul.f32 $2.000000030e-01, v9  }
0x312: {  	v7 =	vmax.f32 v8, v7;
	v3 =	vmul.f32 $1.442695020e+00, v3;
	v5 =	vsub.f32 v5, v2  }
0x313: {  	v4 =	vmul.f32 $1.442695020e+00, v4;
	v7 =	vsub.f32 v7, v2;
	v6 =	vmax.f32 v9, v6  }
0x314: {  	(erf) = vpow2.f32 v3;
	v3 =	vmul.f32 $1.442695020e+00, v5;
	v5 =	vsub.f32 v6, v2  }
0x315: {  	(erf) = vpow2.f32 v4;
	v4 =	vmul.f32 $1.442695020e+00, v7  }
0x316: {  	(erf) = vpow2.f32 v3;
	v3 =	vmul.f32 $1.442695020e+00, v5  }
0x317: {  	(erf) = vpow2.f32 v4  }
0x318: {  	(erf) = vpow2.f32 v3  }
0x319: {  	s30 =	simm.s32 $0x5  }
0x31a: {  	v8 =	vmov s30  }
0x31b: {  	s17 =	simm.s32 $0x3;
	v8 =	vshrl.u32 v8, $0x3  }
0x31c: {  	s6 =	simm.s32 $0x1;
	v8 =	vshll.u32 v8, v1;
	v6 =	vmov s17  }
0x31d: {  	s11 =	simm.s32 $0x2;
	v6 =	vshrl.u32 v6, $0x3;
	v4 =	vmov s6;
	v3 =	vmov s5;
	v10 =	vpop (erf)  }
0x31e: {  	v5 =	vmov s11;
	v4 =	vshrl.u32 v4, $0x3;
	v3 =	vshrl.u32 v3, $0x3;
	v11 =	vpop (erf);
	[tilespmem:$0xA420] =	vst v10  }
0x31f: {  	v5 =	vshrl.u32 v5, $0x3;
	v4 =	vshll.u32 v4, v1;
	v3 =	vshll.u32 v3, v1;
	v10 =	vpop (erf);
	[tilespmem:$0xA430] =	vst v11  }
0x320: {  	v5 =	vshll.u32 v5, v1;
	v4 =	vadd.s32 $0x1, v4;
	v3 =	vbroadcast v3, $0x0;
	v11 =	vpop (erf);
	[tilespmem:$0xA440] =	vst v10  }
0x321: {  	s29 =	simm.s32 $0x4;
	v6 =	vshll.u32 v6, v1;
	v5 =	vadd.s32 $0x2, v5;
	v4 =	vbroadcast v4, $0x0;
	[tilespmem:$0xA450] =	vst v11;
	v10 =	vpop (erf)  }
0x322: {  	v7 =	vmov s29;
	v6 =	vadd.s32 $0x3, v6;
	v5 =	vbroadcast v5, $0x0;
	[tilespmem:$0xA460] =	vst v10  }
0x323: {  	v8 =	vadd.s32 $0x5, v8;
	v7 =	vshrl.u32 v7, $0x3;
	v6 =	vbroadcast v6, $0x0;
	_ =	swait.ge [sflag:s28], $0xA00  }
0x324: {  	s4 =	simm.s32 $0x7;
	v8 =	vbroadcast v8, $0x0;
	v7 =	vshll.u32 v7, v1;
	[sflag:s28] =	ssyncset.done $0x0  }
0x325: {  	v7 =	vadd.s32 $0x4, v7;
	v10 =	vmov s4;
	[sflag:s28] =	ssyncadd.s32 $0xFFFFF600  }
0x326: {  	s31 =	simm.s32 $0x6;
	v11 =	vbroadcast v7, $0x0;
	v7 =	vshrl.u32 v10, $0x3;
	v10 =	vld.idx.msk [tilespmem:v3+s24+$0x0], $0xffff  }
0x327: {  	v9 =	vmov s31;
	v7 =	vshll.u32 v7, v1;
	v12 =	vld.idx.msk [tilespmem:v4+s24+$0x0], $0xffff  }
0x328: {  	v9 =	vshrl.u32 v9, $0x3;
	v7 =	vadd.s32 $0x7, v7;
	v14 =	vld.idx.msk [tilespmem:v5+s24+$0x0], $0xffff  }
0x329: {  	v9 =	vshll.u32 v9, v1;
	v4 =	vbroadcast v7, $0x0;
	v7 =	vld.idx.msk [tilespmem:v6+s24+$0x0], $0xffff  }
0x32a: {  	s2 =	simm.s32 $0xCCF0;
	v9 =	vadd.s32 $0x6, v9;
	v5 =	vld.idx.msk [tilespmem:v8+s24+$0x0], $0xffff  }
0x32b: {  	v3 =	vbroadcast v9, $0x0;
	v9 =	vld [tilespmem:s2+$0x70]  }
0x32c: {  	s30 =	simm.s32 $0xD;
	v16 =	vld [tilespmem:s2+$0xFFFFFF80]  }
0x32d: {  	v18 =	vmov s30;
	v20 =	vld [tilespmem:s2+$0xFFFFFF90]  }
0x32e: {  	s31 =	simm.s32 $0xE;
	v18 =	vshrl.u32 v18, $0x3;
	s17 =	simm.s32 $0xB;
	v21 =	vld [tilespmem:s2+$0xFFFFFFA0]  }
0x32f: {  	v19 =	vmov s31;
	v18 =	vshll.u32 v18, v1;
	v15 =	vmov s17;
	s29 =	simm.s32 $0xC;
	v4 =	vld.idx.msk [tilespmem:v4+s24+$0x0], $0xffff  }
0x330: {  	v19 =	vshrl.u32 v19, $0x3;
	s11 =	simm.s32 $0xA;
	v17 =	vmov s29;
	v15 =	vshrl.u32 v15, $0x3;
	v22 =	vld [tilespmem:s2+$0xFFFFFFB0]  }
0x331: {  	v26 =	vshll.u32 v19, v1;
	s6 =	simm.s32 $0x9;
	v13 =	vmov s11;
	v17 =	vshrl.u32 v17, $0x3;
	s5 =	simm.s32 $0x8;
	v23 =	vld [tilespmem:s2+$0xFFFFFFC0]  }
0x332: {  	v13 =	vshrl.u32 v13, $0x3;
	v8 =	vmov s5;
	v6 =	vld.idx.msk [tilespmem:v11+s24+$0x0], $0xffff;
	v11 =	vmov s6  }
0x333: {  	v62 =	vld [tilespmem:s2+$0xFFFFFFD0];
	v8 =	vshrl.u32 v8, $0x3;
	v11 =	vshrl.u32 v11, $0x3;
	v16 =	vmul.f32 v16, v10  }
0x334: {  	v63 =	vld [tilespmem:s2+$0xFFFFFFE0];
	v8 =	vshll.u32 v8, v1;
	v11 =	vshll.u32 v11, v1;
	v9 =	vmul.f32 v9, v4  }
0x335: {  	v10 =	vmul.f32 v20, v10;
	v19 =	vmul.f32 v21, v12;
	v21 =	vadd.s32 $0x1, v11;
	v11 =	vld [tilespmem:s2+$0x10];
	[tilespmem:s2+$0xFFFFFF80] =	vst v16  }
0x336: {  	v15 =	vshll.u32 v15, v1;
	v13 =	vshll.u32 v13, v1;
	v8 =	vbroadcast v8, $0x0;
	[tilespmem:s2+$0x70] =	vst v9;
	v9 =	vld [tilespmem:s2+$0xFFFFFFF0]  }
0x337: {  	v27 =	vadd.s32 $0x2, v13;
	v12 =	vmul.f32 v22, v12;
	v22 =	vmul.f32 v23, v14;
	[tilespmem:s2+$0xFFFFFF90] =	vst v10;
	v10 =	vld [tilespmem:s2+$0x0]  }
0x338: {  	v20 =	vadd.s32 $0x3, v15;
	v15 =	vbroadcast v27, $0x0;
	v3 =	vld.idx.msk [tilespmem:v3+s24+$0x0], $0xffff;
	v13 =	vbroadcast v21, $0x0;
	[tilespmem:s2+$0xFFFFFFA0] =	vst v19  }
0x339: {  	v17 =	vshll.u32 v17, v1;
	v21 =	vmul.f32 v63, v7;
	[tilespmem:s2+$0xFFFFFFB0] =	vst v12;
	v19 =	vmul.f32 v62, v14;
	v12 =	vld [tilespmem:s2+$0x20]  }
0x33a: {  	s1 =	simm.s32 $0xF;
	s3 =	sadd.s32 $0x7540, s3;
	s4 =	simm.s32 $0x10;
	v16 =	vadd.s32 $0x4, v17;
	v17 =	vadd.s32 $0x5, v18;
	v18 =	vadd.s32 $0x6, v26;
	[tilespmem:s2+$0xFFFFFFC0] =	vst v22;
	v14 =	vld [tilespmem:s2+$0x30]  }
.LBB2_23:
0x33b: {  	p2 =	slt.u32 s4, $0x48;
	v20 =	vbroadcast v20, $0x0;
	v22 =	vmov s1;
	[tilespmem:s2+$0xFFFFFFD0] =	vst v19;
	v7 =	vmul.f32 v9, v7;
	v9 =	vld [tilespmem:s2+$0x40]  }
0x33c: {  	v16 =	vbroadcast v16, $0x0;
	v19 =	vshrl.u32 v22, $0x3;
	[tilespmem:s2+$0xFFFFFFE0] =	vst v21;
	v10 =	vmul.f32 v10, v6;
	v21 =	vld [tilespmem:s2+$0x50]  }
0x33d: {  	v17 =	vbroadcast v17, $0x0;
	v19 =	vshll.u32 v19, v1;
	[tilespmem:s2+$0xFFFFFFF0] =	vst v7;
	v6 =	vmul.f32 v11, v6;
	v11 =	vld [tilespmem:s2+$0x60]  }
0x33e: {  	v22 =	vld.idx.msk [tilespmem:v8+s24+$0x0], $0xffff;
	v8 =	vbroadcast v18, $0x0;
	v7 =	vadd.s32 $0x7, v19;
	[tilespmem:s2+$0x0] =	vst v10;
	v10 =	vmul.f32 v12, v5  }
0x33f: {  	v12 =	vld.idx.msk [tilespmem:v13+s24+$0x0], $0xffff;
	v13 =	vbroadcast v7, $0x0;
	[tilespmem:s2+$0x10] =	vst v6;
	v5 =	vmul.f32 v14, v5  }
0x340: {  	v14 =	vld.idx.msk [tilespmem:v15+s24+$0x0], $0xffff;
	[tilespmem:s2+$0x20] =	vst v10;
	v9 =	vmul.f32 v9, v3  }
0x341: {  	v7 =	vld.idx.msk [tilespmem:v20+s24+$0x0], $0xffff;
	[tilespmem:s2+$0x30] =	vst v5;
	v3 =	vmul.f32 v21, v3  }
0x342: {  	v6 =	vld.idx.msk [tilespmem:v16+s24+$0x0], $0xffff;
	[tilespmem:s2+$0x40] =	vst v9;
	v4 =	vmul.f32 v11, v4  }
0x343: {  	v5 =	vld.idx.msk [tilespmem:v17+s24+$0x0], $0xffff;
	[tilespmem:s2+$0x50] =	vst v3  }
0x344: {  	v3 =	vld.idx.msk [tilespmem:v8+s24+$0x0], $0xffff;
	[tilespmem:s2+$0x60] =	vst v4  }
0x345: {  	v8 =	vmov s4;
	s2 =	sadd.s32 $0x100, s2;
	v4 =	vld.idx.msk [tilespmem:v13+s24+$0x0], $0xffff  }
0x346: {  	s1 =	sadd.s32 $0x1, s4;
	s5 =	sadd.s32 $0x2, s4;
	s6 =	sadd.s32 $0x3, s4;
	v8 =	vshrl.u32 v8, $0x3;
	v9 =	vld [tilespmem:s2+$0x70]  }
0x347: {  	v10 =	vmov s1;
	s1 =	sadd.s32 $0x4, s4;
	v11 =	vmov s5;
	s5 =	sadd.s32 $0x5, s4;
	v13 =	vmov s6;
	s6 =	sadd.s32 $0x6, s4;
	v15 =	vld [tilespmem:s2+$0xFFFFFF80]  }
0x348: {  	v16 =	vmov s1;
	v17 =	vmov s5;
	v18 =	vmov s6;
	v19 =	vld [tilespmem:s2+$0xFFFFFF90]  }
0x349: {  	v10 =	vshrl.u32 v10, $0x3;
	v11 =	vshrl.u32 v11, $0x3;
	v8 =	vshll.u32 v8, v1;
	v20 =	vld [tilespmem:s2+$0xFFFFFFA0]  }
0x34a: {  	v16 =	vshrl.u32 v16, $0x3;
	v17 =	vshrl.u32 v17, $0x3;
	v13 =	vshrl.u32 v13, $0x3;
	v21 =	vld [tilespmem:s2+$0xFFFFFFB0]  }
0x34b: {  	v8 =	vbroadcast v8, $0x0;
	v18 =	vshrl.u32 v18, $0x3;
	v23 =	vld [tilespmem:s2+$0xFFFFFFC0];
	v9 =	vmul.f32 v9, v4  }
0x34c: {  	v10 =	vshll.u32 v10, v1;
	v11 =	vshll.u32 v11, v1;
	v15 =	vmul.f32 v15, v22;
	v24 =	vld [tilespmem:s2+$0xFFFFFFD0]  }
0x34d: {  	v16 =	vshll.u32 v16, v1;
	v13 =	vshll.u32 v13, v1;
	v19 =	vmul.f32 v19, v22;
	v22 =	vld [tilespmem:s2+$0xFFFFFFE0];
	[tilespmem:s2+$0x70] =	vst v9  }
.Ltmp10:
0x34e: {  	v17 =	vshll.u32 v17, v1;
	v18 =	vshll.u32 v18, v1;
	[tilespmem:s2+$0xFFFFFF80] =	vst v15;
	v15 =	vmul.f32 v20, v12;
	v9 =	vld [tilespmem:s2+$0xFFFFFFF0];
	(pc) =	sbr.rel @p2 .LBB2_23-.Ltmp10, $4  }
0x34f: {  	v25 =	vadd.s32 $0x1, v10;
	v26 =	vadd.s32 $0x2, v11;
	[tilespmem:s2+$0xFFFFFF90] =	vst v19;
	v12 =	vmul.f32 v21, v12;
	v10 =	vld [tilespmem:s2+$0x0]  }
0x350: {  	v16 =	vadd.s32 $0x4, v16;
	v20 =	vadd.s32 $0x3, v13;
	[tilespmem:s2+$0xFFFFFFA0] =	vst v15;
	v21 =	vmul.f32 v23, v14;
	v11 =	vld [tilespmem:s2+$0x10]  }
0x351: {  	v17 =	vadd.s32 $0x5, v17;
	v13 =	vbroadcast v25, $0x0;
	[tilespmem:s2+$0xFFFFFFB0] =	vst v12;
	v19 =	vmul.f32 v24, v14;
	v12 =	vld [tilespmem:s2+$0x20]  }
0x352: {  	s1 =	sadd.s32 $0x7, s4;
	s4 =	sadd.s32 $0x8, s4;
	v18 =	vadd.s32 $0x6, v18;
	v15 =	vbroadcast v26, $0x0;
	[tilespmem:s2+$0xFFFFFFC0] =	vst v21;
	v21 =	vmul.f32 v22, v7;
	v14 =	vld [tilespmem:s2+$0x30]  }
0x353: {  	_ = 	snop  }
0x354: {  	v23 =	vld [tilespmem:s2+$0x40]  }
0x355: {  	v24 =	vld [tilespmem:s2+$0x50]  }
0x356: {  	v25 =	vld [tilespmem:s2+$0x60]  }
0x357: {  	v8 =	vld.idx.msk [tilespmem:v8+s24+$0x0], $0xffff  }
0x358: {  	v13 =	vld.idx.msk [tilespmem:v13+s24+$0x0], $0xffff  }
0x359: {  	s31 =	sadd.s32 $0x100, s2;
	v15 =	vld.idx.msk [tilespmem:v15+s24+$0x0], $0xffff  }
0x35a: {  	v42 =	vld [tilespmem:s31+$0x70]  }
0x35b: {  	v44 =	vld [tilespmem:s31+$0xFFFFFF80]  }
0x35c: {  	[tilespmem:s2+$0xFFFFFFD0] =	vst v19;
	v7 =	vmul.f32 v9, v7;
	v46 =	vld [tilespmem:s31+$0xFFFFFF90]  }
0x35d: {  	[tilespmem:s2+$0xFFFFFFE0] =	vst v21;
	v10 =	vmul.f32 v10, v6;
	v47 =	vld [tilespmem:s31+$0xFFFFFFA0]  }
0x35e: {  	v48 =	vld [tilespmem:s31+$0xFFFFFFB0];
	[tilespmem:s2+$0xFFFFFFF0] =	vst v7;
	v39 =	vmul.f32 v11, v6  }
0x35f: {  	v20 =	vbroadcast v20, $0x0;
	v50 =	vld [tilespmem:s31+$0xFFFFFFD0];
	[tilespmem:s2+$0x0] =	vst v10;
	v41 =	vmul.f32 v12, v5  }
0x360: {  	v51 =	vld [tilespmem:s31+$0xFFFFFFE0];
	[tilespmem:s2+$0x10] =	vst v39;
	v43 =	vmul.f32 v14, v5  }
0x361: {  	v16 =	vbroadcast v16, $0x0;
	v53 =	vld [tilespmem:s31+$0xFFFFFFF0];
	[tilespmem:s2+$0x20] =	vst v41;
	v45 =	vmul.f32 v23, v3  }
0x362: {  	v55 =	vld [tilespmem:s31+$0x0];
	v3 =	vmul.f32 v24, v3;
	[tilespmem:s2+$0x30] =	vst v43  }
0x363: {  	v22 =	vmov s1;
	v17 =	vbroadcast v17, $0x0;
	v56 =	vld [tilespmem:s31+$0x10];
	v4 =	vmul.f32 v25, v4;
	[tilespmem:s2+$0x40] =	vst v45  }
0x364: {  	v22 =	vshrl.u32 v22, $0x3;
	v49 =	vmul.f32 v44, v8;
	[tilespmem:s2+$0x50] =	vst v3;
	v3 =	vld [tilespmem:s31+$0xFFFFFFC0]  }
0x365: {  	v18 =	vbroadcast v18, $0x0;
	v22 =	vshll.u32 v22, v1;
	v20 =	vld.idx.msk [tilespmem:v20+s24+$0x0], $0xffff;
	v8 =	vmul.f32 v46, v8;
	[tilespmem:s2+$0x60] =	vst v4  }
0x366: {  	v57 =	vld [tilespmem:s31+$0x20];
	v22 =	vadd.s32 $0x7, v22;
	v52 =	vmul.f32 v47, v13;
	[tilespmem:s31+$0xFFFFFF80] =	vst v49  }
0x367: {  	v22 =	vbroadcast v22, $0x0;
	v16 =	vld.idx.msk [tilespmem:v16+s24+$0x0], $0xffff;
	v54 =	vmul.f32 v48, v13;
	[tilespmem:s31+$0xFFFFFF90] =	vst v8  }
0x368: {  	v58 =	vld [tilespmem:s31+$0x30];
	v6 =	vmul.f32 v50, v15;
	[tilespmem:s31+$0xFFFFFFA0] =	vst v52  }
0x369: {  	v37 =	vld.idx.msk [tilespmem:v17+s24+$0x0], $0xffff;
	[tilespmem:s31+$0xFFFFFFB0] =	vst v54;
	v3 =	vmul.f32 v3, v15  }
0x36a: {  	v60 =	vld [tilespmem:s31+$0x50];
	[tilespmem:s31+$0xFFFFFFD0] =	vst v6;
	v5 =	vmul.f32 v53, v20  }
0x36b: {  	v38 =	vld.idx.msk [tilespmem:v18+s24+$0x0], $0xffff;
	[tilespmem:s31+$0xFFFFFFC0] =	vst v3;
	v3 =	vmul.f32 v51, v20  }
0x36c: {  	v59 =	vld [tilespmem:s31+$0x40];
	v4 =	vmul.f32 v56, v16;
	[tilespmem:s31+$0xFFFFFFF0] =	vst v5  }
0x36d: {  	v40 =	vld.idx.msk [tilespmem:v22+s24+$0x0], $0xffff;
	[tilespmem:s31+$0xFFFFFFE0] =	vst v3;
	v3 =	vmul.f32 v55, v16  }
0x36e: {  	v61 =	vld [tilespmem:s31+$0x60];
	v62 =	vmul.f32 v58, v37;
	[tilespmem:s31+$0x10] =	vst v4  }
0x36f: {  	[tilespmem:s31+$0x0] =	vst v3;
	v3 =	vmul.f32 v57, v37  }
0x370: {  	s0 =	sadd.s32 $0x1, s0;
	v63 =	vmul.f32 v60, v38;
	[tilespmem:s31+$0x30] =	vst v62  }
0x371: {  	p2 =	sne.s32 s0, $0x19;
	[tilespmem:s31+$0x20] =	vst v3;
	v3 =	vmul.f32 v59, v38  }
.Ltmp11:
0x372: {  	[tilespmem:s31+$0x50] =	vst v63;
	v11 =	vmul.f32 v42, v40;
	(pc) =	sbr.rel @p2 .LBB2_14-.Ltmp11, $4  }
0x373: {  	[tilespmem:s31+$0x40] =	vst v3;
	v3 =	vmul.f32 v61, v40  }
0x374: {  	[tilespmem:s31+$0x70] =	vst v11  }
0x375: {  	[tilespmem:s31+$0x60] =	vst v3  }
0x376: {  	[spmem:s10] =	stream.indirect.scatter.add.f32 [tilespmem:s23], [sflag:$0xA], $0x20, s3, s19, $0xb8;
	[tilespmem:$0x12490] =	vst v63  }
0x377: {  	s4 =	simm.s32 $0x6  }
0x378: {  	_ =	swait.ge [sflag:s4], $0xA00  }
0x379: {  	[sflag:s4] =	ssyncset.done $0x0  }
0x37a: {  	[sflag:s4] =	ssyncadd.s32 $0xFFFFF600  }
0x37b: {  	_ =	swait.ge [sflag:s18], $0xA00  }
0x37c: {  	[sflag:s18] =	ssyncset.done $0x0  }
0x37d: {  	s0 =	simm.s32 $0x8;
	[sflag:s18] =	ssyncadd.s32 $0xFFFFF600  }
0x37e: {  	_ =	swait.ge [sflag:s0], $0xA00  }
0x37f: {  	[sflag:s0] =	ssyncset.done $0x0  }
0x380: {  	s17 =	simm.s32 $0x9;
	[sflag:s0] =	ssyncadd.s32 $0xFFFFF600  }
0x381: {  	_ =	swait.ge [sflag:s17], $0xA00  }
0x382: {  	[sflag:s17] =	ssyncset.done $0x0  }
0x383: {  	s29 =	simm.s32 $0xA;
	[sflag:s17] =	ssyncadd.s32 $0xFFFFF600  }
0x384: {  	_ =	swait.ge [sflag:s29], $0xA00  }
0x385: {  	[sflag:s29] =	ssyncset.done $0x0  }
0x386: {  	[sflag:s29] =	ssyncadd.s32 $0xFFFFF600  }
0x387: {  	s30 =	stileid.u32;
	[bflag:$0x0] =	sbarrier.arrive $0xFFFF  }
0x388: {  	s0 =	sshll.u32 s30, $0x6;
	s1 =	rddreg [dreg:$0x4]  }
0x389: {  	s0 =	sor.u32 $0x1C01, s0;
	s2 =	rddreg [dreg:$0x1d]  }
0x38a: {  	[hbm:s1], [sflag:s0] =	dma.local [spmem:s2], $0x140  }
0x38b: {  	s1 =	rddreg [dreg:$0x5]  }
0x38c: {  	s2 =	rddreg [dreg:$0x1e]  }
0x38d: {  	[hbm:s1], [sflag:s0] =	dma.local [spmem:s2], $0x140  }
0x38e: {  	s1 =	rddreg [dreg:$0x6]  }
0x38f: {  	s2 =	rddreg [dreg:$0x1f]  }
0x390: {  	[hbm:s1], [sflag:s0] =	dma.local [spmem:s2], $0x140  }
0x391: {  	s2 =	sld [smem:$0x7F9];
	_ =	sdelay $0x1  }
0x392: {  	s1 =	rddreg [dreg:$0x7]  }
0x393: {  	[hbm:s1], [sflag:s0] =	dma.local [spmem:s2], $0x140  }
0x394: {  	s2 =	sld [smem:$0x7FA];
	_ =	sdelay $0x1  }
0x395: {  	s1 =	rddreg [dreg:$0x8]  }
0x396: {  	[hbm:s1], [sflag:s0] =	dma.local [spmem:s2], $0x140  }
0x397: {  	s2 =	sld [smem:$0x7FB];
	_ =	sdelay $0x1  }
0x398: {  	s1 =	rddreg [dreg:$0x9]  }
0x399: {  	[hbm:s1], [sflag:s0] =	dma.local [spmem:s2], $0x140  }
0x39a: {  	s2 =	sld [smem:$0x7FC];
	_ =	sdelay $0x1  }
0x39b: {  	s1 =	rddreg [dreg:$0xa]  }
0x39c: {  	[hbm:s1], [sflag:s0] =	dma.local [spmem:s2], $0x140  }
0x39d: {  	s2 =	sld [smem:$0x7FD];
	_ =	sdelay $0x1  }
0x39e: {  	s1 =	rddreg [dreg:$0xb]  }
0x39f: {  	[hbm:s1], [sflag:s0] =	dma.local @!p0 [spmem:s2], $0x140  }
0x3a0: {  	_ =	swait.ge [sflag:s15], $0x140  }
0x3a1: {  	[sflag:s15] =	ssyncset.done $0x0  }
0x3a2: {  	[sflag:s15] =	ssyncadd.s32 $0xFFFFFEC0  }
0x3a3: {  	_ =	swait.ge [sflag:s15], $0x140  }
0x3a4: {  	[sflag:s15] =	ssyncset.done $0x0  }
0x3a5: {  	[sflag:s15] =	ssyncadd.s32 $0xFFFFFEC0  }
0x3a6: {  	_ =	swait.ge [sflag:s15], $0x140  }
0x3a7: {  	[sflag:s15] =	ssyncset.done $0x0  }
0x3a8: {  	[sflag:s15] =	ssyncadd.s32 $0xFFFFFEC0  }
0x3a9: {  	_ =	swait.ge [sflag:s15], $0x140  }
0x3aa: {  	[sflag:s15] =	ssyncset.done $0x0  }
0x3ab: {  	[sflag:s15] =	ssyncadd.s32 $0xFFFFFEC0  }
0x3ac: {  	_ =	swait.ge [sflag:s15], $0x140  }
0x3ad: {  	[sflag:s15] =	ssyncset.done $0x0  }
0x3ae: {  	[sflag:s15] =	ssyncadd.s32 $0xFFFFFEC0  }
0x3af: {  	_ =	swait.ge [sflag:s15], $0x140  }
0x3b0: {  	[sflag:s15] =	ssyncset.done $0x0  }
0x3b1: {  	[sflag:s15] =	ssyncadd.s32 $0xFFFFFEC0  }
0x3b2: {  	_ =	swait.ge [sflag:s15], $0x140  }
0x3b3: {  	[sflag:s15] =	ssyncset.done $0x0  }
0x3b4: {  	s0 =	simm.s32 @!p1 $0x1;
	[sflag:s15] =	ssyncadd.s32 $0xFFFFFEC0  }
0x3b5: {  	_ =	swait.ge @!p1 [sflag:s0], $0x140  }
0x3b6: {  	s9 =	sadd.s32 $0x1, s9;
	s31 =	rddreg [dreg:$0x14]  }
0x3b7: {  	p2 =	sne.s32 s9, s31  }
.Ltmp12:
0x3b8: {  	_ = 	snop;
	(pc) =	sbr.rel @p2 .LBB2_1-.Ltmp12, $3  }
0x3b9: {  	_ =	sdelay $0x1  }
0x3ba: {  	[sflag:s0] =	ssyncset.done @!p1 $0x0  }
0x3bb: {  	s3 =	simm.s32 $0x9C50;
	[sflag:s0] =	ssyncadd.s32 @!p1 $0xFFFFFEC0  }
0x3bc: {  	_ =	sfence.sel $0x180000  }
0x3bd: {  	[bflag:$0x0] =	sbarrier.arrive $0xFFFF  }
0x3be: {  	_ =	strace $0x9000004A  }
0x3bf: {  	s0 =	stileid.u32;
	[bflag:$0x2] =	sbarrier.arrive $0xFFFF  }
0x3c0: {  	p0 =	sne.s32 s0, $0x0;
	s0 =	rddreg [dreg:$0x3]  }
0x3c1: {  	s0 =	sadd.s32 @!p0 $0x100000, s0  }
0x3c2: {  	[sflag:s0] =	ssyncadd.tile.s32 @!p0 $0x1;
	_ =	shalt  }
.Lfunc_end2:
_tile_overlayer_lowered:
.L_overlay_start_2:
0x3c3: {  	(tag) =	ssettag $0x2  }
0x3c4: {  	s0 =	rddreg [dreg:$0x0];
	s2 =	stileid.u32  }
0x3c5: {  	s1 =	rddreg [dreg:$0x1];
	p0 =	sne.s32 s2, $0x0  }
0x3c6: {  	s3 =	rddreg [dreg:$0x2];
	[bflag:$0x3] =	sbarrier.arrive $0xFFFF;
	s2 =	simm.s32 @!p0 $0x1C0B  }
0x3c7: {  	[timem:s3], [sflag:s2] =	dma.local @!p0 [hbm:s0], s1  }
0x3c8: {  	s0 =	simm.s32 @!p0 $0xB  }
0x3c9: {  	_ =	swait.ge @!p0 [sflag:s0], s1  }
0x3ca: {  	s1 =	ssub.s32 @!p0 $0x0, s1;
	[sflag:s0] =	ssyncset.done @!p0 $0x0  }
0x3cb: {  	[sflag:s0] =	ssyncadd.s32 @!p0 s1  }
0x3cc: {  	[bflag:$0x3] =	sbarrier.arrive $0xFFFF  }
0x3cd: {  	_ =	shalt  }

// kernel: kernel.7.cloned.1.call-start
scs
__scs_entry_jumppad:
0x0: {  	(pc) =	sbr.rel $0x88, $3  }
0x1: {  	(tag) =	ssettag $0x0;
	lr =	simm.s32 $0x1  }
0x2: {  	[smem:$0x3F97] =	sst lr;
	_ =	strace $0xD0000000  }
0x3: {  	_ = 	snop  }
0x4: {  	_ = 	snop  }
0x5: {  	_ = 	snop  }
0x6: {  	_ = 	snop  }
0x7: {  	_ = 	snop  }
__scs_overlays_trampoline_lowered:
0x8: {  	[smem:$0x3FA6] =	sst s0  }
0x9: {  	[smem:$0x3FA7] =	sst s1  }
0xa: {  	[smem:$0x3FA8] =	sst s2  }
0xb: {  	[smem:$0x3FA9] =	sst s3  }
0xc: {  	[smem:$0x3FAA] =	sst s4  }
0xd: {  	[smem:$0x3FAB] =	sst s5  }
0xe: {  	[smem:$0x3FAC] =	sst s6  }
0xf: {  	[smem:$0x3FAD] =	sst s7  }
0x10: {  	[smem:$0x3FAE] =	sst s8  }
0x11: {  	[smem:$0x3FAF] =	sst s9;
	s0 =	simm.s32 @!p0 $0x0  }
0x12: {  	s1 =	sld [smem:$0x3F95];
	s0 =	simm.s32 @p0 $0x1  }
0x13: {  	[smem:$0x3FB0] =	sst s0;
	s0 =	simm.s32 @!p1 $0x0  }
0x14: {  	s2 =	sld [smem:$0x3F94];
	s0 =	simm.s32 @p1 $0x1  }
0x15: {  	[smem:$0x3FB1] =	sst s0;
	s0 =	simm.s32 @!p2 $0x0  }
0x16: {  	s3 =	sld [smem:$0x3FDB];
	s0 =	simm.s32 @p2 $0x1  }
0x17: {  	s4 =	simm.s32 $0x1BF5;
	[smem:$0x3FB3] =	sst s0  }
0x18: {  	s0 =	sld [smem:$0x3F96];
	_ =	swait.ge [sflag:s4], $0x0  }
0x19: {  	s7 =	sld [smem:$0x3F97]  }
0x1a: {  	s8 =	sadd.s32 $0xFFFFE003, lr  }
0x1b: {  	s9 =	sadd.s32 $0xFFFFFEF7, lr;
	s5 =	simm.s32 $0xFFFFFFFF;
	p2 =	slt.u32 s8, $0xFFFFF086  }
0x1c: {  	p1 =	slt.u32 s9, $0xF7A;
	s5 =	simm.s32 @!p2 $0x0  }
0x1d: {  	s5 =	simm.s32 @p1 $0x1;
	p0 =	seq.s32 s7, s2  }
0x1e: {  	s7 =	smul.u32 @!p0 $0xF7A, s2;
	p2 =	seq.s32 @!p0 s5, $0x0  }
0x1f: {  	s9 =	smul.u32 $0xF7A, s1;
	s8 =	simm.s32 @!p0 $0x1BF5;
	p2 =	por !p2, p0  }
0x20: {  	[sflag:s8] =	ssyncset.s32 @!p0 $0xFFFFF086;
	s6 =	sadd.s32 @!p0 s3, s7;
	s7 =	simm.s32 @!p0 $0x108  }
0x21: {  	s3 =	sadd.s32 s3, s9;
	s6 =	sadd.s32 @!p0 $0x88, s6;
	s7 =	simm.s32 @p2 $0x1082  }
0x22: {  	[simem:s7], [sflag:s8] =	dma.local @!p0 [hbm:s6], $0xF7A  }
0x23: {  	s9 =	sor.u32 $0xD0000000, s2;
	s6 =	simm.s32 $0x108;
	_ =	swait.ge @!p0 [sflag:s8], $0x0  }
0x24: {  	s3 =	sadd.s32 $0x88, s3;
	s6 =	simm.s32 @!p1 $0x1082;
	[sflag:s4] =	ssyncset.s32 $0xFFFFF086  }
0x25: {  	[simem:s6], [sflag:s4] =	dma.local [hbm:s3], $0xF7A  }
0x26: {  	[smem:$0x3F97] =	sst s1;
	(tag) =	ssettag s2;
	_ =	strace s9  }
0x27: {  	s1 =	sld [smem:$0x3FA7]  }
0x28: {  	s2 =	sld [smem:$0x3FA8]  }
0x29: {  	s4 =	sld [smem:$0x3FAA]  }
0x2a: {  	p0 =	seq.s32 s5, $0x0;
	s5 =	sld [smem:$0x3FAB]  }
0x2b: {  	s6 =	sld [smem:$0x3FAC]  }
0x2c: {  	s7 =	sld [smem:$0x3FAD]  }
0x2d: {  	s3 =	simm.s32 $0x108;
	s8 =	sld [smem:$0x3FAE]  }
0x2e: {  	s3 =	simm.s32 @!p0 $0x1082;
	s9 =	sld [smem:$0x3FAF]  }
0x2f: {  	lr =	sadd.s32 s0, s3;
	s0 =	sld [smem:$0x3FA6]  }
0x30: {  	s3 =	sld [smem:$0x3FA9]  }
0x31: {  	[smem:$0x3FB2] =	sst s10  }
0x32: {  	s10 =	sld [smem:$0x3FB0];
	_ =	sdelay $0x3  }
0x33: {  	p0 =	seq.s32 s10, $0x1;
	s10 =	sld [smem:$0x3FB2];
	_ =	sdelay $0x3  }
0x34: {  	[smem:$0x3FB2] =	sst s10  }
0x35: {  	s10 =	sld [smem:$0x3FB1];
	_ =	sdelay $0x3  }
0x36: {  	p1 =	seq.s32 s10, $0x1;
	s10 =	sld [smem:$0x3FB2];
	_ =	sdelay $0x3  }
0x37: {  	[smem:$0x3FB2] =	sst s10  }
0x38: {  	s10 =	sld [smem:$0x3FB3]  }
0x39: {  	_ = 	snop;
	(pc) =	sbr.ind lr, $3  }
0x3a: {  	_ = 	snop  }
0x3b: {  	_ = 	snop  }
0x3c: {  	p2 =	seq.s32 s10, $0x1;
	s10 =	sld [smem:$0x3FB2]  }
0x3d: {  	_ =	shalt  }
0x3e: {  	_ =	shalt  }
0x3f: {  	_ =	shalt  }
0x40: {  	_ =	shalt  }
0x41: {  	_ =	shalt  }
0x42: {  	_ =	shalt  }
0x43: {  	_ =	shalt  }
0x44: {  	_ =	shalt  }
0x45: {  	_ =	shalt  }
0x46: {  	_ =	shalt  }
0x47: {  	_ =	shalt  }
0x48: {  	_ =	shalt  }
0x49: {  	_ =	shalt  }
0x4a: {  	_ =	shalt  }
0x4b: {  	_ =	shalt  }
0x4c: {  	_ =	shalt  }
0x4d: {  	_ =	shalt  }
0x4e: {  	_ =	shalt  }
0x4f: {  	_ =	shalt  }
0x50: {  	_ =	shalt  }
0x51: {  	_ =	shalt  }
0x52: {  	_ =	shalt  }
0x53: {  	_ =	shalt  }
0x54: {  	_ =	shalt  }
0x55: {  	_ =	shalt  }
0x56: {  	_ =	shalt  }
0x57: {  	_ =	shalt  }
0x58: {  	_ =	shalt  }
0x59: {  	_ =	shalt  }
0x5a: {  	_ =	shalt  }
0x5b: {  	_ =	shalt  }
0x5c: {  	_ =	shalt  }
0x5d: {  	_ =	shalt  }
0x5e: {  	_ =	shalt  }
0x5f: {  	_ =	shalt  }
0x60: {  	_ =	shalt  }
0x61: {  	_ =	shalt  }
0x62: {  	_ =	shalt  }
0x63: {  	_ =	shalt  }
0x64: {  	_ =	shalt  }
0x65: {  	_ =	shalt  }
0x66: {  	_ =	shalt  }
0x67: {  	_ =	shalt  }
0x68: {  	_ =	shalt  }
0x69: {  	_ =	shalt  }
0x6a: {  	_ =	shalt  }
0x6b: {  	_ =	shalt  }
0x6c: {  	_ =	shalt  }
0x6d: {  	_ =	shalt  }
0x6e: {  	_ =	shalt  }
0x6f: {  	_ =	shalt  }
0x70: {  	_ =	shalt  }
0x71: {  	_ =	shalt  }
0x72: {  	_ =	shalt  }
0x73: {  	_ =	shalt  }
0x74: {  	_ =	shalt  }
0x75: {  	_ =	shalt  }
0x76: {  	_ =	shalt  }
0x77: {  	_ =	shalt  }
0x78: {  	_ =	shalt  }
0x79: {  	_ =	shalt  }
0x7a: {  	_ =	shalt  }
0x7b: {  	_ =	shalt  }
0x7c: {  	_ =	shalt  }
0x7d: {  	_ =	shalt  }
0x7e: {  	_ =	shalt  }
0x7f: {  	_ =	shalt  }
0x80: {  	_ =	shalt  }
0x81: {  	_ =	shalt  }
0x82: {  	_ =	shalt  }
0x83: {  	_ =	shalt  }
0x84: {  	_ =	shalt  }
0x85: {  	_ =	shalt  }
0x86: {  	_ =	shalt  }
0x87: {  	_ =	shalt  }
.Lfunc_end0:
.L_simem_size_0:
called_computation_lowered:
.L_overlay_start_0:
0x88: {  	s2 =	sld [smem:$0x3FD9]  }
0x89: {  	s3 =	sld [smem:$0x3FFE];
	_ =	sdelay $0x1  }
0x8a: {  	s1 =	srdreg.scid  }
0x8b: {  	s0 =	sand.u32 $0x1, s1  }
0x8c: {  	s17 =	sshll.u32 s0, $0xA;
	s2 =	sadd.s32 s3, s2  }
0x8d: {  	s2 =	sadd.s32 s2, s17  }
0x8e: {  	[smem:$0x3FBE] =	sst s2  }
0x8f: {  	_ = 	snop  }
0x90: {  	s2 =	sld [smem:$0x3FD0];
	(tm) =	ssettm $0x1  }
0x91: {  	s18 =	sld [smem:$0x3FFB];
	_ =	sdelay $0x3  }
0x92: {  	_ =	strace s18  }
0x93: {  	s3 =	sld [smem:$0x3FFC];
	_ =	sdelay $0x3  }
0x94: {  	_ =	strace s3  }
0x95: {  	s3 =	sld [smem:$0x3FFD];
	_ =	sdelay $0x3  }
0x96: {  	_ =	strace s3  }
0x97: {  	_ =	strace $0x8FFFFFFF  }
0x98: {  	s19 =	sld [smem:$0x3FDB];
	_ =	sdelay $0x1  }
0x99: {  	s4 =	simm.s32 $_scs_section_size  }
0x9a: {  	s5 =	simm.s32 $_size__tile_overlayer_lowered;
	s6 =	simm.s32 $_tile_overlayer_lowered  }
0x9b: {  	s22 =	simm.s32 $0x1BFF;
	s21 =	sshll.u32 s6, $0x1;
	s3 =	sadd.s32 s4, s19  }
0x9c: {  	s7 =	simm.s32 $0x0;
	s20 =	sshll.u32 s5, $0x1;
	s5 =	sadd.s32 s21, s3  }
0x9d: {  	[timem:s7], [sflag:s22] =	dma.local [hbm:s5], s20  }
0x9e: {  	_ =	swait.ge [sflag:s22], s20  }
0x9f: {  	s4 =	ssub.s32 $0x0, s20;
	[sflag:s22] =	ssyncset.done $0x0  }
0xa0: {  	[sflag:s22] =	ssyncadd.s32 s4;
	_ =	sdelay $0x1  }
0xa1: {  	s23 =	simm.s32 $0x1B8B  }
0xa2: {  	_ =	swait.ge [sflag:s23], $0x1  }
0xa3: {  	[sflag:s23] =	ssyncset.done $0x0  }
0xa4: {  	s25 =	simm.s32 $0x1B8E;
	s24 =	sld [smem:$0x3FFE];
	[sflag:s23] =	ssyncadd.s32 $0xFFFFFFFF  }
0xa5: {  	s26 =	simm.s32 $execute0_lowered;
	[smem:$0x3FD2] =	sst s25  }
0xa6: {  	s5 =	sshll.u32 s26, $0x1;
	_ =	strace $0x80000046;
	[dreg:$0x1] =	wrdreg $0xFFFFFFFF  }
0xa7: {  	s28 =	simm.s32 $_size_execute0_lowered;
	s3 =	sadd.s32 s3, s5;
	[dreg:$0x0] =	wrdreg $0x0  }
0xa8: {  	s5 =	sshll.u32 s28, $0x1;
	[dreg:$0x2] =	wrdreg s3  }
0xa9: {  	[dreg:$0x3] =	wrdreg s5  }
0xaa: {  	[dreg:$0x4] =	wrdreg $0xC0  }
0xab: {  	_ =	task [dreg:s7], $0x5FFFF  }
0xac: {  	[dreg:$0x1] =	wrdreg $0xFFFFFFFF  }
0xad: {  	[dreg:$0x0] =	wrdreg $0x60  }
0xae: {  	[dreg:$0x2] =	wrdreg s24  }
0xaf: {  	[dreg:$0x3] =	wrdreg s2  }
0xb0: {  	[dreg:$0x4] =	wrdreg $0x124900  }
0xb1: {  	[dreg:$0x5] =	wrdreg $0x1C0D00  }
0xb2: {  	[dreg:$0x6] =	wrdreg $0x9  }
0xb3: {  	_ =	task.clear_ibuf [dreg:s7], $0x7FFFF;
	_ =	strace $0x90000046  }
0xb4: {  	s29 =	simm.s32 $0x9;
	_ =	strace $0x80000048  }
0xb5: {  	_ =	swait.ge [sflag:s29], $0x1  }
0xb6: {  	[sflag:s29] =	ssyncadd.s32 $0xFFFFFFFF  }
0xb7: {  	_ =	strace $0x90000048  }
0xb8: {  	_ =	sfence  }
0xb9: {  	s30 =	sld [smem:$0x0];
	_ =	sdelay $0x2  }
0xba: {  	s31 =	sshll.u32 s1, $0xD;
	s1 =	sshrl.u32 s1, $0x2  }
0xbb: {  	s3 =	sand.u32 $0x4000, s31;
	s1 =	sadd.s32 s1, s30  }
0xbc: {  	s0 =	sor.u32 s3, s0;
	s1 =	sshll.u32 s1, $0x11  }
0xbd: {  	s0 =	sor.u32 s1, s0  }
0xbe: {  	s0 =	sadd.s32 $0x8F2B, s0  }
0xbf: {  	[sflag:s0] =	ssyncadd.remote.s32 $0x1  }
0xc0: {  	_ =	sfence.sel $0xFFFF  }
0xc1: {  	[dreg:$0x0] =	wrdreg $0xFFFFFFFF;
	(pc) =	sbr.abs _section_cstart, $3  }
0xc2: {  	[dreg:$0x1] =	wrdreg $0xFFFFFFFF  }
0xc3: {  	_ =	task.clear_ibuf [dreg:s7], $0x2FFFF;
	_ =	strace $0x9FFFFFFF  }
0xc4: {  	(tm) =	ssettm $0x7FFFFFFF  }
0xc5: {  	_ =	shalt  }
tec
execute0_lowered:
.L_overlay_start_1:
0x0: {  	(tag) =	ssettag $0x1  }
0x1: {  	s0 =	srdreg.scid;
	s24 =	stileid.u32  }
0x2: {  	s18 =	sand.u32 $0x1, s0;
	s17 =	smul.u32 $0x1400, s24  }
0x3: {  	s15 =	sor.u32 $0x10, s24;
	s8 =	smul.u32 $0x9C400, s18  }
0x4: {  	s16 =	sor.u32 $0x20, s24;
	s1 =	smul.u32 $0x1400, s15  }
0x5: {  	s14 =	sor.u32 $0x30, s24;
	s3 =	smul.u32 $0x1400, s16  }
0x6: {  	s12 =	sor.u32 $0x40, s24;
	s4 =	smul.u32 $0x1400, s14  }
0x7: {  	s2 =	rddreg [dreg:$0x0];
	s13 =	sor.u32 $0x60, s24;
	s5 =	smul.u32 $0x1400, s12  }
0x8: {  	s19 =	sadd.s32 $0x3C000, s2;
	s11 =	sor.u32 $0x50, s24;
	s25 =	smul.u32 $0x1400, s13  }
0x9: {  	s10 =	sor.u32 $0x70, s24;
	s30 =	sadd.s32 $0x63200, s2;
	s29 =	smul.u32 $0x27100, s18  }
0xa: {  	s6 =	ssub.s32 $0x2, s18;
	s31 =	smul.u32 $0x13880, s18;
	[smem:$0x7DC] =	sst s17  }
0xb: {  	s28 =	smul.u32 $0x500, s10;
	s7 =	sshrl.u32 s6, $0x1;
	[smem:$0x7DF] =	sst s1  }
0xc: {  	s6 =	ssub.s32 s6, s7;
	s9 =	sadd.s32 s8, s17;
	s17 =	sadd.s32 s8, s1  }
0xd: {  	s22 =	sadd.s32 s8, s3;
	s23 =	sadd.s32 s8, s4;
	[smem:$0x7DA] =	sst s6  }
0xe: {  	s6 =	smul.u32 $0x1400, s11;
	s9 =	sshrl.u32 s9, $0x3;
	s17 =	sshrl.u32 s17, $0x3  }
0xf: {  	s0 =	sshrl.u32 s23, $0x3;
	s20 =	sadd.s32 s19, s9;
	s21 =	sadd.s32 s19, s17  }
0x10: {  	s9 =	sshrl.u32 s22, $0x3;
	s7 =	sadd.s32 s19, s0;
	[dreg:$0x5] =	wrdreg s20  }
0x11: {  	[dreg:$0x6] =	wrdreg s21;
	s20 =	sadd.s32 s8, s5;
	s26 =	sadd.s32 s19, s9  }
0x12: {  	[dreg:$0x8] =	wrdreg s7;
	s17 =	sadd.s32 s8, s6;
	s21 =	sadd.s32 s8, s25  }
0x13: {  	[dreg:$0x7] =	wrdreg s26;
	s1 =	sshrl.u32 s20, $0x3;
	s20 =	sshrl.u32 s17, $0x3  }
0x14: {  	s23 =	sshrl.u32 s21, $0x3;
	s17 =	smul.u32 $0x500, s24;
	s9 =	sadd.s32 s19, s1  }
0x15: {  	s22 =	sadd.s32 s19, s20;
	s20 =	smul.u32 $0x500, s15;
	[dreg:$0x9] =	wrdreg s9  }
0x16: {  	s26 =	sadd.s32 s19, s23;
	s9 =	smul.u32 $0x1400, s10;
	[dreg:$0xa] =	wrdreg s22  }
0x17: {  	[dreg:$0xb] =	wrdreg s26;
	s7 =	sadd.s32 s29, s17;
	s22 =	sadd.s32 s29, s20  }
0x18: {  	s8 =	sadd.s32 s8, s9;
	s23 =	sshrl.u32 s22, $0x3;
	s22 =	smul.u32 $0x500, s14  }
0x19: {  	s21 =	sshrl.u32 s8, $0x3;
	s8 =	simm.s32 $0x0;
	s26 =	sadd.s32 s30, s23  }
0x1a: {  	s23 =	smul.u32 $0x500, s12;
	s1 =	sadd.s32 s19, s21;
	[smem:$0x7FF] =	sst s8  }
0x1b: {  	s19 =	sshrl.u32 s7, $0x3;
	s21 =	smul.u32 $0x500, s16;
	[dreg:$0xe] =	wrdreg s26  }
0x1c: {  	s7 =	sadd.s32 s29, s22;
	[dreg:$0xc] =	wrdreg s1;
	s19 =	sadd.s32 s30, s19  }
0x1d: {  	[dreg:$0xd] =	wrdreg s19;
	s1 =	sadd.s32 s29, s21;
	s19 =	sshrl.u32 s7, $0x3  }
0x1e: {  	s7 =	smul.u32 $0x500, s11;
	s18 =	sshrl.u32 s1, $0x3;
	s26 =	sadd.s32 s30, s19  }
0x1f: {  	s0 =	sadd.s32 s29, s23;
	s18 =	sadd.s32 s30, s18;
	[dreg:$0x10] =	wrdreg s26  }
0x20: {  	s1 =	sadd.s32 s29, s7;
	[dreg:$0xf] =	wrdreg s18;
	s18 =	sshrl.u32 s0, $0x3  }
0x21: {  	s26 =	smul.u32 $0x500, s13;
	s1 =	sshrl.u32 s1, $0x3;
	s18 =	sadd.s32 s30, s18  }
0x22: {  	s19 =	sadd.s32 s30, s1;
	[dreg:$0x11] =	wrdreg s18  }
0x23: {  	s0 =	sadd.s32 s29, s26;
	s1 =	sadd.s32 s29, s28;
	[dreg:$0x12] =	wrdreg s19  }
0x24: {  	s0 =	sshrl.u32 s0, $0x3;
	s18 =	rddreg [dreg:$0x2];
	s29 =	sshrl.u32 s1, $0x3  }
0x25: {  	s19 =	rddreg [dreg:$0x3];
	s1 =	smul.u32 $0x4E20, s24;
	s0 =	sadd.s32 s30, s0  }
0x26: {  	[dreg:$0x13] =	wrdreg s0;
	s0 =	sadd.s32 s30, s29  }
0x27: {  	s1 =	sshrl.u32 s1, $0x3;
	s29 =	sadd.s32 $0x3BA00, s2;
	[dreg:$0x14] =	wrdreg s0  }
0x28: {  	s0 =	sadd.s32 s31, s2;
	s1 =	sadd.s32 s1, s2;
	s2 =	sadd.s32 $0x3B800, s2  }
0x29: {  	_ =	strace $0x80000047;
	[dreg:$0x16] =	wrdreg s2;
	s2 =	sadd.s32 $0xA600, s1  }
0x2a: {  	[dreg:$0x17] =	wrdreg s2;
	s2 =	sadd.s32 $0x800, s1  }
0x2b: {  	[dreg:$0x18] =	wrdreg s2;
	s2 =	sadd.s32 $0x8FA, s1  }
0x2c: {  	[dreg:$0x19] =	wrdreg s2;
	s2 =	sadd.s32 $0x9F4, s1  }
0x2d: {  	[dreg:$0x1a] =	wrdreg s2;
	s2 =	sadd.s32 $0xAEE, s1  }
0x2e: {  	[dreg:$0x1b] =	wrdreg s2;
	s2 =	sadd.s32 $0xBE8, s1  }
0x2f: {  	[dreg:$0x1c] =	wrdreg s2;
	s2 =	sadd.s32 $0xCE2, s1  }
0x30: {  	[dreg:$0x1d] =	wrdreg s2;
	s2 =	sadd.s32 $0xDDC, s1  }
0x31: {  	[dreg:$0x1e] =	wrdreg s2;
	s2 =	sadd.s32 $0xED6, s1  }
0x32: {  	[dreg:$0x1f] =	wrdreg s2;
	s2 =	sadd.s32 $0xFD0, s1  }
0x33: {  	[smem:$0x7D8] =	sst s2  }
0x34: {  	s2 =	sadd.s32 $0x14400, s0;
	s0 =	sld [smem:$0x7DA]  }
0x35: {  	[dreg:$0x15] =	wrdreg s29  }
0x36: {  	s29 =	sld [smem:$0x7DC]  }
0x37: {  	p0 =	sgt.u32 s10, $0x7C;
	s10 =	smul.u32 $0x5000, s10;
	s0 =	smax.u32 s0, $0x1  }
0x38: {  	[smem:$0x7DB] =	sst s0;
	s0 =	smul.u32 $0x5000, s15  }
0x39: {  	s1 =	sadd.s32 $0x10CA, s1;
	s15 =	smul.u32 $0x5000, s16;
	s16 =	sshrl.u32 s29, $0x2  }
0x3a: {  	[smem:$0x7D9] =	sst s1;
	s1 =	smul.u32 $0x5000, s24;
	s16 =	sadd.s32 s16, s19  }
0x3b: {  	p1 =	sgt.u32 s24, $0xC;
	s14 =	smul.u32 $0x5000, s14;
	[smem:$0x7DE] =	sst s16  }
0x3c: {  	s11 =	smul.u32 $0x5000, s11;
	s1 =	sshrl.u32 s1, $0x2;
	s16 =	sld [smem:$0x7DF]  }
0x3d: {  	s20 =	sadd.s32 s20, s19;
	s21 =	sadd.s32 s21, s19;
	s1 =	sadd.s32 s1, s18  }
0x3e: {  	s22 =	sadd.s32 s22, s19;
	[smem:$0x7DD] =	sst s1;
	s0 =	sshrl.u32 s0, $0x2  }
0x3f: {  	s1 =	sshrl.u32 s15, $0x2;
	s0 =	sadd.s32 s0, s18;
	s15 =	sshrl.u32 s16, $0x2  }
0x40: {  	s23 =	sadd.s32 s23, s19;
	[smem:$0x7E0] =	sst s0;
	s15 =	sadd.s32 s15, s19  }
0x41: {  	s30 =	simm.s32 $0x0;
	s31 =	simm.s32 $0x0;
	[smem:$0x7E1] =	sst s15  }
0x42: {  	s15 =	sadd.s32 s1, s18;
	s1 =	sshrl.u32 s14, $0x2;
	s14 =	smul.u32 $0x5000, s12  }
0x43: {  	[smem:$0x7E2] =	sst s15;
	s15 =	sshrl.u32 s3, $0x2;
	s0 =	sadd.s32 s1, s18  }
0x44: {  	s3 =	sadd.s32 s3, s18;
	s12 =	sadd.s32 s15, s19;
	[smem:$0x7E4] =	sst s0  }
0x45: {  	s1 =	sshrl.u32 s14, $0x2;
	s14 =	smul.u32 $0x5000, s13;
	s15 =	sshrl.u32 s4, $0x2  }
0x46: {  	s13 =	sshrl.u32 s5, $0x2;
	s0 =	sshrl.u32 s11, $0x2;
	s4 =	sadd.s32 s4, s18  }
0x47: {  	s5 =	sadd.s32 s5, s18;
	[smem:$0x7E3] =	sst s12;
	s12 =	sadd.s32 s15, s19  }
0x48: {  	s1 =	sadd.s32 s1, s18;
	s15 =	sshrl.u32 s6, $0x2;
	[smem:$0x7E5] =	sst s12  }
0x49: {  	s0 =	sadd.s32 s0, s18;
	s6 =	sadd.s32 s6, s18;
	[smem:$0x7E6] =	sst s1  }
0x4a: {  	s1 =	sadd.s32 s13, s19;
	s14 =	sshrl.u32 s14, $0x2;
	[smem:$0x7E8] =	sst s0  }
0x4b: {  	s11 =	sadd.s32 s15, s19;
	s13 =	sshrl.u32 s10, $0x2;
	[smem:$0x7E7] =	sst s1  }
0x4c: {  	s15 =	sshrl.u32 s9, $0x2;
	s10 =	sshrl.u32 s3, $0x3;
	[smem:$0x7E9] =	sst s11  }
0x4d: {  	s9 =	sadd.s32 s9, s18;
	s12 =	sadd.s32 s14, s18;
	[smem:$0x7F2] =	sst s10  }
0x4e: {  	s14 =	sshrl.u32 s25, $0x2;
	s0 =	sadd.s32 s13, s18;
	[smem:$0x7EA] =	sst s12  }
0x4f: {  	s11 =	sadd.s32 s15, s19;
	s13 =	sadd.s32 s17, s19;
	[smem:$0x7EC] =	sst s0  }
0x50: {  	s15 =	sadd.s32 s7, s19;
	s1 =	sadd.s32 s14, s19;
	[smem:$0x7ED] =	sst s11  }
0x51: {  	s7 =	sadd.s32 s25, s18;
	s25 =	sshrl.u32 s13, $0x3;
	[smem:$0x7EB] =	sst s1  }
0x52: {  	s17 =	sadd.s32 s28, s19;
	s11 =	sshrl.u32 s21, $0x3;
	[smem:$0x7EF] =	sst s25  }
0x53: {  	s10 =	simm.s32 $0x2710;
	s21 =	sshrl.u32 s5, $0x3;
	[smem:$0x7F3] =	sst s11  }
0x54: {  	s12 =	sadd.s32 s29, s18;
	s24 =	sshrl.u32 s15, $0x3;
	[smem:$0x7F6] =	sst s21  }
0x55: {  	s14 =	sadd.s32 s16, s18;
	s0 =	sshrl.u32 s12, $0x3;
	[smem:$0x7F9] =	sst s24  }
0x56: {  	s16 =	sadd.s32 s26, s19;
	s26 =	sshrl.u32 s14, $0x3;
	[smem:$0x7EE] =	sst s0  }
0x57: {  	s28 =	simm.s32 $0x5;
	s1 =	sshrl.u32 s20, $0x3;
	[smem:$0x7F0] =	sst s26  }
0x58: {  	s13 =	simm.s32 $0xF290;
	s12 =	sshrl.u32 s4, $0x3;
	[smem:$0x7F1] =	sst s1  }
0x59: {  	s15 =	simm.s32 $0x1;
	s20 =	sshrl.u32 s22, $0x3;
	[smem:$0x7F4] =	sst s12  }
0x5a: {  	s29 =	simm.s32 $0x6;
	s22 =	sshrl.u32 s23, $0x3;
	[smem:$0x7F5] =	sst s20  }
0x5b: {  	s23 =	sshrl.u32 s6, $0x3;
	s25 =	sshrl.u32 s7, $0x3;
	[smem:$0x7F7] =	sst s22  }
0x5c: {  	s11 =	simm.s32 $0xEA70;
	s14 =	simm.s32 $0x11A90;
	[smem:$0x7F8] =	sst s23  }
0x5d: {  	s21 =	simm.s32 $0x3;
	s24 =	simm.s32 $0x10690;
	[smem:$0x7FA] =	sst s25  }
0x5e: {  	s26 =	sshrl.u32 s16, $0x3;
	s0 =	sshrl.u32 @!p0 s9, $0x3;
	s12 =	simm.s32 $0x7  }
0x5f: {  	s20 =	simm.s32 $0x2;
	s22 =	simm.s32 $0x4;
	[smem:$0x7FB] =	sst s26  }
0x60: {  	v0 =	vimm.f32 $0.0e+00;
	v1 =	vimm.s32 $0x0;
	vm0 =	vcmask $0x300;
	s23 =	simm.s32 $0x50;
	[smem:$0x7FC] =	sst s0;
	s0 =	sshrl.u32 @!p0 s17, $0x3  }
0x61: {  	v1 =	vsel vm0, $0x3, v1;
	v2 =	vsel vm0, $0x3F800000, v0;
	s25 =	simm.s32 $0xF240;
	s26 =	simm.s32 $0x11F90;
	[smem:$0x7FD] =	sst s0  }
.LBB2_1:
0x62: {  	s0 =	rddreg [dreg:$0x1]  }
0x63: {  	[tilespmem:s8], [sflag:$0x1] =	stream.linear.gather [hbm4b:s0+s8], $0x2710, $0x38;
	[tilespmem:$0x1E7E0] =	vst v63  }
0x64: {  	s6 =	rddreg [dreg:$0x15]  }
0x65: {  	[tilespmem:s10], [sflag:$0x2] =	stream.linear.gather [hbm4b:s6+s8], $0x2710, $0x38;
	[tilespmem:$0x1E7E0] =	vst v63  }
0x66: {  	s7 =	rddreg [dreg:$0x16];
	s1 =	simm.s32 $0x4E20  }
0x67: {  	[tilespmem:s1], [sflag:$0x3] =	stream.linear.gather [hbm4b:s7+s8], $0x10, $0x38;
	[tilespmem:$0x1E7E0] =	vst v63  }
0x68: {  	s9 =	rddreg [dreg:$0x17];
	s16 =	simm.s32 $0x4E30  }
0x69: {  	[tilespmem:s16], [sflag:$0x4] =	stream.linear.gather [hbm4b:s9+s8], $0x4E20, $0x38;
	[tilespmem:$0x1E7E0] =	vst v63  }
0x6a: {  	s17 =	rddreg [dreg:$0x18]  }
0x6b: {  	[tilespmem:s11], [sflag:$0x7] =	stream.linear.gather [hbm4b:s17+s8], $0x7D0, $0x38;
	[tilespmem:$0x1E7E0] =	vst v63  }
0x6c: {  	_ =	swait.ge [sflag:s12], $0x7D0  }
0x6d: {  	[sflag:s12] =	ssyncset.done $0x0  }
0x6e: {  	s0 =	simm.s32 $0x0;
	[sflag:s12] =	ssyncadd.s32 $0xFFFFF830  }
0x6f: {  	v3 =	vld [tilespmem:s0+$0xEAB0]  }
0x70: {  	v4 =	vld [tilespmem:s0+$0xEA70]  }
0x71: {  	v5 =	vld [tilespmem:s0+$0xEA80]  }
0x72: {  	v6 =	vld [tilespmem:s0+$0xEA90]  }
0x73: {  	s1 =	simm.s32 $0x140;
	v7 =	vld [tilespmem:s0+$0xEAA0]  }
.LBB2_2:
0x74: {  	s3 =	sshra.s32 s1, $0x2;
	p2 =	sne.s32 s1, $0x1E00;
	s1 =	sadd.s32 $0x140, s1;
	[tilespmem:s0+$0x9C90] =	vst v3  }
.Ltmp0:
0x75: {  	v3 =	vld [tilespmem:s3+$0xEAB0];
	[tilespmem:s0+$0x9C50] =	vst v4;
	(pc) =	sbr.rel @p2 .LBB2_2-.Ltmp0, $4  }
0x76: {  	v4 =	vld [tilespmem:s3+$0xEA70];
	[tilespmem:s0+$0x9C60] =	vst v5  }
0x77: {  	v5 =	vld [tilespmem:s3+$0xEA80];
	[tilespmem:s0+$0x9C70] =	vst v6  }
0x78: {  	v6 =	vld [tilespmem:s3+$0xEA90];
	[tilespmem:s0+$0x9C80] =	vst v7;
	s0 =	smov.u32 s3  }
0x79: {  	v7 =	vld [tilespmem:s0+$0xEAA0]  }
0x7a: {  	[tilespmem:s0+$0x9C90] =	vst v3  }
0x7b: {  	[tilespmem:s0+$0x9C50] =	vst v4  }
0x7c: {  	[tilespmem:s0+$0x9C60] =	vst v5  }
0x7d: {  	[tilespmem:s0+$0x9C70] =	vst v6  }
0x7e: {  	s17 =	simm.s32 $0x0;
	s1 =	rddreg [dreg:$0x19];
	[tilespmem:s0+$0x9C80] =	vst v7  }
0x7f: {  	[tilespmem:s11], [sflag:$0x7] =	stream.linear.gather [hbm4b:s1+s17], $0x7D0, $0x38;
	[tilespmem:$0x1E7E0] =	vst v63  }
0x80: {  	_ =	swait.ge [sflag:s12], $0x7D0  }
0x81: {  	[sflag:s12] =	ssyncset.done $0x0  }
0x82: {  	s0 =	simm.s32 $0x0;
	[sflag:s12] =	ssyncadd.s32 $0xFFFFF830  }
0x83: {  	v3 =	vld [tilespmem:s0+$0xEAB0]  }
0x84: {  	v4 =	vld [tilespmem:s0+$0xEA70]  }
0x85: {  	v5 =	vld [tilespmem:s0+$0xEA80]  }
0x86: {  	v6 =	vld [tilespmem:s0+$0xEA90]  }
0x87: {  	s1 =	simm.s32 $0x140;
	v7 =	vld [tilespmem:s0+$0xEAA0]  }
.LBB2_4:
0x88: {  	s3 =	sshra.s32 s1, $0x2;
	p2 =	sne.s32 s1, $0x1E00;
	s1 =	sadd.s32 $0x140, s1;
	[tilespmem:s0+$0xA460] =	vst v3  }
.Ltmp1:
0x89: {  	v3 =	vld [tilespmem:s3+$0xEAB0];
	[tilespmem:s0+$0xA420] =	vst v4;
	(pc) =	sbr.rel @p2 .LBB2_4-.Ltmp1, $4  }
0x8a: {  	v4 =	vld [tilespmem:s3+$0xEA70];
	[tilespmem:s0+$0xA430] =	vst v5  }
0x8b: {  	v5 =	vld [tilespmem:s3+$0xEA80];
	[tilespmem:s0+$0xA440] =	vst v6  }
0x8c: {  	v6 =	vld [tilespmem:s3+$0xEA90];
	[tilespmem:s0+$0xA450] =	vst v7;
	s0 =	smov.u32 s3  }
0x8d: {  	v7 =	vld [tilespmem:s0+$0xEAA0]  }
0x8e: {  	[tilespmem:s0+$0xA460] =	vst v3  }
0x8f: {  	[tilespmem:s0+$0xA420] =	vst v4  }
0x90: {  	[tilespmem:s0+$0xA430] =	vst v5  }
0x91: {  	[tilespmem:s0+$0xA440] =	vst v6  }
0x92: {  	s17 =	simm.s32 $0x0;
	s1 =	rddreg [dreg:$0x1a];
	[tilespmem:s0+$0xA450] =	vst v7  }
0x93: {  	[tilespmem:s11], [sflag:$0x7] =	stream.linear.gather [hbm4b:s1+s17], $0x7D0, $0x38;
	[tilespmem:$0x1E7E0] =	vst v63  }
0x94: {  	_ =	swait.ge [sflag:s12], $0x7D0  }
0x95: {  	[sflag:s12] =	ssyncset.done $0x0  }
0x96: {  	s0 =	simm.s32 $0x0;
	[sflag:s12] =	ssyncadd.s32 $0xFFFFF830  }
0x97: {  	v3 =	vld [tilespmem:s0+$0xEAB0]  }
0x98: {  	v4 =	vld [tilespmem:s0+$0xEA70]  }
0x99: {  	v5 =	vld [tilespmem:s0+$0xEA80]  }
0x9a: {  	v6 =	vld [tilespmem:s0+$0xEA90]  }
0x9b: {  	s1 =	simm.s32 $0x140;
	v7 =	vld [tilespmem:s0+$0xEAA0]  }
.LBB2_6:
0x9c: {  	s3 =	sshra.s32 s1, $0x2;
	p2 =	sne.s32 s1, $0x1E00;
	s1 =	sadd.s32 $0x140, s1;
	[tilespmem:s0+$0xAC30] =	vst v3  }
.Ltmp2:
0x9d: {  	v3 =	vld [tilespmem:s3+$0xEAB0];
	[tilespmem:s0+$0xABF0] =	vst v4;
	(pc) =	sbr.rel @p2 .LBB2_6-.Ltmp2, $4  }
0x9e: {  	v4 =	vld [tilespmem:s3+$0xEA70];
	[tilespmem:s0+$0xAC00] =	vst v5  }
0x9f: {  	v5 =	vld [tilespmem:s3+$0xEA80];
	[tilespmem:s0+$0xAC10] =	vst v6  }
0xa0: {  	v6 =	vld [tilespmem:s3+$0xEA90];
	[tilespmem:s0+$0xAC20] =	vst v7;
	s0 =	smov.u32 s3  }
0xa1: {  	v7 =	vld [tilespmem:s0+$0xEAA0]  }
0xa2: {  	[tilespmem:s0+$0xAC30] =	vst v3  }
0xa3: {  	[tilespmem:s0+$0xABF0] =	vst v4  }
0xa4: {  	[tilespmem:s0+$0xAC00] =	vst v5  }
0xa5: {  	[tilespmem:s0+$0xAC10] =	vst v6  }
0xa6: {  	s17 =	simm.s32 $0x0;
	s1 =	rddreg [dreg:$0x1b];
	[tilespmem:s0+$0xAC20] =	vst v7  }
0xa7: {  	[tilespmem:s11], [sflag:$0x7] =	stream.linear.gather [hbm4b:s1+s17], $0x7D0, $0x38;
	[tilespmem:$0x1E7E0] =	vst v63  }
0xa8: {  	_ =	swait.ge [sflag:s12], $0x7D0  }
0xa9: {  	[sflag:s12] =	ssyncset.done $0x0  }
0xaa: {  	s0 =	simm.s32 $0x0;
	[sflag:s12] =	ssyncadd.s32 $0xFFFFF830  }
0xab: {  	v3 =	vld [tilespmem:s0+$0xEAB0]  }
0xac: {  	v4 =	vld [tilespmem:s0+$0xEA70]  }
0xad: {  	v5 =	vld [tilespmem:s0+$0xEA80]  }
0xae: {  	v6 =	vld [tilespmem:s0+$0xEA90]  }
0xaf: {  	s1 =	simm.s32 $0x140;
	v7 =	vld [tilespmem:s0+$0xEAA0]  }
.LBB2_8:
0xb0: {  	s3 =	sshra.s32 s1, $0x2;
	p2 =	sne.s32 s1, $0x1E00;
	s1 =	sadd.s32 $0x140, s1;
	[tilespmem:s0+$0xB400] =	vst v3  }
.Ltmp3:
0xb1: {  	v3 =	vld [tilespmem:s3+$0xEAB0];
	[tilespmem:s0+$0xB3C0] =	vst v4;
	(pc) =	sbr.rel @p2 .LBB2_8-.Ltmp3, $4  }
0xb2: {  	v4 =	vld [tilespmem:s3+$0xEA70];
	[tilespmem:s0+$0xB3D0] =	vst v5  }
0xb3: {  	v5 =	vld [tilespmem:s3+$0xEA80];
	[tilespmem:s0+$0xB3E0] =	vst v6  }
0xb4: {  	v6 =	vld [tilespmem:s3+$0xEA90];
	[tilespmem:s0+$0xB3F0] =	vst v7;
	s0 =	smov.u32 s3  }
0xb5: {  	v7 =	vld [tilespmem:s0+$0xEAA0]  }
0xb6: {  	[tilespmem:s0+$0xB400] =	vst v3  }
0xb7: {  	[tilespmem:s0+$0xB3C0] =	vst v4  }
0xb8: {  	[tilespmem:s0+$0xB3D0] =	vst v5  }
0xb9: {  	[tilespmem:s0+$0xB3E0] =	vst v6  }
0xba: {  	s17 =	simm.s32 $0x0;
	s1 =	rddreg [dreg:$0x1c];
	[tilespmem:s0+$0xB3F0] =	vst v7  }
0xbb: {  	[tilespmem:s11], [sflag:$0x7] =	stream.linear.gather [hbm4b:s1+s17], $0x7D0, $0x38;
	[tilespmem:$0x1E7E0] =	vst v63  }
0xbc: {  	_ =	swait.ge [sflag:s12], $0x7D0  }
0xbd: {  	[sflag:s12] =	ssyncset.done $0x0  }
0xbe: {  	s0 =	simm.s32 $0x0;
	[sflag:s12] =	ssyncadd.s32 $0xFFFFF830  }
0xbf: {  	v3 =	vld [tilespmem:s0+$0xEAB0]  }
0xc0: {  	v4 =	vld [tilespmem:s0+$0xEA70]  }
0xc1: {  	v5 =	vld [tilespmem:s0+$0xEA80]  }
0xc2: {  	v6 =	vld [tilespmem:s0+$0xEA90]  }
0xc3: {  	s1 =	simm.s32 $0x140;
	v7 =	vld [tilespmem:s0+$0xEAA0]  }
.LBB2_10:
0xc4: {  	s3 =	sshra.s32 s1, $0x2;
	p2 =	sne.s32 s1, $0x1E00;
	s1 =	sadd.s32 $0x140, s1;
	[tilespmem:s0+$0xBBD0] =	vst v3  }
.Ltmp4:
0xc5: {  	v3 =	vld [tilespmem:s3+$0xEAB0];
	[tilespmem:s0+$0xBB90] =	vst v4;
	(pc) =	sbr.rel @p2 .LBB2_10-.Ltmp4, $4  }
0xc6: {  	v4 =	vld [tilespmem:s3+$0xEA70];
	[tilespmem:s0+$0xBBA0] =	vst v5  }
0xc7: {  	v5 =	vld [tilespmem:s3+$0xEA80];
	[tilespmem:s0+$0xBBB0] =	vst v6  }
0xc8: {  	v6 =	vld [tilespmem:s3+$0xEA90];
	[tilespmem:s0+$0xBBC0] =	vst v7;
	s0 =	smov.u32 s3  }
0xc9: {  	v7 =	vld [tilespmem:s0+$0xEAA0]  }
0xca: {  	[tilespmem:s0+$0xBBD0] =	vst v3  }
0xcb: {  	[tilespmem:s0+$0xBB90] =	vst v4  }
0xcc: {  	[tilespmem:s0+$0xBBA0] =	vst v5  }
0xcd: {  	[tilespmem:s0+$0xBBB0] =	vst v6  }
0xce: {  	s17 =	simm.s32 $0x0;
	s1 =	rddreg [dreg:$0x1d];
	[tilespmem:s0+$0xBBC0] =	vst v7  }
0xcf: {  	[tilespmem:s11], [sflag:$0x7] =	stream.linear.gather [hbm4b:s1+s17], $0x7D0, $0x38;
	[tilespmem:$0x1E7E0] =	vst v63  }
0xd0: {  	_ =	swait.ge [sflag:s12], $0x7D0  }
0xd1: {  	[sflag:s12] =	ssyncset.done $0x0  }
0xd2: {  	s0 =	simm.s32 $0x0;
	[sflag:s12] =	ssyncadd.s32 $0xFFFFF830  }
0xd3: {  	v3 =	vld [tilespmem:s0+$0xEAB0]  }
0xd4: {  	v4 =	vld [tilespmem:s0+$0xEA70]  }
0xd5: {  	v5 =	vld [tilespmem:s0+$0xEA80]  }
0xd6: {  	v6 =	vld [tilespmem:s0+$0xEA90]  }
0xd7: {  	s1 =	simm.s32 $0x140;
	v7 =	vld [tilespmem:s0+$0xEAA0]  }
.LBB2_12:
0xd8: {  	s3 =	sshra.s32 s1, $0x2;
	p2 =	sne.s32 s1, $0x1E00;
	s1 =	sadd.s32 $0x140, s1;
	[tilespmem:s0+$0xC3A0] =	vst v3  }
.Ltmp5:
0xd9: {  	v3 =	vld [tilespmem:s3+$0xEAB0];
	[tilespmem:s0+$0xC360] =	vst v4;
	(pc) =	sbr.rel @p2 .LBB2_12-.Ltmp5, $4  }
0xda: {  	v4 =	vld [tilespmem:s3+$0xEA70];
	[tilespmem:s0+$0xC370] =	vst v5  }
0xdb: {  	v5 =	vld [tilespmem:s3+$0xEA80];
	[tilespmem:s0+$0xC380] =	vst v6  }
0xdc: {  	v6 =	vld [tilespmem:s3+$0xEA90];
	[tilespmem:s0+$0xC390] =	vst v7;
	s0 =	smov.u32 s3  }
0xdd: {  	v7 =	vld [tilespmem:s0+$0xEAA0]  }
0xde: {  	[tilespmem:s0+$0xC3A0] =	vst v3  }
0xdf: {  	[tilespmem:s0+$0xC360] =	vst v4  }
0xe0: {  	[tilespmem:s0+$0xC370] =	vst v5  }
0xe1: {  	[tilespmem:s0+$0xC380] =	vst v6  }
0xe2: {  	s17 =	simm.s32 $0x0;
	s1 =	rddreg [dreg:$0x1e];
	[tilespmem:s0+$0xC390] =	vst v7  }
0xe3: {  	[tilespmem:s11], [sflag:$0x7] =	stream.linear.gather [hbm4b:s1+s17], $0x7D0, $0x38;
	[tilespmem:$0x1E7E0] =	vst v63  }
0xe4: {  	_ =	swait.ge [sflag:s12], $0x7D0  }
0xe5: {  	[sflag:s12] =	ssyncset.done $0x0  }
0xe6: {  	s0 =	simm.s32 $0x0;
	[sflag:s12] =	ssyncadd.s32 $0xFFFFF830  }
0xe7: {  	v3 =	vld [tilespmem:s0+$0xEAB0]  }
0xe8: {  	v4 =	vld [tilespmem:s0+$0xEA70]  }
0xe9: {  	v5 =	vld [tilespmem:s0+$0xEA80]  }
0xea: {  	v6 =	vld [tilespmem:s0+$0xEA90]  }
0xeb: {  	s1 =	simm.s32 $0x140;
	v7 =	vld [tilespmem:s0+$0xEAA0]  }
.LBB2_14:
0xec: {  	s3 =	sshra.s32 s1, $0x2;
	p2 =	sne.s32 s1, $0x1E00;
	s1 =	sadd.s32 $0x140, s1;
	[tilespmem:s0+$0xCB70] =	vst v3  }
.Ltmp6:
0xed: {  	v3 =	vld [tilespmem:s3+$0xEAB0];
	[tilespmem:s0+$0xCB30] =	vst v4;
	(pc) =	sbr.rel @p2 .LBB2_14-.Ltmp6, $4  }
0xee: {  	v4 =	vld [tilespmem:s3+$0xEA70];
	[tilespmem:s0+$0xCB40] =	vst v5  }
0xef: {  	v5 =	vld [tilespmem:s3+$0xEA80];
	[tilespmem:s0+$0xCB50] =	vst v6  }
0xf0: {  	v6 =	vld [tilespmem:s3+$0xEA90];
	[tilespmem:s0+$0xCB60] =	vst v7;
	s0 =	smov.u32 s3  }
0xf1: {  	v7 =	vld [tilespmem:s0+$0xEAA0]  }
0xf2: {  	[tilespmem:s0+$0xCB70] =	vst v3  }
0xf3: {  	[tilespmem:s0+$0xCB30] =	vst v4  }
0xf4: {  	[tilespmem:s0+$0xCB40] =	vst v5  }
0xf5: {  	[tilespmem:s0+$0xCB50] =	vst v6  }
0xf6: {  	s17 =	simm.s32 $0x0;
	s1 =	rddreg [dreg:$0x1f];
	[tilespmem:s0+$0xCB60] =	vst v7  }
0xf7: {  	[tilespmem:s11], [sflag:$0x7] =	stream.linear.gather [hbm4b:s1+s17], $0x7D0, $0x38;
	[tilespmem:$0x1E7E0] =	vst v63  }
0xf8: {  	_ =	swait.ge [sflag:s12], $0x7D0  }
0xf9: {  	[sflag:s12] =	ssyncset.done $0x0  }
0xfa: {  	s0 =	simm.s32 $0x0;
	[sflag:s12] =	ssyncadd.s32 $0xFFFFF830  }
0xfb: {  	v3 =	vld [tilespmem:s0+$0xEAB0]  }
0xfc: {  	v4 =	vld [tilespmem:s0+$0xEA70]  }
0xfd: {  	v5 =	vld [tilespmem:s0+$0xEA80]  }
0xfe: {  	v6 =	vld [tilespmem:s0+$0xEA90]  }
0xff: {  	s1 =	simm.s32 $0x140;
	v7 =	vld [tilespmem:s0+$0xEAA0]  }
.LBB2_16:
0x100: {  	s3 =	sshra.s32 s1, $0x2;
	p2 =	sne.s32 s1, $0x1E00;
	s1 =	sadd.s32 $0x140, s1;
	[tilespmem:s0+$0xD340] =	vst v3  }
.Ltmp7:
0x101: {  	v3 =	vld [tilespmem:s3+$0xEAB0];
	[tilespmem:s0+$0xD300] =	vst v4;
	(pc) =	sbr.rel @p2 .LBB2_16-.Ltmp7, $4  }
0x102: {  	v4 =	vld [tilespmem:s3+$0xEA70];
	[tilespmem:s0+$0xD310] =	vst v5  }
0x103: {  	v5 =	vld [tilespmem:s3+$0xEA80];
	[tilespmem:s0+$0xD320] =	vst v6  }
0x104: {  	v6 =	vld [tilespmem:s3+$0xEA90];
	[tilespmem:s0+$0xD330] =	vst v7;
	s0 =	smov.u32 s3  }
0x105: {  	v7 =	vld [tilespmem:s0+$0xEAA0]  }
0x106: {  	[tilespmem:s0+$0xD340] =	vst v3  }
0x107: {  	[tilespmem:s0+$0xD300] =	vst v4  }
0x108: {  	s1 =	sld [smem:$0x7D8];
	[tilespmem:s0+$0xD310] =	vst v5  }
0x109: {  	[tilespmem:s0+$0xD320] =	vst v6  }
0x10a: {  	s17 =	simm.s32 $0x0;
	[tilespmem:s0+$0xD330] =	vst v7  }
0x10b: {  	[tilespmem:s11], [sflag:$0x7] =	stream.linear.gather [hbm4b:s1+s17], $0x7D0, $0x38;
	[tilespmem:$0x1E7E0] =	vst v63  }
0x10c: {  	_ =	swait.ge [sflag:s12], $0x7D0  }
0x10d: {  	[sflag:s12] =	ssyncset.done $0x0  }
0x10e: {  	s0 =	simm.s32 $0x0;
	[sflag:s12] =	ssyncadd.s32 $0xFFFFF830  }
0x10f: {  	v3 =	vld [tilespmem:s0+$0xEAB0]  }
0x110: {  	v4 =	vld [tilespmem:s0+$0xEA70]  }
0x111: {  	v5 =	vld [tilespmem:s0+$0xEA80]  }
0x112: {  	v6 =	vld [tilespmem:s0+$0xEA90]  }
0x113: {  	s1 =	simm.s32 $0x140;
	v7 =	vld [tilespmem:s0+$0xEAA0]  }
.LBB2_18:
0x114: {  	s3 =	sshra.s32 s1, $0x2;
	p2 =	sne.s32 s1, $0x1E00;
	s1 =	sadd.s32 $0x140, s1;
	[tilespmem:s0+$0xDB10] =	vst v3  }
.Ltmp8:
0x115: {  	v3 =	vld [tilespmem:s3+$0xEAB0];
	[tilespmem:s0+$0xDAD0] =	vst v4;
	(pc) =	sbr.rel @p2 .LBB2_18-.Ltmp8, $4  }
0x116: {  	v4 =	vld [tilespmem:s3+$0xEA70];
	[tilespmem:s0+$0xDAE0] =	vst v5  }
0x117: {  	v5 =	vld [tilespmem:s3+$0xEA80];
	[tilespmem:s0+$0xDAF0] =	vst v6  }
0x118: {  	v6 =	vld [tilespmem:s3+$0xEA90];
	[tilespmem:s0+$0xDB00] =	vst v7;
	s0 =	smov.u32 s3  }
0x119: {  	v7 =	vld [tilespmem:s0+$0xEAA0]  }
0x11a: {  	[tilespmem:s0+$0xDB10] =	vst v3  }
0x11b: {  	[tilespmem:s0+$0xDAD0] =	vst v4  }
0x11c: {  	s1 =	sld [smem:$0x7D9];
	[tilespmem:s0+$0xDAE0] =	vst v5  }
0x11d: {  	[tilespmem:s0+$0xDAF0] =	vst v6  }
0x11e: {  	s17 =	simm.s32 $0x0;
	[tilespmem:s0+$0xDB00] =	vst v7  }
0x11f: {  	[tilespmem:s11], [sflag:$0x7] =	stream.linear.gather [hbm4b:s1+s17], $0x7D0, $0x38;
	[tilespmem:$0x1E7E0] =	vst v63  }
0x120: {  	_ =	swait.ge [sflag:s12], $0x7D0  }
0x121: {  	[sflag:s12] =	ssyncset.done $0x0  }
0x122: {  	s0 =	simm.s32 $0x0;
	[sflag:s12] =	ssyncadd.s32 $0xFFFFF830  }
0x123: {  	v3 =	vld [tilespmem:s0+$0xEAB0]  }
0x124: {  	v4 =	vld [tilespmem:s0+$0xEA70]  }
0x125: {  	v5 =	vld [tilespmem:s0+$0xEA80]  }
0x126: {  	v6 =	vld [tilespmem:s0+$0xEA90]  }
0x127: {  	s1 =	simm.s32 $0x140;
	v7 =	vld [tilespmem:s0+$0xEAA0]  }
.LBB2_20:
0x128: {  	s3 =	sshra.s32 s1, $0x2;
	p2 =	sne.s32 s1, $0x1E00;
	s1 =	sadd.s32 $0x140, s1;
	[tilespmem:s0+$0xE2E0] =	vst v3  }
.Ltmp9:
0x129: {  	v3 =	vld [tilespmem:s3+$0xEAB0];
	[tilespmem:s0+$0xE2A0] =	vst v4;
	(pc) =	sbr.rel @p2 .LBB2_20-.Ltmp9, $4  }
0x12a: {  	v4 =	vld [tilespmem:s3+$0xEA70];
	[tilespmem:s0+$0xE2B0] =	vst v5  }
0x12b: {  	v5 =	vld [tilespmem:s3+$0xEA80];
	[tilespmem:s0+$0xE2C0] =	vst v6  }
0x12c: {  	v6 =	vld [tilespmem:s3+$0xEA90];
	[tilespmem:s0+$0xE2D0] =	vst v7;
	s0 =	smov.u32 s3  }
0x12d: {  	v7 =	vld [tilespmem:s0+$0xEAA0]  }
0x12e: {  	[tilespmem:s0+$0xE2E0] =	vst v3  }
0x12f: {  	[tilespmem:s0+$0xE2A0] =	vst v4  }
0x130: {  	[tilespmem:s0+$0xE2B0] =	vst v5  }
0x131: {  	[tilespmem:s0+$0xE2C0] =	vst v6  }
0x132: {  	[tilespmem:s0+$0xE2D0] =	vst v7;
	s0 =	simm.s32 $0xF2B0  }
0x133: {  	[tilespmem:s0+$0x0] =	vst v0  }
0x134: {  	[tilespmem:s0+$0xFFFFFFE0] =	vst v0  }
0x135: {  	[tilespmem:s0+$0x10] =	vst v0  }
0x136: {  	s1 =	simm.s32 $0x40;
	s3 =	simm.s32 $0x0;
	[tilespmem:s0+$0xFFFFFFF0] =	vst v0  }
.LBB2_22:
0x137: {  	p2 =	sne.s32 s1, $0x13C0  }
0x138: {  	[tilespmem:s3+$0x11A90] =	vst v0;
	s0 =	sadd.s32 $0x40, s0;
	s3 =	smov.u32 s1;
	s1 =	sadd.s32 $0x40, s1  }
.Ltmp10:
0x139: {  	[tilespmem:s0+$0x0] =	vst v0;
	(pc) =	sbr.rel @p2 .LBB2_22-.Ltmp10, $4  }
0x13a: {  	_ = 	snop  }
0x13b: {  	[tilespmem:s0+$0xFFFFFFE0] =	vst v0  }
0x13c: {  	[tilespmem:s0+$0x10] =	vst v0  }
0x13d: {  	s3 =	sshra.s32 s3, $0x2;
	[tilespmem:s0+$0xFFFFFFF0] =	vst v0  }
0x13e: {  	s0 =	sld [smem:$0x7DD];
	_ =	sdelay $0x1  }
0x13f: {  	[tilespmem:s3+$0x11A90] =	vst v0;
	s7 =	sld [smem:$0x7DE]  }
0x140: {  	[spmem:s0] =	stream.linear.scatter [tilespmem:s13], [sflag:$0x1], $0x1400, $0x38;
	[tilespmem:$0x1E7E0] =	vst v63  }
0x141: {  	s9 =	sld [smem:$0x7E0]  }
0x142: {  	[spmem:s7] =	stream.linear.scatter [tilespmem:s14], [sflag:$0x2], $0x500, $0x38;
	[tilespmem:$0x1E7E0] =	vst v63  }
0x143: {  	s16 =	sld [smem:$0x7E1]  }
0x144: {  	[spmem:s9] =	stream.linear.scatter [tilespmem:s13], [sflag:$0x1], $0x1400, $0x38;
	[tilespmem:$0x1E7E0] =	vst v63  }
0x145: {  	s17 =	sld [smem:$0x7E2]  }
0x146: {  	[spmem:s16] =	stream.linear.scatter [tilespmem:s14], [sflag:$0x2], $0x500, $0x38;
	[tilespmem:$0x1E7E0] =	vst v63  }
0x147: {  	s1 =	sld [smem:$0x7E3]  }
0x148: {  	[spmem:s17] =	stream.linear.scatter [tilespmem:s13], [sflag:$0x1], $0x1400, $0x38;
	[tilespmem:$0x1E7E0] =	vst v63  }
0x149: {  	s3 =	sld [smem:$0x7E4]  }
0x14a: {  	[spmem:s1] =	stream.linear.scatter [tilespmem:s14], [sflag:$0x2], $0x500, $0x38;
	[tilespmem:$0x1E7E0] =	vst v63  }
0x14b: {  	s4 =	sld [smem:$0x7E5]  }
0x14c: {  	[spmem:s3] =	stream.linear.scatter [tilespmem:s13], [sflag:$0x1], $0x1400, $0x38;
	[tilespmem:$0x1E7E0] =	vst v63  }
0x14d: {  	s5 =	sld [smem:$0x7E6]  }
0x14e: {  	[spmem:s4] =	stream.linear.scatter [tilespmem:s14], [sflag:$0x2], $0x500, $0x38;
	[tilespmem:$0x1E7E0] =	vst v63  }
0x14f: {  	s6 =	sld [smem:$0x7E7]  }
0x150: {  	[spmem:s5] =	stream.linear.scatter [tilespmem:s13], [sflag:$0x1], $0x1400, $0x38;
	[tilespmem:$0x1E7E0] =	vst v63  }
0x151: {  	s7 =	sld [smem:$0x7E8]  }
0x152: {  	[spmem:s6] =	stream.linear.scatter [tilespmem:s14], [sflag:$0x2], $0x500, $0x38;
	[tilespmem:$0x1E7E0] =	vst v63  }
0x153: {  	s9 =	sld [smem:$0x7E9]  }
0x154: {  	[spmem:s7] =	stream.linear.scatter [tilespmem:s13], [sflag:$0x1], $0x1400, $0x38;
	[tilespmem:$0x1E7E0] =	vst v63  }
0x155: {  	s16 =	sld [smem:$0x7EA]  }
0x156: {  	[spmem:s9] =	stream.linear.scatter [tilespmem:s14], [sflag:$0x2], $0x500, $0x38;
	[tilespmem:$0x1E7E0] =	vst v63  }
0x157: {  	s17 =	sld [smem:$0x7EB]  }
0x158: {  	[spmem:s16] =	stream.linear.scatter [tilespmem:s13], [sflag:$0x1], $0x1400, $0x38;
	[tilespmem:$0x1E7E0] =	vst v63  }
0x159: {  	s1 =	sld [smem:$0x7EC]  }
0x15a: {  	[spmem:s17] =	stream.linear.scatter [tilespmem:s14], [sflag:$0x2], $0x500, $0x38;
	[tilespmem:$0x1E7E0] =	vst v63  }
0x15b: {  	s0 =	simm.s32 @!p0 $0xF290  }
0x15c: {  	[spmem:s1] =	stream.linear.scatter @!p0 [tilespmem:s0], [sflag:$0x1], $0x1400, $0x38;
	[tilespmem:$0x1E7E0] =	vst v63  }
0x15d: {  	s1 =	sld [smem:$0x7ED];
	_ =	sdelay $0x1  }
0x15e: {  	s0 =	simm.s32 @!p0 $0x11A90  }
0x15f: {  	[spmem:s1] =	stream.linear.scatter @!p0 [tilespmem:s0], [sflag:$0x2], $0x500, $0x38;
	[tilespmem:$0x1E7E0] =	vst v63  }
0x160: {  	_ =	swait.ge [sflag:s15], $0x2710  }
0x161: {  	[sflag:s15] =	ssyncset.done $0x0  }
0x162: {  	[sflag:s15] =	ssyncadd.s32 $0xFFFFD8F0  }
0x163: {  	_ =	swait.ge [sflag:s20], $0x2710  }
0x164: {  	[sflag:s20] =	ssyncset.done $0x0  }
0x165: {  	[sflag:s20] =	ssyncadd.s32 $0xFFFFD8F0  }
0x166: {  	_ =	swait.ge [sflag:s21], $0x10  }
0x167: {  	[sflag:s21] =	ssyncset.done $0x0  }
0x168: {  	[sflag:s21] =	ssyncadd.s32 $0xFFFFFFF0  }
0x169: {  	_ =	swait.ge [sflag:s22], $0x4E20  }
0x16a: {  	[sflag:s22] =	ssyncset.done $0x0  }
0x16b: {  	[sflag:s22] =	ssyncadd.s32 $0xFFFFB1E0  }
0x16c: {  	_ =	swait.ge [sflag:s15], $0x1400  }
0x16d: {  	[sflag:s15] =	ssyncset.done $0x0  }
0x16e: {  	[sflag:s15] =	ssyncadd.s32 $0xFFFFEC00  }
0x16f: {  	_ =	swait.ge [sflag:s20], $0x500  }
0x170: {  	[sflag:s20] =	ssyncset.done $0x0  }
0x171: {  	[sflag:s20] =	ssyncadd.s32 $0xFFFFFB00  }
0x172: {  	_ =	swait.ge [sflag:s15], $0x1400  }
0x173: {  	[sflag:s15] =	ssyncset.done $0x0  }
0x174: {  	[sflag:s15] =	ssyncadd.s32 $0xFFFFEC00  }
0x175: {  	_ =	swait.ge [sflag:s20], $0x500  }
0x176: {  	[sflag:s20] =	ssyncset.done $0x0  }
0x177: {  	[sflag:s20] =	ssyncadd.s32 $0xFFFFFB00  }
0x178: {  	_ =	swait.ge [sflag:s15], $0x1400  }
0x179: {  	[sflag:s15] =	ssyncset.done $0x0  }
0x17a: {  	[sflag:s15] =	ssyncadd.s32 $0xFFFFEC00  }
0x17b: {  	_ =	swait.ge [sflag:s20], $0x500  }
0x17c: {  	[sflag:s20] =	ssyncset.done $0x0  }
0x17d: {  	[sflag:s20] =	ssyncadd.s32 $0xFFFFFB00  }
0x17e: {  	_ =	swait.ge [sflag:s15], $0x1400  }
0x17f: {  	[sflag:s15] =	ssyncset.done $0x0  }
0x180: {  	[sflag:s15] =	ssyncadd.s32 $0xFFFFEC00  }
0x181: {  	_ =	swait.ge [sflag:s20], $0x500  }
0x182: {  	[sflag:s20] =	ssyncset.done $0x0  }
0x183: {  	[sflag:s20] =	ssyncadd.s32 $0xFFFFFB00  }
0x184: {  	_ =	swait.ge [sflag:s15], $0x1400  }
0x185: {  	[sflag:s15] =	ssyncset.done $0x0  }
0x186: {  	[sflag:s15] =	ssyncadd.s32 $0xFFFFEC00  }
0x187: {  	_ =	swait.ge [sflag:s20], $0x500  }
0x188: {  	[sflag:s20] =	ssyncset.done $0x0  }
0x189: {  	[sflag:s20] =	ssyncadd.s32 $0xFFFFFB00  }
0x18a: {  	_ =	swait.ge [sflag:s15], $0x1400  }
0x18b: {  	[sflag:s15] =	ssyncset.done $0x0  }
0x18c: {  	[sflag:s15] =	ssyncadd.s32 $0xFFFFEC00  }
0x18d: {  	_ =	swait.ge [sflag:s20], $0x500  }
0x18e: {  	[sflag:s20] =	ssyncset.done $0x0  }
0x18f: {  	[sflag:s20] =	ssyncadd.s32 $0xFFFFFB00  }
0x190: {  	_ =	swait.ge [sflag:s15], $0x1400  }
0x191: {  	[sflag:s15] =	ssyncset.done $0x0  }
0x192: {  	[sflag:s15] =	ssyncadd.s32 $0xFFFFEC00  }
0x193: {  	_ =	swait.ge [sflag:s20], $0x500  }
0x194: {  	[sflag:s20] =	ssyncset.done $0x0  }
0x195: {  	s0 =	simm.s32 @!p1 $0x1;
	[sflag:s20] =	ssyncadd.s32 $0xFFFFFB00  }
0x196: {  	_ =	swait.ge @!p1 [sflag:s0], $0x1400  }
0x197: {  	[sflag:s0] =	ssyncset.done @!p1 $0x0  }
0x198: {  	[sflag:s0] =	ssyncadd.s32 @!p1 $0xFFFFEC00;
	s0 =	simm.s32 @!p1 $0x2  }
0x199: {  	_ =	swait.ge @!p1 [sflag:s0], $0x500  }
0x19a: {  	[sflag:s0] =	ssyncset.done @!p1 $0x0  }
0x19b: {  	[sflag:s0] =	ssyncadd.s32 @!p1 $0xFFFFFB00  }
0x19c: {  	[bflag:$0x0] =	sbarrier.arrive $0xFFFF  }
0x19d: {  	s17 =	simm.s32 $0x0;
	v3 =	vld [tilespmem:$0x4E20]  }
.LBB2_24:
0x19e: {  	p2 =	seq.s32 s17, $0x0  }
0x19f: {  	s0 =	simm.s32 @!p2 $0x3  }
0x1a0: {  	_ =	swait.ge @!p2 [sflag:s0], $0x1400  }
0x1a1: {  	[sflag:s0] =	ssyncset.done @!p2 $0x0  }
0x1a2: {  	[sflag:s0] =	ssyncadd.s32 @!p2 $0xFFFFEC00;
	s0 =	simm.s32 @!p2 $0x5  }
0x1a3: {  	_ =	swait.ge @!p2 [sflag:s0], $0x500  }
0x1a4: {  	[sflag:s0] =	ssyncset.done @!p2 $0x0  }
0x1a5: {  	[sflag:s0] =	ssyncadd.s32 @!p2 $0xFFFFFB00;
	s0 =	simm.s32 @!p2 $0x4  }
0x1a6: {  	_ =	swait.ge @!p2 [sflag:s0], $0x1400  }
0x1a7: {  	[sflag:s0] =	ssyncset.done @!p2 $0x0  }
0x1a8: {  	[sflag:s0] =	ssyncadd.s32 @!p2 $0xFFFFEC00;
	s0 =	simm.s32 @!p2 $0x6  }
0x1a9: {  	s16 =	smul.u32 $0xA0, s17;
	_ =	swait.ge @!p2 [sflag:s0], $0x500  }
0x1aa: {  	[sflag:s0] =	ssyncset.done @!p2 $0x0  }
0x1ab: {  	s5 =	sadd.s32 $0x4E30, s16;
	[sflag:s0] =	ssyncadd.s32 @!p2 $0xFFFFFB00  }
0x1ac: {  	[tilespmem:s13], [sflag:$0x1] =	stream.indirect.gather [hbm4b:s2+s23], $0x40, s5, s23, $0xb8;
	[tilespmem:$0x1E7E0] =	vst v63  }
0x1ad: {  	s6 =	sadd.s32 $0x4E80, s16  }
0x1ae: {  	[tilespmem:s24], [sflag:$0x2] =	stream.indirect.gather [hbm4b:s2+s23], $0x40, s6, s23, $0xb8;
	[tilespmem:$0x1E7E0] =	vst v63  }
0x1af: {  	v4 =	vld [tilespmem:s16+$0x4E30]  }
0x1b0: {  	v5 =	vld [tilespmem:s16+$0x9C50]  }
0x1b1: {  	v6 =	vld [tilespmem:s16+$0x4E40]  }
0x1b2: {  	v7 =	vld [tilespmem:s16+$0x9C60]  }
0x1b3: {  	v8 =	vld [tilespmem:s16+$0x4E50]  }
0x1b4: {  	v9 =	vld [tilespmem:s16+$0x9C70]  }
0x1b5: {  	v10 =	vld [tilespmem:s16+$0x4E60]  }
0x1b6: {  	v11 =	vld [tilespmem:s16+$0x9C80]  }
0x1b7: {  	v12 =	vld [tilespmem:s16+$0x4E70]  }
0x1b8: {  	v13 =	vld [tilespmem:s16+$0x9C90]  }
0x1b9: {  	v4 =	vld.idx.msk [tilespmem:v4+s31+$0x0], $0xffff  }
0x1ba: {  	v5 =	vld.idx.msk [tilespmem:v5+s10+$0x0], $0xffff  }
0x1bb: {  	v6 =	vld.idx.msk [tilespmem:v6+s31+$0x0], $0xffff  }
0x1bc: {  	v7 =	vld.idx.msk [tilespmem:v7+s10+$0x0], $0xffff  }
0x1bd: {  	v8 =	vld.idx.msk [tilespmem:v8+s31+$0x0], $0xffff  }
0x1be: {  	v9 =	vld.idx.msk [tilespmem:v9+s10+$0x0], $0xffff  }
0x1bf: {  	v10 =	vld.idx.msk [tilespmem:v10+s31+$0x0], $0xffff  }
0x1c0: {  	v11 =	vld.idx.msk [tilespmem:v11+s10+$0x0], $0xffff  }
0x1c1: {  	v12 =	vld.idx.msk [tilespmem:v12+s31+$0x0], $0xffff  }
0x1c2: {  	v13 =	vld.idx.msk [tilespmem:v13+s10+$0x0], $0xffff  }
0x1c3: {  	v4 =	vadd.f32 v5, v4  }
0x1c4: {  	v5 =	vadd.f32 v7, v6  }
0x1c5: {  	v7 =	vadd.f32 v9, v8;
	v6 =	vmul.f32 $2.000000030e-01, v4  }
0x1c6: {  	v9 =	vadd.f32 v11, v10;
	v8 =	vmul.f32 $2.000000030e-01, v5  }
0x1c7: {  	v10 =	vadd.f32 v13, v12;
	v4 =	vmax.f32 v4, v6;
	v6 =	vmul.f32 $2.000000030e-01, v7  }
0x1c8: {  	v5 =	vmax.f32 v5, v8;
	v8 =	vmul.f32 $2.000000030e-01, v9;
	v4 =	vsub.f32 v4, v3  }
0x1c9: {  	v5 =	vsub.f32 v5, v3;
	v6 =	vmax.f32 v7, v6;
	v7 =	vmul.f32 $2.000000030e-01, v10  }
0x1ca: {  	v8 =	vmax.f32 v9, v8;
	v4 =	vmul.f32 $1.442695020e+00, v4;
	v6 =	vsub.f32 v6, v3  }
0x1cb: {  	v5 =	vmul.f32 $1.442695020e+00, v5;
	v8 =	vsub.f32 v8, v3;
	v7 =	vmax.f32 v10, v7  }
0x1cc: {  	(erf) = vpow2.f32 v4;
	v4 =	vmul.f32 $1.442695020e+00, v6;
	v6 =	vsub.f32 v7, v3  }
0x1cd: {  	(erf) = vpow2.f32 v5;
	v5 =	vmul.f32 $1.442695020e+00, v8  }
0x1ce: {  	(erf) = vpow2.f32 v4;
	v4 =	vmul.f32 $1.442695020e+00, v6  }
0x1cf: {  	(erf) = vpow2.f32 v5  }
0x1d0: {  	(erf) = vpow2.f32 v4;
	_ =	sdelay $0x1  }
0x1d1: {  	s9 =	simm.s32 $0x3;
	s4 =	simm.s32 $0x5;
	s5 =	simm.s32 $0x6  }
0x1d2: {  	s3 =	simm.s32 $0x4;
	v9 =	vmov s4;
	v10 =	vmov s5;
	v7 =	vmov s9  }
0x1d3: {  	s7 =	simm.s32 $0x1;
	s1 =	simm.s32 $0x2;
	v10 =	vshrl.u32 v10, $0x3;
	v8 =	vmov s3;
	v7 =	vshrl.u32 v7, $0x3  }
0x1d4: {  	v6 =	vmov s1;
	v5 =	vmov s7;
	v4 =	vmov s31;
	v11 =	vpop (erf)  }
0x1d5: {  	v8 =	vshrl.u32 v8, $0x3;
	v5 =	vshrl.u32 v5, $0x3;
	v4 =	vshrl.u32 v4, $0x3;
	v12 =	vpop (erf);
	[tilespmem:$0xF240] =	vst v11  }
0x1d6: {  	v6 =	vshrl.u32 v6, $0x3;
	v5 =	vshll.u32 v5, v1;
	v4 =	vshll.u32 v4, v1;
	v11 =	vpop (erf);
	[tilespmem:$0xF250] =	vst v12  }
0x1d7: {  	v6 =	vshll.u32 v6, v1;
	v5 =	vadd.s32 $0x1, v5;
	v4 =	vbroadcast v4, $0x0;
	v12 =	vpop (erf);
	[tilespmem:$0xF260] =	vst v11  }
0x1d8: {  	v7 =	vshll.u32 v7, v1;
	v6 =	vadd.s32 $0x2, v6;
	v5 =	vbroadcast v5, $0x0;
	[tilespmem:$0xF270] =	vst v12;
	v11 =	vpop (erf)  }
0x1d9: {  	v8 =	vshll.u32 v8, v1;
	v7 =	vadd.s32 $0x3, v7;
	v6 =	vbroadcast v6, $0x0;
	[tilespmem:$0xF280] =	vst v11  }
0x1da: {  	v10 =	vshll.u32 v10, v1;
	v8 =	vadd.s32 $0x4, v8;
	v7 =	vbroadcast v7, $0x0;
	_ =	swait.ge [sflag:s15], $0x1400  }
0x1db: {  	s6 =	simm.s32 $0x7;
	v9 =	vshrl.u32 v9, $0x3;
	v10 =	vadd.s32 $0x6, v10;
	v8 =	vbroadcast v8, $0x0;
	[sflag:s15] =	ssyncset.done $0x0  }
0x1dc: {  	v9 =	vshll.u32 v9, v1;
	v10 =	vbroadcast v10, $0x0;
	v11 =	vmov s6;
	[sflag:s15] =	ssyncadd.s32 $0xFFFFEC00  }
0x1dd: {  	v9 =	vadd.s32 $0x5, v9;
	v11 =	vshrl.u32 v11, $0x3;
	v4 =	vld.idx.msk [tilespmem:v4+s25+$0x0], $0xffff  }
0x1de: {  	v12 =	vbroadcast v9, $0x0;
	v9 =	vshll.u32 v11, v1;
	v11 =	vld.idx.msk [tilespmem:v5+s25+$0x0], $0xffff  }
0x1df: {  	v14 =	vld.idx.msk [tilespmem:v6+s25+$0x0], $0xffff  }
0x1e0: {  	v9 =	vadd.s32 $0x7, v9;
	v16 =	vld.idx.msk [tilespmem:v7+s25+$0x0], $0xffff  }
0x1e1: {  	v13 =	vbroadcast v9, $0x0;
	v9 =	vld.idx.msk [tilespmem:v8+s25+$0x0], $0xffff  }
0x1e2: {  	s3 =	simm.s32 $0xF390;
	v5 =	vld.idx.msk [tilespmem:v10+s25+$0x0], $0xffff  }
0x1e3: {  	v8 =	vld [tilespmem:s3+$0xC0]  }
0x1e4: {  	v10 =	vld [tilespmem:s3+$0xD0]  }
0x1e5: {  	v15 =	vld [tilespmem:s3+$0xFFFFFF00]  }
0x1e6: {  	v18 =	vld [tilespmem:s3+$0xFFFFFF20]  }
0x1e7: {  	v7 =	vld.idx.msk [tilespmem:v13+s25+$0x0], $0xffff  }
0x1e8: {  	v6 =	vld.idx.msk [tilespmem:v12+s25+$0x0], $0xffff  }
0x1e9: {  	v12 =	vld [tilespmem:s3+$0xE0]  }
0x1ea: {  	v13 =	vld [tilespmem:s3+$0xF0]  }
0x1eb: {  	v17 =	vld [tilespmem:s3+$0xFFFFFF10];
	v18 =	vmul.f32 v18, v4  }
0x1ec: {  	v19 =	vld [tilespmem:s3+$0xFFFFFF30];
	v8 =	vmul.f32 v8, v7  }
0x1ed: {  	v20 =	vld [tilespmem:s3+$0xFFFFFF70];
	[tilespmem:s3+$0xFFFFFF20] =	vst v18;
	v10 =	vmul.f32 v10, v7  }
0x1ee: {  	[tilespmem:s3+$0xC0] =	vst v8;
	v8 =	vmul.f32 v12, v7;
	v12 =	vld [tilespmem:s3+$0xFFFFFF40]  }
0x1ef: {  	[tilespmem:s3+$0xD0] =	vst v10;
	v10 =	vmul.f32 v13, v7;
	v13 =	vld [tilespmem:s3+$0xFFFFFF50]  }
0x1f0: {  	s4 =	simm.s32 $0xA;
	[tilespmem:s3+$0xE0] =	vst v8;
	v8 =	vmul.f32 v15, v4;
	v15 =	vld [tilespmem:s3+$0xFFFFFF60]  }
0x1f1: {  	v21 =	vmov s4;
	s4 =	simm.s32 $0xB;
	v27 =	vld [tilespmem:s3+$0x40];
	[tilespmem:s3+$0xF0] =	vst v10;
	v10 =	vmul.f32 v17, v4  }
0x1f2: {  	s5 =	simm.s32 $0xC;
	v22 =	vmov s4;
	v21 =	vshrl.u32 v21, $0x3;
	v28 =	vld [tilespmem:s3+$0x50];
	v7 =	vmul.f32 v2, v7;
	[tilespmem:s3+$0xFFFFFF00] =	vst v8  }
0x1f3: {  	v23 =	vmov s5;
	v22 =	vshrl.u32 v22, $0x3;
	s1 =	simm.s32 $0x11AD0;
	s6 =	simm.s32 $0xD;
	v8 =	vld [tilespmem:s3+$0xFFFFFF80];
	[tilespmem:s3+$0xFFFFFF10] =	vst v10;
	v10 =	vmul.f32 v12, v11  }
0x1f4: {  	v23 =	vshrl.u32 v23, $0x3;
	s7 =	simm.s32 $0x8;
	v24 =	vmov s6;
	[tilespmem:s1+$0x30] =	vst v7;
	v12 =	vld [tilespmem:s3+$0xFFFFFF90];
	v13 =	vmul.f32 v13, v11  }
0x1f5: {  	v24 =	vshrl.u32 v24, $0x3;
	v18 =	vld [tilespmem:s3+$0xFFFFFFA0];
	v17 =	vmov s7;
	[tilespmem:s3+$0xFFFFFF40] =	vst v10;
	v10 =	vmul.f32 v15, v11  }
0x1f6: {  	s9 =	simm.s32 $0x9;
	v24 =	vshll.u32 v24, v1;
	v17 =	vshrl.u32 v17, $0x3;
	v15 =	vld [tilespmem:s3+$0xFFFFFFB0];
	[tilespmem:s3+$0xFFFFFF50] =	vst v13;
	v13 =	vmul.f32 v20, v11  }
0x1f7: {  	s7 =	simm.s32 $0xE;
	v7 =	vmul.f32 v19, v4;
	v19 =	vmov s9;
	v20 =	vld [tilespmem:s3+$0xFFFFFFC0];
	[tilespmem:s3+$0xFFFFFF60] =	vst v10;
	v10 =	vmul.f32 v2, v11  }
0x1f8: {  	v25 =	vmov s7;
	v17 =	vshll.u32 v17, v1;
	v8 =	vmul.f32 v8, v14;
	v11 =	vld [tilespmem:s3+$0xFFFFFFD0];
	[tilespmem:s3+$0xFFFFFF70] =	vst v13  }
0x1f9: {  	v19 =	vshrl.u32 v19, $0x3;
	v25 =	vshrl.u32 v25, $0x3;
	v13 =	vld [tilespmem:s3+$0xFFFFFFE0];
	v12 =	vmul.f32 v12, v14;
	[tilespmem:s1+$0xFFFFFFD0] =	vst v10  }
0x1fa: {  	v26 =	vbroadcast v17, $0x0;
	v17 =	vshll.u32 v19, v1;
	v19 =	vld [tilespmem:s3+$0x0];
	v10 =	vmul.f32 v18, v14;
	[tilespmem:s3+$0xFFFFFF80] =	vst v8  }
0x1fb: {  	v25 =	vshll.u32 v25, v1;
	v18 =	vld [tilespmem:s3+$0xFFFFFFF0];
	v8 =	vmul.f32 v15, v14;
	v15 =	vshll.u32 v21, v1;
	[tilespmem:s3+$0xFFFFFF90] =	vst v12  }
0x1fc: {  	v21 =	vshll.u32 v22, v1;
	v12 =	vmul.f32 v20, v16;
	v20 =	vld [tilespmem:s3+$0x10];
	v22 =	vshll.u32 v23, v1;
	[tilespmem:s3+$0xFFFFFFA0] =	vst v10  }
0x1fd: {  	v23 =	vld [tilespmem:s3+$0x20];
	v10 =	vmul.f32 v2, v14;
	v14 =	vadd.s32 $0x1, v17;
	v11 =	vmul.f32 v11, v16;
	[tilespmem:s3+$0xFFFFFFB0] =	vst v8  }
0x1fe: {  	v17 =	vadd.s32 $0x2, v15;
	v8 =	vmul.f32 v13, v16;
	v13 =	vld [tilespmem:s3+$0x30];
	v15 =	vbroadcast v14, $0x0;
	[tilespmem:s3+$0xFFFFFFC0] =	vst v12  }
0x1ff: {  	v14 =	vbroadcast v17, $0x0;
	[tilespmem:s1+$0xFFFFFFE0] =	vst v10;
	v10 =	vadd.s32 $0x3, v21;
	v21 =	vmul.f32 v19, v9  }
0x200: {  	v29 =	vld [tilespmem:s3+$0x60];
	v12 =	vadd.s32 $0x4, v22;
	v19 =	vmul.f32 v27, v6;
	v18 =	vmul.f32 v18, v16;
	[tilespmem:s3+$0xFFFFFFD0] =	vst v11  }
0x201: {  	v30 =	vld [tilespmem:s3+$0x70];
	v11 =	vadd.s32 $0x5, v24;
	[tilespmem:s3+$0xFFFFFFE0] =	vst v8;
	v8 =	vmul.f32 v2, v16;
	v10 =	vbroadcast v10, $0x0  }
0x202: {  	s9 =	simm.s32 $0xF;
	v16 =	vld [tilespmem:s3+$0x80];
	v22 =	vmul.f32 v20, v9;
	v24 =	vmul.f32 v23, v9;
	v23 =	vadd.s32 $0x6, v25;
	[tilespmem:s3+$0x0] =	vst v21  }
0x203: {  	v20 =	vmov s9;
	v21 =	vmul.f32 v28, v6;
	[tilespmem:s3+$0xFFFFFFF0] =	vst v18;
	v18 =	vld [tilespmem:s3+$0x90];
	v17 =	vmul.f32 v13, v9  }
0x204: {  	v13 =	vbroadcast v12, $0x0;
	[tilespmem:s1+$0xFFFFFFF0] =	vst v8;
	v12 =	vbroadcast v11, $0x0;
	v8 =	vshrl.u32 v20, $0x3;
	v20 =	vld [tilespmem:s3+$0xA0]  }
0x205: {  	s0 =	sadd.s32 $0x50, s16;
	v11 =	vbroadcast v23, $0x0;
	[tilespmem:s3+$0x10] =	vst v22;
	v23 =	vmul.f32 v29, v6;
	v22 =	vld [tilespmem:s3+$0xB0];
	v25 =	vshll.u32 v8, v1  }
0x206: {  	s4 =	sadd.s32 $0x9C50, s16;
	s5 =	simm.s32 $0xF390;
	s6 =	simm.s32 $0x10;
	[tilespmem:s3+$0x20] =	vst v24;
	v9 =	vmul.f32 v2, v9;
	v24 =	vmul.f32 v30, v6;
	v8 =	vld.idx.msk [tilespmem:v26+s25+$0x0], $0xffff;
	v25 =	vadd.s32 $0x7, v25  }
.LBB2_25:
0x207: {  	p2 =	slt.u32 s6, $0x48;
	v15 =	vld.idx.msk [tilespmem:v15+s25+$0x0], $0xffff;
	v25 =	vbroadcast v25, $0x0;
	[tilespmem:s3+$0x30] =	vst v17;
	v16 =	vmul.f32 v16, v5  }
0x208: {  	v14 =	vld.idx.msk [tilespmem:v14+s25+$0x0], $0xffff;
	[tilespmem:s1+$0x0] =	vst v9;
	v17 =	vmul.f32 v18, v5  }
0x209: {  	v10 =	vld.idx.msk [tilespmem:v10+s25+$0x0], $0xffff;
	[tilespmem:s3+$0x40] =	vst v19;
	v18 =	vmul.f32 v20, v5  }
0x20a: {  	v9 =	vld.idx.msk [tilespmem:v13+s25+$0x0], $0xffff;
	[tilespmem:s3+$0x50] =	vst v21;
	v13 =	vmul.f32 v22, v5  }
0x20b: {  	v19 =	vmul.f32 v2, v6;
	[tilespmem:s3+$0x60] =	vst v23;
	v6 =	vld.idx.msk [tilespmem:v12+s25+$0x0], $0xffff  }
0x20c: {  	v11 =	vld.idx.msk [tilespmem:v11+s25+$0x0], $0xffff;
	[tilespmem:s3+$0x70] =	vst v24  }
0x20d: {  	s3 =	sadd.s32 $0x200, s3;
	v12 =	vld.idx.msk [tilespmem:v25+s25+$0x0], $0xffff;
	[tilespmem:s1+$0x10] =	vst v19  }
0x20e: {  	v19 =	vld [tilespmem:s3+$0xC0];
	[tilespmem:s5+$0x80] =	vst v16  }
0x20f: {  	v16 =	vld [tilespmem:s3+$0xD0];
	[tilespmem:s5+$0x90] =	vst v17  }
0x210: {  	v21 =	vmul.f32 v2, v5;
	v17 =	vld [tilespmem:s3+$0xE0];
	[tilespmem:s5+$0xA0] =	vst v18  }
0x211: {  	v18 =	vld [tilespmem:s3+$0xF0];
	[tilespmem:s5+$0xB0] =	vst v13  }
0x212: {  	v20 =	vmul.f32 v2, v4;
	v4 =	vmov v8;
	v5 =	vmov v11;
	v13 =	vld [tilespmem:s3+$0xFFFFFF00];
	[tilespmem:s1+$0x20] =	vst v21  }
0x213: {  	v8 =	vld [tilespmem:s3+$0xFFFFFF10];
	v11 =	vmul.f32 v19, v12;
	[tilespmem:s5+$0xFFFFFF30] =	vst v7;
	s5 =	smov.u32 s3  }
0x214: {  	v7 =	vld [tilespmem:s3+$0xFFFFFF20];
	v16 =	vmul.f32 v16, v12;
	[tilespmem:s1+$0xFFFFFFC0] =	vst v20  }
0x215: {  	v19 =	vld [tilespmem:s3+$0xFFFFFF30];
	[tilespmem:s3+$0xC0] =	vst v11;
	v11 =	vmul.f32 v17, v12  }
0x216: {  	v17 =	vld [tilespmem:s3+$0xFFFFFF40];
	[tilespmem:s3+$0xD0] =	vst v16;
	v16 =	vmul.f32 v18, v12  }
0x217: {  	v13 =	vmul.f32 v13, v4;
	v18 =	vld [tilespmem:s3+$0xFFFFFF50];
	[tilespmem:s3+$0xE0] =	vst v11;
	v11 =	vmul.f32 v2, v12  }
0x218: {  	s1 =	sadd.s32 $0x80, s1;
	v8 =	vmul.f32 v8, v4;
	v12 =	vld [tilespmem:s3+$0xFFFFFF60];
	[tilespmem:s3+$0xF0] =	vst v16  }
0x219: {  	v16 =	vmov s6;
	v20 =	vmul.f32 v7, v4;
	v21 =	vld [tilespmem:s3+$0xFFFFFF70];
	[tilespmem:s1+$0x30] =	vst v11  }
0x21a: {  	s7 =	sadd.s32 $0x1, s6;
	s9 =	sadd.s32 $0x2, s6;
	v11 =	vshrl.u32 v16, $0x3;
	[tilespmem:s3+$0xFFFFFF00] =	vst v13;
	v7 =	vmul.f32 v19, v4;
	v13 =	vld [tilespmem:s3+$0xFFFFFF80]  }
0x21b: {  	v16 =	vmov s7;
	s7 =	sadd.s32 $0x3, s6;
	v19 =	vmov s9;
	s9 =	sadd.s32 $0x4, s6;
	[tilespmem:s3+$0xFFFFFF10] =	vst v8;
	v8 =	vmul.f32 v17, v15;
	v17 =	vld [tilespmem:s3+$0xFFFFFF90]  }
0x21c: {  	v22 =	vmov s7;
	s7 =	sadd.s32 $0x5, s6;
	v23 =	vmov s9;
	s9 =	sadd.s32 $0x6, s6;
	[tilespmem:s3+$0xFFFFFF20] =	vst v20;
	v18 =	vmul.f32 v18, v15;
	v20 =	vld [tilespmem:s3+$0xFFFFFFA0]  }
0x21d: {  	v24 =	vmov s7;
	v25 =	vmov s9;
	[tilespmem:s3+$0xFFFFFF40] =	vst v8;
	v8 =	vmul.f32 v12, v15;
	v12 =	vld [tilespmem:s3+$0xFFFFFFB0]  }
0x21e: {  	v11 =	vshll.u32 v11, v1;
	v16 =	vshrl.u32 v16, $0x3;
	[tilespmem:s3+$0xFFFFFF50] =	vst v18;
	v18 =	vmul.f32 v21, v15;
	v21 =	vld [tilespmem:s3+$0xFFFFFFC0]  }
0x21f: {  	v19 =	vshrl.u32 v19, $0x3;
	[tilespmem:s3+$0xFFFFFF60] =	vst v8;
	v8 =	vmul.f32 v2, v15;
	v13 =	vmul.f32 v13, v14;
	v15 =	vld [tilespmem:s3+$0xFFFFFFD0]  }
0x220: {  	v22 =	vshrl.u32 v22, $0x3;
	v23 =	vshrl.u32 v23, $0x3;
	[tilespmem:s3+$0xFFFFFF70] =	vst v18;
	v17 =	vmul.f32 v17, v14;
	v18 =	vld [tilespmem:s3+$0xFFFFFFE0]  }
0x221: {  	v24 =	vshrl.u32 v24, $0x3;
	v25 =	vshrl.u32 v25, $0x3;
	[tilespmem:s1+$0xFFFFFFD0] =	vst v8;
	v8 =	vmul.f32 v20, v14;
	v20 =	vld [tilespmem:s3+$0xFFFFFFF0]  }
0x222: {  	v26 =	vbroadcast v11, $0x0;
	v11 =	vshll.u32 v16, v1;
	[tilespmem:s3+$0xFFFFFF80] =	vst v13;
	v12 =	vmul.f32 v12, v14;
	v13 =	vld [tilespmem:s3+$0x0]  }
0x223: {  	v16 =	vshll.u32 v19, v1;
	v19 =	vshll.u32 v22, v1;
	[tilespmem:s3+$0xFFFFFF90] =	vst v17;
	v17 =	vmul.f32 v21, v10;
	v21 =	vld [tilespmem:s3+$0x10]  }
0x224: {  	v22 =	vshll.u32 v23, v1;
	[tilespmem:s3+$0xFFFFFFA0] =	vst v8;
	v8 =	vmul.f32 v2, v14;
	v23 =	vmul.f32 v15, v10;
	v27 =	vld [tilespmem:s3+$0x20]  }
0x225: {  	v24 =	vshll.u32 v24, v1;
	v25 =	vshll.u32 v25, v1;
	[tilespmem:s3+$0xFFFFFFB0] =	vst v12;
	v12 =	vmul.f32 v18, v10;
	v18 =	vld [tilespmem:s3+$0x30]  }
0x226: {  	v11 =	vadd.s32 $0x1, v11;
	v14 =	vadd.s32 $0x2, v16;
	[tilespmem:s1+$0xFFFFFFE0] =	vst v8;
	v8 =	vmul.f32 v20, v10;
	v20 =	vld [tilespmem:s3+$0x40]  }
0x227: {  	v15 =	vbroadcast v11, $0x0;
	v11 =	vadd.s32 $0x3, v19;
	[tilespmem:s3+$0xFFFFFFC0] =	vst v17;
	v28 =	vmul.f32 v13, v9;
	v29 =	vld [tilespmem:s3+$0x50]  }
0x228: {  	v14 =	vbroadcast v14, $0x0;
	v13 =	vadd.s32 $0x4, v22;
	[tilespmem:s3+$0xFFFFFFD0] =	vst v23;
	v22 =	vmul.f32 v21, v9;
	v23 =	vld [tilespmem:s3+$0x60]  }
0x229: {  	v21 =	vadd.s32 $0x5, v24;
	[tilespmem:s3+$0xFFFFFFE0] =	vst v12;
	v12 =	vmul.f32 v2, v10;
	v24 =	vmul.f32 v27, v9;
	v27 =	vld [tilespmem:s3+$0x70]  }
.Ltmp11:
0x22a: {  	s7 =	sadd.s32 $0x7, s6;
	v10 =	vbroadcast v11, $0x0;
	v11 =	vadd.s32 $0x6, v25;
	[tilespmem:s3+$0xFFFFFFF0] =	vst v8;
	v17 =	vmul.f32 v18, v9;
	v16 =	vld [tilespmem:s3+$0x80];
	(pc) =	sbr.rel @p2 .LBB2_25-.Ltmp11, $4  }
0x22b: {  	v13 =	vbroadcast v13, $0x0;
	v8 =	vmov s7;
	[tilespmem:s1+$0xFFFFFFF0] =	vst v12;
	v19 =	vmul.f32 v20, v6;
	v18 =	vld [tilespmem:s3+$0x90]  }
0x22c: {  	v12 =	vbroadcast v21, $0x0;
	v8 =	vshrl.u32 v8, $0x3;
	[tilespmem:s3+$0x0] =	vst v28;
	v21 =	vmul.f32 v29, v6;
	v20 =	vld [tilespmem:s3+$0xA0]  }
0x22d: {  	v11 =	vbroadcast v11, $0x0;
	v25 =	vshll.u32 v8, v1;
	[tilespmem:s3+$0x10] =	vst v22;
	v23 =	vmul.f32 v23, v6;
	v22 =	vld [tilespmem:s3+$0xB0]  }
0x22e: {  	s6 =	sadd.s32 $0x8, s6;
	v9 =	vmul.f32 v2, v9;
	v25 =	vadd.s32 $0x7, v25;
	v8 =	vld.idx.msk [tilespmem:v26+s25+$0x0], $0xffff;
	[tilespmem:s3+$0x20] =	vst v24;
	v24 =	vmul.f32 v27, v6  }
0x22f: {  	[tilespmem:s3+$0x30] =	vst v17  }
0x230: {  	[tilespmem:s3+$0x40] =	vst v19  }
0x231: {  	v25 =	vbroadcast v25, $0x0;
	[tilespmem:s3+$0x50] =	vst v21  }
0x232: {  	[tilespmem:s3+$0x60] =	vst v23  }
0x233: {  	v6 =	vmul.f32 v2, v6;
	[tilespmem:s1+$0x0] =	vst v9  }
0x234: {  	s7 =	sadd.s32 $0x200, s3;
	v9 =	vmul.f32 v16, v5;
	[tilespmem:s3+$0x70] =	vst v24  }
0x235: {  	v16 =	vmul.f32 v18, v5;
	v18 =	vld [tilespmem:s7+$0xC0];
	[tilespmem:s1+$0x10] =	vst v6  }
0x236: {  	v19 =	vld [tilespmem:s7+$0xD0];
	v6 =	vmul.f32 v20, v5;
	[tilespmem:s5+$0x80] =	vst v9  }
0x237: {  	v9 =	vmul.f32 v22, v5;
	[tilespmem:s5+$0x90] =	vst v16;
	v17 =	vld.idx.msk [tilespmem:v25+s25+$0x0], $0xffff  }
0x238: {  	v16 =	vld [tilespmem:s7+$0xE0];
	v5 =	vmul.f32 v2, v5;
	[tilespmem:s5+$0xA0] =	vst v6  }
0x239: {  	v6 =	vld [tilespmem:s7+$0xF0];
	[tilespmem:s5+$0xB0] =	vst v9  }
0x23a: {  	[tilespmem:s1+$0x20] =	vst v5;
	v5 =	vld [tilespmem:s7+$0xFFFFFF00]  }
0x23b: {  	v4 =	vmul.f32 v2, v4;
	v14 =	vld.idx.msk [tilespmem:v14+s25+$0x0], $0xffff  }
0x23c: {  	[tilespmem:s5+$0xFFFFFF30] =	vst v7;
	v9 =	vld.idx.msk [tilespmem:v15+s25+$0x0], $0xffff;
	v15 =	vmul.f32 v18, v17  }
0x23d: {  	v7 =	vld [tilespmem:s7+$0xFFFFFF10];
	[tilespmem:s1+$0xFFFFFFC0] =	vst v4;
	v18 =	vmul.f32 v19, v17  }
0x23e: {  	v4 =	vld [tilespmem:s7+$0xFFFFFF20];
	v6 =	vmul.f32 v6, v17;
	[tilespmem:s7+$0xC0] =	vst v15  }
0x23f: {  	v5 =	vmul.f32 v5, v8;
	v15 =	vmul.f32 v16, v17;
	v16 =	vld [tilespmem:s7+$0xFFFFFF40];
	[tilespmem:s7+$0xD0] =	vst v18  }
0x240: {  	v18 =	vld [tilespmem:s7+$0xFFFFFF50];
	[tilespmem:s7+$0xF0] =	vst v6  }
0x241: {  	[tilespmem:s7+$0xFFFFFF00] =	vst v5;
	v5 =	vld [tilespmem:s7+$0xFFFFFF80]  }
0x242: {  	v6 =	vmul.f32 v7, v8;
	[tilespmem:s7+$0xE0] =	vst v15;
	v15 =	vmul.f32 v2, v17;
	v17 =	vld [tilespmem:s7+$0xFFFFFF60]  }
0x243: {  	v7 =	vld [tilespmem:s7+$0xFFFFFF70]  }
0x244: {  	s9 =	sadd.s32 $0x80, s1;
	v4 =	vmul.f32 v4, v8;
	[tilespmem:s7+$0xFFFFFF10] =	vst v6  }
0x245: {  	[tilespmem:s9+$0x30] =	vst v15;
	v15 =	vld [tilespmem:s7+$0xFFFFFF90];
	v6 =	vmul.f32 v16, v9  }
0x246: {  	[tilespmem:s7+$0xFFFFFF20] =	vst v4;
	v4 =	vmul.f32 v18, v9;
	v16 =	vld [tilespmem:s7+$0xFFFFFFA0]  }
0x247: {  	v5 =	vmul.f32 v5, v14;
	[tilespmem:s7+$0xFFFFFF40] =	vst v6;
	v6 =	vmul.f32 v17, v9;
	v17 =	vld [tilespmem:s7+$0xFFFFFFB0]  }
0x248: {  	[tilespmem:s7+$0xFFFFFF50] =	vst v4;
	v4 =	vmul.f32 v7, v9;
	v7 =	vld.idx.msk [tilespmem:v10+s25+$0x0], $0xffff  }
0x249: {  	[tilespmem:s7+$0xFFFFFF80] =	vst v5;
	v5 =	vld [tilespmem:s7+$0xFFFFFFF0]  }
0x24a: {  	[tilespmem:s7+$0xFFFFFF60] =	vst v6;
	v6 =	vmul.f32 v2, v9;
	v9 =	vld [tilespmem:s7+$0xFFFFFFC0]  }
0x24b: {  	[tilespmem:s7+$0xFFFFFF70] =	vst v4;
	v4 =	vld [tilespmem:s7+$0xFFFFFFD0];
	v10 =	vmul.f32 v15, v14  }
0x24c: {  	v15 =	vmul.f32 v16, v14;
	[tilespmem:s9+$0xFFFFFFD0] =	vst v6;
	v6 =	vld [tilespmem:s7+$0xFFFFFFE0]  }
0x24d: {  	[tilespmem:s7+$0xFFFFFF90] =	vst v10;
	v10 =	vld.idx.msk [tilespmem:v13+s25+$0x0], $0xffff;
	v16 =	vmul.f32 v17, v14  }
0x24e: {  	v13 =	vmul.f32 v2, v14;
	[tilespmem:s7+$0xFFFFFFA0] =	vst v15;
	v14 =	vld [tilespmem:s7+$0x0];
	v5 =	vmul.f32 v5, v7  }
0x24f: {  	v15 =	vld [tilespmem:s7+$0x10];
	[tilespmem:s7+$0xFFFFFFB0] =	vst v16  }
0x250: {  	v9 =	vmul.f32 v9, v7;
	[tilespmem:s7+$0xFFFFFFF0] =	vst v5;
	v5 =	vld [tilespmem:s7+$0x50]  }
0x251: {  	v4 =	vmul.f32 v4, v7;
	[tilespmem:s9+$0xFFFFFFE0] =	vst v13;
	v13 =	vld [tilespmem:s7+$0x20]  }
0x252: {  	v6 =	vmul.f32 v6, v7;
	[tilespmem:s7+$0xFFFFFFC0] =	vst v9;
	v9 =	vld [tilespmem:s7+$0x30]  }
0x253: {  	[tilespmem:s7+$0xFFFFFFD0] =	vst v4;
	v4 =	vld.idx.msk [tilespmem:v12+s25+$0x0], $0xffff;
	v12 =	vmul.f32 v14, v10  }
0x254: {  	v14 =	vmul.f32 v15, v10;
	[tilespmem:s7+$0xFFFFFFE0] =	vst v6  }
0x255: {  	v6 =	vmul.f32 v2, v7;
	v7 =	vld [tilespmem:s7+$0x40];
	[tilespmem:s7+$0x0] =	vst v12  }
0x256: {  	v12 =	vld [tilespmem:s7+$0x70];
	[tilespmem:s7+$0x10] =	vst v14;
	v13 =	vmul.f32 v13, v10  }
0x257: {  	[tilespmem:s9+$0xFFFFFFF0] =	vst v6;
	v6 =	vld [tilespmem:s7+$0x60];
	v9 =	vmul.f32 v9, v10  }
0x258: {  	v11 =	vld.idx.msk [tilespmem:v11+s25+$0x0], $0xffff;
	v5 =	vmul.f32 v5, v4;
	[tilespmem:s7+$0x20] =	vst v13  }
0x259: {  	v10 =	vmul.f32 v2, v10;
	v13 =	vld [tilespmem:s7+$0x80];
	[tilespmem:s7+$0x30] =	vst v9  }
0x25a: {  	v7 =	vmul.f32 v7, v4;
	v9 =	vld [tilespmem:s7+$0x90];
	[tilespmem:s7+$0x50] =	vst v5  }
0x25b: {  	v5 =	vld [tilespmem:s7+$0xFFFFFF30];
	[tilespmem:s9+$0x0] =	vst v10;
	v12 =	vmul.f32 v12, v4  }
0x25c: {  	v10 =	vld [tilespmem:s7+$0xA0];
	v6 =	vmul.f32 v6, v4;
	[tilespmem:s7+$0x40] =	vst v7  }
0x25d: {  	v7 =	vld [tilespmem:s7+$0xB0];
	v4 =	vmul.f32 v2, v4;
	[tilespmem:s7+$0x70] =	vst v12  }
0x25e: {  	[tilespmem:s7+$0x60] =	vst v6;
	v6 =	vmul.f32 v13, v11  }
0x25f: {  	v9 =	vmul.f32 v9, v11;
	[tilespmem:s9+$0x10] =	vst v4  }
0x260: {  	v5 =	vmul.f32 v5, v8;
	[tilespmem:s7+$0x80] =	vst v6  }
0x261: {  	v4 =	vmul.f32 v10, v11;
	[tilespmem:s7+$0x90] =	vst v9  }
0x262: {  	v6 =	vmul.f32 v7, v11;
	[tilespmem:s7+$0xFFFFFF30] =	vst v5  }
0x263: {  	[tilespmem:s7+$0xA0] =	vst v4;
	v4 =	vmul.f32 v2, v11  }
0x264: {  	[tilespmem:s7+$0xB0] =	vst v6;
	v6 =	vmul.f32 v2, v8  }
0x265: {  	[tilespmem:s9+$0x20] =	vst v4  }
0x266: {  	[tilespmem:s9+$0xFFFFFFC0] =	vst v6  }
0x267: {  	[spmem:s18] =	stream.indirect.scatter.add.f32 [tilespmem:s13], [sflag:$0x3], $0x40, s4, s23, $0xb8;
	[tilespmem:$0x1E7E0] =	vst v63  }
0x268: {  	_ = 	snop  }
0x269: {  	[spmem:s19] =	stream.indirect.scatter.add.f32 [tilespmem:s14], [sflag:$0x5], $0x10, s4, s23, $0xb8;
	[tilespmem:$0x1E7E0] =	vst v63  }
0x26a: {  	v4 =	vld [tilespmem:s0+$0x4E30]  }
0x26b: {  	v5 =	vld [tilespmem:s0+$0x9C50]  }
0x26c: {  	v6 =	vld [tilespmem:s16+$0x4E90]  }
0x26d: {  	v7 =	vld [tilespmem:s16+$0x9CB0]  }
0x26e: {  	v8 =	vld [tilespmem:s16+$0x4EA0]  }
0x26f: {  	v9 =	vld [tilespmem:s16+$0x9CC0]  }
0x270: {  	v10 =	vld [tilespmem:s16+$0x4EB0]  }
0x271: {  	v11 =	vld [tilespmem:s16+$0x9CD0]  }
0x272: {  	v12 =	vld [tilespmem:s16+$0x4EC0]  }
0x273: {  	s5 =	simm.s32 $0x0;
	v13 =	vld [tilespmem:s16+$0x9CE0]  }
0x274: {  	v4 =	vld.idx.msk [tilespmem:v4+s5+$0x0], $0xffff  }
0x275: {  	v5 =	vld.idx.msk [tilespmem:v5+s10+$0x0], $0xffff  }
0x276: {  	v6 =	vld.idx.msk [tilespmem:v6+s5+$0x0], $0xffff  }
0x277: {  	v7 =	vld.idx.msk [tilespmem:v7+s10+$0x0], $0xffff  }
0x278: {  	v8 =	vld.idx.msk [tilespmem:v8+s5+$0x0], $0xffff  }
0x279: {  	v9 =	vld.idx.msk [tilespmem:v9+s10+$0x0], $0xffff  }
0x27a: {  	v10 =	vld.idx.msk [tilespmem:v10+s5+$0x0], $0xffff  }
0x27b: {  	v11 =	vld.idx.msk [tilespmem:v11+s10+$0x0], $0xffff  }
0x27c: {  	v12 =	vld.idx.msk [tilespmem:v12+s5+$0x0], $0xffff  }
0x27d: {  	v13 =	vld.idx.msk [tilespmem:v13+s10+$0x0], $0xffff  }
0x27e: {  	v4 =	vadd.f32 v5, v4  }
0x27f: {  	v5 =	vadd.f32 v7, v6  }
0x280: {  	v7 =	vadd.f32 v9, v8;
	v6 =	vmul.f32 $2.000000030e-01, v4  }
0x281: {  	v9 =	vadd.f32 v11, v10;
	v8 =	vmul.f32 $2.000000030e-01, v5  }
0x282: {  	v10 =	vadd.f32 v13, v12;
	v4 =	vmax.f32 v4, v6;
	v6 =	vmul.f32 $2.000000030e-01, v7  }
0x283: {  	v5 =	vmax.f32 v5, v8;
	v8 =	vmul.f32 $2.000000030e-01, v9;
	v4 =	vsub.f32 v4, v3  }
0x284: {  	v5 =	vsub.f32 v5, v3;
	v6 =	vmax.f32 v7, v6;
	v7 =	vmul.f32 $2.000000030e-01, v10  }
0x285: {  	v8 =	vmax.f32 v9, v8;
	v4 =	vmul.f32 $1.442695020e+00, v4;
	v6 =	vsub.f32 v6, v3  }
0x286: {  	v5 =	vmul.f32 $1.442695020e+00, v5;
	v8 =	vsub.f32 v8, v3;
	v7 =	vmax.f32 v10, v7  }
0x287: {  	(erf) = vpow2.f32 v4;
	v4 =	vmul.f32 $1.442695020e+00, v6;
	v6 =	vsub.f32 v7, v3  }
0x288: {  	(erf) = vpow2.f32 v5;
	v5 =	vmul.f32 $1.442695020e+00, v8  }
0x289: {  	(erf) = vpow2.f32 v4;
	v4 =	vmul.f32 $1.442695020e+00, v6  }
0x28a: {  	(erf) = vpow2.f32 v5  }
0x28b: {  	(erf) = vpow2.f32 v4;
	_ =	sdelay $0x1  }
0x28c: {  	s9 =	simm.s32 $0x3;
	s4 =	simm.s32 $0x5;
	s16 =	simm.s32 $0x4  }
0x28d: {  	s7 =	simm.s32 $0x2;
	v9 =	vmov s4;
	v7 =	vmov s9;
	v8 =	vmov s16  }
0x28e: {  	s6 =	simm.s32 $0x1;
	v7 =	vshrl.u32 v7, $0x3;
	v6 =	vmov s7;
	v8 =	vshrl.u32 v8, $0x3  }
0x28f: {  	v7 =	vshll.u32 v7, v1;
	v5 =	vmov s6;
	v4 =	vmov s5;
	v11 =	vpop (erf)  }
0x290: {  	v6 =	vshrl.u32 v6, $0x3;
	v5 =	vshrl.u32 v5, $0x3;
	v4 =	vshrl.u32 v4, $0x3;
	v12 =	vpop (erf);
	[tilespmem:$0xF240] =	vst v11  }
0x291: {  	v8 =	vshll.u32 v8, v1;
	v5 =	vshll.u32 v5, v1;
	v4 =	vshll.u32 v4, v1;
	v11 =	vpop (erf);
	[tilespmem:$0xF250] =	vst v12  }
0x292: {  	s5 =	simm.s32 $0x6;
	v6 =	vshll.u32 v6, v1;
	v5 =	vadd.s32 $0x1, v5;
	v4 =	vbroadcast v4, $0x0;
	v12 =	vpop (erf);
	[tilespmem:$0xF260] =	vst v11  }
0x293: {  	v10 =	vmov s5;
	v6 =	vadd.s32 $0x2, v6;
	v5 =	vbroadcast v5, $0x0;
	[tilespmem:$0xF270] =	vst v12;
	v11 =	vpop (erf)  }
0x294: {  	v7 =	vadd.s32 $0x3, v7;
	v10 =	vshrl.u32 v10, $0x3;
	v6 =	vbroadcast v6, $0x0;
	[tilespmem:$0xF280] =	vst v11  }
0x295: {  	v8 =	vadd.s32 $0x4, v8;
	v7 =	vbroadcast v7, $0x0;
	v10 =	vshll.u32 v10, v1;
	_ =	swait.ge [sflag:s20], $0x1400  }
0x296: {  	v9 =	vshrl.u32 v9, $0x3;
	s6 =	simm.s32 $0x7;
	v8 =	vbroadcast v8, $0x0;
	v10 =	vadd.s32 $0x6, v10;
	[sflag:s20] =	ssyncset.done $0x0  }
0x297: {  	v9 =	vshll.u32 v9, v1;
	v10 =	vbroadcast v10, $0x0;
	v11 =	vmov s6;
	[sflag:s20] =	ssyncadd.s32 $0xFFFFEC00  }
0x298: {  	v9 =	vadd.s32 $0x5, v9;
	v11 =	vshrl.u32 v11, $0x3;
	v4 =	vld.idx.msk [tilespmem:v4+s25+$0x0], $0xffff  }
0x299: {  	v12 =	vbroadcast v9, $0x0;
	v9 =	vshll.u32 v11, v1;
	v11 =	vld.idx.msk [tilespmem:v5+s25+$0x0], $0xffff  }
0x29a: {  	v14 =	vld.idx.msk [tilespmem:v6+s25+$0x0], $0xffff  }
0x29b: {  	v9 =	vadd.s32 $0x7, v9;
	v16 =	vld.idx.msk [tilespmem:v7+s25+$0x0], $0xffff  }
0x29c: {  	v13 =	vbroadcast v9, $0x0;
	v9 =	vld.idx.msk [tilespmem:v8+s25+$0x0], $0xffff  }
0x29d: {  	s3 =	simm.s32 $0x10790;
	v5 =	vld.idx.msk [tilespmem:v10+s25+$0x0], $0xffff  }
0x29e: {  	v8 =	vld [tilespmem:s3+$0xC0]  }
0x29f: {  	v10 =	vld [tilespmem:s3+$0xD0]  }
0x2a0: {  	v15 =	vld [tilespmem:s3+$0xFFFFFF00]  }
0x2a1: {  	v18 =	vld [tilespmem:s3+$0xFFFFFF20]  }
0x2a2: {  	v7 =	vld.idx.msk [tilespmem:v13+s25+$0x0], $0xffff  }
0x2a3: {  	v6 =	vld.idx.msk [tilespmem:v12+s25+$0x0], $0xffff  }
0x2a4: {  	v12 =	vld [tilespmem:s3+$0xE0]  }
0x2a5: {  	v13 =	vld [tilespmem:s3+$0xF0]  }
0x2a6: {  	v17 =	vld [tilespmem:s3+$0xFFFFFF10];
	v18 =	vmul.f32 v18, v4  }
0x2a7: {  	v19 =	vld [tilespmem:s3+$0xFFFFFF30];
	v8 =	vmul.f32 v8, v7  }
0x2a8: {  	v20 =	vld [tilespmem:s3+$0xFFFFFF70];
	[tilespmem:s3+$0xFFFFFF20] =	vst v18;
	v10 =	vmul.f32 v10, v7  }
0x2a9: {  	[tilespmem:s3+$0xC0] =	vst v8;
	v8 =	vmul.f32 v12, v7;
	v12 =	vld [tilespmem:s3+$0xFFFFFF40]  }
0x2aa: {  	[tilespmem:s3+$0xD0] =	vst v10;
	v10 =	vmul.f32 v13, v7;
	v13 =	vld [tilespmem:s3+$0xFFFFFF50]  }
0x2ab: {  	s16 =	simm.s32 $0xA;
	[tilespmem:s3+$0xE0] =	vst v8;
	v8 =	vmul.f32 v15, v4;
	v15 =	vld [tilespmem:s3+$0xFFFFFF60]  }
0x2ac: {  	v21 =	vmov s16;
	s5 =	simm.s32 $0xB;
	v27 =	vld [tilespmem:s3+$0x40];
	[tilespmem:s3+$0xF0] =	vst v10;
	v10 =	vmul.f32 v17, v4  }
0x2ad: {  	v21 =	vshrl.u32 v21, $0x3;
	v22 =	vmov s5;
	s6 =	simm.s32 $0xC;
	v28 =	vld [tilespmem:s3+$0x50];
	v7 =	vmul.f32 v2, v7;
	[tilespmem:s3+$0xFFFFFF00] =	vst v8  }
0x2ae: {  	s1 =	simm.s32 $0x11FD0;
	s7 =	simm.s32 $0x8;
	v22 =	vshrl.u32 v22, $0x3;
	v23 =	vmov s6;
	v8 =	vld [tilespmem:s3+$0xFFFFFF80];
	[tilespmem:s3+$0xFFFFFF10] =	vst v10;
	v10 =	vmul.f32 v12, v11  }
0x2af: {  	v23 =	vshrl.u32 v23, $0x3;
	v17 =	vmov s7;
	[tilespmem:s1+$0x30] =	vst v7;
	v12 =	vld [tilespmem:s3+$0xFFFFFF90];
	v13 =	vmul.f32 v13, v11  }
0x2b0: {  	s9 =	simm.s32 $0x9;
	v18 =	vld [tilespmem:s3+$0xFFFFFFA0];
	s7 =	simm.s32 $0xD;
	v17 =	vshrl.u32 v17, $0x3;
	v7 =	vmul.f32 v19, v4;
	[tilespmem:s3+$0xFFFFFF40] =	vst v10;
	v10 =	vmul.f32 v15, v11  }
0x2b1: {  	v19 =	vmov s9;
	s9 =	simm.s32 $0xE;
	v24 =	vmov s7;
	v15 =	vld [tilespmem:s3+$0xFFFFFFB0];
	[tilespmem:s3+$0xFFFFFF50] =	vst v13;
	v13 =	vmul.f32 v20, v11  }
0x2b2: {  	v25 =	vmov s9;
	v17 =	vshll.u32 v17, v1;
	v20 =	vld [tilespmem:s3+$0xFFFFFFC0];
	[tilespmem:s3+$0xFFFFFF60] =	vst v10;
	v10 =	vmul.f32 v2, v11  }
0x2b3: {  	v19 =	vshrl.u32 v19, $0x3;
	v24 =	vshrl.u32 v24, $0x3;
	v8 =	vmul.f32 v8, v14;
	v11 =	vld [tilespmem:s3+$0xFFFFFFD0];
	[tilespmem:s3+$0xFFFFFF70] =	vst v13  }
0x2b4: {  	v25 =	vshrl.u32 v25, $0x3;
	v26 =	vbroadcast v17, $0x0;
	v13 =	vld [tilespmem:s3+$0xFFFFFFE0];
	v12 =	vmul.f32 v12, v14;
	[tilespmem:s1+$0xFFFFFFD0] =	vst v10  }
0x2b5: {  	v17 =	vshll.u32 v19, v1;
	v19 =	vld [tilespmem:s3+$0x0];
	v24 =	vshll.u32 v24, v1;
	v10 =	vmul.f32 v18, v14;
	[tilespmem:s3+$0xFFFFFF80] =	vst v8  }
0x2b6: {  	v25 =	vshll.u32 v25, v1;
	v18 =	vld [tilespmem:s3+$0xFFFFFFF0];
	v8 =	vmul.f32 v15, v14;
	v15 =	vshll.u32 v21, v1;
	[tilespmem:s3+$0xFFFFFF90] =	vst v12  }
0x2b7: {  	v21 =	vshll.u32 v22, v1;
	v12 =	vmul.f32 v20, v16;
	v20 =	vld [tilespmem:s3+$0x10];
	v22 =	vshll.u32 v23, v1;
	[tilespmem:s3+$0xFFFFFFA0] =	vst v10  }
0x2b8: {  	v23 =	vld [tilespmem:s3+$0x20];
	v10 =	vmul.f32 v2, v14;
	v14 =	vadd.s32 $0x1, v17;
	v11 =	vmul.f32 v11, v16;
	[tilespmem:s3+$0xFFFFFFB0] =	vst v8  }
0x2b9: {  	v17 =	vadd.s32 $0x2, v15;
	v8 =	vmul.f32 v13, v16;
	v13 =	vld [tilespmem:s3+$0x30];
	v15 =	vbroadcast v14, $0x0;
	[tilespmem:s3+$0xFFFFFFC0] =	vst v12  }
0x2ba: {  	v14 =	vbroadcast v17, $0x0;
	[tilespmem:s1+$0xFFFFFFE0] =	vst v10;
	v10 =	vadd.s32 $0x3, v21;
	v21 =	vmul.f32 v19, v9  }
0x2bb: {  	v29 =	vld [tilespmem:s3+$0x60];
	v12 =	vadd.s32 $0x4, v22;
	v19 =	vmul.f32 v27, v6;
	v18 =	vmul.f32 v18, v16;
	[tilespmem:s3+$0xFFFFFFD0] =	vst v11  }
0x2bc: {  	v30 =	vld [tilespmem:s3+$0x70];
	v11 =	vadd.s32 $0x5, v24;
	[tilespmem:s3+$0xFFFFFFE0] =	vst v8;
	v8 =	vmul.f32 v2, v16;
	v10 =	vbroadcast v10, $0x0  }
0x2bd: {  	s16 =	simm.s32 $0xF;
	v16 =	vld [tilespmem:s3+$0x80];
	v22 =	vmul.f32 v20, v9;
	v24 =	vmul.f32 v23, v9;
	v23 =	vadd.s32 $0x6, v25;
	[tilespmem:s3+$0x0] =	vst v21  }
0x2be: {  	v20 =	vmov s16;
	v21 =	vmul.f32 v28, v6;
	[tilespmem:s3+$0xFFFFFFF0] =	vst v18;
	v18 =	vld [tilespmem:s3+$0x90];
	v17 =	vmul.f32 v13, v9  }
0x2bf: {  	v13 =	vbroadcast v12, $0x0;
	[tilespmem:s1+$0xFFFFFFF0] =	vst v8;
	v12 =	vbroadcast v11, $0x0;
	v8 =	vshrl.u32 v20, $0x3;
	v20 =	vld [tilespmem:s3+$0xA0]  }
0x2c0: {  	v11 =	vbroadcast v23, $0x0;
	[tilespmem:s3+$0x10] =	vst v22;
	v23 =	vmul.f32 v29, v6;
	v22 =	vld [tilespmem:s3+$0xB0];
	v25 =	vshll.u32 v8, v1  }
0x2c1: {  	s0 =	sadd.s32 $0x9C50, s0;
	s4 =	simm.s32 $0x10790;
	s5 =	simm.s32 $0x10;
	[tilespmem:s3+$0x20] =	vst v24;
	v9 =	vmul.f32 v2, v9;
	v24 =	vmul.f32 v30, v6;
	v8 =	vld.idx.msk [tilespmem:v26+s25+$0x0], $0xffff;
	v25 =	vadd.s32 $0x7, v25  }
.LBB2_27:
0x2c2: {  	p2 =	slt.u32 s5, $0x48;
	v15 =	vld.idx.msk [tilespmem:v15+s25+$0x0], $0xffff;
	v25 =	vbroadcast v25, $0x0;
	[tilespmem:s3+$0x30] =	vst v17;
	v16 =	vmul.f32 v16, v5  }
0x2c3: {  	v14 =	vld.idx.msk [tilespmem:v14+s25+$0x0], $0xffff;
	[tilespmem:s1+$0x0] =	vst v9;
	v17 =	vmul.f32 v18, v5  }
0x2c4: {  	v10 =	vld.idx.msk [tilespmem:v10+s25+$0x0], $0xffff;
	[tilespmem:s3+$0x40] =	vst v19;
	v18 =	vmul.f32 v20, v5  }
0x2c5: {  	v9 =	vld.idx.msk [tilespmem:v13+s25+$0x0], $0xffff;
	[tilespmem:s3+$0x50] =	vst v21;
	v13 =	vmul.f32 v22, v5  }
0x2c6: {  	v19 =	vmul.f32 v2, v6;
	[tilespmem:s3+$0x60] =	vst v23;
	v6 =	vld.idx.msk [tilespmem:v12+s25+$0x0], $0xffff  }
0x2c7: {  	v11 =	vld.idx.msk [tilespmem:v11+s25+$0x0], $0xffff;
	[tilespmem:s3+$0x70] =	vst v24  }
0x2c8: {  	s3 =	sadd.s32 $0x200, s3;
	v12 =	vld.idx.msk [tilespmem:v25+s25+$0x0], $0xffff;
	[tilespmem:s1+$0x10] =	vst v19  }
0x2c9: {  	v19 =	vld [tilespmem:s3+$0xC0];
	[tilespmem:s4+$0x80] =	vst v16  }
0x2ca: {  	v16 =	vld [tilespmem:s3+$0xD0];
	[tilespmem:s4+$0x90] =	vst v17  }
0x2cb: {  	v21 =	vmul.f32 v2, v5;
	v17 =	vld [tilespmem:s3+$0xE0];
	[tilespmem:s4+$0xA0] =	vst v18  }
0x2cc: {  	v18 =	vld [tilespmem:s3+$0xF0];
	[tilespmem:s4+$0xB0] =	vst v13  }
0x2cd: {  	v20 =	vmul.f32 v2, v4;
	v4 =	vmov v8;
	v5 =	vmov v11;
	v13 =	vld [tilespmem:s3+$0xFFFFFF00];
	[tilespmem:s1+$0x20] =	vst v21  }
0x2ce: {  	v8 =	vld [tilespmem:s3+$0xFFFFFF10];
	v11 =	vmul.f32 v19, v12;
	[tilespmem:s4+$0xFFFFFF30] =	vst v7;
	s4 =	smov.u32 s3  }
0x2cf: {  	v7 =	vld [tilespmem:s3+$0xFFFFFF20];
	v16 =	vmul.f32 v16, v12;
	[tilespmem:s1+$0xFFFFFFC0] =	vst v20  }
0x2d0: {  	v19 =	vld [tilespmem:s3+$0xFFFFFF30];
	[tilespmem:s3+$0xC0] =	vst v11;
	v11 =	vmul.f32 v17, v12  }
0x2d1: {  	v17 =	vld [tilespmem:s3+$0xFFFFFF40];
	[tilespmem:s3+$0xD0] =	vst v16;
	v16 =	vmul.f32 v18, v12  }
0x2d2: {  	v13 =	vmul.f32 v13, v4;
	v18 =	vld [tilespmem:s3+$0xFFFFFF50];
	[tilespmem:s3+$0xE0] =	vst v11;
	v11 =	vmul.f32 v2, v12  }
0x2d3: {  	s1 =	sadd.s32 $0x80, s1;
	v8 =	vmul.f32 v8, v4;
	v12 =	vld [tilespmem:s3+$0xFFFFFF60];
	[tilespmem:s3+$0xF0] =	vst v16  }
0x2d4: {  	v16 =	vmov s5;
	v20 =	vmul.f32 v7, v4;
	v21 =	vld [tilespmem:s3+$0xFFFFFF70];
	[tilespmem:s1+$0x30] =	vst v11  }
0x2d5: {  	s6 =	sadd.s32 $0x1, s5;
	s7 =	sadd.s32 $0x2, s5;
	v11 =	vshrl.u32 v16, $0x3;
	[tilespmem:s3+$0xFFFFFF00] =	vst v13;
	v7 =	vmul.f32 v19, v4;
	v13 =	vld [tilespmem:s3+$0xFFFFFF80]  }
0x2d6: {  	v16 =	vmov s6;
	s6 =	sadd.s32 $0x3, s5;
	v19 =	vmov s7;
	s7 =	sadd.s32 $0x4, s5;
	[tilespmem:s3+$0xFFFFFF10] =	vst v8;
	v8 =	vmul.f32 v17, v15;
	v17 =	vld [tilespmem:s3+$0xFFFFFF90]  }
0x2d7: {  	v22 =	vmov s6;
	s6 =	sadd.s32 $0x5, s5;
	v23 =	vmov s7;
	s7 =	sadd.s32 $0x6, s5;
	[tilespmem:s3+$0xFFFFFF20] =	vst v20;
	v18 =	vmul.f32 v18, v15;
	v20 =	vld [tilespmem:s3+$0xFFFFFFA0]  }
0x2d8: {  	v24 =	vmov s6;
	v25 =	vmov s7;
	[tilespmem:s3+$0xFFFFFF40] =	vst v8;
	v8 =	vmul.f32 v12, v15;
	v12 =	vld [tilespmem:s3+$0xFFFFFFB0]  }
0x2d9: {  	v11 =	vshll.u32 v11, v1;
	v16 =	vshrl.u32 v16, $0x3;
	[tilespmem:s3+$0xFFFFFF50] =	vst v18;
	v18 =	vmul.f32 v21, v15;
	v21 =	vld [tilespmem:s3+$0xFFFFFFC0]  }
0x2da: {  	v19 =	vshrl.u32 v19, $0x3;
	[tilespmem:s3+$0xFFFFFF60] =	vst v8;
	v8 =	vmul.f32 v2, v15;
	v13 =	vmul.f32 v13, v14;
	v15 =	vld [tilespmem:s3+$0xFFFFFFD0]  }
0x2db: {  	v22 =	vshrl.u32 v22, $0x3;
	v23 =	vshrl.u32 v23, $0x3;
	[tilespmem:s3+$0xFFFFFF70] =	vst v18;
	v17 =	vmul.f32 v17, v14;
	v18 =	vld [tilespmem:s3+$0xFFFFFFE0]  }
0x2dc: {  	v24 =	vshrl.u32 v24, $0x3;
	v25 =	vshrl.u32 v25, $0x3;
	[tilespmem:s1+$0xFFFFFFD0] =	vst v8;
	v8 =	vmul.f32 v20, v14;
	v20 =	vld [tilespmem:s3+$0xFFFFFFF0]  }
0x2dd: {  	v26 =	vbroadcast v11, $0x0;
	v11 =	vshll.u32 v16, v1;
	[tilespmem:s3+$0xFFFFFF80] =	vst v13;
	v12 =	vmul.f32 v12, v14;
	v13 =	vld [tilespmem:s3+$0x0]  }
0x2de: {  	v16 =	vshll.u32 v19, v1;
	v19 =	vshll.u32 v22, v1;
	[tilespmem:s3+$0xFFFFFF90] =	vst v17;
	v17 =	vmul.f32 v21, v10;
	v21 =	vld [tilespmem:s3+$0x10]  }
0x2df: {  	v22 =	vshll.u32 v23, v1;
	[tilespmem:s3+$0xFFFFFFA0] =	vst v8;
	v8 =	vmul.f32 v2, v14;
	v23 =	vmul.f32 v15, v10;
	v27 =	vld [tilespmem:s3+$0x20]  }
0x2e0: {  	v24 =	vshll.u32 v24, v1;
	v25 =	vshll.u32 v25, v1;
	[tilespmem:s3+$0xFFFFFFB0] =	vst v12;
	v12 =	vmul.f32 v18, v10;
	v18 =	vld [tilespmem:s3+$0x30]  }
0x2e1: {  	v11 =	vadd.s32 $0x1, v11;
	v14 =	vadd.s32 $0x2, v16;
	[tilespmem:s1+$0xFFFFFFE0] =	vst v8;
	v8 =	vmul.f32 v20, v10;
	v20 =	vld [tilespmem:s3+$0x40]  }
0x2e2: {  	v15 =	vbroadcast v11, $0x0;
	v11 =	vadd.s32 $0x3, v19;
	[tilespmem:s3+$0xFFFFFFC0] =	vst v17;
	v28 =	vmul.f32 v13, v9;
	v29 =	vld [tilespmem:s3+$0x50]  }
0x2e3: {  	v14 =	vbroadcast v14, $0x0;
	v13 =	vadd.s32 $0x4, v22;
	[tilespmem:s3+$0xFFFFFFD0] =	vst v23;
	v22 =	vmul.f32 v21, v9;
	v23 =	vld [tilespmem:s3+$0x60]  }
0x2e4: {  	v21 =	vadd.s32 $0x5, v24;
	[tilespmem:s3+$0xFFFFFFE0] =	vst v12;
	v12 =	vmul.f32 v2, v10;
	v24 =	vmul.f32 v27, v9;
	v27 =	vld [tilespmem:s3+$0x70]  }
.Ltmp12:
0x2e5: {  	s6 =	sadd.s32 $0x7, s5;
	v10 =	vbroadcast v11, $0x0;
	v11 =	vadd.s32 $0x6, v25;
	[tilespmem:s3+$0xFFFFFFF0] =	vst v8;
	v17 =	vmul.f32 v18, v9;
	v16 =	vld [tilespmem:s3+$0x80];
	(pc) =	sbr.rel @p2 .LBB2_27-.Ltmp12, $4  }
0x2e6: {  	v13 =	vbroadcast v13, $0x0;
	v8 =	vmov s6;
	[tilespmem:s1+$0xFFFFFFF0] =	vst v12;
	v19 =	vmul.f32 v20, v6;
	v18 =	vld [tilespmem:s3+$0x90]  }
0x2e7: {  	v12 =	vbroadcast v21, $0x0;
	v8 =	vshrl.u32 v8, $0x3;
	[tilespmem:s3+$0x0] =	vst v28;
	v21 =	vmul.f32 v29, v6;
	v20 =	vld [tilespmem:s3+$0xA0]  }
0x2e8: {  	v11 =	vbroadcast v11, $0x0;
	v25 =	vshll.u32 v8, v1;
	[tilespmem:s3+$0x10] =	vst v22;
	v23 =	vmul.f32 v23, v6;
	v22 =	vld [tilespmem:s3+$0xB0]  }
0x2e9: {  	s5 =	sadd.s32 $0x8, s5;
	v9 =	vmul.f32 v2, v9;
	v25 =	vadd.s32 $0x7, v25;
	v8 =	vld.idx.msk [tilespmem:v26+s25+$0x0], $0xffff;
	[tilespmem:s3+$0x20] =	vst v24;
	v24 =	vmul.f32 v27, v6  }
0x2ea: {  	_ =	sdelay $0x1  }
0x2eb: {  	[tilespmem:s3+$0x30] =	vst v17  }
0x2ec: {  	[tilespmem:s3+$0x40] =	vst v19  }
0x2ed: {  	[tilespmem:s3+$0x50] =	vst v21;
	v14 =	vld.idx.msk [tilespmem:v14+s25+$0x0], $0xffff  }
0x2ee: {  	[tilespmem:s3+$0x60] =	vst v23;
	v38 =	vld.idx.msk [tilespmem:v10+s25+$0x0], $0xffff  }
0x2ef: {  	[tilespmem:s4+$0xFFFFFF30] =	vst v7;
	v45 =	vld.idx.msk [tilespmem:v13+s25+$0x0], $0xffff  }
0x2f0: {  	v6 =	vmul.f32 v2, v6;
	s9 =	sadd.s32 $0x200, s3;
	v11 =	vld.idx.msk [tilespmem:v11+s25+$0x0], $0xffff;
	[tilespmem:s1+$0x0] =	vst v9  }
0x2f1: {  	v56 =	vmul.f32 v16, v5;
	[tilespmem:s3+$0x70] =	vst v24;
	v24 =	vld [tilespmem:s9+$0xFFFFFF10]  }
0x2f2: {  	v4 =	vmul.f32 v2, v4;
	v27 =	vld [tilespmem:s9+$0xFFFFFF40];
	[tilespmem:s1+$0x10] =	vst v6  }
0x2f3: {  	v57 =	vmul.f32 v18, v5;
	v34 =	vld [tilespmem:s9+$0xFFFFFF90];
	[tilespmem:s4+$0x80] =	vst v56  }
0x2f4: {  	v35 =	vld [tilespmem:s9+$0xFFFFFFA0];
	v59 =	vmul.f32 v20, v5;
	[tilespmem:s1+$0xFFFFFFC0] =	vst v4  }
0x2f5: {  	v37 =	vld [tilespmem:s9+$0xFFFFFFB0];
	v61 =	vmul.f32 v22, v5;
	[tilespmem:s4+$0x90] =	vst v57  }
0x2f6: {  	v40 =	vld [tilespmem:s9+$0xFFFFFFC0];
	v5 =	vmul.f32 v2, v5;
	[tilespmem:s4+$0xA0] =	vst v59  }
0x2f7: {  	v47 =	vld [tilespmem:s9+$0x0];
	[tilespmem:s4+$0xB0] =	vst v61;
	v31 =	vmul.f32 v24, v8  }
0x2f8: {  	v48 =	vld [tilespmem:s9+$0x10];
	[tilespmem:s1+$0x20] =	vst v5;
	v41 =	vmul.f32 v34, v14  }
0x2f9: {  	v49 =	vld [tilespmem:s9+$0x20];
	v43 =	vmul.f32 v35, v14;
	[tilespmem:s9+$0xFFFFFF10] =	vst v31  }
0x2fa: {  	v4 =	vld [tilespmem:s9+$0xFFFFFF20];
	v44 =	vmul.f32 v37, v14;
	[tilespmem:s9+$0xFFFFFF90] =	vst v41  }
0x2fb: {  	v22 =	vld.idx.msk [tilespmem:v15+s25+$0x0], $0xffff;
	v9 =	vmul.f32 v40, v38;
	[tilespmem:s9+$0xFFFFFFA0] =	vst v43  }
0x2fc: {  	v5 =	vld [tilespmem:s9+$0xFFFFFF00];
	v53 =	vmul.f32 v47, v45;
	[tilespmem:s9+$0xFFFFFFB0] =	vst v44  }
0x2fd: {  	v30 =	vld [tilespmem:s9+$0xFFFFFF60];
	v54 =	vmul.f32 v48, v45;
	[tilespmem:s9+$0xFFFFFFC0] =	vst v9  }
0x2fe: {  	v25 =	vbroadcast v25, $0x0;
	v50 =	vld [tilespmem:s9+$0x30];
	v13 =	vmul.f32 v49, v45;
	[tilespmem:s9+$0x0] =	vst v53  }
0x2ff: {  	v28 =	vld [tilespmem:s9+$0xFFFFFF50];
	v4 =	vmul.f32 v4, v8;
	[tilespmem:s9+$0x10] =	vst v54  }
0x300: {  	v57 =	vld [tilespmem:s9+$0x80];
	v33 =	vmul.f32 v27, v22;
	[tilespmem:s9+$0x20] =	vst v13  }
0x301: {  	v32 =	vld [tilespmem:s9+$0xFFFFFF70];
	[tilespmem:s9+$0xFFFFFF20] =	vst v4;
	v5 =	vmul.f32 v5, v8  }
0x302: {  	v60 =	vld [tilespmem:s9+$0xC0];
	v36 =	vmul.f32 v30, v22;
	[tilespmem:s9+$0xFFFFFF40] =	vst v33  }
0x303: {  	v9 =	vmul.f32 v50, v45;
	[tilespmem:s9+$0xFFFFFF00] =	vst v5;
	v5 =	vld [tilespmem:s9+$0xFFFFFF80]  }
0x304: {  	v58 =	vld.idx.msk [tilespmem:v25+s25+$0x0], $0xffff;
	v4 =	vmul.f32 v28, v22;
	[tilespmem:s9+$0xFFFFFF60] =	vst v36  }
0x305: {  	v62 =	vld [tilespmem:s9+$0xD0];
	v61 =	vmul.f32 v57, v11;
	[tilespmem:s9+$0x30] =	vst v9  }
0x306: {  	v63 =	vld [tilespmem:s9+$0xE0];
	[tilespmem:s9+$0xFFFFFF50] =	vst v4;
	v4 =	vmul.f32 v32, v22  }
0x307: {  	v21 =	vld [tilespmem:s9+$0xF0];
	v10 =	vmul.f32 v2, v45;
	[tilespmem:s9+$0x80] =	vst v61  }
0x308: {  	s16 =	sadd.s32 $0x80, s1;
	[tilespmem:s9+$0xFFFFFF70] =	vst v4;
	v4 =	vld [tilespmem:s9+$0xFFFFFFD0];
	v5 =	vmul.f32 v5, v14  }
0x309: {  	v23 =	vmul.f32 v60, v58;
	[tilespmem:s16+$0x0] =	vst v10  }
0x30a: {  	v25 =	vmul.f32 v62, v58;
	[tilespmem:s9+$0xFFFFFF80] =	vst v5;
	v5 =	vld [tilespmem:s9+$0xFFFFFFF0]  }
0x30b: {  	v42 =	vld [tilespmem:s9+$0xFFFFFFE0];
	v26 =	vmul.f32 v63, v58;
	[tilespmem:s9+$0xC0] =	vst v23  }
0x30c: {  	v52 =	vld [tilespmem:s9+$0x40];
	v6 =	vmul.f32 v21, v58;
	[tilespmem:s9+$0xD0] =	vst v25  }
0x30d: {  	v29 =	vmul.f32 v2, v58;
	v58 =	vld [tilespmem:s9+$0x90];
	[tilespmem:s9+$0xE0] =	vst v26;
	v4 =	vmul.f32 v4, v38  }
0x30e: {  	v60 =	vld [tilespmem:s9+$0xB0];
	[tilespmem:s9+$0xF0] =	vst v6  }
0x30f: {  	[tilespmem:s9+$0xFFFFFFD0] =	vst v4;
	v4 =	vld.idx.msk [tilespmem:v12+s25+$0x0], $0xffff;
	v5 =	vmul.f32 v5, v38  }
0x310: {  	v55 =	vld [tilespmem:s9+$0x60];
	v39 =	vmul.f32 v2, v22;
	[tilespmem:s16+$0x30] =	vst v29  }
0x311: {  	v6 =	vmul.f32 v42, v38;
	[tilespmem:s9+$0xFFFFFFF0] =	vst v5;
	v5 =	vld [tilespmem:s9+$0x50]  }
0x312: {  	v56 =	vld [tilespmem:s9+$0x70];
	[tilespmem:s16+$0xFFFFFFD0] =	vst v39;
	v9 =	vmul.f32 v58, v11  }
0x313: {  	[tilespmem:s9+$0xFFFFFFE0] =	vst v6;
	v62 =	vmul.f32 v60, v11  }
0x314: {  	[tilespmem:s9+$0x90] =	vst v9;
	v7 =	vmul.f32 v52, v4  }
0x315: {  	v59 =	vld [tilespmem:s9+$0xA0];
	[tilespmem:s9+$0xB0] =	vst v62;
	v6 =	vmul.f32 v55, v4  }
0x316: {  	[tilespmem:s9+$0x40] =	vst v7;
	v5 =	vmul.f32 v5, v4  }
0x317: {  	v12 =	vmul.f32 v56, v4;
	[tilespmem:s9+$0x60] =	vst v6  }
0x318: {  	v4 =	vmul.f32 v2, v4;
	[tilespmem:s9+$0x50] =	vst v5;
	v5 =	vld [tilespmem:s9+$0xFFFFFF30]  }
0x319: {  	v46 =	vmul.f32 v2, v14;
	[tilespmem:s9+$0x70] =	vst v12  }
0x31a: {  	[tilespmem:s16+$0x10] =	vst v4;
	v4 =	vmul.f32 v59, v11  }
0x31b: {  	v51 =	vmul.f32 v2, v38;
	[tilespmem:s16+$0xFFFFFFE0] =	vst v46  }
0x31c: {  	[tilespmem:s9+$0xA0] =	vst v4;
	v4 =	vmul.f32 v2, v11  }
0x31d: {  	s17 =	sadd.s32 $0x1, s17;
	[tilespmem:s16+$0xFFFFFFF0] =	vst v51;
	v5 =	vmul.f32 v5, v8  }
0x31e: {  	p2 =	sne.s32 s17, $0x7D;
	v63 =	vmul.f32 v2, v8;
	[tilespmem:s16+$0x20] =	vst v4  }
.Ltmp13:
0x31f: {  	[tilespmem:s9+$0xFFFFFF30] =	vst v5;
	(pc) =	sbr.rel @p2 .LBB2_24-.Ltmp13, $4  }
0x320: {  	[tilespmem:s16+$0xFFFFFFC0] =	vst v63  }
0x321: {  	[spmem:s18] =	stream.indirect.scatter.add.f32 [tilespmem:s24], [sflag:$0x4], $0x40, s0, s23, $0xb8;
	[tilespmem:$0x1E7E0] =	vst v63  }
0x322: {  	_ = 	snop  }
0x323: {  	[spmem:s19] =	stream.indirect.scatter.add.f32 [tilespmem:s26], [sflag:$0x6], $0x10, s0, s23, $0xb8;
	[tilespmem:$0x1E7E0] =	vst v63  }
0x324: {  	_ =	swait.ge [sflag:s21], $0x1400  }
0x325: {  	[sflag:s21] =	ssyncset.done $0x0  }
0x326: {  	[sflag:s21] =	ssyncadd.s32 $0xFFFFEC00  }
0x327: {  	_ =	swait.ge [sflag:s28], $0x500  }
0x328: {  	[sflag:s28] =	ssyncset.done $0x0  }
0x329: {  	[sflag:s28] =	ssyncadd.s32 $0xFFFFFB00  }
0x32a: {  	_ =	swait.ge [sflag:s22], $0x1400  }
0x32b: {  	[sflag:s22] =	ssyncset.done $0x0  }
0x32c: {  	[sflag:s22] =	ssyncadd.s32 $0xFFFFEC00  }
0x32d: {  	_ =	swait.ge [sflag:s29], $0x500  }
0x32e: {  	[sflag:s29] =	ssyncset.done $0x0  }
0x32f: {  	[sflag:s29] =	ssyncadd.s32 $0xFFFFFB00  }
0x330: {  	[bflag:$0x0] =	sbarrier.arrive $0xFFFF  }
0x331: {  	s0 =	stileid.u32;
	s4 =	sld [smem:$0x7EE]  }
0x332: {  	s0 =	sshll.u32 s0, $0x6  }
0x333: {  	s1 =	sor.u32 $0x1C01, s0;
	s3 =	rddreg [dreg:$0x5]  }
0x334: {  	[hbm:s3], [sflag:s1] =	dma.local [spmem:s4], $0x280  }
0x335: {  	s4 =	sld [smem:$0x7EF];
	_ =	sdelay $0x1  }
0x336: {  	s0 =	sor.u32 $0x1C02, s0;
	s3 =	rddreg [dreg:$0xd]  }
0x337: {  	[hbm:s3], [sflag:s0] =	dma.local [spmem:s4], $0xA0  }
0x338: {  	s4 =	sld [smem:$0x7F0];
	_ =	sdelay $0x1  }
0x339: {  	s3 =	rddreg [dreg:$0x6]  }
0x33a: {  	[hbm:s3], [sflag:s1] =	dma.local [spmem:s4], $0x280  }
0x33b: {  	s4 =	sld [smem:$0x7F1];
	_ =	sdelay $0x1  }
0x33c: {  	s3 =	rddreg [dreg:$0xe]  }
0x33d: {  	[hbm:s3], [sflag:s0] =	dma.local [spmem:s4], $0xA0  }
0x33e: {  	s4 =	sld [smem:$0x7F2];
	_ =	sdelay $0x1  }
0x33f: {  	s3 =	rddreg [dreg:$0x7]  }
0x340: {  	[hbm:s3], [sflag:s1] =	dma.local [spmem:s4], $0x280  }
0x341: {  	s4 =	sld [smem:$0x7F3];
	_ =	sdelay $0x1  }
0x342: {  	s3 =	rddreg [dreg:$0xf]  }
0x343: {  	[hbm:s3], [sflag:s0] =	dma.local [spmem:s4], $0xA0  }
0x344: {  	s4 =	sld [smem:$0x7F4];
	_ =	sdelay $0x1  }
0x345: {  	s3 =	rddreg [dreg:$0x8]  }
0x346: {  	[hbm:s3], [sflag:s1] =	dma.local [spmem:s4], $0x280  }
0x347: {  	s4 =	sld [smem:$0x7F5];
	_ =	sdelay $0x1  }
0x348: {  	s3 =	rddreg [dreg:$0x10]  }
0x349: {  	[hbm:s3], [sflag:s0] =	dma.local [spmem:s4], $0xA0  }
0x34a: {  	s4 =	sld [smem:$0x7F6];
	_ =	sdelay $0x1  }
0x34b: {  	s3 =	rddreg [dreg:$0x9]  }
0x34c: {  	[hbm:s3], [sflag:s1] =	dma.local [spmem:s4], $0x280  }
0x34d: {  	s4 =	sld [smem:$0x7F7];
	_ =	sdelay $0x1  }
0x34e: {  	s3 =	rddreg [dreg:$0x11]  }
0x34f: {  	[hbm:s3], [sflag:s0] =	dma.local [spmem:s4], $0xA0  }
0x350: {  	s4 =	sld [smem:$0x7F8];
	_ =	sdelay $0x1  }
0x351: {  	s3 =	rddreg [dreg:$0xa]  }
0x352: {  	[hbm:s3], [sflag:s1] =	dma.local [spmem:s4], $0x280  }
0x353: {  	s4 =	sld [smem:$0x7F9];
	_ =	sdelay $0x1  }
0x354: {  	s3 =	rddreg [dreg:$0x12]  }
0x355: {  	[hbm:s3], [sflag:s0] =	dma.local [spmem:s4], $0xA0  }
0x356: {  	s4 =	sld [smem:$0x7FA];
	_ =	sdelay $0x1  }
0x357: {  	s3 =	rddreg [dreg:$0xb]  }
0x358: {  	[hbm:s3], [sflag:s1] =	dma.local [spmem:s4], $0x280  }
0x359: {  	s4 =	sld [smem:$0x7FB];
	_ =	sdelay $0x1  }
0x35a: {  	s3 =	rddreg [dreg:$0x13]  }
0x35b: {  	[hbm:s3], [sflag:s0] =	dma.local [spmem:s4], $0xA0  }
0x35c: {  	s4 =	sld [smem:$0x7FC];
	_ =	sdelay $0x1  }
0x35d: {  	s3 =	rddreg [dreg:$0xc]  }
0x35e: {  	[hbm:s3], [sflag:s1] =	dma.local @!p0 [spmem:s4], $0x280  }
0x35f: {  	s3 =	sld [smem:$0x7FD];
	_ =	sdelay $0x1  }
0x360: {  	s1 =	rddreg [dreg:$0x14]  }
0x361: {  	[hbm:s1], [sflag:s0] =	dma.local @!p0 [spmem:s3], $0xA0  }
0x362: {  	_ =	swait.ge [sflag:s15], $0x280  }
0x363: {  	[sflag:s15] =	ssyncset.done $0x0  }
0x364: {  	[sflag:s15] =	ssyncadd.s32 $0xFFFFFD80  }
0x365: {  	_ =	swait.ge [sflag:s20], $0xA0  }
0x366: {  	[sflag:s20] =	ssyncset.done $0x0  }
0x367: {  	[sflag:s20] =	ssyncadd.s32 $0xFFFFFF60  }
0x368: {  	_ =	swait.ge [sflag:s15], $0x280  }
0x369: {  	[sflag:s15] =	ssyncset.done $0x0  }
0x36a: {  	[sflag:s15] =	ssyncadd.s32 $0xFFFFFD80  }
0x36b: {  	_ =	swait.ge [sflag:s20], $0xA0  }
0x36c: {  	[sflag:s20] =	ssyncset.done $0x0  }
0x36d: {  	[sflag:s20] =	ssyncadd.s32 $0xFFFFFF60  }
0x36e: {  	_ =	swait.ge [sflag:s15], $0x280  }
0x36f: {  	[sflag:s15] =	ssyncset.done $0x0  }
0x370: {  	[sflag:s15] =	ssyncadd.s32 $0xFFFFFD80  }
0x371: {  	_ =	swait.ge [sflag:s20], $0xA0  }
0x372: {  	[sflag:s20] =	ssyncset.done $0x0  }
0x373: {  	[sflag:s20] =	ssyncadd.s32 $0xFFFFFF60  }
0x374: {  	_ =	swait.ge [sflag:s15], $0x280  }
0x375: {  	[sflag:s15] =	ssyncset.done $0x0  }
0x376: {  	[sflag:s15] =	ssyncadd.s32 $0xFFFFFD80  }
0x377: {  	_ =	swait.ge [sflag:s20], $0xA0  }
0x378: {  	[sflag:s20] =	ssyncset.done $0x0  }
0x379: {  	[sflag:s20] =	ssyncadd.s32 $0xFFFFFF60  }
0x37a: {  	_ =	swait.ge [sflag:s15], $0x280  }
0x37b: {  	[sflag:s15] =	ssyncset.done $0x0  }
0x37c: {  	[sflag:s15] =	ssyncadd.s32 $0xFFFFFD80  }
0x37d: {  	_ =	swait.ge [sflag:s20], $0xA0  }
0x37e: {  	[sflag:s20] =	ssyncset.done $0x0  }
0x37f: {  	[sflag:s20] =	ssyncadd.s32 $0xFFFFFF60  }
0x380: {  	_ =	swait.ge [sflag:s15], $0x280  }
0x381: {  	[sflag:s15] =	ssyncset.done $0x0  }
0x382: {  	[sflag:s15] =	ssyncadd.s32 $0xFFFFFD80  }
0x383: {  	_ =	swait.ge [sflag:s20], $0xA0  }
0x384: {  	[sflag:s20] =	ssyncset.done $0x0  }
0x385: {  	[sflag:s20] =	ssyncadd.s32 $0xFFFFFF60  }
0x386: {  	_ =	swait.ge [sflag:s15], $0x280  }
0x387: {  	[sflag:s15] =	ssyncset.done $0x0  }
0x388: {  	[sflag:s15] =	ssyncadd.s32 $0xFFFFFD80  }
0x389: {  	_ =	swait.ge [sflag:s20], $0xA0  }
0x38a: {  	[sflag:s20] =	ssyncset.done $0x0  }
0x38b: {  	s0 =	simm.s32 @!p1 $0x1;
	[sflag:s20] =	ssyncadd.s32 $0xFFFFFF60  }
0x38c: {  	_ =	swait.ge @!p1 [sflag:s0], $0x280  }
0x38d: {  	[sflag:s0] =	ssyncset.done @!p1 $0x0  }
0x38e: {  	[sflag:s0] =	ssyncadd.s32 @!p1 $0xFFFFFD80;
	s0 =	simm.s32 @!p1 $0x2  }
0x38f: {  	_ =	swait.ge @!p1 [sflag:s0], $0xA0  }
0x390: {  	s17 =	sld [smem:$0x7DB];
	_ =	sdelay $0x1  }
0x391: {  	s30 =	sadd.s32 $0x1, s30  }
0x392: {  	p2 =	sne.s32 s30, s17  }
.Ltmp14:
0x393: {  	_ = 	snop;
	(pc) =	sbr.rel @p2 .LBB2_1-.Ltmp14, $3  }
0x394: {  	_ =	sdelay $0x1  }
0x395: {  	[sflag:s0] =	ssyncset.done @!p1 $0x0  }
0x396: {  	[sflag:s0] =	ssyncadd.s32 @!p1 $0xFFFFFF60  }
0x397: {  	_ =	sfence.sel $0x180000  }
0x398: {  	[bflag:$0x0] =	sbarrier.arrive $0xFFFF  }
0x399: {  	_ =	strace $0x90000047  }
0x39a: {  	s0 =	stileid.u32;
	[bflag:$0x2] =	sbarrier.arrive $0xFFFF  }
0x39b: {  	p0 =	sne.s32 s0, $0x0;
	s0 =	rddreg [dreg:$0x4]  }
0x39c: {  	s0 =	sadd.s32 @!p0 $0x100000, s0  }
0x39d: {  	[sflag:s0] =	ssyncadd.tile.s32 @!p0 $0x1;
	_ =	shalt  }
.Lfunc_end2:
_tile_overlayer_lowered:
.L_overlay_start_2:
0x39e: {  	(tag) =	ssettag $0x2  }
0x39f: {  	s0 =	rddreg [dreg:$0x0];
	s2 =	stileid.u32  }
0x3a0: {  	s1 =	rddreg [dreg:$0x1];
	p0 =	sne.s32 s2, $0x0  }
0x3a1: {  	s3 =	rddreg [dreg:$0x2];
	[bflag:$0x3] =	sbarrier.arrive $0xFFFF;
	s2 =	simm.s32 @!p0 $0x1C07  }
0x3a2: {  	[timem:s3], [sflag:s2] =	dma.local @!p0 [hbm:s0], s1  }
0x3a3: {  	s0 =	simm.s32 @!p0 $0x7  }
0x3a4: {  	_ =	swait.ge @!p0 [sflag:s0], s1  }
0x3a5: {  	s1 =	ssub.s32 @!p0 $0x0, s1;
	[sflag:s0] =	ssyncset.done @!p0 $0x0  }
0x3a6: {  	[sflag:s0] =	ssyncadd.s32 @!p0 s1  }
0x3a7: {  	[bflag:$0x3] =	sbarrier.arrive $0xFFFF  }
0x3a8: {  	_ =	shalt  }

</sc_bundles>
